<compile_context>
chip_gen: v7x
topology: tpu7x:2x2x1
jax: 0.10.2.dev20260603
libtpu: 0.0.44.dev20260713+nightly
codegen_flags: <defaults>
</compile_context>

<pallas_src>
import functools

import jax
import jax.numpy as jnp
from jax import lax
from jax.experimental import pallas as pl
from jax.experimental.pallas import tpu as pltpu
from jax.experimental.pallas import tpu_sc as plsc

NC = 2
NS = 16
NW = NC * NS
CH = 125
GRP = 4
ZB = 64


def _pad_rows(n):
    rows_per_tile = -(-(-(-n // NS)) // ZB) * ZB
    return rows_per_tile, rows_per_tile * NS


@functools.cache
def _make_agg(n, n_pad, d, e):
    chunks_total = e // CH
    chunks_per_tile = chunks_total // NW
    rows_per_tile = n_pad // NS
    reps = rows_per_tile // ZB
    niter = chunks_per_tile // (2 * GRP)

    mesh = plsc.VectorSubcoreMesh(
        core_axis_name="c", subcore_axis_name="s", num_cores=NC, num_subcores=NS
    )

    @functools.partial(
        pl.kernel,
        out_type=jax.ShapeDtypeStruct((NC, n_pad, d), jnp.float32),
        mesh=mesh,
        scratch_types=[
            pltpu.VMEM((chunks_per_tile, CH), jnp.int32),
            pltpu.VMEM((chunks_per_tile, CH), jnp.int32),
            pltpu.VMEM((2, GRP, CH, d), jnp.float32),
            pltpu.VMEM((ZB, d), jnp.float32),
            pltpu.VMEM_SHARED((n_pad, d), jnp.float32),
            pltpu.SemaphoreType.DMA,
            pltpu.SemaphoreType.DMA,
            pltpu.SemaphoreType.DMA,
            pltpu.SemaphoreType.DMA,
            pltpu.SemaphoreType.DMA,
        ],
        compiler_params=pltpu.CompilerParams(use_tc_tiling_on_sc=False),
    )
    def agg(xb_hbm, src_hbm, dst_hbm, out_hbm, src_v, dst_v, rows_v, zb_v,
            acc_sh, gsem0, gsem1, ssem0, ssem1, isem):
        c = lax.axis_index("c")
        s = lax.axis_index("s")
        wid = c * NS + s
        my_rows = pl.ds(s * rows_per_tile, rows_per_tile)

        pltpu.sync_copy(
            src_hbm.at[pl.ds(wid * chunks_per_tile, chunks_per_tile)], src_v
        )
        pltpu.sync_copy(
            dst_hbm.at[pl.ds(wid * chunks_per_tile, chunks_per_tile)], dst_v
        )

        def zrow(i, carry):
            for jj in range(d // 16):
                zb_v[i, pl.ds(jj * 16, 16)] = jnp.zeros((16,), jnp.float32)
            return carry

        lax.fori_loop(0, ZB, zrow, 0)
        for r in range(reps):
            pltpu.sync_copy(zb_v, acc_sh.at[pl.ds(s * rows_per_tile + r * ZB, ZB)])
        plsc.subcore_barrier()

        def fire_gathers(half, grp, sem):
            return [
                pltpu.async_copy(
                    xb_hbm.at[src_v.at[grp * GRP + b]], rows_v.at[half, b],
                    sem)
                for b in range(GRP)
            ]

        def fire_scatters(half, grp, sem):
            return [
                pltpu.async_copy(
                    rows_v.at[half, b], acc_sh.at[dst_v.at[grp * GRP + b]],
                    sem, add=True)
                for b in range(GRP)
            ]

        def body(i, carry):
            ga = 2 * i
            gb = 2 * i + 1
            gA = fire_gathers(0, ga, gsem0)
            for cp in gA:
                cp.wait()
            sA = fire_scatters(0, ga, ssem0)
            gB = fire_gathers(1, gb, gsem1)
            for cp in gB:
                cp.wait()
            for cp in sA:
                cp.wait()
            sB = fire_scatters(1, gb, ssem1)
            for cp in sB:
                cp.wait()
            return carry

        lax.fori_loop(0, niter, body, 0)
        plsc.subcore_barrier()

        pltpu.sync_copy(acc_sh.at[my_rows], out_hbm.at[c].at[my_rows])

    return agg


def _gin_mlp(n, sfull, w1_ref, b1_ref, g_ref, be_ref, w2_ref, b2_ref,
             out_ref):
    t = jnp.dot(sfull, w1_ref[...], preferred_element_type=jnp.float32)
    t = t + b1_ref[...]
    mu = jnp.sum(t, axis=0, keepdims=True) * (1.0 / n)
    ctr = t - mu
    var = jnp.sum(ctr * ctr, axis=0, keepdims=True) * (1.0 / n)
    h = ctr * lax.rsqrt(var + 1e-5) * g_ref[...] + be_ref[...]
    h = jnp.maximum(h, 0.0)
    h = jnp.dot(h, w2_ref[...], preferred_element_type=jnp.float32) + b2_ref[...]
    out_ref[...] = jnp.maximum(h, 0.0)


def _gin_dense1_body(n, x_ref, pa_ref, pb_ref, w1_ref, b1_ref, g_ref,
                     be_ref, w2_ref, b2_ref, out_ref):
    agg = jnp.concatenate(
        [pa_ref[0][:n] + pa_ref[1][:n], pb_ref[0][:n] + pb_ref[1][:n]], axis=1
    )
    sfull = x_ref[...] + agg
    _gin_mlp(n, sfull, w1_ref, b1_ref, g_ref, be_ref, w2_ref, b2_ref, out_ref)


def _gin_dense_body(n, x_ref, a_ref, w1_ref, b1_ref, g_ref, be_ref,
                    w2_ref, b2_ref, out_ref):
    sfull = x_ref[...] + a_ref[0][:n] + a_ref[1][:n]
    _gin_mlp(n, sfull, w1_ref, b1_ref, g_ref, be_ref, w2_ref, b2_ref, out_ref)


@functools.cache
def _make_gin_dense1(n, h):
    return pl.pallas_call(
        functools.partial(_gin_dense1_body, n),
        out_shape=jax.ShapeDtypeStruct((n, h), jnp.float32),
    )


@functools.cache
def _make_gin_dense(n, h):
    return pl.pallas_call(
        functools.partial(_gin_dense_body, n),
        out_shape=jax.ShapeDtypeStruct((n, h), jnp.float32),
    )


def _dense3_pool_head_body(n, g, x_ref, a_ref, w1_ref, b1_ref, g_ref, be_ref,
                           w2_ref, b2_ref, h1_ref, h2_ref, batch_ref,
                           fc1w_ref, fc1b_ref, fc2w_ref, fc2b_ref, out_ref):
    sfull = x_ref[...] + a_ref[0][:n] + a_ref[1][:n]
    t = jnp.dot(sfull, w1_ref[...], preferred_element_type=jnp.float32)
    t = t + b1_ref[...]
    mu = jnp.sum(t, axis=0, keepdims=True) * (1.0 / n)
    ctr = t - mu
    var = jnp.sum(ctr * ctr, axis=0, keepdims=True) * (1.0 / n)
    hh = ctr * lax.rsqrt(var + 1e-5) * g_ref[...] + be_ref[...]
    hh = jnp.maximum(hh, 0.0)
    hh = jnp.dot(hh, w2_ref[...], preferred_element_type=jnp.float32)
    h3 = jnp.maximum(hh + b2_ref[...], 0.0)

    b = batch_ref[...]
    gids = lax.broadcasted_iota(jnp.int32, (g, n), 0)
    sel = jnp.where(gids == b, 1.0, 0.0)
    p1 = jnp.dot(sel, h1_ref[...], preferred_element_type=jnp.float32)
    p2 = jnp.dot(sel, h2_ref[...], preferred_element_type=jnp.float32)
    p3 = jnp.dot(sel, h3, preferred_element_type=jnp.float32)
    cat = jnp.concatenate([p1, p2, p3], axis=1)
    y = jnp.dot(cat, fc1w_ref[...], preferred_element_type=jnp.float32)
    y = jnp.maximum(y + fc1b_ref[...], 0.0)
    y = jnp.dot(y, fc2w_ref[...], preferred_element_type=jnp.float32)
    y = y + fc2b_ref[...]
    m = jnp.max(y, axis=1, keepdims=True)
    ex = jnp.exp(y - m)
    out_ref[...] = (y - m) - jnp.log(jnp.sum(ex, axis=1, keepdims=True))


@functools.cache
def _make_dense3_pool_head(n, g, out):
    return pl.pallas_call(
        functools.partial(_dense3_pool_head_body, n, g),
        out_shape=jax.ShapeDtypeStruct((g, out), jnp.float32),
    )


def kernel(x, edge_index, batch, c1_W1, c1_b1, c1_g, c1_be, c1_W2, c1_b2,
           c2_W1, c2_b1, c2_g, c2_be, c2_W2, c2_b2, c3_W1, c3_b1, c3_g,
           c3_be, c3_W2, c3_b2, fc1_W, fc1_b, fc2_W, fc2_b):
    n, d = x.shape
    e = edge_index.shape[1]
    h = c1_W1.shape[1]
    g = 64
    out = fc2_W.shape[1]
    _, n_pad = _pad_rows(n)

    src2d = edge_index[0].reshape(e // CH, CH)
    dst2d = edge_index[1].reshape(e // CH, CH)

    xa = x[:, :h]
    xb = x[:, h:]

    agg = _make_agg(n, n_pad, h, e)
    dense1 = _make_gin_dense1(n, h)
    dense23 = _make_gin_dense(n, h)
    dense3_pool = _make_dense3_pool_head(n, g, out)

    pa = agg(xa, src2d, dst2d)
    pb = agg(xb, src2d, dst2d)
    h1 = dense1(x, pa, pb, c1_W1, c1_b1.reshape(1, h), c1_g.reshape(1, h),
                c1_be.reshape(1, h), c1_W2, c1_b2.reshape(1, h))

    parts2 = agg(h1, src2d, dst2d)
    h2 = dense23(h1, parts2, c2_W1, c2_b1.reshape(1, h), c2_g.reshape(1, h),
                 c2_be.reshape(1, h), c2_W2, c2_b2.reshape(1, h))

    parts3 = agg(h2, src2d, dst2d)
    return dense3_pool(h2, parts3, c3_W1, c3_b1.reshape(1, h),
                       c3_g.reshape(1, h), c3_be.reshape(1, h), c3_W2,
                       c3_b2.reshape(1, h), h1, h2, batch.reshape(1, n),
                       fc1_W, fc1_b.reshape(1, 3 * h), fc2_W,
                       fc2_b.reshape(1, out))

# --- scband reference (transcript-rebuilt; emitter-appended) ---
"""Pipeline reference for scband-ginmodel-66159676227906 (READ-ONLY COPY).

The authoritative reference and input builder live on the scoring server;
editing this copy changes nothing except your own understanding.
"""

import jax, jax.numpy as jnp
import numpy as np

N = 10000
E = 320000
D = 128
H = 64
G = 64
OUT = 2

def setup_inputs(seed: int = 0):
    key = jax.random.key(seed)
    ks = jax.random.split(key, 24)
    inp = {}
    inp["x"] = jax.random.normal(ks[0], (N, D), dtype=jnp.float32)
    inp["edge_index"] = jax.random.randint(ks[1], (2, E), 0, N, dtype=jnp.int32)
    inp["batch"] = jnp.sort(jax.random.randint(ks[2], (N,), 0, G, dtype=jnp.int32))
    fins = [D, H, H]
    for i in range(3):
        fin = fins[i]
        inp[f"c{i+1}_W1"] = jax.random.normal(ks[3 + 6 * i], (fin, H), dtype=jnp.float32) / np.sqrt(fin)
        inp[f"c{i+1}_b1"] = jnp.zeros((H,), dtype=jnp.float32)
        inp[f"c{i+1}_g"] = jnp.ones((H,), dtype=jnp.float32)
        inp[f"c{i+1}_be"] = jnp.zeros((H,), dtype=jnp.float32)
        inp[f"c{i+1}_W2"] = jax.random.normal(ks[4 + 6 * i], (H, H), dtype=jnp.float32) / np.sqrt(H)
        inp[f"c{i+1}_b2"] = jnp.zeros((H,), dtype=jnp.float32)
    inp["fc1_W"] = jax.random.normal(ks[21], (3 * H, 3 * H), dtype=jnp.float32) / np.sqrt(3 * H)
    inp["fc1_b"] = jnp.zeros((3 * H,), dtype=jnp.float32)
    inp["fc2_W"] = jax.random.normal(ks[22], (3 * H, OUT), dtype=jnp.float32) / np.sqrt(3 * H)
    inp["fc2_b"] = jnp.zeros((OUT,), dtype=jnp.float32)
    return inp

def _bn(h, g, b):
    mu = jnp.mean(h, axis=0)
    var = jnp.var(h, axis=0)
    return (h - mu) / jnp.sqrt(var + 1e-5) * g + b

def _gin(x, src, dst, W1, b1, g, be, W2, b2):
    agg = jnp.zeros_like(x).at[dst].add(x[src])
    h = (x + agg) @ W1 + b1
    h = jax.nn.relu(_bn(h, g, be))
    h = jax.nn.relu(h @ W2 + b2)
    return h

def reference(x, edge_index, batch, c1_W1, c1_b1, c1_g, c1_be, c1_W2, c1_b2, c2_W1, c2_b1, c2_g, c2_be, c2_W2, c2_b2, c3_W1, c3_b1, c3_g, c3_be, c3_W2, c3_b2, fc1_W, fc1_b, fc2_W, fc2_b):
    src = edge_index[0]
    dst = edge_index[1]
    h1 = jax.nn.relu(_gin(x, src, dst, c1_W1, c1_b1, c1_g, c1_be, c1_W2, c1_b2))
    h2 = jax.nn.relu(_gin(h1, src, dst, c2_W1, c2_b1, c2_g, c2_be, c2_W2, c2_b2))
    h3 = jax.nn.relu(_gin(h2, src, dst, c3_W1, c3_b1, c3_g, c3_be, c3_W2, c3_b2))
    p1 = jax.ops.segment_sum(h1, batch, num_segments=G)
    p2 = jax.ops.segment_sum(h2, batch, num_segments=G)
    p3 = jax.ops.segment_sum(h3, batch, num_segments=G)
    h = jnp.concatenate([p1, p2, p3], axis=1)
    h = jax.nn.relu(h @ fc1_W + fc1_b)
    h = h @ fc2_W + fc2_b
    return jax.nn.log_softmax(h, axis=-1)

if __name__ == "__main__":
    import jax
    _d = setup_inputs()
    print(jax.jit(kernel)(*tuple(_d.values())))

</pallas_src>

<mosaic_0001>
#map = affine_map<(d0, d1) -> (0, 0)>
#map1 = affine_map<(d0, d1) -> (0, 0, 0)>
module attributes {stable_mosaic.version = 14 : i64} {
  func.func @agg(%arg0: i32, %arg1: i32, %arg2: memref<10000x64xf32, #tpu.memory_space<hbm>>, %arg3: memref<2560x125xi32, #tpu.memory_space<hbm>>, %arg4: memref<2560x125xi32, #tpu.memory_space<hbm>>, %arg5: memref<2x10240x64xf32, #tpu.memory_space<hbm>>, %arg6: memref<80x125xi32, #tpu.memory_space<vmem>>, %arg7: memref<80x125xi32, #tpu.memory_space<vmem>>, %arg8: memref<2x4x125x64xf32, #tpu.memory_space<vmem>>, %arg9: memref<64x64xf32, #tpu.memory_space<vmem>>, %arg10: memref<10240x64xf32, #tpu.memory_space<vmem_shared>>, %arg11: memref<!tpu.dma_semaphore, #tpu.memory_space<semaphore_mem>>, %arg12: memref<!tpu.dma_semaphore, #tpu.memory_space<semaphore_mem>>, %arg13: memref<!tpu.dma_semaphore, #tpu.memory_space<semaphore_mem>>, %arg14: memref<!tpu.dma_semaphore, #tpu.memory_space<semaphore_mem>>, %arg15: memref<!tpu.dma_semaphore, #tpu.memory_space<semaphore_mem>>) attributes {dimension_semantics = [#tpu.dimension_semantics<core_parallel>, #tpu.dimension_semantics<subcore_parallel>], iteration_bounds = array<i64: 2, 16>, scalar_prefetch = 0 : i64, scratch_operands = 10 : i64, tpu.core_type = #tpu.core_type<sc_vector_subcore>, window_params = [{transform_indices = #map}, {transform_indices = #map}, {transform_indices = #map}, {transform_indices = #map1}]} {
    %mul3A = arith.constant 16 : i32
    %mul3A_0 = arith.muli %arg0, %mul3A : i32
    %add3A = arith.addi %mul3A_0, %arg1 : i32
    %mul3A_1 = arith.constant 640 : i32
    %mul3A_2 = arith.muli %arg1, %mul3A_1 : i32
    %mul3A_3 = arith.constant 80 : i32
    %mul3A_4 = arith.muli %add3A, %mul3A_3 : i32
    "tpu.region"() ({
      %run_scoped3A = tpu.sem_alloc : memref<!tpu.dma_semaphore, #tpu.memory_space<semaphore_mem>>
      %dma_start3A = arith.constant 0 : i32
      %dma_start3A_59 = tpu.memref_slice %arg3[%mul3A_4, %dma_start3A] : memref<2560x125xi32, #tpu.memory_space<hbm>> -> memref<80x125xi32, #tpu.memory_space<hbm>>
      %dma_start3A_60 = arith.constant 0 : i32
      %dma_start3A_61 = tpu.memref_slice %arg3[%mul3A_4, %dma_start3A_60] : memref<2560x125xi32, #tpu.memory_space<hbm>> -> memref<80x125xi32, #tpu.memory_space<hbm>>
      tpu.enqueue_dma source(%dma_start3A_61 : memref<80x125xi32, #tpu.memory_space<hbm>>) target(%arg6 : memref<80x125xi32, #tpu.memory_space<vmem>>) target_semaphore(%run_scoped3A : memref<!tpu.dma_semaphore, #tpu.memory_space<semaphore_mem>>)
      %dma_wait3A = arith.constant 0 : i32
      %dma_wait3A_62 = tpu.memref_slice %arg3[%mul3A_4, %dma_wait3A] : memref<2560x125xi32, #tpu.memory_space<hbm>> -> memref<80x125xi32, #tpu.memory_space<hbm>>
      %dma_wait3A_63 = arith.constant 0 : i32
      %dma_wait3A_64 = tpu.memref_slice %arg3[%mul3A_4, %dma_wait3A_63] : memref<2560x125xi32, #tpu.memory_space<hbm>> -> memref<80x125xi32, #tpu.memory_space<hbm>>
      tpu.wait_dma2 semaphore(%run_scoped3A : memref<!tpu.dma_semaphore, #tpu.memory_space<semaphore_mem>>) src(%dma_wait3A_64 : memref<80x125xi32, #tpu.memory_space<hbm>>) dst(%arg6 : memref<80x125xi32, #tpu.memory_space<vmem>>)
      tpu.yield
    }) : () -> ()
    %mul3A_5 = arith.constant 80 : i32
    %mul3A_6 = arith.muli %add3A, %mul3A_5 : i32
    "tpu.region"() ({
      %run_scoped3A = tpu.sem_alloc : memref<!tpu.dma_semaphore, #tpu.memory_space<semaphore_mem>>
      %dma_start3A = arith.constant 0 : i32
      %dma_start3A_59 = tpu.memref_slice %arg4[%mul3A_6, %dma_start3A] : memref<2560x125xi32, #tpu.memory_space<hbm>> -> memref<80x125xi32, #tpu.memory_space<hbm>>
      %dma_start3A_60 = arith.constant 0 : i32
      %dma_start3A_61 = tpu.memref_slice %arg4[%mul3A_6, %dma_start3A_60] : memref<2560x125xi32, #tpu.memory_space<hbm>> -> memref<80x125xi32, #tpu.memory_space<hbm>>
      tpu.enqueue_dma source(%dma_start3A_61 : memref<80x125xi32, #tpu.memory_space<hbm>>) target(%arg7 : memref<80x125xi32, #tpu.memory_space<vmem>>) target_semaphore(%run_scoped3A : memref<!tpu.dma_semaphore, #tpu.memory_space<semaphore_mem>>)
      %dma_wait3A = arith.constant 0 : i32
      %dma_wait3A_62 = tpu.memref_slice %arg4[%mul3A_6, %dma_wait3A] : memref<2560x125xi32, #tpu.memory_space<hbm>> -> memref<80x125xi32, #tpu.memory_space<hbm>>
      %dma_wait3A_63 = arith.constant 0 : i32
      %dma_wait3A_64 = tpu.memref_slice %arg4[%mul3A_6, %dma_wait3A_63] : memref<2560x125xi32, #tpu.memory_space<hbm>> -> memref<80x125xi32, #tpu.memory_space<hbm>>
      tpu.wait_dma2 semaphore(%run_scoped3A : memref<!tpu.dma_semaphore, #tpu.memory_space<semaphore_mem>>) src(%dma_wait3A_64 : memref<80x125xi32, #tpu.memory_space<hbm>>) dst(%arg7 : memref<80x125xi32, #tpu.memory_space<vmem>>)
      tpu.yield
    }) : () -> ()
    %scan3A = arith.constant 0 : i32
    %scan3A_7 = arith.constant 0 : i32
    %scan3A_8 = arith.constant 64 : i32
    %scan3A_9 = arith.addi %scan3A_7, %scan3A_8 : i32
    %scan3A_10 = arith.constant 1 : i32
    scf.for %scan3A_59 = %scan3A_7 to %scan3A_9 step %scan3A_10  : i32 {
      %broadcast_in_dim3A = arith.constant 0.000000e+00 : f32
      %broadcast_in_dim3A_60 = vector.broadcast %broadcast_in_dim3A : f32 to vector<16xf32>
      %swap3A = arith.index_cast %scan3A_59 : i32 to index
      %swap3A_61 = arith.constant 0 : index
      %swap3A_62 = tpu.vector_load %arg9[%swap3A, %swap3A_61] {strides = array<i32>} : memref<64x64xf32, #tpu.memory_space<vmem>>, vector<1x16xf32>,
      %swap3A_63 = vector.shape_cast %swap3A_62 : vector<1x16xf32> to vector<16xf32>
      %swap3A_64 = vector.shape_cast %broadcast_in_dim3A_60 : vector<16xf32> to vector<1x16xf32>
      tpu.vector_store %arg9[%swap3A, %swap3A_61], %swap3A_64 {strides = array<i32>} : memref<64x64xf32, #tpu.memory_space<vmem>>, vector<1x16xf32>,
      %broadcast_in_dim3A_65 = arith.constant 0.000000e+00 : f32
      %broadcast_in_dim3A_66 = vector.broadcast %broadcast_in_dim3A_65 : f32 to vector<16xf32>
      %swap3A_67 = arith.index_cast %scan3A_59 : i32 to index
      %swap3A_68 = arith.constant 16 : index
      %swap3A_69 = tpu.vector_load %arg9[%swap3A_67, %swap3A_68] {strides = array<i32>} : memref<64x64xf32, #tpu.memory_space<vmem>>, vector<1x16xf32>,
      %swap3A_70 = vector.shape_cast %swap3A_69 : vector<1x16xf32> to vector<16xf32>
      %swap3A_71 = vector.shape_cast %broadcast_in_dim3A_66 : vector<16xf32> to vector<1x16xf32>
      tpu.vector_store %arg9[%swap3A_67, %swap3A_68], %swap3A_71 {strides = array<i32>} : memref<64x64xf32, #tpu.memory_space<vmem>>, vector<1x16xf32>,
      %broadcast_in_dim3A_72 = arith.constant 0.000000e+00 : f32
      %broadcast_in_dim3A_73 = vector.broadcast %broadcast_in_dim3A_72 : f32 to vector<16xf32>
      %swap3A_74 = arith.index_cast %scan3A_59 : i32 to index
      %swap3A_75 = arith.constant 32 : index
      %swap3A_76 = tpu.vector_load %arg9[%swap3A_74, %swap3A_75] {strides = array<i32>} : memref<64x64xf32, #tpu.memory_space<vmem>>, vector<1x16xf32>,
      %swap3A_77 = vector.shape_cast %swap3A_76 : vector<1x16xf32> to vector<16xf32>
      %swap3A_78 = vector.shape_cast %broadcast_in_dim3A_73 : vector<16xf32> to vector<1x16xf32>
      tpu.vector_store %arg9[%swap3A_74, %swap3A_75], %swap3A_78 {strides = array<i32>} : memref<64x64xf32, #tpu.memory_space<vmem>>, vector<1x16xf32>,
      %broadcast_in_dim3A_79 = arith.constant 0.000000e+00 : f32
      %broadcast_in_dim3A_80 = vector.broadcast %broadcast_in_dim3A_79 : f32 to vector<16xf32>
      %swap3A_81 = arith.index_cast %scan3A_59 : i32 to index
      %swap3A_82 = arith.constant 48 : index
      %swap3A_83 = tpu.vector_load %arg9[%swap3A_81, %swap3A_82] {strides = array<i32>} : memref<64x64xf32, #tpu.memory_space<vmem>>, vector<1x16xf32>,
      %swap3A_84 = vector.shape_cast %swap3A_83 : vector<1x16xf32> to vector<16xf32>
      %swap3A_85 = vector.shape_cast %broadcast_in_dim3A_80 : vector<16xf32> to vector<1x16xf32>
      tpu.vector_store %arg9[%swap3A_81, %swap3A_82], %swap3A_85 {strides = array<i32>} : memref<64x64xf32, #tpu.memory_space<vmem>>, vector<1x16xf32>,
    }
    %scan3A_11 = arith.constant 64 : i32
    %mul3A_12 = arith.constant 640 : i32
    %mul3A_13 = arith.muli %arg1, %mul3A_12 : i32
    %add3A_14 = arith.constant 0 : i32
    %add3A_15 = arith.addi %mul3A_13, %add3A_14 : i32
    "tpu.region"() ({
      %run_scoped3A = tpu.sem_alloc : memref<!tpu.dma_semaphore, #tpu.memory_space<semaphore_mem>>
      %dma_start3A = arith.constant 0 : i32
      %dma_start3A_59 = tpu.memref_slice %arg10[%add3A_15, %dma_start3A] : memref<10240x64xf32, #tpu.memory_space<vmem_shared>> -> memref<64x64xf32, #tpu.memory_space<vmem_shared>>
      %dma_start3A_60 = arith.constant 0 : i32
      %dma_start3A_61 = tpu.memref_slice %arg10[%add3A_15, %dma_start3A_60] : memref<10240x64xf32, #tpu.memory_space<vmem_shared>> -> memref<64x64xf32, #tpu.memory_space<vmem_shared>>
      tpu.enqueue_dma source(%arg9 : memref<64x64xf32, #tpu.memory_space<vmem>>) target(%dma_start3A_61 : memref<64x64xf32, #tpu.memory_space<vmem_shared>>) target_semaphore(%run_scoped3A : memref<!tpu.dma_semaphore, #tpu.memory_space<semaphore_mem>>)
      %dma_wait3A = arith.constant 0 : i32
      %dma_wait3A_62 = tpu.memref_slice %arg10[%add3A_15, %dma_wait3A] : memref<10240x64xf32, #tpu.memory_space<vmem_shared>> -> memref<64x64xf32, #tpu.memory_space<vmem_shared>>
      %dma_wait3A_63 = arith.constant 0 : i32
      %dma_wait3A_64 = tpu.memref_slice %arg10[%add3A_15, %dma_wait3A_63] : memref<10240x64xf32, #tpu.memory_space<vmem_shared>> -> memref<64x64xf32, #tpu.memory_space<vmem_shared>>
      tpu.wait_dma2 semaphore(%run_scoped3A : memref<!tpu.dma_semaphore, #tpu.memory_space<semaphore_mem>>) src(%arg9 : memref<64x64xf32, #tpu.memory_space<vmem>>) dst(%dma_wait3A_64 : memref<64x64xf32, #tpu.memory_space<vmem_shared>>)
      tpu.yield
    }) : () -> ()
    %mul3A_16 = arith.constant 640 : i32
    %mul3A_17 = arith.muli %arg1, %mul3A_16 : i32
    %add3A_18 = arith.constant 64 : i32
    %add3A_19 = arith.addi %mul3A_17, %add3A_18 : i32
    "tpu.region"() ({
      %run_scoped3A = tpu.sem_alloc : memref<!tpu.dma_semaphore, #tpu.memory_space<semaphore_mem>>
      %dma_start3A = arith.constant 0 : i32
      %dma_start3A_59 = tpu.memref_slice %arg10[%add3A_19, %dma_start3A] : memref<10240x64xf32, #tpu.memory_space<vmem_shared>> -> memref<64x64xf32, #tpu.memory_space<vmem_shared>>
      %dma_start3A_60 = arith.constant 0 : i32
      %dma_start3A_61 = tpu.memref_slice %arg10[%add3A_19, %dma_start3A_60] : memref<10240x64xf32, #tpu.memory_space<vmem_shared>> -> memref<64x64xf32, #tpu.memory_space<vmem_shared>>
      tpu.enqueue_dma source(%arg9 : memref<64x64xf32, #tpu.memory_space<vmem>>) target(%dma_start3A_61 : memref<64x64xf32, #tpu.memory_space<vmem_shared>>) target_semaphore(%run_scoped3A : memref<!tpu.dma_semaphore, #tpu.memory_space<semaphore_mem>>)
      %dma_wait3A = arith.constant 0 : i32
      %dma_wait3A_62 = tpu.memref_slice %arg10[%add3A_19, %dma_wait3A] : memref<10240x64xf32, #tpu.memory_space<vmem_shared>> -> memref<64x64xf32, #tpu.memory_space<vmem_shared>>
      %dma_wait3A_63 = arith.constant 0 : i32
      %dma_wait3A_64 = tpu.memref_slice %arg10[%add3A_19, %dma_wait3A_63] : memref<10240x64xf32, #tpu.memory_space<vmem_shared>> -> memref<64x64xf32, #tpu.memory_space<vmem_shared>>
      tpu.wait_dma2 semaphore(%run_scoped3A : memref<!tpu.dma_semaphore, #tpu.memory_space<semaphore_mem>>) src(%arg9 : memref<64x64xf32, #tpu.memory_space<vmem>>) dst(%dma_wait3A_64 : memref<64x64xf32, #tpu.memory_space<vmem_shared>>)
      tpu.yield
    }) : () -> ()
    %mul3A_20 = arith.constant 640 : i32
    %mul3A_21 = arith.muli %arg1, %mul3A_20 : i32
    %add3A_22 = arith.constant 128 : i32
    %add3A_23 = arith.addi %mul3A_21, %add3A_22 : i32
    "tpu.region"() ({
      %run_scoped3A = tpu.sem_alloc : memref<!tpu.dma_semaphore, #tpu.memory_space<semaphore_mem>>
      %dma_start3A = arith.constant 0 : i32
      %dma_start3A_59 = tpu.memref_slice %arg10[%add3A_23, %dma_start3A] : memref<10240x64xf32, #tpu.memory_space<vmem_shared>> -> memref<64x64xf32, #tpu.memory_space<vmem_shared>>
      %dma_start3A_60 = arith.constant 0 : i32
      %dma_start3A_61 = tpu.memref_slice %arg10[%add3A_23, %dma_start3A_60] : memref<10240x64xf32, #tpu.memory_space<vmem_shared>> -> memref<64x64xf32, #tpu.memory_space<vmem_shared>>
      tpu.enqueue_dma source(%arg9 : memref<64x64xf32, #tpu.memory_space<vmem>>) target(%dma_start3A_61 : memref<64x64xf32, #tpu.memory_space<vmem_shared>>) target_semaphore(%run_scoped3A : memref<!tpu.dma_semaphore, #tpu.memory_space<semaphore_mem>>)
      %dma_wait3A = arith.constant 0 : i32
      %dma_wait3A_62 = tpu.memref_slice %arg10[%add3A_23, %dma_wait3A] : memref<10240x64xf32, #tpu.memory_space<vmem_shared>> -> memref<64x64xf32, #tpu.memory_space<vmem_shared>>
      %dma_wait3A_63 = arith.constant 0 : i32
      %dma_wait3A_64 = tpu.memref_slice %arg10[%add3A_23, %dma_wait3A_63] : memref<10240x64xf32, #tpu.memory_space<vmem_shared>> -> memref<64x64xf32, #tpu.memory_space<vmem_shared>>
      tpu.wait_dma2 semaphore(%run_scoped3A : memref<!tpu.dma_semaphore, #tpu.memory_space<semaphore_mem>>) src(%arg9 : memref<64x64xf32, #tpu.memory_space<vmem>>) dst(%dma_wait3A_64 : memref<64x64xf32, #tpu.memory_space<vmem_shared>>)
      tpu.yield
    }) : () -> ()
    %mul3A_24 = arith.constant 640 : i32
    %mul3A_25 = arith.muli %arg1, %mul3A_24 : i32
    %add3A_26 = arith.constant 192 : i32
    %add3A_27 = arith.addi %mul3A_25, %add3A_26 : i32
    "tpu.region"() ({
      %run_scoped3A = tpu.sem_alloc : memref<!tpu.dma_semaphore, #tpu.memory_space<semaphore_mem>>
      %dma_start3A = arith.constant 0 : i32
      %dma_start3A_59 = tpu.memref_slice %arg10[%add3A_27, %dma_start3A] : memref<10240x64xf32, #tpu.memory_space<vmem_shared>> -> memref<64x64xf32, #tpu.memory_space<vmem_shared>>
      %dma_start3A_60 = arith.constant 0 : i32
      %dma_start3A_61 = tpu.memref_slice %arg10[%add3A_27, %dma_start3A_60] : memref<10240x64xf32, #tpu.memory_space<vmem_shared>> -> memref<64x64xf32, #tpu.memory_space<vmem_shared>>
      tpu.enqueue_dma source(%arg9 : memref<64x64xf32, #tpu.memory_space<vmem>>) target(%dma_start3A_61 : memref<64x64xf32, #tpu.memory_space<vmem_shared>>) target_semaphore(%run_scoped3A : memref<!tpu.dma_semaphore, #tpu.memory_space<semaphore_mem>>)
      %dma_wait3A = arith.constant 0 : i32
      %dma_wait3A_62 = tpu.memref_slice %arg10[%add3A_27, %dma_wait3A] : memref<10240x64xf32, #tpu.memory_space<vmem_shared>> -> memref<64x64xf32, #tpu.memory_space<vmem_shared>>
      %dma_wait3A_63 = arith.constant 0 : i32
      %dma_wait3A_64 = tpu.memref_slice %arg10[%add3A_27, %dma_wait3A_63] : memref<10240x64xf32, #tpu.memory_space<vmem_shared>> -> memref<64x64xf32, #tpu.memory_space<vmem_shared>>
      tpu.wait_dma2 semaphore(%run_scoped3A : memref<!tpu.dma_semaphore, #tpu.memory_space<semaphore_mem>>) src(%arg9 : memref<64x64xf32, #tpu.memory_space<vmem>>) dst(%dma_wait3A_64 : memref<64x64xf32, #tpu.memory_space<vmem_shared>>)
      tpu.yield
    }) : () -> ()
    %mul3A_28 = arith.constant 640 : i32
    %mul3A_29 = arith.muli %arg1, %mul3A_28 : i32
    %add3A_30 = arith.constant 256 : i32
    %add3A_31 = arith.addi %mul3A_29, %add3A_30 : i32
    "tpu.region"() ({
      %run_scoped3A = tpu.sem_alloc : memref<!tpu.dma_semaphore, #tpu.memory_space<semaphore_mem>>
      %dma_start3A = arith.constant 0 : i32
      %dma_start3A_59 = tpu.memref_slice %arg10[%add3A_31, %dma_start3A] : memref<10240x64xf32, #tpu.memory_space<vmem_shared>> -> memref<64x64xf32, #tpu.memory_space<vmem_shared>>
      %dma_start3A_60 = arith.constant 0 : i32
      %dma_start3A_61 = tpu.memref_slice %arg10[%add3A_31, %dma_start3A_60] : memref<10240x64xf32, #tpu.memory_space<vmem_shared>> -> memref<64x64xf32, #tpu.memory_space<vmem_shared>>
      tpu.enqueue_dma source(%arg9 : memref<64x64xf32, #tpu.memory_space<vmem>>) target(%dma_start3A_61 : memref<64x64xf32, #tpu.memory_space<vmem_shared>>) target_semaphore(%run_scoped3A : memref<!tpu.dma_semaphore, #tpu.memory_space<semaphore_mem>>)
      %dma_wait3A = arith.constant 0 : i32
      %dma_wait3A_62 = tpu.memref_slice %arg10[%add3A_31, %dma_wait3A] : memref<10240x64xf32, #tpu.memory_space<vmem_shared>> -> memref<64x64xf32, #tpu.memory_space<vmem_shared>>
      %dma_wait3A_63 = arith.constant 0 : i32
      %dma_wait3A_64 = tpu.memref_slice %arg10[%add3A_31, %dma_wait3A_63] : memref<10240x64xf32, #tpu.memory_space<vmem_shared>> -> memref<64x64xf32, #tpu.memory_space<vmem_shared>>
      tpu.wait_dma2 semaphore(%run_scoped3A : memref<!tpu.dma_semaphore, #tpu.memory_space<semaphore_mem>>) src(%arg9 : memref<64x64xf32, #tpu.memory_space<vmem>>) dst(%dma_wait3A_64 : memref<64x64xf32, #tpu.memory_space<vmem_shared>>)
      tpu.yield
    }) : () -> ()
    %mul3A_32 = arith.constant 640 : i32
    %mul3A_33 = arith.muli %arg1, %mul3A_32 : i32
    %add3A_34 = arith.constant 320 : i32
    %add3A_35 = arith.addi %mul3A_33, %add3A_34 : i32
    "tpu.region"() ({
      %run_scoped3A = tpu.sem_alloc : memref<!tpu.dma_semaphore, #tpu.memory_space<semaphore_mem>>
      %dma_start3A = arith.constant 0 : i32
      %dma_start3A_59 = tpu.memref_slice %arg10[%add3A_35, %dma_start3A] : memref<10240x64xf32, #tpu.memory_space<vmem_shared>> -> memref<64x64xf32, #tpu.memory_space<vmem_shared>>
      %dma_start3A_60 = arith.constant 0 : i32
      %dma_start3A_61 = tpu.memref_slice %arg10[%add3A_35, %dma_start3A_60] : memref<10240x64xf32, #tpu.memory_space<vmem_shared>> -> memref<64x64xf32, #tpu.memory_space<vmem_shared>>
      tpu.enqueue_dma source(%arg9 : memref<64x64xf32, #tpu.memory_space<vmem>>) target(%dma_start3A_61 : memref<64x64xf32, #tpu.memory_space<vmem_shared>>) target_semaphore(%run_scoped3A : memref<!tpu.dma_semaphore, #tpu.memory_space<semaphore_mem>>)
      %dma_wait3A = arith.constant 0 : i32
      %dma_wait3A_62 = tpu.memref_slice %arg10[%add3A_35, %dma_wait3A] : memref<10240x64xf32, #tpu.memory_space<vmem_shared>> -> memref<64x64xf32, #tpu.memory_space<vmem_shared>>
      %dma_wait3A_63 = arith.constant 0 : i32
      %dma_wait3A_64 = tpu.memref_slice %arg10[%add3A_35, %dma_wait3A_63] : memref<10240x64xf32, #tpu.memory_space<vmem_shared>> -> memref<64x64xf32, #tpu.memory_space<vmem_shared>>
      tpu.wait_dma2 semaphore(%run_scoped3A : memref<!tpu.dma_semaphore, #tpu.memory_space<semaphore_mem>>) src(%arg9 : memref<64x64xf32, #tpu.memory_space<vmem>>) dst(%dma_wait3A_64 : memref<64x64xf32, #tpu.memory_space<vmem_shared>>)
      tpu.yield
    }) : () -> ()
    %mul3A_36 = arith.constant 640 : i32
    %mul3A_37 = arith.muli %arg1, %mul3A_36 : i32
    %add3A_38 = arith.constant 384 : i32
    %add3A_39 = arith.addi %mul3A_37, %add3A_38 : i32
    "tpu.region"() ({
      %run_scoped3A = tpu.sem_alloc : memref<!tpu.dma_semaphore, #tpu.memory_space<semaphore_mem>>
      %dma_start3A = arith.constant 0 : i32
      %dma_start3A_59 = tpu.memref_slice %arg10[%add3A_39, %dma_start3A] : memref<10240x64xf32, #tpu.memory_space<vmem_shared>> -> memref<64x64xf32, #tpu.memory_space<vmem_shared>>
      %dma_start3A_60 = arith.constant 0 : i32
      %dma_start3A_61 = tpu.memref_slice %arg10[%add3A_39, %dma_start3A_60] : memref<10240x64xf32, #tpu.memory_space<vmem_shared>> -> memref<64x64xf32, #tpu.memory_space<vmem_shared>>
      tpu.enqueue_dma source(%arg9 : memref<64x64xf32, #tpu.memory_space<vmem>>) target(%dma_start3A_61 : memref<64x64xf32, #tpu.memory_space<vmem_shared>>) target_semaphore(%run_scoped3A : memref<!tpu.dma_semaphore, #tpu.memory_space<semaphore_mem>>)
      %dma_wait3A = arith.constant 0 : i32
      %dma_wait3A_62 = tpu.memref_slice %arg10[%add3A_39, %dma_wait3A] : memref<10240x64xf32, #tpu.memory_space<vmem_shared>> -> memref<64x64xf32, #tpu.memory_space<vmem_shared>>
      %dma_wait3A_63 = arith.constant 0 : i32
      %dma_wait3A_64 = tpu.memref_slice %arg10[%add3A_39, %dma_wait3A_63] : memref<10240x64xf32, #tpu.memory_space<vmem_shared>> -> memref<64x64xf32, #tpu.memory_space<vmem_shared>>
      tpu.wait_dma2 semaphore(%run_scoped3A : memref<!tpu.dma_semaphore, #tpu.memory_space<semaphore_mem>>) src(%arg9 : memref<64x64xf32, #tpu.memory_space<vmem>>) dst(%dma_wait3A_64 : memref<64x64xf32, #tpu.memory_space<vmem_shared>>)
      tpu.yield
    }) : () -> ()
    %mul3A_40 = arith.constant 640 : i32
    %mul3A_41 = arith.muli %arg1, %mul3A_40 : i32
    %add3A_42 = arith.constant 448 : i32
    %add3A_43 = arith.addi %mul3A_41, %add3A_42 : i32
    "tpu.region"() ({
      %run_scoped3A = tpu.sem_alloc : memref<!tpu.dma_semaphore, #tpu.memory_space<semaphore_mem>>
      %dma_start3A = arith.constant 0 : i32
      %dma_start3A_59 = tpu.memref_slice %arg10[%add3A_43, %dma_start3A] : memref<10240x64xf32, #tpu.memory_space<vmem_shared>> -> memref<64x64xf32, #tpu.memory_space<vmem_shared>>
      %dma_start3A_60 = arith.constant 0 : i32
      %dma_start3A_61 = tpu.memref_slice %arg10[%add3A_43, %dma_start3A_60] : memref<10240x64xf32, #tpu.memory_space<vmem_shared>> -> memref<64x64xf32, #tpu.memory_space<vmem_shared>>
      tpu.enqueue_dma source(%arg9 : memref<64x64xf32, #tpu.memory_space<vmem>>) target(%dma_start3A_61 : memref<64x64xf32, #tpu.memory_space<vmem_shared>>) target_semaphore(%run_scoped3A : memref<!tpu.dma_semaphore, #tpu.memory_space<semaphore_mem>>)
      %dma_wait3A = arith.constant 0 : i32
      %dma_wait3A_62 = tpu.memref_slice %arg10[%add3A_43, %dma_wait3A] : memref<10240x64xf32, #tpu.memory_space<vmem_shared>> -> memref<64x64xf32, #tpu.memory_space<vmem_shared>>
      %dma_wait3A_63 = arith.constant 0 : i32
      %dma_wait3A_64 = tpu.memref_slice %arg10[%add3A_43, %dma_wait3A_63] : memref<10240x64xf32, #tpu.memory_space<vmem_shared>> -> memref<64x64xf32, #tpu.memory_space<vmem_shared>>
      tpu.wait_dma2 semaphore(%run_scoped3A : memref<!tpu.dma_semaphore, #tpu.memory_space<semaphore_mem>>) src(%arg9 : memref<64x64xf32, #tpu.memory_space<vmem>>) dst(%dma_wait3A_64 : memref<64x64xf32, #tpu.memory_space<vmem_shared>>)
      tpu.yield
    }) : () -> ()
    %mul3A_44 = arith.constant 640 : i32
    %mul3A_45 = arith.muli %arg1, %mul3A_44 : i32
    %add3A_46 = arith.constant 512 : i32
    %add3A_47 = arith.addi %mul3A_45, %add3A_46 : i32
    "tpu.region"() ({
      %run_scoped3A = tpu.sem_alloc : memref<!tpu.dma_semaphore, #tpu.memory_space<semaphore_mem>>
      %dma_start3A = arith.constant 0 : i32
      %dma_start3A_59 = tpu.memref_slice %arg10[%add3A_47, %dma_start3A] : memref<10240x64xf32, #tpu.memory_space<vmem_shared>> -> memref<64x64xf32, #tpu.memory_space<vmem_shared>>
      %dma_start3A_60 = arith.constant 0 : i32
      %dma_start3A_61 = tpu.memref_slice %arg10[%add3A_47, %dma_start3A_60] : memref<10240x64xf32, #tpu.memory_space<vmem_shared>> -> memref<64x64xf32, #tpu.memory_space<vmem_shared>>
      tpu.enqueue_dma source(%arg9 : memref<64x64xf32, #tpu.memory_space<vmem>>) target(%dma_start3A_61 : memref<64x64xf32, #tpu.memory_space<vmem_shared>>) target_semaphore(%run_scoped3A : memref<!tpu.dma_semaphore, #tpu.memory_space<semaphore_mem>>)
      %dma_wait3A = arith.constant 0 : i32
      %dma_wait3A_62 = tpu.memref_slice %arg10[%add3A_47, %dma_wait3A] : memref<10240x64xf32, #tpu.memory_space<vmem_shared>> -> memref<64x64xf32, #tpu.memory_space<vmem_shared>>
      %dma_wait3A_63 = arith.constant 0 : i32
      %dma_wait3A_64 = tpu.memref_slice %arg10[%add3A_47, %dma_wait3A_63] : memref<10240x64xf32, #tpu.memory_space<vmem_shared>> -> memref<64x64xf32, #tpu.memory_space<vmem_shared>>
      tpu.wait_dma2 semaphore(%run_scoped3A : memref<!tpu.dma_semaphore, #tpu.memory_space<semaphore_mem>>) src(%arg9 : memref<64x64xf32, #tpu.memory_space<vmem>>) dst(%dma_wait3A_64 : memref<64x64xf32, #tpu.memory_space<vmem_shared>>)
      tpu.yield
    }) : () -> ()
    %mul3A_48 = arith.constant 640 : i32
    %mul3A_49 = arith.muli %arg1, %mul3A_48 : i32
    %add3A_50 = arith.constant 576 : i32
    %add3A_51 = arith.addi %mul3A_49, %add3A_50 : i32
    "tpu.region"() ({
      %run_scoped3A = tpu.sem_alloc : memref<!tpu.dma_semaphore, #tpu.memory_space<semaphore_mem>>
      %dma_start3A = arith.constant 0 : i32
      %dma_start3A_59 = tpu.memref_slice %arg10[%add3A_51, %dma_start3A] : memref<10240x64xf32, #tpu.memory_space<vmem_shared>> -> memref<64x64xf32, #tpu.memory_space<vmem_shared>>
      %dma_start3A_60 = arith.constant 0 : i32
      %dma_start3A_61 = tpu.memref_slice %arg10[%add3A_51, %dma_start3A_60] : memref<10240x64xf32, #tpu.memory_space<vmem_shared>> -> memref<64x64xf32, #tpu.memory_space<vmem_shared>>
      tpu.enqueue_dma source(%arg9 : memref<64x64xf32, #tpu.memory_space<vmem>>) target(%dma_start3A_61 : memref<64x64xf32, #tpu.memory_space<vmem_shared>>) target_semaphore(%run_scoped3A : memref<!tpu.dma_semaphore, #tpu.memory_space<semaphore_mem>>)
      %dma_wait3A = arith.constant 0 : i32
      %dma_wait3A_62 = tpu.memref_slice %arg10[%add3A_51, %dma_wait3A] : memref<10240x64xf32, #tpu.memory_space<vmem_shared>> -> memref<64x64xf32, #tpu.memory_space<vmem_shared>>
      %dma_wait3A_63 = arith.constant 0 : i32
      %dma_wait3A_64 = tpu.memref_slice %arg10[%add3A_51, %dma_wait3A_63] : memref<10240x64xf32, #tpu.memory_space<vmem_shared>> -> memref<64x64xf32, #tpu.memory_space<vmem_shared>>
      tpu.wait_dma2 semaphore(%run_scoped3A : memref<!tpu.dma_semaphore, #tpu.memory_space<semaphore_mem>>) src(%arg9 : memref<64x64xf32, #tpu.memory_space<vmem>>) dst(%dma_wait3A_64 : memref<64x64xf32, #tpu.memory_space<vmem_shared>>)
      tpu.yield
    }) : () -> ()
    %barrier3A = arith.constant 0 : index
    tpu.barrier barrier_id(%barrier3A)
    %scan3A_52 = arith.constant 0 : i32
    %scan3A_53 = arith.constant 0 : i32
    %scan3A_54 = arith.constant 10 : i32
    %scan3A_55 = arith.addi %scan3A_53, %scan3A_54 : i32
    %scan3A_56 = arith.constant 1 : i32
    scf.for %scan3A_59 = %scan3A_53 to %scan3A_55 step %scan3A_56  : i32 {
      %mul3A_60 = arith.constant 2 : i32
      %mul3A_61 = arith.muli %mul3A_60, %scan3A_59 : i32
      %mul3A_62 = arith.constant 2 : i32
      %mul3A_63 = arith.muli %mul3A_62, %scan3A_59 : i32
      %add3A_64 = arith.constant 1 : i32
      %add3A_65 = arith.addi %mul3A_63, %add3A_64 : i32
      %mul3A_66 = arith.constant 4 : i32
      %mul3A_67 = arith.muli %mul3A_61, %mul3A_66 : i32
      %add3A_68 = arith.constant 0 : i32
      %add3A_69 = arith.addi %mul3A_67, %add3A_68 : i32
      %dma_start3A = arith.constant 0 : i32
      %dma_start3A_70 = arith.constant 0 : i32
      %dma_start3A_71 = arith.constant 0 : i32
      %dma_start3A_72 = arith.constant 0 : i32
      %dma_start3A_73 = tpu.memref_slice %arg8[%dma_start3A, %dma_start3A_70, %dma_start3A_71, %dma_start3A_72] : memref<2x4x125x64xf32, #tpu.memory_space<vmem>> -> memref<1x1x125x64xf32, #tpu.memory_space<vmem>>
      %dma_start3A_74 = tpu.memref_squeeze %dma_start3A_73 : memref<1x1x125x64xf32, #tpu.memory_space<vmem>> -> memref<125x64xf32, #tpu.memory_space<vmem>>
      %dma_start3A_75 = arith.constant 0 : i32
      %dma_start3A_76 = tpu.memref_slice %arg6[%add3A_69, %dma_start3A_75] : memref<80x125xi32, #tpu.memory_space<vmem>> -> memref<1x125xi32, #tpu.memory_space<vmem>>
      %dma_start3A_77 = tpu.memref_squeeze %dma_start3A_76 : memref<1x125xi32, #tpu.memory_space<vmem>> -> memref<125xi32, #tpu.memory_space<vmem>>
      %dma_start3A_78 = arith.constant 0 : i32
      %dma_start3A_79 = arith.constant 0 : i32
      %dma_start3A_80 = tpu.memref_slice %arg2[%dma_start3A_78, %dma_start3A_79] : memref<10000x64xf32, #tpu.memory_space<hbm>> -> memref<10000x64xf32, #tpu.memory_space<hbm>>
      tpu.enqueue_indirect_dma source(%dma_start3A_80 : memref<10000x64xf32, #tpu.memory_space<hbm>>) target(%dma_start3A_74 : memref<125x64xf32, #tpu.memory_space<vmem>>) offsets(%dma_start3A_77 : memref<125xi32, #tpu.memory_space<vmem>>) semaphore(%arg11 : memref<!tpu.dma_semaphore, #tpu.memory_space<semaphore_mem>>)
      %mul3A_81 = arith.constant 4 : i32
      %mul3A_82 = arith.muli %mul3A_61, %mul3A_81 : i32
      %add3A_83 = arith.constant 1 : i32
      %add3A_84 = arith.addi %mul3A_82, %add3A_83 : i32
      %dma_start3A_85 = arith.constant 0 : i32
      %dma_start3A_86 = arith.constant 1 : i32
      %dma_start3A_87 = arith.constant 0 : i32
      %dma_start3A_88 = arith.constant 0 : i32
      %dma_start3A_89 = tpu.memref_slice %arg8[%dma_start3A_85, %dma_start3A_86, %dma_start3A_87, %dma_start3A_88] : memref<2x4x125x64xf32, #tpu.memory_space<vmem>> -> memref<1x1x125x64xf32, #tpu.memory_space<vmem>>
      %dma_start3A_90 = tpu.memref_squeeze %dma_start3A_89 : memref<1x1x125x64xf32, #tpu.memory_space<vmem>> -> memref<125x64xf32, #tpu.memory_space<vmem>>
      %dma_start3A_91 = arith.constant 0 : i32
      %dma_start3A_92 = tpu.memref_slice %arg6[%add3A_84, %dma_start3A_91] : memref<80x125xi32, #tpu.memory_space<vmem>> -> memref<1x125xi32, #tpu.memory_space<vmem>>
      %dma_start3A_93 = tpu.memref_squeeze %dma_start3A_92 : memref<1x125xi32, #tpu.memory_space<vmem>> -> memref<125xi32, #tpu.memory_space<vmem>>
      %dma_start3A_94 = arith.constant 0 : i32
      %dma_start3A_95 = arith.constant 0 : i32
      %dma_start3A_96 = tpu.memref_slice %arg2[%dma_start3A_94, %dma_start3A_95] : memref<10000x64xf32, #tpu.memory_space<hbm>> -> memref<10000x64xf32, #tpu.memory_space<hbm>>
      tpu.enqueue_indirect_dma source(%dma_start3A_96 : memref<10000x64xf32, #tpu.memory_space<hbm>>) target(%dma_start3A_90 : memref<125x64xf32, #tpu.memory_space<vmem>>) offsets(%dma_start3A_93 : memref<125xi32, #tpu.memory_space<vmem>>) semaphore(%arg11 : memref<!tpu.dma_semaphore, #tpu.memory_space<semaphore_mem>>)
      %mul3A_97 = arith.constant 4 : i32
      %mul3A_98 = arith.muli %mul3A_61, %mul3A_97 : i32
      %add3A_99 = arith.constant 2 : i32
      %add3A_100 = arith.addi %mul3A_98, %add3A_99 : i32
      %dma_start3A_101 = arith.constant 0 : i32
      %dma_start3A_102 = arith.constant 2 : i32
      %dma_start3A_103 = arith.constant 0 : i32
      %dma_start3A_104 = arith.constant 0 : i32
      %dma_start3A_105 = tpu.memref_slice %arg8[%dma_start3A_101, %dma_start3A_102, %dma_start3A_103, %dma_start3A_104] : memref<2x4x125x64xf32, #tpu.memory_space<vmem>> -> memref<1x1x125x64xf32, #tpu.memory_space<vmem>>
      %dma_start3A_106 = tpu.memref_squeeze %dma_start3A_105 : memref<1x1x125x64xf32, #tpu.memory_space<vmem>> -> memref<125x64xf32, #tpu.memory_space<vmem>>
      %dma_start3A_107 = arith.constant 0 : i32
      %dma_start3A_108 = tpu.memref_slice %arg6[%add3A_100, %dma_start3A_107] : memref<80x125xi32, #tpu.memory_space<vmem>> -> memref<1x125xi32, #tpu.memory_space<vmem>>
      %dma_start3A_109 = tpu.memref_squeeze %dma_start3A_108 : memref<1x125xi32, #tpu.memory_space<vmem>> -> memref<125xi32, #tpu.memory_space<vmem>>
      %dma_start3A_110 = arith.constant 0 : i32
      %dma_start3A_111 = arith.constant 0 : i32
      %dma_start3A_112 = tpu.memref_slice %arg2[%dma_start3A_110, %dma_start3A_111] : memref<10000x64xf32, #tpu.memory_space<hbm>> -> memref<10000x64xf32, #tpu.memory_space<hbm>>
      tpu.enqueue_indirect_dma source(%dma_start3A_112 : memref<10000x64xf32, #tpu.memory_space<hbm>>) target(%dma_start3A_106 : memref<125x64xf32, #tpu.memory_space<vmem>>) offsets(%dma_start3A_109 : memref<125xi32, #tpu.memory_space<vmem>>) semaphore(%arg11 : memref<!tpu.dma_semaphore, #tpu.memory_space<semaphore_mem>>)
      %mul3A_113 = arith.constant 4 : i32
      %mul3A_114 = arith.muli %mul3A_61, %mul3A_113 : i32
      %add3A_115 = arith.constant 3 : i32
      %add3A_116 = arith.addi %mul3A_114, %add3A_115 : i32
      %dma_start3A_117 = arith.constant 0 : i32
      %dma_start3A_118 = arith.constant 3 : i32
      %dma_start3A_119 = arith.constant 0 : i32
      %dma_start3A_120 = arith.constant 0 : i32
      %dma_start3A_121 = tpu.memref_slice %arg8[%dma_start3A_117, %dma_start3A_118, %dma_start3A_119, %dma_start3A_120] : memref<2x4x125x64xf32, #tpu.memory_space<vmem>> -> memref<1x1x125x64xf32, #tpu.memory_space<vmem>>
      %dma_start3A_122 = tpu.memref_squeeze %dma_start3A_121 : memref<1x1x125x64xf32, #tpu.memory_space<vmem>> -> memref<125x64xf32, #tpu.memory_space<vmem>>
      %dma_start3A_123 = arith.constant 0 : i32
      %dma_start3A_124 = tpu.memref_slice %arg6[%add3A_116, %dma_start3A_123] : memref<80x125xi32, #tpu.memory_space<vmem>> -> memref<1x125xi32, #tpu.memory_space<vmem>>
      %dma_start3A_125 = tpu.memref_squeeze %dma_start3A_124 : memref<1x125xi32, #tpu.memory_space<vmem>> -> memref<125xi32, #tpu.memory_space<vmem>>
      %dma_start3A_126 = arith.constant 0 : i32
      %dma_start3A_127 = arith.constant 0 : i32
      %dma_start3A_128 = tpu.memref_slice %arg2[%dma_start3A_126, %dma_start3A_127] : memref<10000x64xf32, #tpu.memory_space<hbm>> -> memref<10000x64xf32, #tpu.memory_space<hbm>>
      tpu.enqueue_indirect_dma source(%dma_start3A_128 : memref<10000x64xf32, #tpu.memory_space<hbm>>) target(%dma_start3A_122 : memref<125x64xf32, #tpu.memory_space<vmem>>) offsets(%dma_start3A_125 : memref<125xi32, #tpu.memory_space<vmem>>) semaphore(%arg11 : memref<!tpu.dma_semaphore, #tpu.memory_space<semaphore_mem>>)
      %dma_wait3A = arith.constant 0 : i32
      %dma_wait3A_129 = arith.constant 0 : i32
      %dma_wait3A_130 = arith.constant 0 : i32
      %dma_wait3A_131 = arith.constant 0 : i32
      %dma_wait3A_132 = tpu.memref_slice %arg8[%dma_wait3A, %dma_wait3A_129, %dma_wait3A_130, %dma_wait3A_131] : memref<2x4x125x64xf32, #tpu.memory_space<vmem>> -> memref<1x1x125x64xf32, #tpu.memory_space<vmem>>
      %dma_wait3A_133 = tpu.memref_squeeze %dma_wait3A_132 : memref<1x1x125x64xf32, #tpu.memory_space<vmem>> -> memref<125x64xf32, #tpu.memory_space<vmem>>
      %dma_wait3A_134 = arith.constant 0 : i32
      %dma_wait3A_135 = tpu.memref_slice %arg6[%add3A_69, %dma_wait3A_134] : memref<80x125xi32, #tpu.memory_space<vmem>> -> memref<1x125xi32, #tpu.memory_space<vmem>>
      %dma_wait3A_136 = tpu.memref_squeeze %dma_wait3A_135 : memref<1x125xi32, #tpu.memory_space<vmem>> -> memref<125xi32, #tpu.memory_space<vmem>>
      %dma_wait3A_137 = arith.constant 0 : i32
      %dma_wait3A_138 = arith.constant 0 : i32
      %dma_wait3A_139 = tpu.memref_slice %arg2[%dma_wait3A_137, %dma_wait3A_138] : memref<10000x64xf32, #tpu.memory_space<hbm>> -> memref<10000x64xf32, #tpu.memory_space<hbm>>
      tpu.wait_indirect_dma semaphore(%arg11 : memref<!tpu.dma_semaphore, #tpu.memory_space<semaphore_mem>>) src(%dma_wait3A_139 : memref<10000x64xf32, #tpu.memory_space<hbm>>) dst(%dma_wait3A_133 : memref<125x64xf32, #tpu.memory_space<vmem>>)
      %dma_wait3A_140 = arith.constant 0 : i32
      %dma_wait3A_141 = arith.constant 1 : i32
      %dma_wait3A_142 = arith.constant 0 : i32
      %dma_wait3A_143 = arith.constant 0 : i32
      %dma_wait3A_144 = tpu.memref_slice %arg8[%dma_wait3A_140, %dma_wait3A_141, %dma_wait3A_142, %dma_wait3A_143] : memref<2x4x125x64xf32, #tpu.memory_space<vmem>> -> memref<1x1x125x64xf32, #tpu.memory_space<vmem>>
      %dma_wait3A_145 = tpu.memref_squeeze %dma_wait3A_144 : memref<1x1x125x64xf32, #tpu.memory_space<vmem>> -> memref<125x64xf32, #tpu.memory_space<vmem>>
      %dma_wait3A_146 = arith.constant 0 : i32
      %dma_wait3A_147 = tpu.memref_slice %arg6[%add3A_84, %dma_wait3A_146] : memref<80x125xi32, #tpu.memory_space<vmem>> -> memref<1x125xi32, #tpu.memory_space<vmem>>
      %dma_wait3A_148 = tpu.memref_squeeze %dma_wait3A_147 : memref<1x125xi32, #tpu.memory_space<vmem>> -> memref<125xi32, #tpu.memory_space<vmem>>
      %dma_wait3A_149 = arith.constant 0 : i32
      %dma_wait3A_150 = arith.constant 0 : i32
      %dma_wait3A_151 = tpu.memref_slice %arg2[%dma_wait3A_149, %dma_wait3A_150] : memref<10000x64xf32, #tpu.memory_space<hbm>> -> memref<10000x64xf32, #tpu.memory_space<hbm>>
      tpu.wait_indirect_dma semaphore(%arg11 : memref<!tpu.dma_semaphore, #tpu.memory_space<semaphore_mem>>) src(%dma_wait3A_151 : memref<10000x64xf32, #tpu.memory_space<hbm>>) dst(%dma_wait3A_145 : memref<125x64xf32, #tpu.memory_space<vmem>>)
      %dma_wait3A_152 = arith.constant 0 : i32
      %dma_wait3A_153 = arith.constant 2 : i32
      %dma_wait3A_154 = arith.constant 0 : i32
      %dma_wait3A_155 = arith.constant 0 : i32
      %dma_wait3A_156 = tpu.memref_slice %arg8[%dma_wait3A_152, %dma_wait3A_153, %dma_wait3A_154, %dma_wait3A_155] : memref<2x4x125x64xf32, #tpu.memory_space<vmem>> -> memref<1x1x125x64xf32, #tpu.memory_space<vmem>>
      %dma_wait3A_157 = tpu.memref_squeeze %dma_wait3A_156 : memref<1x1x125x64xf32, #tpu.memory_space<vmem>> -> memref<125x64xf32, #tpu.memory_space<vmem>>
      %dma_wait3A_158 = arith.constant 0 : i32
      %dma_wait3A_159 = tpu.memref_slice %arg6[%add3A_100, %dma_wait3A_158] : memref<80x125xi32, #tpu.memory_space<vmem>> -> memref<1x125xi32, #tpu.memory_space<vmem>>
      %dma_wait3A_160 = tpu.memref_squeeze %dma_wait3A_159 : memref<1x125xi32, #tpu.memory_space<vmem>> -> memref<125xi32, #tpu.memory_space<vmem>>
      %dma_wait3A_161 = arith.constant 0 : i32
      %dma_wait3A_162 = arith.constant 0 : i32
      %dma_wait3A_163 = tpu.memref_slice %arg2[%dma_wait3A_161, %dma_wait3A_162] : memref<10000x64xf32, #tpu.memory_space<hbm>> -> memref<10000x64xf32, #tpu.memory_space<hbm>>
      tpu.wait_indirect_dma semaphore(%arg11 : memref<!tpu.dma_semaphore, #tpu.memory_space<semaphore_mem>>) src(%dma_wait3A_163 : memref<10000x64xf32, #tpu.memory_space<hbm>>) dst(%dma_wait3A_157 : memref<125x64xf32, #tpu.memory_space<vmem>>)
      %dma_wait3A_164 = arith.constant 0 : i32
      %dma_wait3A_165 = arith.constant 3 : i32
      %dma_wait3A_166 = arith.constant 0 : i32
      %dma_wait3A_167 = arith.constant 0 : i32
      %dma_wait3A_168 = tpu.memref_slice %arg8[%dma_wait3A_164, %dma_wait3A_165, %dma_wait3A_166, %dma_wait3A_167] : memref<2x4x125x64xf32, #tpu.memory_space<vmem>> -> memref<1x1x125x64xf32, #tpu.memory_space<vmem>>
      %dma_wait3A_169 = tpu.memref_squeeze %dma_wait3A_168 : memref<1x1x125x64xf32, #tpu.memory_space<vmem>> -> memref<125x64xf32, #tpu.memory_space<vmem>>
      %dma_wait3A_170 = arith.constant 0 : i32
      %dma_wait3A_171 = tpu.memref_slice %arg6[%add3A_116, %dma_wait3A_170] : memref<80x125xi32, #tpu.memory_space<vmem>> -> memref<1x125xi32, #tpu.memory_space<vmem>>
      %dma_wait3A_172 = tpu.memref_squeeze %dma_wait3A_171 : memref<1x125xi32, #tpu.memory_space<vmem>> -> memref<125xi32, #tpu.memory_space<vmem>>
      %dma_wait3A_173 = arith.constant 0 : i32
      %dma_wait3A_174 = arith.constant 0 : i32
      %dma_wait3A_175 = tpu.memref_slice %arg2[%dma_wait3A_173, %dma_wait3A_174] : memref<10000x64xf32, #tpu.memory_space<hbm>> -> memref<10000x64xf32, #tpu.memory_space<hbm>>
      tpu.wait_indirect_dma semaphore(%arg11 : memref<!tpu.dma_semaphore, #tpu.memory_space<semaphore_mem>>) src(%dma_wait3A_175 : memref<10000x64xf32, #tpu.memory_space<hbm>>) dst(%dma_wait3A_169 : memref<125x64xf32, #tpu.memory_space<vmem>>)
      %mul3A_176 = arith.constant 4 : i32
      %mul3A_177 = arith.muli %mul3A_61, %mul3A_176 : i32
      %add3A_178 = arith.constant 0 : i32
      %add3A_179 = arith.addi %mul3A_177, %add3A_178 : i32
      %dma_start3A_180 = arith.constant 0 : i32
      %dma_start3A_181 = arith.constant 0 : i32
      %dma_start3A_182 = arith.constant 0 : i32
      %dma_start3A_183 = arith.constant 0 : i32
      %dma_start3A_184 = tpu.memref_slice %arg8[%dma_start3A_180, %dma_start3A_181, %dma_start3A_182, %dma_start3A_183] : memref<2x4x125x64xf32, #tpu.memory_space<vmem>> -> memref<1x1x125x64xf32, #tpu.memory_space<vmem>>
      %dma_start3A_185 = tpu.memref_squeeze %dma_start3A_184 : memref<1x1x125x64xf32, #tpu.memory_space<vmem>> -> memref<125x64xf32, #tpu.memory_space<vmem>>
      %dma_start3A_186 = arith.constant 0 : i32
      %dma_start3A_187 = tpu.memref_slice %arg7[%add3A_179, %dma_start3A_186] : memref<80x125xi32, #tpu.memory_space<vmem>> -> memref<1x125xi32, #tpu.memory_space<vmem>>
      %dma_start3A_188 = tpu.memref_squeeze %dma_start3A_187 : memref<1x125xi32, #tpu.memory_space<vmem>> -> memref<125xi32, #tpu.memory_space<vmem>>
      %dma_start3A_189 = arith.constant 0 : i32
      %dma_start3A_190 = arith.constant 0 : i32
      %dma_start3A_191 = tpu.memref_slice %arg10[%dma_start3A_189, %dma_start3A_190] : memref<10240x64xf32, #tpu.memory_space<vmem_shared>> -> memref<10240x64xf32, #tpu.memory_space<vmem_shared>>
      tpu.enqueue_indirect_dma source(%dma_start3A_185 : memref<125x64xf32, #tpu.memory_space<vmem>>) target(%dma_start3A_191 : memref<10240x64xf32, #tpu.memory_space<vmem_shared>>) offsets(%dma_start3A_188 : memref<125xi32, #tpu.memory_space<vmem>>) semaphore(%arg13 : memref<!tpu.dma_semaphore, #tpu.memory_space<semaphore_mem>>) {add = true}
      %mul3A_192 = arith.constant 4 : i32
      %mul3A_193 = arith.muli %mul3A_61, %mul3A_192 : i32
      %add3A_194 = arith.constant 1 : i32
      %add3A_195 = arith.addi %mul3A_193, %add3A_194 : i32
      %dma_start3A_196 = arith.constant 0 : i32
      %dma_start3A_197 = arith.constant 1 : i32
      %dma_start3A_198 = arith.constant 0 : i32
      %dma_start3A_199 = arith.constant 0 : i32
      %dma_start3A_200 = tpu.memref_slice %arg8[%dma_start3A_196, %dma_start3A_197, %dma_start3A_198, %dma_start3A_199] : memref<2x4x125x64xf32, #tpu.memory_space<vmem>> -> memref<1x1x125x64xf32, #tpu.memory_space<vmem>>
      %dma_start3A_201 = tpu.memref_squeeze %dma_start3A_200 : memref<1x1x125x64xf32, #tpu.memory_space<vmem>> -> memref<125x64xf32, #tpu.memory_space<vmem>>
      %dma_start3A_202 = arith.constant 0 : i32
      %dma_start3A_203 = tpu.memref_slice %arg7[%add3A_195, %dma_start3A_202] : memref<80x125xi32, #tpu.memory_space<vmem>> -> memref<1x125xi32, #tpu.memory_space<vmem>>
      %dma_start3A_204 = tpu.memref_squeeze %dma_start3A_203 : memref<1x125xi32, #tpu.memory_space<vmem>> -> memref<125xi32, #tpu.memory_space<vmem>>
      %dma_start3A_205 = arith.constant 0 : i32
      %dma_start3A_206 = arith.constant 0 : i32
      %dma_start3A_207 = tpu.memref_slice %arg10[%dma_start3A_205, %dma_start3A_206] : memref<10240x64xf32, #tpu.memory_space<vmem_shared>> -> memref<10240x64xf32, #tpu.memory_space<vmem_shared>>
      tpu.enqueue_indirect_dma source(%dma_start3A_201 : memref<125x64xf32, #tpu.memory_space<vmem>>) target(%dma_start3A_207 : memref<10240x64xf32, #tpu.memory_space<vmem_shared>>) offsets(%dma_start3A_204 : memref<125xi32, #tpu.memory_space<vmem>>) semaphore(%arg13 : memref<!tpu.dma_semaphore, #tpu.memory_space<semaphore_mem>>) {add = true}
      %mul3A_208 = arith.constant 4 : i32
      %mul3A_209 = arith.muli %mul3A_61, %mul3A_208 : i32
      %add3A_210 = arith.constant 2 : i32
      %add3A_211 = arith.addi %mul3A_209, %add3A_210 : i32
      %dma_start3A_212 = arith.constant 0 : i32
      %dma_start3A_213 = arith.constant 2 : i32
      %dma_start3A_214 = arith.constant 0 : i32
      %dma_start3A_215 = arith.constant 0 : i32
      %dma_start3A_216 = tpu.memref_slice %arg8[%dma_start3A_212, %dma_start3A_213, %dma_start3A_214, %dma_start3A_215] : memref<2x4x125x64xf32, #tpu.memory_space<vmem>> -> memref<1x1x125x64xf32, #tpu.memory_space<vmem>>
      %dma_start3A_217 = tpu.memref_squeeze %dma_start3A_216 : memref<1x1x125x64xf32, #tpu.memory_space<vmem>> -> memref<125x64xf32, #tpu.memory_space<vmem>>
      %dma_start3A_218 = arith.constant 0 : i32
      %dma_start3A_219 = tpu.memref_slice %arg7[%add3A_211, %dma_start3A_218] : memref<80x125xi32, #tpu.memory_space<vmem>> -> memref<1x125xi32, #tpu.memory_space<vmem>>
      %dma_start3A_220 = tpu.memref_squeeze %dma_start3A_219 : memref<1x125xi32, #tpu.memory_space<vmem>> -> memref<125xi32, #tpu.memory_space<vmem>>
      %dma_start3A_221 = arith.constant 0 : i32
      %dma_start3A_222 = arith.constant 0 : i32
      %dma_start3A_223 = tpu.memref_slice %arg10[%dma_start3A_221, %dma_start3A_222] : memref<10240x64xf32, #tpu.memory_space<vmem_shared>> -> memref<10240x64xf32, #tpu.memory_space<vmem_shared>>
      tpu.enqueue_indirect_dma source(%dma_start3A_217 : memref<125x64xf32, #tpu.memory_space<vmem>>) target(%dma_start3A_223 : memref<10240x64xf32, #tpu.memory_space<vmem_shared>>) offsets(%dma_start3A_220 : memref<125xi32, #tpu.memory_space<vmem>>) semaphore(%arg13 : memref<!tpu.dma_semaphore, #tpu.memory_space<semaphore_mem>>) {add = true}
      %mul3A_224 = arith.constant 4 : i32
      %mul3A_225 = arith.muli %mul3A_61, %mul3A_224 : i32
      %add3A_226 = arith.constant 3 : i32
      %add3A_227 = arith.addi %mul3A_225, %add3A_226 : i32
      %dma_start3A_228 = arith.constant 0 : i32
      %dma_start3A_229 = arith.constant 3 : i32
      %dma_start3A_230 = arith.constant 0 : i32
      %dma_start3A_231 = arith.constant 0 : i32
      %dma_start3A_232 = tpu.memref_slice %arg8[%dma_start3A_228, %dma_start3A_229, %dma_start3A_230, %dma_start3A_231] : memref<2x4x125x64xf32, #tpu.memory_space<vmem>> -> memref<1x1x125x64xf32, #tpu.memory_space<vmem>>
      %dma_start3A_233 = tpu.memref_squeeze %dma_start3A_232 : memref<1x1x125x64xf32, #tpu.memory_space<vmem>> -> memref<125x64xf32, #tpu.memory_space<vmem>>
      %dma_start3A_234 = arith.constant 0 : i32
      %dma_start3A_235 = tpu.memref_slice %arg7[%add3A_227, %dma_start3A_234] : memref<80x125xi32, #tpu.memory_space<vmem>> -> memref<1x125xi32, #tpu.memory_space<vmem>>
      %dma_start3A_236 = tpu.memref_squeeze %dma_start3A_235 : memref<1x125xi32, #tpu.memory_space<vmem>> -> memref<125xi32, #tpu.memory_space<vmem>>
      %dma_start3A_237 = arith.constant 0 : i32
      %dma_start3A_238 = arith.constant 0 : i32
      %dma_start3A_239 = tpu.memref_slice %arg10[%dma_start3A_237, %dma_start3A_238] : memref<10240x64xf32, #tpu.memory_space<vmem_shared>> -> memref<10240x64xf32, #tpu.memory_space<vmem_shared>>
      tpu.enqueue_indirect_dma source(%dma_start3A_233 : memref<125x64xf32, #tpu.memory_space<vmem>>) target(%dma_start3A_239 : memref<10240x64xf32, #tpu.memory_space<vmem_shared>>) offsets(%dma_start3A_236 : memref<125xi32, #tpu.memory_space<vmem>>) semaphore(%arg13 : memref<!tpu.dma_semaphore, #tpu.memory_space<semaphore_mem>>) {add = true}
      %mul3A_240 = arith.constant 4 : i32
      %mul3A_241 = arith.muli %add3A_65, %mul3A_240 : i32
      %add3A_242 = arith.constant 0 : i32
      %add3A_243 = arith.addi %mul3A_241, %add3A_242 : i32
      %dma_start3A_244 = arith.constant 1 : i32
      %dma_start3A_245 = arith.constant 0 : i32
      %dma_start3A_246 = arith.constant 0 : i32
      %dma_start3A_247 = arith.constant 0 : i32
      %dma_start3A_248 = tpu.memref_slice %arg8[%dma_start3A_244, %dma_start3A_245, %dma_start3A_246, %dma_start3A_247] : memref<2x4x125x64xf32, #tpu.memory_space<vmem>> -> memref<1x1x125x64xf32, #tpu.memory_space<vmem>>
      %dma_start3A_249 = tpu.memref_squeeze %dma_start3A_248 : memref<1x1x125x64xf32, #tpu.memory_space<vmem>> -> memref<125x64xf32, #tpu.memory_space<vmem>>
      %dma_start3A_250 = arith.constant 0 : i32
      %dma_start3A_251 = tpu.memref_slice %arg6[%add3A_243, %dma_start3A_250] : memref<80x125xi32, #tpu.memory_space<vmem>> -> memref<1x125xi32, #tpu.memory_space<vmem>>
      %dma_start3A_252 = tpu.memref_squeeze %dma_start3A_251 : memref<1x125xi32, #tpu.memory_space<vmem>> -> memref<125xi32, #tpu.memory_space<vmem>>
      %dma_start3A_253 = arith.constant 0 : i32
      %dma_start3A_254 = arith.constant 0 : i32
      %dma_start3A_255 = tpu.memref_slice %arg2[%dma_start3A_253, %dma_start3A_254] : memref<10000x64xf32, #tpu.memory_space<hbm>> -> memref<10000x64xf32, #tpu.memory_space<hbm>>
      tpu.enqueue_indirect_dma source(%dma_start3A_255 : memref<10000x64xf32, #tpu.memory_space<hbm>>) target(%dma_start3A_249 : memref<125x64xf32, #tpu.memory_space<vmem>>) offsets(%dma_start3A_252 : memref<125xi32, #tpu.memory_space<vmem>>) semaphore(%arg12 : memref<!tpu.dma_semaphore, #tpu.memory_space<semaphore_mem>>)
      %mul3A_256 = arith.constant 4 : i32
      %mul3A_257 = arith.muli %add3A_65, %mul3A_256 : i32
      %add3A_258 = arith.constant 1 : i32
      %add3A_259 = arith.addi %mul3A_257, %add3A_258 : i32
      %dma_start3A_260 = arith.constant 1 : i32
      %dma_start3A_261 = arith.constant 1 : i32
      %dma_start3A_262 = arith.constant 0 : i32
      %dma_start3A_263 = arith.constant 0 : i32
      %dma_start3A_264 = tpu.memref_slice %arg8[%dma_start3A_260, %dma_start3A_261, %dma_start3A_262, %dma_start3A_263] : memref<2x4x125x64xf32, #tpu.memory_space<vmem>> -> memref<1x1x125x64xf32, #tpu.memory_space<vmem>>
      %dma_start3A_265 = tpu.memref_squeeze %dma_start3A_264 : memref<1x1x125x64xf32, #tpu.memory_space<vmem>> -> memref<125x64xf32, #tpu.memory_space<vmem>>
      %dma_start3A_266 = arith.constant 0 : i32
      %dma_start3A_267 = tpu.memref_slice %arg6[%add3A_259, %dma_start3A_266] : memref<80x125xi32, #tpu.memory_space<vmem>> -> memref<1x125xi32, #tpu.memory_space<vmem>>
      %dma_start3A_268 = tpu.memref_squeeze %dma_start3A_267 : memref<1x125xi32, #tpu.memory_space<vmem>> -> memref<125xi32, #tpu.memory_space<vmem>>
      %dma_start3A_269 = arith.constant 0 : i32
      %dma_start3A_270 = arith.constant 0 : i32
      %dma_start3A_271 = tpu.memref_slice %arg2[%dma_start3A_269, %dma_start3A_270] : memref<10000x64xf32, #tpu.memory_space<hbm>> -> memref<10000x64xf32, #tpu.memory_space<hbm>>
      tpu.enqueue_indirect_dma source(%dma_start3A_271 : memref<10000x64xf32, #tpu.memory_space<hbm>>) target(%dma_start3A_265 : memref<125x64xf32, #tpu.memory_space<vmem>>) offsets(%dma_start3A_268 : memref<125xi32, #tpu.memory_space<vmem>>) semaphore(%arg12 : memref<!tpu.dma_semaphore, #tpu.memory_space<semaphore_mem>>)
      %mul3A_272 = arith.constant 4 : i32
      %mul3A_273 = arith.muli %add3A_65, %mul3A_272 : i32
      %add3A_274 = arith.constant 2 : i32
      %add3A_275 = arith.addi %mul3A_273, %add3A_274 : i32
      %dma_start3A_276 = arith.constant 1 : i32
      %dma_start3A_277 = arith.constant 2 : i32
      %dma_start3A_278 = arith.constant 0 : i32
      %dma_start3A_279 = arith.constant 0 : i32
      %dma_start3A_280 = tpu.memref_slice %arg8[%dma_start3A_276, %dma_start3A_277, %dma_start3A_278, %dma_start3A_279] : memref<2x4x125x64xf32, #tpu.memory_space<vmem>> -> memref<1x1x125x64xf32, #tpu.memory_space<vmem>>
      %dma_start3A_281 = tpu.memref_squeeze %dma_start3A_280 : memref<1x1x125x64xf32, #tpu.memory_space<vmem>> -> memref<125x64xf32, #tpu.memory_space<vmem>>
      %dma_start3A_282 = arith.constant 0 : i32
      %dma_start3A_283 = tpu.memref_slice %arg6[%add3A_275, %dma_start3A_282] : memref<80x125xi32, #tpu.memory_space<vmem>> -> memref<1x125xi32, #tpu.memory_space<vmem>>
      %dma_start3A_284 = tpu.memref_squeeze %dma_start3A_283 : memref<1x125xi32, #tpu.memory_space<vmem>> -> memref<125xi32, #tpu.memory_space<vmem>>
      %dma_start3A_285 = arith.constant 0 : i32
      %dma_start3A_286 = arith.constant 0 : i32
      %dma_start3A_287 = tpu.memref_slice %arg2[%dma_start3A_285, %dma_start3A_286] : memref<10000x64xf32, #tpu.memory_space<hbm>> -> memref<10000x64xf32, #tpu.memory_space<hbm>>
      tpu.enqueue_indirect_dma source(%dma_start3A_287 : memref<10000x64xf32, #tpu.memory_space<hbm>>) target(%dma_start3A_281 : memref<125x64xf32, #tpu.memory_space<vmem>>) offsets(%dma_start3A_284 : memref<125xi32, #tpu.memory_space<vmem>>) semaphore(%arg12 : memref<!tpu.dma_semaphore, #tpu.memory_space<semaphore_mem>>)
      %mul3A_288 = arith.constant 4 : i32
      %mul3A_289 = arith.muli %add3A_65, %mul3A_288 : i32
      %add3A_290 = arith.constant 3 : i32
      %add3A_291 = arith.addi %mul3A_289, %add3A_290 : i32
      %dma_start3A_292 = arith.constant 1 : i32
      %dma_start3A_293 = arith.constant 3 : i32
      %dma_start3A_294 = arith.constant 0 : i32
      %dma_start3A_295 = arith.constant 0 : i32
      %dma_start3A_296 = tpu.memref_slice %arg8[%dma_start3A_292, %dma_start3A_293, %dma_start3A_294, %dma_start3A_295] : memref<2x4x125x64xf32, #tpu.memory_space<vmem>> -> memref<1x1x125x64xf32, #tpu.memory_space<vmem>>
      %dma_start3A_297 = tpu.memref_squeeze %dma_start3A_296 : memref<1x1x125x64xf32, #tpu.memory_space<vmem>> -> memref<125x64xf32, #tpu.memory_space<vmem>>
      %dma_start3A_298 = arith.constant 0 : i32
      %dma_start3A_299 = tpu.memref_slice %arg6[%add3A_291, %dma_start3A_298] : memref<80x125xi32, #tpu.memory_space<vmem>> -> memref<1x125xi32, #tpu.memory_space<vmem>>
      %dma_start3A_300 = tpu.memref_squeeze %dma_start3A_299 : memref<1x125xi32, #tpu.memory_space<vmem>> -> memref<125xi32, #tpu.memory_space<vmem>>
      %dma_start3A_301 = arith.constant 0 : i32
      %dma_start3A_302 = arith.constant 0 : i32
      %dma_start3A_303 = tpu.memref_slice %arg2[%dma_start3A_301, %dma_start3A_302] : memref<10000x64xf32, #tpu.memory_space<hbm>> -> memref<10000x64xf32, #tpu.memory_space<hbm>>
      tpu.enqueue_indirect_dma source(%dma_start3A_303 : memref<10000x64xf32, #tpu.memory_space<hbm>>) target(%dma_start3A_297 : memref<125x64xf32, #tpu.memory_space<vmem>>) offsets(%dma_start3A_300 : memref<125xi32, #tpu.memory_space<vmem>>) semaphore(%arg12 : memref<!tpu.dma_semaphore, #tpu.memory_space<semaphore_mem>>)
      %dma_wait3A_304 = arith.constant 1 : i32
      %dma_wait3A_305 = arith.constant 0 : i32
      %dma_wait3A_306 = arith.constant 0 : i32
      %dma_wait3A_307 = arith.constant 0 : i32
      %dma_wait3A_308 = tpu.memref_slice %arg8[%dma_wait3A_304, %dma_wait3A_305, %dma_wait3A_306, %dma_wait3A_307] : memref<2x4x125x64xf32, #tpu.memory_space<vmem>> -> memref<1x1x125x64xf32, #tpu.memory_space<vmem>>
      %dma_wait3A_309 = tpu.memref_squeeze %dma_wait3A_308 : memref<1x1x125x64xf32, #tpu.memory_space<vmem>> -> memref<125x64xf32, #tpu.memory_space<vmem>>
      %dma_wait3A_310 = arith.constant 0 : i32
      %dma_wait3A_311 = tpu.memref_slice %arg6[%add3A_243, %dma_wait3A_310] : memref<80x125xi32, #tpu.memory_space<vmem>> -> memref<1x125xi32, #tpu.memory_space<vmem>>
      %dma_wait3A_312 = tpu.memref_squeeze %dma_wait3A_311 : memref<1x125xi32, #tpu.memory_space<vmem>> -> memref<125xi32, #tpu.memory_space<vmem>>
      %dma_wait3A_313 = arith.constant 0 : i32
      %dma_wait3A_314 = arith.constant 0 : i32
      %dma_wait3A_315 = tpu.memref_slice %arg2[%dma_wait3A_313, %dma_wait3A_314] : memref<10000x64xf32, #tpu.memory_space<hbm>> -> memref<10000x64xf32, #tpu.memory_space<hbm>>
      tpu.wait_indirect_dma semaphore(%arg12 : memref<!tpu.dma_semaphore, #tpu.memory_space<semaphore_mem>>) src(%dma_wait3A_315 : memref<10000x64xf32, #tpu.memory_space<hbm>>) dst(%dma_wait3A_309 : memref<125x64xf32, #tpu.memory_space<vmem>>)
      %dma_wait3A_316 = arith.constant 1 : i32
      %dma_wait3A_317 = arith.constant 1 : i32
      %dma_wait3A_318 = arith.constant 0 : i32
      %dma_wait3A_319 = arith.constant 0 : i32
      %dma_wait3A_320 = tpu.memref_slice %arg8[%dma_wait3A_316, %dma_wait3A_317, %dma_wait3A_318, %dma_wait3A_319] : memref<2x4x125x64xf32, #tpu.memory_space<vmem>> -> memref<1x1x125x64xf32, #tpu.memory_space<vmem>>
      %dma_wait3A_321 = tpu.memref_squeeze %dma_wait3A_320 : memref<1x1x125x64xf32, #tpu.memory_space<vmem>> -> memref<125x64xf32, #tpu.memory_space<vmem>>
      %dma_wait3A_322 = arith.constant 0 : i32
      %dma_wait3A_323 = tpu.memref_slice %arg6[%add3A_259, %dma_wait3A_322] : memref<80x125xi32, #tpu.memory_space<vmem>> -> memref<1x125xi32, #tpu.memory_space<vmem>>
      %dma_wait3A_324 = tpu.memref_squeeze %dma_wait3A_323 : memref<1x125xi32, #tpu.memory_space<vmem>> -> memref<125xi32, #tpu.memory_space<vmem>>
      %dma_wait3A_325 = arith.constant 0 : i32
      %dma_wait3A_326 = arith.constant 0 : i32
      %dma_wait3A_327 = tpu.memref_slice %arg2[%dma_wait3A_325, %dma_wait3A_326] : memref<10000x64xf32, #tpu.memory_space<hbm>> -> memref<10000x64xf32, #tpu.memory_space<hbm>>
      tpu.wait_indirect_dma semaphore(%arg12 : memref<!tpu.dma_semaphore, #tpu.memory_space<semaphore_mem>>) src(%dma_wait3A_327 : memref<10000x64xf32, #tpu.memory_space<hbm>>) dst(%dma_wait3A_321 : memref<125x64xf32, #tpu.memory_space<vmem>>)
      %dma_wait3A_328 = arith.constant 1 : i32
      %dma_wait3A_329 = arith.constant 2 : i32
      %dma_wait3A_330 = arith.constant 0 : i32
      %dma_wait3A_331 = arith.constant 0 : i32
      %dma_wait3A_332 = tpu.memref_slice %arg8[%dma_wait3A_328, %dma_wait3A_329, %dma_wait3A_330, %dma_wait3A_331] : memref<2x4x125x64xf32, #tpu.memory_space<vmem>> -> memref<1x1x125x64xf32, #tpu.memory_space<vmem>>
      %dma_wait3A_333 = tpu.memref_squeeze %dma_wait3A_332 : memref<1x1x125x64xf32, #tpu.memory_space<vmem>> -> memref<125x64xf32, #tpu.memory_space<vmem>>
      %dma_wait3A_334 = arith.constant 0 : i32
      %dma_wait3A_335 = tpu.memref_slice %arg6[%add3A_275, %dma_wait3A_334] : memref<80x125xi32, #tpu.memory_space<vmem>> -> memref<1x125xi32, #tpu.memory_space<vmem>>
      %dma_wait3A_336 = tpu.memref_squeeze %dma_wait3A_335 : memref<1x125xi32, #tpu.memory_space<vmem>> -> memref<125xi32, #tpu.memory_space<vmem>>
      %dma_wait3A_337 = arith.constant 0 : i32
      %dma_wait3A_338 = arith.constant 0 : i32
      %dma_wait3A_339 = tpu.memref_slice %arg2[%dma_wait3A_337, %dma_wait3A_338] : memref<10000x64xf32, #tpu.memory_space<hbm>> -> memref<10000x64xf32, #tpu.memory_space<hbm>>
      tpu.wait_indirect_dma semaphore(%arg12 : memref<!tpu.dma_semaphore, #tpu.memory_space<semaphore_mem>>) src(%dma_wait3A_339 : memref<10000x64xf32, #tpu.memory_space<hbm>>) dst(%dma_wait3A_333 : memref<125x64xf32, #tpu.memory_space<vmem>>)
      %dma_wait3A_340 = arith.constant 1 : i32
      %dma_wait3A_341 = arith.constant 3 : i32
      %dma_wait3A_342 = arith.constant 0 : i32
      %dma_wait3A_343 = arith.constant 0 : i32
      %dma_wait3A_344 = tpu.memref_slice %arg8[%dma_wait3A_340, %dma_wait3A_341, %dma_wait3A_342, %dma_wait3A_343] : memref<2x4x125x64xf32, #tpu.memory_space<vmem>> -> memref<1x1x125x64xf32, #tpu.memory_space<vmem>>
      %dma_wait3A_345 = tpu.memref_squeeze %dma_wait3A_344 : memref<1x1x125x64xf32, #tpu.memory_space<vmem>> -> memref<125x64xf32, #tpu.memory_space<vmem>>
      %dma_wait3A_346 = arith.constant 0 : i32
      %dma_wait3A_347 = tpu.memref_slice %arg6[%add3A_291, %dma_wait3A_346] : memref<80x125xi32, #tpu.memory_space<vmem>> -> memref<1x125xi32, #tpu.memory_space<vmem>>
      %dma_wait3A_348 = tpu.memref_squeeze %dma_wait3A_347 : memref<1x125xi32, #tpu.memory_space<vmem>> -> memref<125xi32, #tpu.memory_space<vmem>>
      %dma_wait3A_349 = arith.constant 0 : i32
      %dma_wait3A_350 = arith.constant 0 : i32
      %dma_wait3A_351 = tpu.memref_slice %arg2[%dma_wait3A_349, %dma_wait3A_350] : memref<10000x64xf32, #tpu.memory_space<hbm>> -> memref<10000x64xf32, #tpu.memory_space<hbm>>
      tpu.wait_indirect_dma semaphore(%arg12 : memref<!tpu.dma_semaphore, #tpu.memory_space<semaphore_mem>>) src(%dma_wait3A_351 : memref<10000x64xf32, #tpu.memory_space<hbm>>) dst(%dma_wait3A_345 : memref<125x64xf32, #tpu.memory_space<vmem>>)
      %dma_wait3A_352 = arith.constant 0 : i32
      %dma_wait3A_353 = arith.constant 0 : i32
      %dma_wait3A_354 = arith.constant 0 : i32
      %dma_wait3A_355 = arith.constant 0 : i32
      %dma_wait3A_356 = tpu.memref_slice %arg8[%dma_wait3A_352, %dma_wait3A_353, %dma_wait3A_354, %dma_wait3A_355] : memref<2x4x125x64xf32, #tpu.memory_space<vmem>> -> memref<1x1x125x64xf32, #tpu.memory_space<vmem>>
      %dma_wait3A_357 = tpu.memref_squeeze %dma_wait3A_356 : memref<1x1x125x64xf32, #tpu.memory_space<vmem>> -> memref<125x64xf32, #tpu.memory_space<vmem>>
      %dma_wait3A_358 = arith.constant 0 : i32
      %dma_wait3A_359 = tpu.memref_slice %arg7[%add3A_179, %dma_wait3A_358] : memref<80x125xi32, #tpu.memory_space<vmem>> -> memref<1x125xi32, #tpu.memory_space<vmem>>
      %dma_wait3A_360 = tpu.memref_squeeze %dma_wait3A_359 : memref<1x125xi32, #tpu.memory_space<vmem>> -> memref<125xi32, #tpu.memory_space<vmem>>
      %dma_wait3A_361 = arith.constant 0 : i32
      %dma_wait3A_362 = arith.constant 0 : i32
      %dma_wait3A_363 = tpu.memref_slice %arg10[%dma_wait3A_361, %dma_wait3A_362] : memref<10240x64xf32, #tpu.memory_space<vmem_shared>> -> memref<10240x64xf32, #tpu.memory_space<vmem_shared>>
      tpu.wait_indirect_dma semaphore(%arg13 : memref<!tpu.dma_semaphore, #tpu.memory_space<semaphore_mem>>) src(%dma_wait3A_357 : memref<125x64xf32, #tpu.memory_space<vmem>>) dst(%dma_wait3A_363 : memref<10240x64xf32, #tpu.memory_space<vmem_shared>>)
      %dma_wait3A_364 = arith.constant 0 : i32
      %dma_wait3A_365 = arith.constant 1 : i32
      %dma_wait3A_366 = arith.constant 0 : i32
      %dma_wait3A_367 = arith.constant 0 : i32
      %dma_wait3A_368 = tpu.memref_slice %arg8[%dma_wait3A_364, %dma_wait3A_365, %dma_wait3A_366, %dma_wait3A_367] : memref<2x4x125x64xf32, #tpu.memory_space<vmem>> -> memref<1x1x125x64xf32, #tpu.memory_space<vmem>>
      %dma_wait3A_369 = tpu.memref_squeeze %dma_wait3A_368 : memref<1x1x125x64xf32, #tpu.memory_space<vmem>> -> memref<125x64xf32, #tpu.memory_space<vmem>>
      %dma_wait3A_370 = arith.constant 0 : i32
      %dma_wait3A_371 = tpu.memref_slice %arg7[%add3A_195, %dma_wait3A_370] : memref<80x125xi32, #tpu.memory_space<vmem>> -> memref<1x125xi32, #tpu.memory_space<vmem>>
      %dma_wait3A_372 = tpu.memref_squeeze %dma_wait3A_371 : memref<1x125xi32, #tpu.memory_space<vmem>> -> memref<125xi32, #tpu.memory_space<vmem>>
      %dma_wait3A_373 = arith.constant 0 : i32
      %dma_wait3A_374 = arith.constant 0 : i32
      %dma_wait3A_375 = tpu.memref_slice %arg10[%dma_wait3A_373, %dma_wait3A_374] : memref<10240x64xf32, #tpu.memory_space<vmem_shared>> -> memref<10240x64xf32, #tpu.memory_space<vmem_shared>>
      tpu.wait_indirect_dma semaphore(%arg13 : memref<!tpu.dma_semaphore, #tpu.memory_space<semaphore_mem>>) src(%dma_wait3A_369 : memref<125x64xf32, #tpu.memory_space<vmem>>) dst(%dma_wait3A_375 : memref<10240x64xf32, #tpu.memory_space<vmem_shared>>)
      %dma_wait3A_376 = arith.constant 0 : i32
      %dma_wait3A_377 = arith.constant 2 : i32
      %dma_wait3A_378 = arith.constant 0 : i32
      %dma_wait3A_379 = arith.constant 0 : i32
      %dma_wait3A_380 = tpu.memref_slice %arg8[%dma_wait3A_376, %dma_wait3A_377, %dma_wait3A_378, %dma_wait3A_379] : memref<2x4x125x64xf32, #tpu.memory_space<vmem>> -> memref<1x1x125x64xf32, #tpu.memory_space<vmem>>
      %dma_wait3A_381 = tpu.memref_squeeze %dma_wait3A_380 : memref<1x1x125x64xf32, #tpu.memory_space<vmem>> -> memref<125x64xf32, #tpu.memory_space<vmem>>
      %dma_wait3A_382 = arith.constant 0 : i32
      %dma_wait3A_383 = tpu.memref_slice %arg7[%add3A_211, %dma_wait3A_382] : memref<80x125xi32, #tpu.memory_space<vmem>> -> memref<1x125xi32, #tpu.memory_space<vmem>>
      %dma_wait3A_384 = tpu.memref_squeeze %dma_wait3A_383 : memref<1x125xi32, #tpu.memory_space<vmem>> -> memref<125xi32, #tpu.memory_space<vmem>>
      %dma_wait3A_385 = arith.constant 0 : i32
      %dma_wait3A_386 = arith.constant 0 : i32
      %dma_wait3A_387 = tpu.memref_slice %arg10[%dma_wait3A_385, %dma_wait3A_386] : memref<10240x64xf32, #tpu.memory_space<vmem_shared>> -> memref<10240x64xf32, #tpu.memory_space<vmem_shared>>
      tpu.wait_indirect_dma semaphore(%arg13 : memref<!tpu.dma_semaphore, #tpu.memory_space<semaphore_mem>>) src(%dma_wait3A_381 : memref<125x64xf32, #tpu.memory_space<vmem>>) dst(%dma_wait3A_387 : memref<10240x64xf32, #tpu.memory_space<vmem_shared>>)
      %dma_wait3A_388 = arith.constant 0 : i32
      %dma_wait3A_389 = arith.constant 3 : i32
      %dma_wait3A_390 = arith.constant 0 : i32
      %dma_wait3A_391 = arith.constant 0 : i32
      %dma_wait3A_392 = tpu.memref_slice %arg8[%dma_wait3A_388, %dma_wait3A_389, %dma_wait3A_390, %dma_wait3A_391] : memref<2x4x125x64xf32, #tpu.memory_space<vmem>> -> memref<1x1x125x64xf32, #tpu.memory_space<vmem>>
      %dma_wait3A_393 = tpu.memref_squeeze %dma_wait3A_392 : memref<1x1x125x64xf32, #tpu.memory_space<vmem>> -> memref<125x64xf32, #tpu.memory_space<vmem>>
      %dma_wait3A_394 = arith.constant 0 : i32
      %dma_wait3A_395 = tpu.memref_slice %arg7[%add3A_227, %dma_wait3A_394] : memref<80x125xi32, #tpu.memory_space<vmem>> -> memref<1x125xi32, #tpu.memory_space<vmem>>
      %dma_wait3A_396 = tpu.memref_squeeze %dma_wait3A_395 : memref<1x125xi32, #tpu.memory_space<vmem>> -> memref<125xi32, #tpu.memory_space<vmem>>
      %dma_wait3A_397 = arith.constant 0 : i32
      %dma_wait3A_398 = arith.constant 0 : i32
      %dma_wait3A_399 = tpu.memref_slice %arg10[%dma_wait3A_397, %dma_wait3A_398] : memref<10240x64xf32, #tpu.memory_space<vmem_shared>> -> memref<10240x64xf32, #tpu.memory_space<vmem_shared>>
      tpu.wait_indirect_dma semaphore(%arg13 : memref<!tpu.dma_semaphore, #tpu.memory_space<semaphore_mem>>) src(%dma_wait3A_393 : memref<125x64xf32, #tpu.memory_space<vmem>>) dst(%dma_wait3A_399 : memref<10240x64xf32, #tpu.memory_space<vmem_shared>>)
      %mul3A_400 = arith.constant 4 : i32
      %mul3A_401 = arith.muli %add3A_65, %mul3A_400 : i32
      %add3A_402 = arith.constant 0 : i32
      %add3A_403 = arith.addi %mul3A_401, %add3A_402 : i32
      %dma_start3A_404 = arith.constant 1 : i32
      %dma_start3A_405 = arith.constant 0 : i32
      %dma_start3A_406 = arith.constant 0 : i32
      %dma_start3A_407 = arith.constant 0 : i32
      %dma_start3A_408 = tpu.memref_slice %arg8[%dma_start3A_404, %dma_start3A_405, %dma_start3A_406, %dma_start3A_407] : memref<2x4x125x64xf32, #tpu.memory_space<vmem>> -> memref<1x1x125x64xf32, #tpu.memory_space<vmem>>
      %dma_start3A_409 = tpu.memref_squeeze %dma_start3A_408 : memref<1x1x125x64xf32, #tpu.memory_space<vmem>> -> memref<125x64xf32, #tpu.memory_space<vmem>>
      %dma_start3A_410 = arith.constant 0 : i32
      %dma_start3A_411 = tpu.memref_slice %arg7[%add3A_403, %dma_start3A_410] : memref<80x125xi32, #tpu.memory_space<vmem>> -> memref<1x125xi32, #tpu.memory_space<vmem>>
      %dma_start3A_412 = tpu.memref_squeeze %dma_start3A_411 : memref<1x125xi32, #tpu.memory_space<vmem>> -> memref<125xi32, #tpu.memory_space<vmem>>
      %dma_start3A_413 = arith.constant 0 : i32
      %dma_start3A_414 = arith.constant 0 : i32
      %dma_start3A_415 = tpu.memref_slice %arg10[%dma_start3A_413, %dma_start3A_414] : memref<10240x64xf32, #tpu.memory_space<vmem_shared>> -> memref<10240x64xf32, #tpu.memory_space<vmem_shared>>
      tpu.enqueue_indirect_dma source(%dma_start3A_409 : memref<125x64xf32, #tpu.memory_space<vmem>>) target(%dma_start3A_415 : memref<10240x64xf32, #tpu.memory_space<vmem_shared>>) offsets(%dma_start3A_412 : memref<125xi32, #tpu.memory_space<vmem>>) semaphore(%arg14 : memref<!tpu.dma_semaphore, #tpu.memory_space<semaphore_mem>>) {add = true}
      %mul3A_416 = arith.constant 4 : i32
      %mul3A_417 = arith.muli %add3A_65, %mul3A_416 : i32
      %add3A_418 = arith.constant 1 : i32
      %add3A_419 = arith.addi %mul3A_417, %add3A_418 : i32
      %dma_start3A_420 = arith.constant 1 : i32
      %dma_start3A_421 = arith.constant 1 : i32
      %dma_start3A_422 = arith.constant 0 : i32
      %dma_start3A_423 = arith.constant 0 : i32
      %dma_start3A_424 = tpu.memref_slice %arg8[%dma_start3A_420, %dma_start3A_421, %dma_start3A_422, %dma_start3A_423] : memref<2x4x125x64xf32, #tpu.memory_space<vmem>> -> memref<1x1x125x64xf32, #tpu.memory_space<vmem>>
      %dma_start3A_425 = tpu.memref_squeeze %dma_start3A_424 : memref<1x1x125x64xf32, #tpu.memory_space<vmem>> -> memref<125x64xf32, #tpu.memory_space<vmem>>
      %dma_start3A_426 = arith.constant 0 : i32
      %dma_start3A_427 = tpu.memref_slice %arg7[%add3A_419, %dma_start3A_426] : memref<80x125xi32, #tpu.memory_space<vmem>> -> memref<1x125xi32, #tpu.memory_space<vmem>>
      %dma_start3A_428 = tpu.memref_squeeze %dma_start3A_427 : memref<1x125xi32, #tpu.memory_space<vmem>> -> memref<125xi32, #tpu.memory_space<vmem>>
      %dma_start3A_429 = arith.constant 0 : i32
      %dma_start3A_430 = arith.constant 0 : i32
      %dma_start3A_431 = tpu.memref_slice %arg10[%dma_start3A_429, %dma_start3A_430] : memref<10240x64xf32, #tpu.memory_space<vmem_shared>> -> memref<10240x64xf32, #tpu.memory_space<vmem_shared>>
      tpu.enqueue_indirect_dma source(%dma_start3A_425 : memref<125x64xf32, #tpu.memory_space<vmem>>) target(%dma_start3A_431 : memref<10240x64xf32, #tpu.memory_space<vmem_shared>>) offsets(%dma_start3A_428 : memref<125xi32, #tpu.memory_space<vmem>>) semaphore(%arg14 : memref<!tpu.dma_semaphore, #tpu.memory_space<semaphore_mem>>) {add = true}
      %mul3A_432 = arith.constant 4 : i32
      %mul3A_433 = arith.muli %add3A_65, %mul3A_432 : i32
      %add3A_434 = arith.constant 2 : i32
      %add3A_435 = arith.addi %mul3A_433, %add3A_434 : i32
      %dma_start3A_436 = arith.constant 1 : i32
      %dma_start3A_437 = arith.constant 2 : i32
      %dma_start3A_438 = arith.constant 0 : i32
      %dma_start3A_439 = arith.constant 0 : i32
      %dma_start3A_440 = tpu.memref_slice %arg8[%dma_start3A_436, %dma_start3A_437, %dma_start3A_438, %dma_start3A_439] : memref<2x4x125x64xf32, #tpu.memory_space<vmem>> -> memref<1x1x125x64xf32, #tpu.memory_space<vmem>>
      %dma_start3A_441 = tpu.memref_squeeze %dma_start3A_440 : memref<1x1x125x64xf32, #tpu.memory_space<vmem>> -> memref<125x64xf32, #tpu.memory_space<vmem>>
      %dma_start3A_442 = arith.constant 0 : i32
      %dma_start3A_443 = tpu.memref_slice %arg7[%add3A_435, %dma_start3A_442] : memref<80x125xi32, #tpu.memory_space<vmem>> -> memref<1x125xi32, #tpu.memory_space<vmem>>
      %dma_start3A_444 = tpu.memref_squeeze %dma_start3A_443 : memref<1x125xi32, #tpu.memory_space<vmem>> -> memref<125xi32, #tpu.memory_space<vmem>>
      %dma_start3A_445 = arith.constant 0 : i32
      %dma_start3A_446 = arith.constant 0 : i32
      %dma_start3A_447 = tpu.memref_slice %arg10[%dma_start3A_445, %dma_start3A_446] : memref<10240x64xf32, #tpu.memory_space<vmem_shared>> -> memref<10240x64xf32, #tpu.memory_space<vmem_shared>>
      tpu.enqueue_indirect_dma source(%dma_start3A_441 : memref<125x64xf32, #tpu.memory_space<vmem>>) target(%dma_start3A_447 : memref<10240x64xf32, #tpu.memory_space<vmem_shared>>) offsets(%dma_start3A_444 : memref<125xi32, #tpu.memory_space<vmem>>) semaphore(%arg14 : memref<!tpu.dma_semaphore, #tpu.memory_space<semaphore_mem>>) {add = true}
      %mul3A_448 = arith.constant 4 : i32
      %mul3A_449 = arith.muli %add3A_65, %mul3A_448 : i32
      %add3A_450 = arith.constant 3 : i32
      %add3A_451 = arith.addi %mul3A_449, %add3A_450 : i32
      %dma_start3A_452 = arith.constant 1 : i32
      %dma_start3A_453 = arith.constant 3 : i32
      %dma_start3A_454 = arith.constant 0 : i32
      %dma_start3A_455 = arith.constant 0 : i32
      %dma_start3A_456 = tpu.memref_slice %arg8[%dma_start3A_452, %dma_start3A_453, %dma_start3A_454, %dma_start3A_455] : memref<2x4x125x64xf32, #tpu.memory_space<vmem>> -> memref<1x1x125x64xf32, #tpu.memory_space<vmem>>
      %dma_start3A_457 = tpu.memref_squeeze %dma_start3A_456 : memref<1x1x125x64xf32, #tpu.memory_space<vmem>> -> memref<125x64xf32, #tpu.memory_space<vmem>>
      %dma_start3A_458 = arith.constant 0 : i32
      %dma_start3A_459 = tpu.memref_slice %arg7[%add3A_451, %dma_start3A_458] : memref<80x125xi32, #tpu.memory_space<vmem>> -> memref<1x125xi32, #tpu.memory_space<vmem>>
      %dma_start3A_460 = tpu.memref_squeeze %dma_start3A_459 : memref<1x125xi32, #tpu.memory_space<vmem>> -> memref<125xi32, #tpu.memory_space<vmem>>
      %dma_start3A_461 = arith.constant 0 : i32
      %dma_start3A_462 = arith.constant 0 : i32
      %dma_start3A_463 = tpu.memref_slice %arg10[%dma_start3A_461, %dma_start3A_462] : memref<10240x64xf32, #tpu.memory_space<vmem_shared>> -> memref<10240x64xf32, #tpu.memory_space<vmem_shared>>
      tpu.enqueue_indirect_dma source(%dma_start3A_457 : memref<125x64xf32, #tpu.memory_space<vmem>>) target(%dma_start3A_463 : memref<10240x64xf32, #tpu.memory_space<vmem_shared>>) offsets(%dma_start3A_460 : memref<125xi32, #tpu.memory_space<vmem>>) semaphore(%arg14 : memref<!tpu.dma_semaphore, #tpu.memory_space<semaphore_mem>>) {add = true}
      %dma_wait3A_464 = arith.constant 1 : i32
      %dma_wait3A_465 = arith.constant 0 : i32
      %dma_wait3A_466 = arith.constant 0 : i32
      %dma_wait3A_467 = arith.constant 0 : i32
      %dma_wait3A_468 = tpu.memref_slice %arg8[%dma_wait3A_464, %dma_wait3A_465, %dma_wait3A_466, %dma_wait3A_467] : memref<2x4x125x64xf32, #tpu.memory_space<vmem>> -> memref<1x1x125x64xf32, #tpu.memory_space<vmem>>
      %dma_wait3A_469 = tpu.memref_squeeze %dma_wait3A_468 : memref<1x1x125x64xf32, #tpu.memory_space<vmem>> -> memref<125x64xf32, #tpu.memory_space<vmem>>
      %dma_wait3A_470 = arith.constant 0 : i32
      %dma_wait3A_471 = tpu.memref_slice %arg7[%add3A_403, %dma_wait3A_470] : memref<80x125xi32, #tpu.memory_space<vmem>> -> memref<1x125xi32, #tpu.memory_space<vmem>>
      %dma_wait3A_472 = tpu.memref_squeeze %dma_wait3A_471 : memref<1x125xi32, #tpu.memory_space<vmem>> -> memref<125xi32, #tpu.memory_space<vmem>>
      %dma_wait3A_473 = arith.constant 0 : i32
      %dma_wait3A_474 = arith.constant 0 : i32
      %dma_wait3A_475 = tpu.memref_slice %arg10[%dma_wait3A_473, %dma_wait3A_474] : memref<10240x64xf32, #tpu.memory_space<vmem_shared>> -> memref<10240x64xf32, #tpu.memory_space<vmem_shared>>
      tpu.wait_indirect_dma semaphore(%arg14 : memref<!tpu.dma_semaphore, #tpu.memory_space<semaphore_mem>>) src(%dma_wait3A_469 : memref<125x64xf32, #tpu.memory_space<vmem>>) dst(%dma_wait3A_475 : memref<10240x64xf32, #tpu.memory_space<vmem_shared>>)
      %dma_wait3A_476 = arith.constant 1 : i32
      %dma_wait3A_477 = arith.constant 1 : i32
      %dma_wait3A_478 = arith.constant 0 : i32
      %dma_wait3A_479 = arith.constant 0 : i32
      %dma_wait3A_480 = tpu.memref_slice %arg8[%dma_wait3A_476, %dma_wait3A_477, %dma_wait3A_478, %dma_wait3A_479] : memref<2x4x125x64xf32, #tpu.memory_space<vmem>> -> memref<1x1x125x64xf32, #tpu.memory_space<vmem>>
      %dma_wait3A_481 = tpu.memref_squeeze %dma_wait3A_480 : memref<1x1x125x64xf32, #tpu.memory_space<vmem>> -> memref<125x64xf32, #tpu.memory_space<vmem>>
      %dma_wait3A_482 = arith.constant 0 : i32
      %dma_wait3A_483 = tpu.memref_slice %arg7[%add3A_419, %dma_wait3A_482] : memref<80x125xi32, #tpu.memory_space<vmem>> -> memref<1x125xi32, #tpu.memory_space<vmem>>
      %dma_wait3A_484 = tpu.memref_squeeze %dma_wait3A_483 : memref<1x125xi32, #tpu.memory_space<vmem>> -> memref<125xi32, #tpu.memory_space<vmem>>
      %dma_wait3A_485 = arith.constant 0 : i32
      %dma_wait3A_486 = arith.constant 0 : i32
      %dma_wait3A_487 = tpu.memref_slice %arg10[%dma_wait3A_485, %dma_wait3A_486] : memref<10240x64xf32, #tpu.memory_space<vmem_shared>> -> memref<10240x64xf32, #tpu.memory_space<vmem_shared>>
      tpu.wait_indirect_dma semaphore(%arg14 : memref<!tpu.dma_semaphore, #tpu.memory_space<semaphore_mem>>) src(%dma_wait3A_481 : memref<125x64xf32, #tpu.memory_space<vmem>>) dst(%dma_wait3A_487 : memref<10240x64xf32, #tpu.memory_space<vmem_shared>>)
      %dma_wait3A_488 = arith.constant 1 : i32
      %dma_wait3A_489 = arith.constant 2 : i32
      %dma_wait3A_490 = arith.constant 0 : i32
      %dma_wait3A_491 = arith.constant 0 : i32
      %dma_wait3A_492 = tpu.memref_slice %arg8[%dma_wait3A_488, %dma_wait3A_489, %dma_wait3A_490, %dma_wait3A_491] : memref<2x4x125x64xf32, #tpu.memory_space<vmem>> -> memref<1x1x125x64xf32, #tpu.memory_space<vmem>>
      %dma_wait3A_493 = tpu.memref_squeeze %dma_wait3A_492 : memref<1x1x125x64xf32, #tpu.memory_space<vmem>> -> memref<125x64xf32, #tpu.memory_space<vmem>>
      %dma_wait3A_494 = arith.constant 0 : i32
      %dma_wait3A_495 = tpu.memref_slice %arg7[%add3A_435, %dma_wait3A_494] : memref<80x125xi32, #tpu.memory_space<vmem>> -> memref<1x125xi32, #tpu.memory_space<vmem>>
      %dma_wait3A_496 = tpu.memref_squeeze %dma_wait3A_495 : memref<1x125xi32, #tpu.memory_space<vmem>> -> memref<125xi32, #tpu.memory_space<vmem>>
      %dma_wait3A_497 = arith.constant 0 : i32
      %dma_wait3A_498 = arith.constant 0 : i32
      %dma_wait3A_499 = tpu.memref_slice %arg10[%dma_wait3A_497, %dma_wait3A_498] : memref<10240x64xf32, #tpu.memory_space<vmem_shared>> -> memref<10240x64xf32, #tpu.memory_space<vmem_shared>>
      tpu.wait_indirect_dma semaphore(%arg14 : memref<!tpu.dma_semaphore, #tpu.memory_space<semaphore_mem>>) src(%dma_wait3A_493 : memref<125x64xf32, #tpu.memory_space<vmem>>) dst(%dma_wait3A_499 : memref<10240x64xf32, #tpu.memory_space<vmem_shared>>)
      %dma_wait3A_500 = arith.constant 1 : i32
      %dma_wait3A_501 = arith.constant 3 : i32
      %dma_wait3A_502 = arith.constant 0 : i32
      %dma_wait3A_503 = arith.constant 0 : i32
      %dma_wait3A_504 = tpu.memref_slice %arg8[%dma_wait3A_500, %dma_wait3A_501, %dma_wait3A_502, %dma_wait3A_503] : memref<2x4x125x64xf32, #tpu.memory_space<vmem>> -> memref<1x1x125x64xf32, #tpu.memory_space<vmem>>
      %dma_wait3A_505 = tpu.memref_squeeze %dma_wait3A_504 : memref<1x1x125x64xf32, #tpu.memory_space<vmem>> -> memref<125x64xf32, #tpu.memory_space<vmem>>
      %dma_wait3A_506 = arith.constant 0 : i32
      %dma_wait3A_507 = tpu.memref_slice %arg7[%add3A_451, %dma_wait3A_506] : memref<80x125xi32, #tpu.memory_space<vmem>> -> memref<1x125xi32, #tpu.memory_space<vmem>>
      %dma_wait3A_508 = tpu.memref_squeeze %dma_wait3A_507 : memref<1x125xi32, #tpu.memory_space<vmem>> -> memref<125xi32, #tpu.memory_space<vmem>>
      %dma_wait3A_509 = arith.constant 0 : i32
      %dma_wait3A_510 = arith.constant 0 : i32
      %dma_wait3A_511 = tpu.memref_slice %arg10[%dma_wait3A_509, %dma_wait3A_510] : memref<10240x64xf32, #tpu.memory_space<vmem_shared>> -> memref<10240x64xf32, #tpu.memory_space<vmem_shared>>
      tpu.wait_indirect_dma semaphore(%arg14 : memref<!tpu.dma_semaphore, #tpu.memory_space<semaphore_mem>>) src(%dma_wait3A_505 : memref<125x64xf32, #tpu.memory_space<vmem>>) dst(%dma_wait3A_511 : memref<10240x64xf32, #tpu.memory_space<vmem_shared>>)
    }
    %scan3A_57 = arith.constant 10 : i32
    %barrier3A_58 = arith.constant 0 : index
    tpu.barrier barrier_id(%barrier3A_58)
    "tpu.region"() ({
      %run_scoped3A = tpu.sem_alloc : memref<!tpu.dma_semaphore, #tpu.memory_space<semaphore_mem>>
      %dma_start3A = arith.constant 0 : i32
      %dma_start3A_59 = arith.constant 0 : i32
      %dma_start3A_60 = tpu.memref_slice %arg5[%arg0, %dma_start3A, %dma_start3A_59] : memref<2x10240x64xf32, #tpu.memory_space<hbm>> -> memref<1x10240x64xf32, #tpu.memory_space<hbm>>
      %dma_start3A_61 = tpu.memref_squeeze %dma_start3A_60 : memref<1x10240x64xf32, #tpu.memory_space<hbm>> -> memref<10240x64xf32, #tpu.memory_space<hbm>>
      %dma_start3A_62 = arith.constant 0 : i32
      %dma_start3A_63 = tpu.memref_slice %dma_start3A_61[%mul3A_2, %dma_start3A_62] : memref<10240x64xf32, #tpu.memory_space<hbm>> -> memref<640x64xf32, #tpu.memory_space<hbm>>
      %dma_start3A_64 = arith.constant 0 : i32
      %dma_start3A_65 = tpu.memref_slice %arg10[%mul3A_2, %dma_start3A_64] : memref<10240x64xf32, #tpu.memory_space<vmem_shared>> -> memref<640x64xf32, #tpu.memory_space<vmem_shared>>
      tpu.enqueue_dma source(%dma_start3A_65 : memref<640x64xf32, #tpu.memory_space<vmem_shared>>) target(%dma_start3A_63 : memref<640x64xf32, #tpu.memory_space<hbm>>) target_semaphore(%run_scoped3A : memref<!tpu.dma_semaphore, #tpu.memory_space<semaphore_mem>>)
      %dma_wait3A = arith.constant 0 : i32
      %dma_wait3A_66 = arith.constant 0 : i32
      %dma_wait3A_67 = tpu.memref_slice %arg5[%arg0, %dma_wait3A, %dma_wait3A_66] : memref<2x10240x64xf32, #tpu.memory_space<hbm>> -> memref<1x10240x64xf32, #tpu.memory_space<hbm>>
      %dma_wait3A_68 = tpu.memref_squeeze %dma_wait3A_67 : memref<1x10240x64xf32, #tpu.memory_space<hbm>> -> memref<10240x64xf32, #tpu.memory_space<hbm>>
      %dma_wait3A_69 = arith.constant 0 : i32
      %dma_wait3A_70 = tpu.memref_slice %dma_wait3A_68[%mul3A_2, %dma_wait3A_69] : memref<10240x64xf32, #tpu.memory_space<hbm>> -> memref<640x64xf32, #tpu.memory_space<hbm>>
      %dma_wait3A_71 = arith.constant 0 : i32
      %dma_wait3A_72 = tpu.memref_slice %arg10[%mul3A_2, %dma_wait3A_71] : memref<10240x64xf32, #tpu.memory_space<vmem_shared>> -> memref<640x64xf32, #tpu.memory_space<vmem_shared>>
      tpu.wait_dma2 semaphore(%run_scoped3A : memref<!tpu.dma_semaphore, #tpu.memory_space<semaphore_mem>>) src(%dma_wait3A_72 : memref<640x64xf32, #tpu.memory_space<vmem_shared>>) dst(%dma_wait3A_70 : memref<640x64xf32, #tpu.memory_space<hbm>>)
      tpu.yield
    }) : () -> ()
    return
  }
}

#map = affine_map<(d0, d1) -> (0, 0)>
#map1 = affine_map<(d0, d1) -> (0, 0, 0)>
module attributes {stable_mosaic.version = 14 : i64} {
  func.func @agg(%arg0: i32, %arg1: i32, %arg2: memref<10000x64xf32, #tpu.memory_space<hbm>>, %arg3: memref<2560x125xi32, #tpu.memory_space<hbm>>, %arg4: memref<2560x125xi32, #tpu.memory_space<hbm>>, %arg5: memref<2x10240x64xf32, #tpu.memory_space<hbm>>, %arg6: memref<80x125xi32, #tpu.memory_space<vmem>>, %arg7: memref<80x125xi32, #tpu.memory_space<vmem>>, %arg8: memref<2x4x125x64xf32, #tpu.memory_space<vmem>>, %arg9: memref<64x64xf32, #tpu.memory_space<vmem>>, %arg10: memref<10240x64xf32, #tpu.memory_space<vmem_shared>>, %arg11: memref<!tpu.dma_semaphore, #tpu.memory_space<semaphore_mem>>, %arg12: memref<!tpu.dma_semaphore, #tpu.memory_space<semaphore_mem>>, %arg13: memref<!tpu.dma_semaphore, #tpu.memory_space<semaphore_mem>>, %arg14: memref<!tpu.dma_semaphore, #tpu.memory_space<semaphore_mem>>, %arg15: memref<!tpu.dma_semaphore, #tpu.memory_space<semaphore_mem>>) attributes {dimension_semantics = [#tpu.dimension_semantics<core_parallel>, #tpu.dimension_semantics<subcore_parallel>], iteration_bounds = array<i64: 2, 16>, scalar_prefetch = 0 : i64, scratch_operands = 10 : i64, tpu.core_type = #tpu.core_type<sc_vector_subcore>, window_params = [{transform_indices = #map}, {transform_indices = #map}, {transform_indices = #map}, {transform_indices = #map1}]} {
    %mul3A = arith.constant 16 : i32
    %mul3A_0 = arith.muli %arg0, %mul3A : i32
    %add3A = arith.addi %mul3A_0, %arg1 : i32
    %mul3A_1 = arith.constant 640 : i32
    %mul3A_2 = arith.muli %arg1, %mul3A_1 : i32
    %mul3A_3 = arith.constant 80 : i32
    %mul3A_4 = arith.muli %add3A, %mul3A_3 : i32
    "tpu.region"() ({
      %run_scoped3A = tpu.sem_alloc : memref<!tpu.dma_semaphore, #tpu.memory_space<semaphore_mem>>
      %dma_start3A = arith.constant 0 : i32
      %dma_start3A_59 = tpu.memref_slice %arg3[%mul3A_4, %dma_start3A] : memref<2560x125xi32, #tpu.memory_space<hbm>> -> memref<80x125xi32, #tpu.memory_space<hbm>>
      %dma_start3A_60 = arith.constant 0 : i32
      %dma_start3A_61 = tpu.memref_slice %arg3[%mul3A_4, %dma_start3A_60] : memref<2560x125xi32, #tpu.memory_space<hbm>> -> memref<80x125xi32, #tpu.memory_space<hbm>>
      tpu.enqueue_dma source(%dma_start3A_61 : memref<80x125xi32, #tpu.memory_space<hbm>>) target(%arg6 : memref<80x125xi32, #tpu.memory_space<vmem>>) target_semaphore(%run_scoped3A : memref<!tpu.dma_semaphore, #tpu.memory_space<semaphore_mem>>)
      %dma_wait3A = arith.constant 0 : i32
      %dma_wait3A_62 = tpu.memref_slice %arg3[%mul3A_4, %dma_wait3A] : memref<2560x125xi32, #tpu.memory_space<hbm>> -> memref<80x125xi32, #tpu.memory_space<hbm>>
      %dma_wait3A_63 = arith.constant 0 : i32
      %dma_wait3A_64 = tpu.memref_slice %arg3[%mul3A_4, %dma_wait3A_63] : memref<2560x125xi32, #tpu.memory_space<hbm>> -> memref<80x125xi32, #tpu.memory_space<hbm>>
      tpu.wait_dma2 semaphore(%run_scoped3A : memref<!tpu.dma_semaphore, #tpu.memory_space<semaphore_mem>>) src(%dma_wait3A_64 : memref<80x125xi32, #tpu.memory_space<hbm>>) dst(%arg6 : memref<80x125xi32, #tpu.memory_space<vmem>>)
      tpu.yield
    }) : () -> ()
    %mul3A_5 = arith.constant 80 : i32
    %mul3A_6 = arith.muli %add3A, %mul3A_5 : i32
    "tpu.region"() ({
      %run_scoped3A = tpu.sem_alloc : memref<!tpu.dma_semaphore, #tpu.memory_space<semaphore_mem>>
      %dma_start3A = arith.constant 0 : i32
      %dma_start3A_59 = tpu.memref_slice %arg4[%mul3A_6, %dma_start3A] : memref<2560x125xi32, #tpu.memory_space<hbm>> -> memref<80x125xi32, #tpu.memory_space<hbm>>
      %dma_start3A_60 = arith.constant 0 : i32
      %dma_start3A_61 = tpu.memref_slice %arg4[%mul3A_6, %dma_start3A_60] : memref<2560x125xi32, #tpu.memory_space<hbm>> -> memref<80x125xi32, #tpu.memory_space<hbm>>
      tpu.enqueue_dma source(%dma_start3A_61 : memref<80x125xi32, #tpu.memory_space<hbm>>) target(%arg7 : memref<80x125xi32, #tpu.memory_space<vmem>>) target_semaphore(%run_scoped3A : memref<!tpu.dma_semaphore, #tpu.memory_space<semaphore_mem>>)
      %dma_wait3A = arith.constant 0 : i32
      %dma_wait3A_62 = tpu.memref_slice %arg4[%mul3A_6, %dma_wait3A] : memref<2560x125xi32, #tpu.memory_space<hbm>> -> memref<80x125xi32, #tpu.memory_space<hbm>>
      %dma_wait3A_63 = arith.constant 0 : i32
      %dma_wait3A_64 = tpu.memref_slice %arg4[%mul3A_6, %dma_wait3A_63] : memref<2560x125xi32, #tpu.memory_space<hbm>> -> memref<80x125xi32, #tpu.memory_space<hbm>>
      tpu.wait_dma2 semaphore(%run_scoped3A : memref<!tpu.dma_semaphore, #tpu.memory_space<semaphore_mem>>) src(%dma_wait3A_64 : memref<80x125xi32, #tpu.memory_space<hbm>>) dst(%arg7 : memref<80x125xi32, #tpu.memory_space<vmem>>)
      tpu.yield
    }) : () -> ()
    %scan3A = arith.constant 0 : i32
    %scan3A_7 = arith.constant 0 : i32
    %scan3A_8 = arith.constant 64 : i32
    %scan3A_9 = arith.addi %scan3A_7, %scan3A_8 : i32
    %scan3A_10 = arith.constant 1 : i32
    scf.for %scan3A_59 = %scan3A_7 to %scan3A_9 step %scan3A_10  : i32 {
      %broadcast_in_dim3A = arith.constant 0.000000e+00 : f32
      %broadcast_in_dim3A_60 = vector.broadcast %broadcast_in_dim3A : f32 to vector<16xf32>
      %swap3A = arith.index_cast %scan3A_59 : i32 to index
      %swap3A_61 = arith.constant 0 : index
      %swap3A_62 = tpu.vector_load %arg9[%swap3A, %swap3A_61] {strides = array<i32>} : memref<64x64xf32, #tpu.memory_space<vmem>>, vector<1x16xf32>,
      %swap3A_63 = vector.shape_cast %swap3A_62 : vector<1x16xf32> to vector<16xf32>
      %swap3A_64 = vector.shape_cast %broadcast_in_dim3A_60 : vector<16xf32> to vector<1x16xf32>
      tpu.vector_store %arg9[%swap3A, %swap3A_61], %swap3A_64 {strides = array<i32>} : memref<64x64xf32, #tpu.memory_space<vmem>>, vector<1x16xf32>,
      %broadcast_in_dim3A_65 = arith.constant 0.000000e+00 : f32
      %broadcast_in_dim3A_66 = vector.broadcast %broadcast_in_dim3A_65 : f32 to vector<16xf32>
      %swap3A_67 = arith.index_cast %scan3A_59 : i32 to index
      %swap3A_68 = arith.constant 16 : index
      %swap3A_69 = tpu.vector_load %arg9[%swap3A_67, %swap3A_68] {strides = array<i32>} : memref<64x64xf32, #tpu.memory_space<vmem>>, vector<1x16xf32>,
      %swap3A_70 = vector.shape_cast %swap3A_69 : vector<1x16xf32> to vector<16xf32>
      %swap3A_71 = vector.shape_cast %broadcast_in_dim3A_66 : vector<16xf32> to vector<1x16xf32>
      tpu.vector_store %arg9[%swap3A_67, %swap3A_68], %swap3A_71 {strides = array<i32>} : memref<64x64xf32, #tpu.memory_space<vmem>>, vector<1x16xf32>,
      %broadcast_in_dim3A_72 = arith.constant 0.000000e+00 : f32
      %broadcast_in_dim3A_73 = vector.broadcast %broadcast_in_dim3A_72 : f32 to vector<16xf32>
      %swap3A_74 = arith.index_cast %scan3A_59 : i32 to index
      %swap3A_75 = arith.constant 32 : index
      %swap3A_76 = tpu.vector_load %arg9[%swap3A_74, %swap3A_75] {strides = array<i32>} : memref<64x64xf32, #tpu.memory_space<vmem>>, vector<1x16xf32>,
      %swap3A_77 = vector.shape_cast %swap3A_76 : vector<1x16xf32> to vector<16xf32>
      %swap3A_78 = vector.shape_cast %broadcast_in_dim3A_73 : vector<16xf32> to vector<1x16xf32>
      tpu.vector_store %arg9[%swap3A_74, %swap3A_75], %swap3A_78 {strides = array<i32>} : memref<64x64xf32, #tpu.memory_space<vmem>>, vector<1x16xf32>,
      %broadcast_in_dim3A_79 = arith.constant 0.000000e+00 : f32
      %broadcast_in_dim3A_80 = vector.broadcast %broadcast_in_dim3A_79 : f32 to vector<16xf32>
      %swap3A_81 = arith.index_cast %scan3A_59 : i32 to index
      %swap3A_82 = arith.constant 48 : index
      %swap3A_83 = tpu.vector_load %arg9[%swap3A_81, %swap3A_82] {strides = array<i32>} : memref<64x64xf32, #tpu.memory_space<vmem>>, vector<1x16xf32>,
      %swap3A_84 = vector.shape_cast %swap3A_83 : vector<1x16xf32> to vector<16xf32>
      %swap3A_85 = vector.shape_cast %broadcast_in_dim3A_80 : vector<16xf32> to vector<1x16xf32>
      tpu.vector_store %arg9[%swap3A_81, %swap3A_82], %swap3A_85 {strides = array<i32>} : memref<64x64xf32, #tpu.memory_space<vmem>>, vector<1x16xf32>,
    }
    %scan3A_11 = arith.constant 64 : i32
    %mul3A_12 = arith.constant 640 : i32
    %mul3A_13 = arith.muli %arg1, %mul3A_12 : i32
    %add3A_14 = arith.constant 0 : i32
    %add3A_15 = arith.addi %mul3A_13, %add3A_14 : i32
    "tpu.region"() ({
      %run_scoped3A = tpu.sem_alloc : memref<!tpu.dma_semaphore, #tpu.memory_space<semaphore_mem>>
      %dma_start3A = arith.constant 0 : i32
      %dma_start3A_59 = tpu.memref_slice %arg10[%add3A_15, %dma_start3A] : memref<10240x64xf32, #tpu.memory_space<vmem_shared>> -> memref<64x64xf32, #tpu.memory_space<vmem_shared>>
      %dma_start3A_60 = arith.constant 0 : i32
      %dma_start3A_61 = tpu.memref_slice %arg10[%add3A_15, %dma_start3A_60] : memref<10240x64xf32, #tpu.memory_space<vmem_shared>> -> memref<64x64xf32, #tpu.memory_space<vmem_shared>>
      tpu.enqueue_dma source(%arg9 : memref<64x64xf32, #tpu.memory_space<vmem>>) target(%dma_start3A_61 : memref<64x64xf32, #tpu.memory_space<vmem_shared>>) target_semaphore(%run_scoped3A : memref<!tpu.dma_semaphore, #tpu.memory_space<semaphore_mem>>)
      %dma_wait3A = arith.constant 0 : i32
      %dma_wait3A_62 = tpu.memref_slice %arg10[%add3A_15, %dma_wait3A] : memref<10240x64xf32, #tpu.memory_space<vmem_shared>> -> memref<64x64xf32, #tpu.memory_space<vmem_shared>>
      %dma_wait3A_63 = arith.constant 0 : i32
      %dma_wait3A_64 = tpu.memref_slice %arg10[%add3A_15, %dma_wait3A_63] : memref<10240x64xf32, #tpu.memory_space<vmem_shared>> -> memref<64x64xf32, #tpu.memory_space<vmem_shared>>
      tpu.wait_dma2 semaphore(%run_scoped3A : memref<!tpu.dma_semaphore, #tpu.memory_space<semaphore_mem>>) src(%arg9 : memref<64x64xf32, #tpu.memory_space<vmem>>) dst(%dma_wait3A_64 : memref<64x64xf32, #tpu.memory_space<vmem_shared>>)
      tpu.yield
    }) : () -> ()
    %mul3A_16 = arith.constant 640 : i32
    %mul3A_17 = arith.muli %arg1, %mul3A_16 : i32
    %add3A_18 = arith.constant 64 : i32
    %add3A_19 = arith.addi %mul3A_17, %add3A_18 : i32
    "tpu.region"() ({
      %run_scoped3A = tpu.sem_alloc : memref<!tpu.dma_semaphore, #tpu.memory_space<semaphore_mem>>
      %dma_start3A = arith.constant 0 : i32
      %dma_start3A_59 = tpu.memref_slice %arg10[%add3A_19, %dma_start3A] : memref<10240x64xf32, #tpu.memory_space<vmem_shared>> -> memref<64x64xf32, #tpu.memory_space<vmem_shared>>
      %dma_start3A_60 = arith.constant 0 : i32
      %dma_start3A_61 = tpu.memref_slice %arg10[%add3A_19, %dma_start3A_60] : memref<10240x64xf32, #tpu.memory_space<vmem_shared>> -> memref<64x64xf32, #tpu.memory_space<vmem_shared>>
      tpu.enqueue_dma source(%arg9 : memref<64x64xf32, #tpu.memory_space<vmem>>) target(%dma_start3A_61 : memref<64x64xf32, #tpu.memory_space<vmem_shared>>) target_semaphore(%run_scoped3A : memref<!tpu.dma_semaphore, #tpu.memory_space<semaphore_mem>>)
      %dma_wait3A = arith.constant 0 : i32
      %dma_wait3A_62 = tpu.memref_slice %arg10[%add3A_19, %dma_wait3A] : memref<10240x64xf32, #tpu.memory_space<vmem_shared>> -> memref<64x64xf32, #tpu.memory_space<vmem_shared>>
      %dma_wait3A_63 = arith.constant 0 : i32
      %dma_wait3A_64 = tpu.memref_slice %arg10[%add3A_19, %dma_wait3A_63] : memref<10240x64xf32, #tpu.memory_space<vmem_shared>> -> memref<64x64xf32, #tpu.memory_space<vmem_shared>>
      tpu.wait_dma2 semaphore(%run_scoped3A : memref<!tpu.dma_semaphore, #tpu.memory_space<semaphore_mem>>) src(%arg9 : memref<64x64xf32, #tpu.memory_space<vmem>>) dst(%dma_wait3A_64 : memref<64x64xf32, #tpu.memory_space<vmem_shared>>)
      tpu.yield
    }) : () -> ()
    %mul3A_20 = arith.constant 640 : i32
    %mul3A_21 = arith.muli %arg1, %mul3A_20 : i32
    %add3A_22 = arith.constant 128 : i32
    %add3A_23 = arith.addi %mul3A_21, %add3A_22 : i32
    "tpu.region"() ({
      %run_scoped3A = tpu.sem_alloc : memref<!tpu.dma_semaphore, #tpu.memory_space<semaphore_mem>>
      %dma_start3A = arith.constant 0 : i32
      %dma_start3A_59 = tpu.memref_slice %arg10[%add3A_23, %dma_start3A] : memref<10240x64xf32, #tpu.memory_space<vmem_shared>> -> memref<64x64xf32, #tpu.memory_space<vmem_shared>>
      %dma_start3A_60 = arith.constant 0 : i32
      %dma_start3A_61 = tpu.memref_slice %arg10[%add3A_23, %dma_start3A_60] : memref<10240x64xf32, #tpu.memory_space<vmem_shared>> -> memref<64x64xf32, #tpu.memory_space<vmem_shared>>
      tpu.enqueue_dma source(%arg9 : memref<64x64xf32, #tpu.memory_space<vmem>>) target(%dma_start3A_61 : memref<64x64xf32, #tpu.memory_space<vmem_shared>>) target_semaphore(%run_scoped3A : memref<!tpu.dma_semaphore, #tpu.memory_space<semaphore_mem>>)
      %dma_wait3A = arith.constant 0 : i32
      %dma_wait3A_62 = tpu.memref_slice %arg10[%add3A_23, %dma_wait3A] : memref<10240x64xf32, #tpu.memory_space<vmem_shared>> -> memref<64x64xf32, #tpu.memory_space<vmem_shared>>
      %dma_wait3A_63 = arith.constant 0 : i32
      %dma_wait3A_64 = tpu.memref_slice %arg10[%add3A_23, %dma_wait3A_63] : memref<10240x64xf32, #tpu.memory_space<vmem_shared>> -> memref<64x64xf32, #tpu.memory_space<vmem_shared>>
      tpu.wait_dma2 semaphore(%run_scoped3A : memref<!tpu.dma_semaphore, #tpu.memory_space<semaphore_mem>>) src(%arg9 : memref<64x64xf32, #tpu.memory_space<vmem>>) dst(%dma_wait3A_64 : memref<64x64xf32, #tpu.memory_space<vmem_shared>>)
      tpu.yield
    }) : () -> ()
    %mul3A_24 = arith.constant 640 : i32
    %mul3A_25 = arith.muli %arg1, %mul3A_24 : i32
    %add3A_26 = arith.constant 192 : i32
    %add3A_27 = arith.addi %mul3A_25, %add3A_26 : i32
    "tpu.region"() ({
      %run_scoped3A = tpu.sem_alloc : memref<!tpu.dma_semaphore, #tpu.memory_space<semaphore_mem>>
      %dma_start3A = arith.constant 0 : i32
      %dma_start3A_59 = tpu.memref_slice %arg10[%add3A_27, %dma_start3A] : memref<10240x64xf32, #tpu.memory_space<vmem_shared>> -> memref<64x64xf32, #tpu.memory_space<vmem_shared>>
      %dma_start3A_60 = arith.constant 0 : i32
      %dma_start3A_61 = tpu.memref_slice %arg10[%add3A_27, %dma_start3A_60] : memref<10240x64xf32, #tpu.memory_space<vmem_shared>> -> memref<64x64xf32, #tpu.memory_space<vmem_shared>>
      tpu.enqueue_dma source(%arg9 : memref<64x64xf32, #tpu.memory_space<vmem>>) target(%dma_start3A_61 : memref<64x64xf32, #tpu.memory_space<vmem_shared>>) target_semaphore(%run_scoped3A : memref<!tpu.dma_semaphore, #tpu.memory_space<semaphore_mem>>)
      %dma_wait3A = arith.constant 0 : i32
      %dma_wait3A_62 = tpu.memref_slice %arg10[%add3A_27, %dma_wait3A] : memref<10240x64xf32, #tpu.memory_space<vmem_shared>> -> memref<64x64xf32, #tpu.memory_space<vmem_shared>>
      %dma_wait3A_63 = arith.constant 0 : i32
      %dma_wait3A_64 = tpu.memref_slice %arg10[%add3A_27, %dma_wait3A_63] : memref<10240x64xf32, #tpu.memory_space<vmem_shared>> -> memref<64x64xf32, #tpu.memory_space<vmem_shared>>
      tpu.wait_dma2 semaphore(%run_scoped3A : memref<!tpu.dma_semaphore, #tpu.memory_space<semaphore_mem>>) src(%arg9 : memref<64x64xf32, #tpu.memory_space<vmem>>) dst(%dma_wait3A_64 : memref<64x64xf32, #tpu.memory_space<vmem_shared>>)
      tpu.yield
    }) : () -> ()
    %mul3A_28 = arith.constant 640 : i32
    %mul3A_29 = arith.muli %arg1, %mul3A_28 : i32
    %add3A_30 = arith.constant 256 : i32
    %add3A_31 = arith.addi %mul3A_29, %add3A_30 : i32
    "tpu.region"() ({
      %run_scoped3A = tpu.sem_alloc : memref<!tpu.dma_semaphore, #tpu.memory_space<semaphore_mem>>
      %dma_start3A = arith.constant 0 : i32
      %dma_start3A_59 = tpu.memref_slice %arg10[%add3A_31, %dma_start3A] : memref<10240x64xf32, #tpu.memory_space<vmem_shared>> -> memref<64x64xf32, #tpu.memory_space<vmem_shared>>
      %dma_start3A_60 = arith.constant 0 : i32
      %dma_start3A_61 = tpu.memref_slice %arg10[%add3A_31, %dma_start3A_60] : memref<10240x64xf32, #tpu.memory_space<vmem_shared>> -> memref<64x64xf32, #tpu.memory_space<vmem_shared>>
      tpu.enqueue_dma source(%arg9 : memref<64x64xf32, #tpu.memory_space<vmem>>) target(%dma_start3A_61 : memref<64x64xf32, #tpu.memory_space<vmem_shared>>) target_semaphore(%run_scoped3A : memref<!tpu.dma_semaphore, #tpu.memory_space<semaphore_mem>>)
      %dma_wait3A = arith.constant 0 : i32
      %dma_wait3A_62 = tpu.memref_slice %arg10[%add3A_31, %dma_wait3A] : memref<10240x64xf32, #tpu.memory_space<vmem_shared>> -> memref<64x64xf32, #tpu.memory_space<vmem_shared>>
      %dma_wait3A_63 = arith.constant 0 : i32
      %dma_wait3A_64 = tpu.memref_slice %arg10[%add3A_31, %dma_wait3A_63] : memref<10240x64xf32, #tpu.memory_space<vmem_shared>> -> memref<64x64xf32, #tpu.memory_space<vmem_shared>>
      tpu.wait_dma2 semaphore(%run_scoped3A : memref<!tpu.dma_semaphore, #tpu.memory_space<semaphore_mem>>) src(%arg9 : memref<64x64xf32, #tpu.memory_space<vmem>>) dst(%dma_wait3A_64 : memref<64x64xf32, #tpu.memory_space<vmem_shared>>)
      tpu.yield
    }) : () -> ()
    %mul3A_32 = arith.constant 640 : i32
    %mul3A_33 = arith.muli %arg1, %mul3A_32 : i32
    %add3A_34 = arith.constant 320 : i32
    %add3A_35 = arith.addi %mul3A_33, %add3A_34 : i32
    "tpu.region"() ({
      %run_scoped3A = tpu.sem_alloc : memref<!tpu.dma_semaphore, #tpu.memory_space<semaphore_mem>>
      %dma_start3A = arith.constant 0 : i32
      %dma_start3A_59 = tpu.memref_slice %arg10[%add3A_35, %dma_start3A] : memref<10240x64xf32, #tpu.memory_space<vmem_shared>> -> memref<64x64xf32, #tpu.memory_space<vmem_shared>>
      %dma_start3A_60 = arith.constant 0 : i32
      %dma_start3A_61 = tpu.memref_slice %arg10[%add3A_35, %dma_start3A_60] : memref<10240x64xf32, #tpu.memory_space<vmem_shared>> -> memref<64x64xf32, #tpu.memory_space<vmem_shared>>
      tpu.enqueue_dma source(%arg9 : memref<64x64xf32, #tpu.memory_space<vmem>>) target(%dma_start3A_61 : memref<64x64xf32, #tpu.memory_space<vmem_shared>>) target_semaphore(%run_scoped3A : memref<!tpu.dma_semaphore, #tpu.memory_space<semaphore_mem>>)
      %dma_wait3A = arith.constant 0 : i32
      %dma_wait3A_62 = tpu.memref_slice %arg10[%add3A_35, %dma_wait3A] : memref<10240x64xf32, #tpu.memory_space<vmem_shared>> -> memref<64x64xf32, #tpu.memory_space<vmem_shared>>
      %dma_wait3A_63 = arith.constant 0 : i32
      %dma_wait3A_64 = tpu.memref_slice %arg10[%add3A_35, %dma_wait3A_63] : memref<10240x64xf32, #tpu.memory_space<vmem_shared>> -> memref<64x64xf32, #tpu.memory_space<vmem_shared>>
      tpu.wait_dma2 semaphore(%run_scoped3A : memref<!tpu.dma_semaphore, #tpu.memory_space<semaphore_mem>>) src(%arg9 : memref<64x64xf32, #tpu.memory_space<vmem>>) dst(%dma_wait3A_64 : memref<64x64xf32, #tpu.memory_space<vmem_shared>>)
      tpu.yield
    }) : () -> ()
    %mul3A_36 = arith.constant 640 : i32
    %mul3A_37 = arith.muli %arg1, %mul3A_36 : i32
    %add3A_38 = arith.constant 384 : i32
    %add3A_39 = arith.addi %mul3A_37, %add3A_38 : i32
    "tpu.region"() ({
      %run_scoped3A = tpu.sem_alloc : memref<!tpu.dma_semaphore, #tpu.memory_space<semaphore_mem>>
      %dma_start3A = arith.constant 0 : i32
      %dma_start3A_59 = tpu.memref_slice %arg10[%add3A_39, %dma_start3A] : memref<10240x64xf32, #tpu.memory_space<vmem_shared>> -> memref<64x64xf32, #tpu.memory_space<vmem_shared>>
      %dma_start3A_60 = arith.constant 0 : i32
      %dma_start3A_61 = tpu.memref_slice %arg10[%add3A_39, %dma_start3A_60] : memref<10240x64xf32, #tpu.memory_space<vmem_shared>> -> memref<64x64xf32, #tpu.memory_space<vmem_shared>>
      tpu.enqueue_dma source(%arg9 : memref<64x64xf32, #tpu.memory_space<vmem>>) target(%dma_start3A_61 : memref<64x64xf32, #tpu.memory_space<vmem_shared>>) target_semaphore(%run_scoped3A : memref<!tpu.dma_semaphore, #tpu.memory_space<semaphore_mem>>)
      %dma_wait3A = arith.constant 0 : i32
      %dma_wait3A_62 = tpu.memref_slice %arg10[%add3A_39, %dma_wait3A] : memref<10240x64xf32, #tpu.memory_space<vmem_shared>> -> memref<64x64xf32, #tpu.memory_space<vmem_shared>>
      %dma_wait3A_63 = arith.constant 0 : i32
      %dma_wait3A_64 = tpu.memref_slice %arg10[%add3A_39, %dma_wait3A_63] : memref<10240x64xf32, #tpu.memory_space<vmem_shared>> -> memref<64x64xf32, #tpu.memory_space<vmem_shared>>
      tpu.wait_dma2 semaphore(%run_scoped3A : memref<!tpu.dma_semaphore, #tpu.memory_space<semaphore_mem>>) src(%arg9 : memref<64x64xf32, #tpu.memory_space<vmem>>) dst(%dma_wait3A_64 : memref<64x64xf32, #tpu.memory_space<vmem_shared>>)
      tpu.yield
    }) : () -> ()
    %mul3A_40 = arith.constant 640 : i32
    %mul3A_41 = arith.muli %arg1, %mul3A_40 : i32
    %add3A_42 = arith.constant 448 : i32
    %add3A_43 = arith.addi %mul3A_41, %add3A_42 : i32
    "tpu.region"() ({
      %run_scoped3A = tpu.sem_alloc : memref<!tpu.dma_semaphore, #tpu.memory_space<semaphore_mem>>
      %dma_start3A = arith.constant 0 : i32
      %dma_start3A_59 = tpu.memref_slice %arg10[%add3A_43, %dma_start3A] : memref<10240x64xf32, #tpu.memory_space<vmem_shared>> -> memref<64x64xf32, #tpu.memory_space<vmem_shared>>
      %dma_start3A_60 = arith.constant 0 : i32
      %dma_start3A_61 = tpu.memref_slice %arg10[%add3A_43, %dma_start3A_60] : memref<10240x64xf32, #tpu.memory_space<vmem_shared>> -> memref<64x64xf32, #tpu.memory_space<vmem_shared>>
      tpu.enqueue_dma source(%arg9 : memref<64x64xf32, #tpu.memory_space<vmem>>) target(%dma_start3A_61 : memref<64x64xf32, #tpu.memory_space<vmem_shared>>) target_semaphore(%run_scoped3A : memref<!tpu.dma_semaphore, #tpu.memory_space<semaphore_mem>>)
      %dma_wait3A = arith.constant 0 : i32
      %dma_wait3A_62 = tpu.memref_slice %arg10[%add3A_43, %dma_wait3A] : memref<10240x64xf32, #tpu.memory_space<vmem_shared>> -> memref<64x64xf32, #tpu.memory_space<vmem_shared>>
      %dma_wait3A_63 = arith.constant 0 : i32
      %dma_wait3A_64 = tpu.memref_slice %arg10[%add3A_43, %dma_wait3A_63] : memref<10240x64xf32, #tpu.memory_space<vmem_shared>> -> memref<64x64xf32, #tpu.memory_space<vmem_shared>>
      tpu.wait_dma2 semaphore(%run_scoped3A : memref<!tpu.dma_semaphore, #tpu.memory_space<semaphore_mem>>) src(%arg9 : memref<64x64xf32, #tpu.memory_space<vmem>>) dst(%dma_wait3A_64 : memref<64x64xf32, #tpu.memory_space<vmem_shared>>)
      tpu.yield
    }) : () -> ()
    %mul3A_44 = arith.constant 640 : i32
    %mul3A_45 = arith.muli %arg1, %mul3A_44 : i32
    %add3A_46 = arith.constant 512 : i32
    %add3A_47 = arith.addi %mul3A_45, %add3A_46 : i32
    "tpu.region"() ({
      %run_scoped3A = tpu.sem_alloc : memref<!tpu.dma_semaphore, #tpu.memory_space<semaphore_mem>>
      %dma_start3A = arith.constant 0 : i32
      %dma_start3A_59 = tpu.memref_slice %arg10[%add3A_47, %dma_start3A] : memref<10240x64xf32, #tpu.memory_space<vmem_shared>> -> memref<64x64xf32, #tpu.memory_space<vmem_shared>>
      %dma_start3A_60 = arith.constant 0 : i32
      %dma_start3A_61 = tpu.memref_slice %arg10[%add3A_47, %dma_start3A_60] : memref<10240x64xf32, #tpu.memory_space<vmem_shared>> -> memref<64x64xf32, #tpu.memory_space<vmem_shared>>
      tpu.enqueue_dma source(%arg9 : memref<64x64xf32, #tpu.memory_space<vmem>>) target(%dma_start3A_61 : memref<64x64xf32, #tpu.memory_space<vmem_shared>>) target_semaphore(%run_scoped3A : memref<!tpu.dma_semaphore, #tpu.memory_space<semaphore_mem>>)
      %dma_wait3A = arith.constant 0 : i32
      %dma_wait3A_62 = tpu.memref_slice %arg10[%add3A_47, %dma_wait3A] : memref<10240x64xf32, #tpu.memory_space<vmem_shared>> -> memref<64x64xf32, #tpu.memory_space<vmem_shared>>
      %dma_wait3A_63 = arith.constant 0 : i32
      %dma_wait3A_64 = tpu.memref_slice %arg10[%add3A_47, %dma_wait3A_63] : memref<10240x64xf32, #tpu.memory_space<vmem_shared>> -> memref<64x64xf32, #tpu.memory_space<vmem_shared>>
      tpu.wait_dma2 semaphore(%run_scoped3A : memref<!tpu.dma_semaphore, #tpu.memory_space<semaphore_mem>>) src(%arg9 : memref<64x64xf32, #tpu.memory_space<vmem>>) dst(%dma_wait3A_64 : memref<64x64xf32, #tpu.memory_space<vmem_shared>>)
      tpu.yield
    }) : () -> ()
    %mul3A_48 = arith.constant 640 : i32
    %mul3A_49 = arith.muli %arg1, %mul3A_48 : i32
    %add3A_50 = arith.constant 576 : i32
    %add3A_51 = arith.addi %mul3A_49, %add3A_50 : i32
    "tpu.region"() ({
      %run_scoped3A = tpu.sem_alloc : memref<!tpu.dma_semaphore, #tpu.memory_space<semaphore_mem>>
      %dma_start3A = arith.constant 0 : i32
      %dma_start3A_59 = tpu.memref_slice %arg10[%add3A_51, %dma_start3A] : memref<10240x64xf32, #tpu.memory_space<vmem_shared>> -> memref<64x64xf32, #tpu.memory_space<vmem_shared>>
      %dma_start3A_60 = arith.constant 0 : i32
      %dma_start3A_61 = tpu.memref_slice %arg10[%add3A_51, %dma_start3A_60] : memref<10240x64xf32, #tpu.memory_space<vmem_shared>> -> memref<64x64xf32, #tpu.memory_space<vmem_shared>>
      tpu.enqueue_dma source(%arg9 : memref<64x64xf32, #tpu.memory_space<vmem>>) target(%dma_start3A_61 : memref<64x64xf32, #tpu.memory_space<vmem_shared>>) target_semaphore(%run_scoped3A : memref<!tpu.dma_semaphore, #tpu.memory_space<semaphore_mem>>)
      %dma_wait3A = arith.constant 0 : i32
      %dma_wait3A_62 = tpu.memref_slice %arg10[%add3A_51, %dma_wait3A] : memref<10240x64xf32, #tpu.memory_space<vmem_shared>> -> memref<64x64xf32, #tpu.memory_space<vmem_shared>>
      %dma_wait3A_63 = arith.constant 0 : i32
      %dma_wait3A_64 = tpu.memref_slice %arg10[%add3A_51, %dma_wait3A_63] : memref<10240x64xf32, #tpu.memory_space<vmem_shared>> -> memref<64x64xf32, #tpu.memory_space<vmem_shared>>
      tpu.wait_dma2 semaphore(%run_scoped3A : memref<!tpu.dma_semaphore, #tpu.memory_space<semaphore_mem>>) src(%arg9 : memref<64x64xf32, #tpu.memory_space<vmem>>) dst(%dma_wait3A_64 : memref<64x64xf32, #tpu.memory_space<vmem_shared>>)
      tpu.yield
    }) : () -> ()
    %barrier3A = arith.constant 0 : index
    tpu.barrier barrier_id(%barrier3A)
    %scan3A_52 = arith.constant 0 : i32
    %scan3A_53 = arith.constant 0 : i32
    %scan3A_54 = arith.constant 10 : i32
    %scan3A_55 = arith.addi %scan3A_53, %scan3A_54 : i32
    %scan3A_56 = arith.constant 1 : i32
    scf.for %scan3A_59 = %scan3A_53 to %scan3A_55 step %scan3A_56  : i32 {
      %mul3A_60 = arith.constant 2 : i32
      %mul3A_61 = arith.muli %mul3A_60, %scan3A_59 : i32
      %mul3A_62 = arith.constant 2 : i32
      %mul3A_63 = arith.muli %mul3A_62, %scan3A_59 : i32
      %add3A_64 = arith.constant 1 : i32
      %add3A_65 = arith.addi %mul3A_63, %add3A_64 : i32
      %mul3A_66 = arith.constant 4 : i32
      %mul3A_67 = arith.muli %mul3A_61, %mul3A_66 : i32
      %add3A_68 = arith.constant 0 : i32
      %add3A_69 = arith.addi %mul3A_67, %add3A_68 : i32
      %dma_start3A = arith.constant 0 : i32
      %dma_start3A_70 = arith.constant 0 : i32
      %dma_start3A_71 = arith.constant 0 : i32
      %dma_start3A_72 = arith.constant 0 : i32
      %dma_start3A_73 = tpu.memref_slice %arg8[%dma_start3A, %dma_start3A_70, %dma_start3A_71, %dma_start3A_72] : memref<2x4x125x64xf32, #tpu.memory_space<vmem>> -> memref<1x1x125x64xf32, #tpu.memory_space<vmem>>
      %dma_start3A_74 = tpu.memref_squeeze %dma_start3A_73 : memref<1x1x125x64xf32, #tpu.memory_space<vmem>> -> memref<125x64xf32, #tpu.memory_space<vmem>>
      %dma_start3A_75 = arith.constant 0 : i32
      %dma_start3A_76 = tpu.memref_slice %arg6[%add3A_69, %dma_start3A_75] : memref<80x125xi32, #tpu.memory_space<vmem>> -> memref<1x125xi32, #tpu.memory_space<vmem>>
      %dma_start3A_77 = tpu.memref_squeeze %dma_start3A_76 : memref<1x125xi32, #tpu.memory_space<vmem>> -> memref<125xi32, #tpu.memory_space<vmem>>
      %dma_start3A_78 = arith.constant 0 : i32
      %dma_start3A_79 = arith.constant 0 : i32
      %dma_start3A_80 = tpu.memref_slice %arg2[%dma_start3A_78, %dma_start3A_79] : memref<10000x64xf32, #tpu.memory_space<hbm>> -> memref<10000x64xf32, #tpu.memory_space<hbm>>
      tpu.enqueue_indirect_dma source(%dma_start3A_80 : memref<10000x64xf32, #tpu.memory_space<hbm>>) target(%dma_start3A_74 : memref<125x64xf32, #tpu.memory_space<vmem>>) offsets(%dma_start3A_77 : memref<125xi32, #tpu.memory_space<vmem>>) semaphore(%arg11 : memref<!tpu.dma_semaphore, #tpu.memory_space<semaphore_mem>>)
      %mul3A_81 = arith.constant 4 : i32
      %mul3A_82 = arith.muli %mul3A_61, %mul3A_81 : i32
      %add3A_83 = arith.constant 1 : i32
      %add3A_84 = arith.addi %mul3A_82, %add3A_83 : i32
      %dma_start3A_85 = arith.constant 0 : i32
      %dma_start3A_86 = arith.constant 1 : i32
      %dma_start3A_87 = arith.constant 0 : i32
      %dma_start3A_88 = arith.constant 0 : i32
      %dma_start3A_89 = tpu.memref_slice %arg8[%dma_start3A_85, %dma_start3A_86, %dma_start3A_87, %dma_start3A_88] : memref<2x4x125x64xf32, #tpu.memory_space<vmem>> -> memref<1x1x125x64xf32, #tpu.memory_space<vmem>>
      %dma_start3A_90 = tpu.memref_squeeze %dma_start3A_89 : memref<1x1x125x64xf32, #tpu.memory_space<vmem>> -> memref<125x64xf32, #tpu.memory_space<vmem>>
      %dma_start3A_91 = arith.constant 0 : i32
      %dma_start3A_92 = tpu.memref_slice %arg6[%add3A_84, %dma_start3A_91] : memref<80x125xi32, #tpu.memory_space<vmem>> -> memref<1x125xi32, #tpu.memory_space<vmem>>
      %dma_start3A_93 = tpu.memref_squeeze %dma_start3A_92 : memref<1x125xi32, #tpu.memory_space<vmem>> -> memref<125xi32, #tpu.memory_space<vmem>>
      %dma_start3A_94 = arith.constant 0 : i32
      %dma_start3A_95 = arith.constant 0 : i32
      %dma_start3A_96 = tpu.memref_slice %arg2[%dma_start3A_94, %dma_start3A_95] : memref<10000x64xf32, #tpu.memory_space<hbm>> -> memref<10000x64xf32, #tpu.memory_space<hbm>>
      tpu.enqueue_indirect_dma source(%dma_start3A_96 : memref<10000x64xf32, #tpu.memory_space<hbm>>) target(%dma_start3A_90 : memref<125x64xf32, #tpu.memory_space<vmem>>) offsets(%dma_start3A_93 : memref<125xi32, #tpu.memory_space<vmem>>) semaphore(%arg11 : memref<!tpu.dma_semaphore, #tpu.memory_space<semaphore_mem>>)
      %mul3A_97 = arith.constant 4 : i32
      %mul3A_98 = arith.muli %mul3A_61, %mul3A_97 : i32
      %add3A_99 = arith.constant 2 : i32
      %add3A_100 = arith.addi %mul3A_98, %add3A_99 : i32
      %dma_start3A_101 = arith.constant 0 : i32
      %dma_start3A_102 = arith.constant 2 : i32
      %dma_start3A_103 = arith.constant 0 : i32
      %dma_start3A_104 = arith.constant 0 : i32
      %dma_start3A_105 = tpu.memref_slice %arg8[%dma_start3A_101, %dma_start3A_102, %dma_start3A_103, %dma_start3A_104] : memref<2x4x125x64xf32, #tpu.memory_space<vmem>> -> memref<1x1x125x64xf32, #tpu.memory_space<vmem>>
      %dma_start3A_106 = tpu.memref_squeeze %dma_start3A_105 : memref<1x1x125x64xf32, #tpu.memory_space<vmem>> -> memref<125x64xf32, #tpu.memory_space<vmem>>
      %dma_start3A_107 = arith.constant 0 : i32
      %dma_start3A_108 = tpu.memref_slice %arg6[%add3A_100, %dma_start3A_107] : memref<80x125xi32, #tpu.memory_space<vmem>> -> memref<1x125xi32, #tpu.memory_space<vmem>>
      %dma_start3A_109 = tpu.memref_squeeze %dma_start3A_108 : memref<1x125xi32, #tpu.memory_space<vmem>> -> memref<125xi32, #tpu.memory_space<vmem>>
      %dma_start3A_110 = arith.constant 0 : i32
      %dma_start3A_111 = arith.constant 0 : i32
      %dma_start3A_112 = tpu.memref_slice %arg2[%dma_start3A_110, %dma_start3A_111] : memref<10000x64xf32, #tpu.memory_space<hbm>> -> memref<10000x64xf32, #tpu.memory_space<hbm>>
      tpu.enqueue_indirect_dma source(%dma_start3A_112 : memref<10000x64xf32, #tpu.memory_space<hbm>>) target(%dma_start3A_106 : memref<125x64xf32, #tpu.memory_space<vmem>>) offsets(%dma_start3A_109 : memref<125xi32, #tpu.memory_space<vmem>>) semaphore(%arg11 : memref<!tpu.dma_semaphore, #tpu.memory_space<semaphore_mem>>)
      %mul3A_113 = arith.constant 4 : i32
      %mul3A_114 = arith.muli %mul3A_61, %mul3A_113 : i32
      %add3A_115 = arith.constant 3 : i32
      %add3A_116 = arith.addi %mul3A_114, %add3A_115 : i32
      %dma_start3A_117 = arith.constant 0 : i32
      %dma_start3A_118 = arith.constant 3 : i32
      %dma_start3A_119 = arith.constant 0 : i32
      %dma_start3A_120 = arith.constant 0 : i32
      %dma_start3A_121 = tpu.memref_slice %arg8[%dma_start3A_117, %dma_start3A_118, %dma_start3A_119, %dma_start3A_120] : memref<2x4x125x64xf32, #tpu.memory_space<vmem>> -> memref<1x1x125x64xf32, #tpu.memory_space<vmem>>
      %dma_start3A_122 = tpu.memref_squeeze %dma_start3A_121 : memref<1x1x125x64xf32, #tpu.memory_space<vmem>> -> memref<125x64xf32, #tpu.memory_space<vmem>>
      %dma_start3A_123 = arith.constant 0 : i32
      %dma_start3A_124 = tpu.memref_slice %arg6[%add3A_116, %dma_start3A_123] : memref<80x125xi32, #tpu.memory_space<vmem>> -> memref<1x125xi32, #tpu.memory_space<vmem>>
      %dma_start3A_125 = tpu.memref_squeeze %dma_start3A_124 : memref<1x125xi32, #tpu.memory_space<vmem>> -> memref<125xi32, #tpu.memory_space<vmem>>
      %dma_start3A_126 = arith.constant 0 : i32
      %dma_start3A_127 = arith.constant 0 : i32
      %dma_start3A_128 = tpu.memref_slice %arg2[%dma_start3A_126, %dma_start3A_127] : memref<10000x64xf32, #tpu.memory_space<hbm>> -> memref<10000x64xf32, #tpu.memory_space<hbm>>
      tpu.enqueue_indirect_dma source(%dma_start3A_128 : memref<10000x64xf32, #tpu.memory_space<hbm>>) target(%dma_start3A_122 : memref<125x64xf32, #tpu.memory_space<vmem>>) offsets(%dma_start3A_125 : memref<125xi32, #tpu.memory_space<vmem>>) semaphore(%arg11 : memref<!tpu.dma_semaphore, #tpu.memory_space<semaphore_mem>>)
      %dma_wait3A = arith.constant 0 : i32
      %dma_wait3A_129 = arith.constant 0 : i32
      %dma_wait3A_130 = arith.constant 0 : i32
      %dma_wait3A_131 = arith.constant 0 : i32
      %dma_wait3A_132 = tpu.memref_slice %arg8[%dma_wait3A, %dma_wait3A_129, %dma_wait3A_130, %dma_wait3A_131] : memref<2x4x125x64xf32, #tpu.memory_space<vmem>> -> memref<1x1x125x64xf32, #tpu.memory_space<vmem>>
      %dma_wait3A_133 = tpu.memref_squeeze %dma_wait3A_132 : memref<1x1x125x64xf32, #tpu.memory_space<vmem>> -> memref<125x64xf32, #tpu.memory_space<vmem>>
      %dma_wait3A_134 = arith.constant 0 : i32
      %dma_wait3A_135 = tpu.memref_slice %arg6[%add3A_69, %dma_wait3A_134] : memref<80x125xi32, #tpu.memory_space<vmem>> -> memref<1x125xi32, #tpu.memory_space<vmem>>
      %dma_wait3A_136 = tpu.memref_squeeze %dma_wait3A_135 : memref<1x125xi32, #tpu.memory_space<vmem>> -> memref<125xi32, #tpu.memory_space<vmem>>
      %dma_wait3A_137 = arith.constant 0 : i32
      %dma_wait3A_138 = arith.constant 0 : i32
      %dma_wait3A_139 = tpu.memref_slice %arg2[%dma_wait3A_137, %dma_wait3A_138] : memref<10000x64xf32, #tpu.memory_space<hbm>> -> memref<10000x64xf32, #tpu.memory_space<hbm>>
      tpu.wait_indirect_dma semaphore(%arg11 : memref<!tpu.dma_semaphore, #tpu.memory_space<semaphore_mem>>) src(%dma_wait3A_139 : memref<10000x64xf32, #tpu.memory_space<hbm>>) dst(%dma_wait3A_133 : memref<125x64xf32, #tpu.memory_space<vmem>>)
      %dma_wait3A_140 = arith.constant 0 : i32
      %dma_wait3A_141 = arith.constant 1 : i32
      %dma_wait3A_142 = arith.constant 0 : i32
      %dma_wait3A_143 = arith.constant 0 : i32
      %dma_wait3A_144 = tpu.memref_slice %arg8[%dma_wait3A_140, %dma_wait3A_141, %dma_wait3A_142, %dma_wait3A_143] : memref<2x4x125x64xf32, #tpu.memory_space<vmem>> -> memref<1x1x125x64xf32, #tpu.memory_space<vmem>>
      %dma_wait3A_145 = tpu.memref_squeeze %dma_wait3A_144 : memref<1x1x125x64xf32, #tpu.memory_space<vmem>> -> memref<125x64xf32, #tpu.memory_space<vmem>>
      %dma_wait3A_146 = arith.constant 0 : i32
      %dma_wait3A_147 = tpu.memref_slice %arg6[%add3A_84, %dma_wait3A_146] : memref<80x125xi32, #tpu.memory_space<vmem>> -> memref<1x125xi32, #tpu.memory_space<vmem>>
      %dma_wait3A_148 = tpu.memref_squeeze %dma_wait3A_147 : memref<1x125xi32, #tpu.memory_space<vmem>> -> memref<125xi32, #tpu.memory_space<vmem>>
      %dma_wait3A_149 = arith.constant 0 : i32
      %dma_wait3A_150 = arith.constant 0 : i32
      %dma_wait3A_151 = tpu.memref_slice %arg2[%dma_wait3A_149, %dma_wait3A_150] : memref<10000x64xf32, #tpu.memory_space<hbm>> -> memref<10000x64xf32, #tpu.memory_space<hbm>>
      tpu.wait_indirect_dma semaphore(%arg11 : memref<!tpu.dma_semaphore, #tpu.memory_space<semaphore_mem>>) src(%dma_wait3A_151 : memref<10000x64xf32, #tpu.memory_space<hbm>>) dst(%dma_wait3A_145 : memref<125x64xf32, #tpu.memory_space<vmem>>)
      %dma_wait3A_152 = arith.constant 0 : i32
      %dma_wait3A_153 = arith.constant 2 : i32
      %dma_wait3A_154 = arith.constant 0 : i32
      %dma_wait3A_155 = arith.constant 0 : i32
      %dma_wait3A_156 = tpu.memref_slice %arg8[%dma_wait3A_152, %dma_wait3A_153, %dma_wait3A_154, %dma_wait3A_155] : memref<2x4x125x64xf32, #tpu.memory_space<vmem>> -> memref<1x1x125x64xf32, #tpu.memory_space<vmem>>
      %dma_wait3A_157 = tpu.memref_squeeze %dma_wait3A_156 : memref<1x1x125x64xf32, #tpu.memory_space<vmem>> -> memref<125x64xf32, #tpu.memory_space<vmem>>
      %dma_wait3A_158 = arith.constant 0 : i32
      %dma_wait3A_159 = tpu.memref_slice %arg6[%add3A_100, %dma_wait3A_158] : memref<80x125xi32, #tpu.memory_space<vmem>> -> memref<1x125xi32, #tpu.memory_space<vmem>>
      %dma_wait3A_160 = tpu.memref_squeeze %dma_wait3A_159 : memref<1x125xi32, #tpu.memory_space<vmem>> -> memref<125xi32, #tpu.memory_space<vmem>>
      %dma_wait3A_161 = arith.constant 0 : i32
      %dma_wait3A_162 = arith.constant 0 : i32
      %dma_wait3A_163 = tpu.memref_slice %arg2[%dma_wait3A_161, %dma_wait3A_162] : memref<10000x64xf32, #tpu.memory_space<hbm>> -> memref<10000x64xf32, #tpu.memory_space<hbm>>
      tpu.wait_indirect_dma semaphore(%arg11 : memref<!tpu.dma_semaphore, #tpu.memory_space<semaphore_mem>>) src(%dma_wait3A_163 : memref<10000x64xf32, #tpu.memory_space<hbm>>) dst(%dma_wait3A_157 : memref<125x64xf32, #tpu.memory_space<vmem>>)
      %dma_wait3A_164 = arith.constant 0 : i32
      %dma_wait3A_165 = arith.constant 3 : i32
      %dma_wait3A_166 = arith.constant 0 : i32
      %dma_wait3A_167 = arith.constant 0 : i32
      %dma_wait3A_168 = tpu.memref_slice %arg8[%dma_wait3A_164, %dma_wait3A_165, %dma_wait3A_166, %dma_wait3A_167] : memref<2x4x125x64xf32, #tpu.memory_space<vmem>> -> memref<1x1x125x64xf32, #tpu.memory_space<vmem>>
      %dma_wait3A_169 = tpu.memref_squeeze %dma_wait3A_168 : memref<1x1x125x64xf32, #tpu.memory_space<vmem>> -> memref<125x64xf32, #tpu.memory_space<vmem>>
      %dma_wait3A_170 = arith.constant 0 : i32
      %dma_wait3A_171 = tpu.memref_slice %arg6[%add3A_116, %dma_wait3A_170] : memref<80x125xi32, #tpu.memory_space<vmem>> -> memref<1x125xi32, #tpu.memory_space<vmem>>
      %dma_wait3A_172 = tpu.memref_squeeze %dma_wait3A_171 : memref<1x125xi32, #tpu.memory_space<vmem>> -> memref<125xi32, #tpu.memory_space<vmem>>
      %dma_wait3A_173 = arith.constant 0 : i32
      %dma_wait3A_174 = arith.constant 0 : i32
      %dma_wait3A_175 = tpu.memref_slice %arg2[%dma_wait3A_173, %dma_wait3A_174] : memref<10000x64xf32, #tpu.memory_space<hbm>> -> memref<10000x64xf32, #tpu.memory_space<hbm>>
      tpu.wait_indirect_dma semaphore(%arg11 : memref<!tpu.dma_semaphore, #tpu.memory_space<semaphore_mem>>) src(%dma_wait3A_175 : memref<10000x64xf32, #tpu.memory_space<hbm>>) dst(%dma_wait3A_169 : memref<125x64xf32, #tpu.memory_space<vmem>>)
      %mul3A_176 = arith.constant 4 : i32
      %mul3A_177 = arith.muli %mul3A_61, %mul3A_176 : i32
      %add3A_178 = arith.constant 0 : i32
      %add3A_179 = arith.addi %mul3A_177, %add3A_178 : i32
      %dma_start3A_180 = arith.constant 0 : i32
      %dma_start3A_181 = arith.constant 0 : i32
      %dma_start3A_182 = arith.constant 0 : i32
      %dma_start3A_183 = arith.constant 0 : i32
      %dma_start3A_184 = tpu.memref_slice %arg8[%dma_start3A_180, %dma_start3A_181, %dma_start3A_182, %dma_start3A_183] : memref<2x4x125x64xf32, #tpu.memory_space<vmem>> -> memref<1x1x125x64xf32, #tpu.memory_space<vmem>>
      %dma_start3A_185 = tpu.memref_squeeze %dma_start3A_184 : memref<1x1x125x64xf32, #tpu.memory_space<vmem>> -> memref<125x64xf32, #tpu.memory_space<vmem>>
      %dma_start3A_186 = arith.constant 0 : i32
      %dma_start3A_187 = tpu.memref_slice %arg7[%add3A_179, %dma_start3A_186] : memref<80x125xi32, #tpu.memory_space<vmem>> -> memref<1x125xi32, #tpu.memory_space<vmem>>
      %dma_start3A_188 = tpu.memref_squeeze %dma_start3A_187 : memref<1x125xi32, #tpu.memory_space<vmem>> -> memref<125xi32, #tpu.memory_space<vmem>>
      %dma_start3A_189 = arith.constant 0 : i32
      %dma_start3A_190 = arith.constant 0 : i32
      %dma_start3A_191 = tpu.memref_slice %arg10[%dma_start3A_189, %dma_start3A_190] : memref<10240x64xf32, #tpu.memory_space<vmem_shared>> -> memref<10240x64xf32, #tpu.memory_space<vmem_shared>>
      tpu.enqueue_indirect_dma source(%dma_start3A_185 : memref<125x64xf32, #tpu.memory_space<vmem>>) target(%dma_start3A_191 : memref<10240x64xf32, #tpu.memory_space<vmem_shared>>) offsets(%dma_start3A_188 : memref<125xi32, #tpu.memory_space<vmem>>) semaphore(%arg13 : memref<!tpu.dma_semaphore, #tpu.memory_space<semaphore_mem>>) {add = true}
      %mul3A_192 = arith.constant 4 : i32
      %mul3A_193 = arith.muli %mul3A_61, %mul3A_192 : i32
      %add3A_194 = arith.constant 1 : i32
      %add3A_195 = arith.addi %mul3A_193, %add3A_194 : i32
      %dma_start3A_196 = arith.constant 0 : i32
      %dma_start3A_197 = arith.constant 1 : i32
      %dma_start3A_198 = arith.constant 0 : i32
      %dma_start3A_199 = arith.constant 0 : i32
      %dma_start3A_200 = tpu.memref_slice %arg8[%dma_start3A_196, %dma_start3A_197, %dma_start3A_198, %dma_start3A_199] : memref<2x4x125x64xf32, #tpu.memory_space<vmem>> -> memref<1x1x125x64xf32, #tpu.memory_space<vmem>>
      %dma_start3A_201 = tpu.memref_squeeze %dma_start3A_200 : memref<1x1x125x64xf32, #tpu.memory_space<vmem>> -> memref<125x64xf32, #tpu.memory_space<vmem>>
      %dma_start3A_202 = arith.constant 0 : i32
      %dma_start3A_203 = tpu.memref_slice %arg7[%add3A_195, %dma_start3A_202] : memref<80x125xi32, #tpu.memory_space<vmem>> -> memref<1x125xi32, #tpu.memory_space<vmem>>
      %dma_start3A_204 = tpu.memref_squeeze %dma_start3A_203 : memref<1x125xi32, #tpu.memory_space<vmem>> -> memref<125xi32, #tpu.memory_space<vmem>>
      %dma_start3A_205 = arith.constant 0 : i32
      %dma_start3A_206 = arith.constant 0 : i32
      %dma_start3A_207 = tpu.memref_slice %arg10[%dma_start3A_205, %dma_start3A_206] : memref<10240x64xf32, #tpu.memory_space<vmem_shared>> -> memref<10240x64xf32, #tpu.memory_space<vmem_shared>>
      tpu.enqueue_indirect_dma source(%dma_start3A_201 : memref<125x64xf32, #tpu.memory_space<vmem>>) target(%dma_start3A_207 : memref<10240x64xf32, #tpu.memory_space<vmem_shared>>) offsets(%dma_start3A_204 : memref<125xi32, #tpu.memory_space<vmem>>) semaphore(%arg13 : memref<!tpu.dma_semaphore, #tpu.memory_space<semaphore_mem>>) {add = true}
      %mul3A_208 = arith.constant 4 : i32
      %mul3A_209 = arith.muli %mul3A_61, %mul3A_208 : i32
      %add3A_210 = arith.constant 2 : i32
      %add3A_211 = arith.addi %mul3A_209, %add3A_210 : i32
      %dma_start3A_212 = arith.constant 0 : i32
      %dma_start3A_213 = arith.constant 2 : i32
      %dma_start3A_214 = arith.constant 0 : i32
      %dma_start3A_215 = arith.constant 0 : i32
      %dma_start3A_216 = tpu.memref_slice %arg8[%dma_start3A_212, %dma_start3A_213, %dma_start3A_214, %dma_start3A_215] : memref<2x4x125x64xf32, #tpu.memory_space<vmem>> -> memref<1x1x125x64xf32, #tpu.memory_space<vmem>>
      %dma_start3A_217 = tpu.memref_squeeze %dma_start3A_216 : memref<1x1x125x64xf32, #tpu.memory_space<vmem>> -> memref<125x64xf32, #tpu.memory_space<vmem>>
      %dma_start3A_218 = arith.constant 0 : i32
      %dma_start3A_219 = tpu.memref_slice %arg7[%add3A_211, %dma_start3A_218] : memref<80x125xi32, #tpu.memory_space<vmem>> -> memref<1x125xi32, #tpu.memory_space<vmem>>
      %dma_start3A_220 = tpu.memref_squeeze %dma_start3A_219 : memref<1x125xi32, #tpu.memory_space<vmem>> -> memref<125xi32, #tpu.memory_space<vmem>>
      %dma_start3A_221 = arith.constant 0 : i32
      %dma_start3A_222 = arith.constant 0 : i32
      %dma_start3A_223 = tpu.memref_slice %arg10[%dma_start3A_221, %dma_start3A_222] : memref<10240x64xf32, #tpu.memory_space<vmem_shared>> -> memref<10240x64xf32, #tpu.memory_space<vmem_shared>>
      tpu.enqueue_indirect_dma source(%dma_start3A_217 : memref<125x64xf32, #tpu.memory_space<vmem>>) target(%dma_start3A_223 : memref<10240x64xf32, #tpu.memory_space<vmem_shared>>) offsets(%dma_start3A_220 : memref<125xi32, #tpu.memory_space<vmem>>) semaphore(%arg13 : memref<!tpu.dma_semaphore, #tpu.memory_space<semaphore_mem>>) {add = true}
      %mul3A_224 = arith.constant 4 : i32
      %mul3A_225 = arith.muli %mul3A_61, %mul3A_224 : i32
      %add3A_226 = arith.constant 3 : i32
      %add3A_227 = arith.addi %mul3A_225, %add3A_226 : i32
      %dma_start3A_228 = arith.constant 0 : i32
      %dma_start3A_229 = arith.constant 3 : i32
      %dma_start3A_230 = arith.constant 0 : i32
      %dma_start3A_231 = arith.constant 0 : i32
      %dma_start3A_232 = tpu.memref_slice %arg8[%dma_start3A_228, %dma_start3A_229, %dma_start3A_230, %dma_start3A_231] : memref<2x4x125x64xf32, #tpu.memory_space<vmem>> -> memref<1x1x125x64xf32, #tpu.memory_space<vmem>>
      %dma_start3A_233 = tpu.memref_squeeze %dma_start3A_232 : memref<1x1x125x64xf32, #tpu.memory_space<vmem>> -> memref<125x64xf32, #tpu.memory_space<vmem>>
      %dma_start3A_234 = arith.constant 0 : i32
      %dma_start3A_235 = tpu.memref_slice %arg7[%add3A_227, %dma_start3A_234] : memref<80x125xi32, #tpu.memory_space<vmem>> -> memref<1x125xi32, #tpu.memory_space<vmem>>
      %dma_start3A_236 = tpu.memref_squeeze %dma_start3A_235 : memref<1x125xi32, #tpu.memory_space<vmem>> -> memref<125xi32, #tpu.memory_space<vmem>>
      %dma_start3A_237 = arith.constant 0 : i32
      %dma_start3A_238 = arith.constant 0 : i32
      %dma_start3A_239 = tpu.memref_slice %arg10[%dma_start3A_237, %dma_start3A_238] : memref<10240x64xf32, #tpu.memory_space<vmem_shared>> -> memref<10240x64xf32, #tpu.memory_space<vmem_shared>>
      tpu.enqueue_indirect_dma source(%dma_start3A_233 : memref<125x64xf32, #tpu.memory_space<vmem>>) target(%dma_start3A_239 : memref<10240x64xf32, #tpu.memory_space<vmem_shared>>) offsets(%dma_start3A_236 : memref<125xi32, #tpu.memory_space<vmem>>) semaphore(%arg13 : memref<!tpu.dma_semaphore, #tpu.memory_space<semaphore_mem>>) {add = true}
      %mul3A_240 = arith.constant 4 : i32
      %mul3A_241 = arith.muli %add3A_65, %mul3A_240 : i32
      %add3A_242 = arith.constant 0 : i32
      %add3A_243 = arith.addi %mul3A_241, %add3A_242 : i32
      %dma_start3A_244 = arith.constant 1 : i32
      %dma_start3A_245 = arith.constant 0 : i32
      %dma_start3A_246 = arith.constant 0 : i32
      %dma_start3A_247 = arith.constant 0 : i32
      %dma_start3A_248 = tpu.memref_slice %arg8[%dma_start3A_244, %dma_start3A_245, %dma_start3A_246, %dma_start3A_247] : memref<2x4x125x64xf32, #tpu.memory_space<vmem>> -> memref<1x1x125x64xf32, #tpu.memory_space<vmem>>
      %dma_start3A_249 = tpu.memref_squeeze %dma_start3A_248 : memref<1x1x125x64xf32, #tpu.memory_space<vmem>> -> memref<125x64xf32, #tpu.memory_space<vmem>>
      %dma_start3A_250 = arith.constant 0 : i32
      %dma_start3A_251 = tpu.memref_slice %arg6[%add3A_243, %dma_start3A_250] : memref<80x125xi32, #tpu.memory_space<vmem>> -> memref<1x125xi32, #tpu.memory_space<vmem>>
      %dma_start3A_252 = tpu.memref_squeeze %dma_start3A_251 : memref<1x125xi32, #tpu.memory_space<vmem>> -> memref<125xi32, #tpu.memory_space<vmem>>
      %dma_start3A_253 = arith.constant 0 : i32
      %dma_start3A_254 = arith.constant 0 : i32
      %dma_start3A_255 = tpu.memref_slice %arg2[%dma_start3A_253, %dma_start3A_254] : memref<10000x64xf32, #tpu.memory_space<hbm>> -> memref<10000x64xf32, #tpu.memory_space<hbm>>
      tpu.enqueue_indirect_dma source(%dma_start3A_255 : memref<10000x64xf32, #tpu.memory_space<hbm>>) target(%dma_start3A_249 : memref<125x64xf32, #tpu.memory_space<vmem>>) offsets(%dma_start3A_252 : memref<125xi32, #tpu.memory_space<vmem>>) semaphore(%arg12 : memref<!tpu.dma_semaphore, #tpu.memory_space<semaphore_mem>>)
      %mul3A_256 = arith.constant 4 : i32
      %mul3A_257 = arith.muli %add3A_65, %mul3A_256 : i32
      %add3A_258 = arith.constant 1 : i32
      %add3A_259 = arith.addi %mul3A_257, %add3A_258 : i32
      %dma_start3A_260 = arith.constant 1 : i32
      %dma_start3A_261 = arith.constant 1 : i32
      %dma_start3A_262 = arith.constant 0 : i32
      %dma_start3A_263 = arith.constant 0 : i32
      %dma_start3A_264 = tpu.memref_slice %arg8[%dma_start3A_260, %dma_start3A_261, %dma_start3A_262, %dma_start3A_263] : memref<2x4x125x64xf32, #tpu.memory_space<vmem>> -> memref<1x1x125x64xf32, #tpu.memory_space<vmem>>
      %dma_start3A_265 = tpu.memref_squeeze %dma_start3A_264 : memref<1x1x125x64xf32, #tpu.memory_space<vmem>> -> memref<125x64xf32, #tpu.memory_space<vmem>>
      %dma_start3A_266 = arith.constant 0 : i32
      %dma_start3A_267 = tpu.memref_slice %arg6[%add3A_259, %dma_start3A_266] : memref<80x125xi32, #tpu.memory_space<vmem>> -> memref<1x125xi32, #tpu.memory_space<vmem>>
      %dma_start3A_268 = tpu.memref_squeeze %dma_start3A_267 : memref<1x125xi32, #tpu.memory_space<vmem>> -> memref<125xi32, #tpu.memory_space<vmem>>
      %dma_start3A_269 = arith.constant 0 : i32
      %dma_start3A_270 = arith.constant 0 : i32
      %dma_start3A_271 = tpu.memref_slice %arg2[%dma_start3A_269, %dma_start3A_270] : memref<10000x64xf32, #tpu.memory_space<hbm>> -> memref<10000x64xf32, #tpu.memory_space<hbm>>
      tpu.enqueue_indirect_dma source(%dma_start3A_271 : memref<10000x64xf32, #tpu.memory_space<hbm>>) target(%dma_start3A_265 : memref<125x64xf32, #tpu.memory_space<vmem>>) offsets(%dma_start3A_268 : memref<125xi32, #tpu.memory_space<vmem>>) semaphore(%arg12 : memref<!tpu.dma_semaphore, #tpu.memory_space<semaphore_mem>>)
      %mul3A_272 = arith.constant 4 : i32
      %mul3A_273 = arith.muli %add3A_65, %mul3A_272 : i32
      %add3A_274 = arith.constant 2 : i32
      %add3A_275 = arith.addi %mul3A_273, %add3A_274 : i32
      %dma_start3A_276 = arith.constant 1 : i32
      %dma_start3A_277 = arith.constant 2 : i32
      %dma_start3A_278 = arith.constant 0 : i32
      %dma_start3A_279 = arith.constant 0 : i32
      %dma_start3A_280 = tpu.memref_slice %arg8[%dma_start3A_276, %dma_start3A_277, %dma_start3A_278, %dma_start3A_279] : memref<2x4x125x64xf32, #tpu.memory_space<vmem>> -> memref<1x1x125x64xf32, #tpu.memory_space<vmem>>
      %dma_start3A_281 = tpu.memref_squeeze %dma_start3A_280 : memref<1x1x125x64xf32, #tpu.memory_space<vmem>> -> memref<125x64xf32, #tpu.memory_space<vmem>>
      %dma_start3A_282 = arith.constant 0 : i32
      %dma_start3A_283 = tpu.memref_slice %arg6[%add3A_275, %dma_start3A_282] : memref<80x125xi32, #tpu.memory_space<vmem>> -> memref<1x125xi32, #tpu.memory_space<vmem>>
      %dma_start3A_284 = tpu.memref_squeeze %dma_start3A_283 : memref<1x125xi32, #tpu.memory_space<vmem>> -> memref<125xi32, #tpu.memory_space<vmem>>
      %dma_start3A_285 = arith.constant 0 : i32
      %dma_start3A_286 = arith.constant 0 : i32
      %dma_start3A_287 = tpu.memref_slice %arg2[%dma_start3A_285, %dma_start3A_286] : memref<10000x64xf32, #tpu.memory_space<hbm>> -> memref<10000x64xf32, #tpu.memory_space<hbm>>
      tpu.enqueue_indirect_dma source(%dma_start3A_287 : memref<10000x64xf32, #tpu.memory_space<hbm>>) target(%dma_start3A_281 : memref<125x64xf32, #tpu.memory_space<vmem>>) offsets(%dma_start3A_284 : memref<125xi32, #tpu.memory_space<vmem>>) semaphore(%arg12 : memref<!tpu.dma_semaphore, #tpu.memory_space<semaphore_mem>>)
      %mul3A_288 = arith.constant 4 : i32
      %mul3A_289 = arith.muli %add3A_65, %mul3A_288 : i32
      %add3A_290 = arith.constant 3 : i32
      %add3A_291 = arith.addi %mul3A_289, %add3A_290 : i32
      %dma_start3A_292 = arith.constant 1 : i32
      %dma_start3A_293 = arith.constant 3 : i32
      %dma_start3A_294 = arith.constant 0 : i32
      %dma_start3A_295 = arith.constant 0 : i32
      %dma_start3A_296 = tpu.memref_slice %arg8[%dma_start3A_292, %dma_start3A_293, %dma_start3A_294, %dma_start3A_295] : memref<2x4x125x64xf32, #tpu.memory_space<vmem>> -> memref<1x1x125x64xf32, #tpu.memory_space<vmem>>
      %dma_start3A_297 = tpu.memref_squeeze %dma_start3A_296 : memref<1x1x125x64xf32, #tpu.memory_space<vmem>> -> memref<125x64xf32, #tpu.memory_space<vmem>>
      %dma_start3A_298 = arith.constant 0 : i32
      %dma_start3A_299 = tpu.memref_slice %arg6[%add3A_291, %dma_start3A_298] : memref<80x125xi32, #tpu.memory_space<vmem>> -> memref<1x125xi32, #tpu.memory_space<vmem>>
      %dma_start3A_300 = tpu.memref_squeeze %dma_start3A_299 : memref<1x125xi32, #tpu.memory_space<vmem>> -> memref<125xi32, #tpu.memory_space<vmem>>
      %dma_start3A_301 = arith.constant 0 : i32
      %dma_start3A_302 = arith.constant 0 : i32
      %dma_start3A_303 = tpu.memref_slice %arg2[%dma_start3A_301, %dma_start3A_302] : memref<10000x64xf32, #tpu.memory_space<hbm>> -> memref<10000x64xf32, #tpu.memory_space<hbm>>
      tpu.enqueue_indirect_dma source(%dma_start3A_303 : memref<10000x64xf32, #tpu.memory_space<hbm>>) target(%dma_start3A_297 : memref<125x64xf32, #tpu.memory_space<vmem>>) offsets(%dma_start3A_300 : memref<125xi32, #tpu.memory_space<vmem>>) semaphore(%arg12 : memref<!tpu.dma_semaphore, #tpu.memory_space<semaphore_mem>>)
      %dma_wait3A_304 = arith.constant 1 : i32
      %dma_wait3A_305 = arith.constant 0 : i32
      %dma_wait3A_306 = arith.constant 0 : i32
      %dma_wait3A_307 = arith.constant 0 : i32
      %dma_wait3A_308 = tpu.memref_slice %arg8[%dma_wait3A_304, %dma_wait3A_305, %dma_wait3A_306, %dma_wait3A_307] : memref<2x4x125x64xf32, #tpu.memory_space<vmem>> -> memref<1x1x125x64xf32, #tpu.memory_space<vmem>>
      %dma_wait3A_309 = tpu.memref_squeeze %dma_wait3A_308 : memref<1x1x125x64xf32, #tpu.memory_space<vmem>> -> memref<125x64xf32, #tpu.memory_space<vmem>>
      %dma_wait3A_310 = arith.constant 0 : i32
      %dma_wait3A_311 = tpu.memref_slice %arg6[%add3A_243, %dma_wait3A_310] : memref<80x125xi32, #tpu.memory_space<vmem>> -> memref<1x125xi32, #tpu.memory_space<vmem>>
      %dma_wait3A_312 = tpu.memref_squeeze %dma_wait3A_311 : memref<1x125xi32, #tpu.memory_space<vmem>> -> memref<125xi32, #tpu.memory_space<vmem>>
      %dma_wait3A_313 = arith.constant 0 : i32
      %dma_wait3A_314 = arith.constant 0 : i32
      %dma_wait3A_315 = tpu.memref_slice %arg2[%dma_wait3A_313, %dma_wait3A_314] : memref<10000x64xf32, #tpu.memory_space<hbm>> -> memref<10000x64xf32, #tpu.memory_space<hbm>>
      tpu.wait_indirect_dma semaphore(%arg12 : memref<!tpu.dma_semaphore, #tpu.memory_space<semaphore_mem>>) src(%dma_wait3A_315 : memref<10000x64xf32, #tpu.memory_space<hbm>>) dst(%dma_wait3A_309 : memref<125x64xf32, #tpu.memory_space<vmem>>)
      %dma_wait3A_316 = arith.constant 1 : i32
      %dma_wait3A_317 = arith.constant 1 : i32
      %dma_wait3A_318 = arith.constant 0 : i32
      %dma_wait3A_319 = arith.constant 0 : i32
      %dma_wait3A_320 = tpu.memref_slice %arg8[%dma_wait3A_316, %dma_wait3A_317, %dma_wait3A_318, %dma_wait3A_319] : memref<2x4x125x64xf32, #tpu.memory_space<vmem>> -> memref<1x1x125x64xf32, #tpu.memory_space<vmem>>
      %dma_wait3A_321 = tpu.memref_squeeze %dma_wait3A_320 : memref<1x1x125x64xf32, #tpu.memory_space<vmem>> -> memref<125x64xf32, #tpu.memory_space<vmem>>
      %dma_wait3A_322 = arith.constant 0 : i32
      %dma_wait3A_323 = tpu.memref_slice %arg6[%add3A_259, %dma_wait3A_322] : memref<80x125xi32, #tpu.memory_space<vmem>> -> memref<1x125xi32, #tpu.memory_space<vmem>>
      %dma_wait3A_324 = tpu.memref_squeeze %dma_wait3A_323 : memref<1x125xi32, #tpu.memory_space<vmem>> -> memref<125xi32, #tpu.memory_space<vmem>>
      %dma_wait3A_325 = arith.constant 0 : i32
      %dma_wait3A_326 = arith.constant 0 : i32
      %dma_wait3A_327 = tpu.memref_slice %arg2[%dma_wait3A_325, %dma_wait3A_326] : memref<10000x64xf32, #tpu.memory_space<hbm>> -> memref<10000x64xf32, #tpu.memory_space<hbm>>
      tpu.wait_indirect_dma semaphore(%arg12 : memref<!tpu.dma_semaphore, #tpu.memory_space<semaphore_mem>>) src(%dma_wait3A_327 : memref<10000x64xf32, #tpu.memory_space<hbm>>) dst(%dma_wait3A_321 : memref<125x64xf32, #tpu.memory_space<vmem>>)
      %dma_wait3A_328 = arith.constant 1 : i32
      %dma_wait3A_329 = arith.constant 2 : i32
      %dma_wait3A_330 = arith.constant 0 : i32
      %dma_wait3A_331 = arith.constant 0 : i32
      %dma_wait3A_332 = tpu.memref_slice %arg8[%dma_wait3A_328, %dma_wait3A_329, %dma_wait3A_330, %dma_wait3A_331] : memref<2x4x125x64xf32, #tpu.memory_space<vmem>> -> memref<1x1x125x64xf32, #tpu.memory_space<vmem>>
      %dma_wait3A_333 = tpu.memref_squeeze %dma_wait3A_332 : memref<1x1x125x64xf32, #tpu.memory_space<vmem>> -> memref<125x64xf32, #tpu.memory_space<vmem>>
      %dma_wait3A_334 = arith.constant 0 : i32
      %dma_wait3A_335 = tpu.memref_slice %arg6[%add3A_275, %dma_wait3A_334] : memref<80x125xi32, #tpu.memory_space<vmem>> -> memref<1x125xi32, #tpu.memory_space<vmem>>
      %dma_wait3A_336 = tpu.memref_squeeze %dma_wait3A_335 : memref<1x125xi32, #tpu.memory_space<vmem>> -> memref<125xi32, #tpu.memory_space<vmem>>
      %dma_wait3A_337 = arith.constant 0 : i32
      %dma_wait3A_338 = arith.constant 0 : i32
      %dma_wait3A_339 = tpu.memref_slice %arg2[%dma_wait3A_337, %dma_wait3A_338] : memref<10000x64xf32, #tpu.memory_space<hbm>> -> memref<10000x64xf32, #tpu.memory_space<hbm>>
      tpu.wait_indirect_dma semaphore(%arg12 : memref<!tpu.dma_semaphore, #tpu.memory_space<semaphore_mem>>) src(%dma_wait3A_339 : memref<10000x64xf32, #tpu.memory_space<hbm>>) dst(%dma_wait3A_333 : memref<125x64xf32, #tpu.memory_space<vmem>>)
      %dma_wait3A_340 = arith.constant 1 : i32
      %dma_wait3A_341 = arith.constant 3 : i32
      %dma_wait3A_342 = arith.constant 0 : i32
      %dma_wait3A_343 = arith.constant 0 : i32
      %dma_wait3A_344 = tpu.memref_slice %arg8[%dma_wait3A_340, %dma_wait3A_341, %dma_wait3A_342, %dma_wait3A_343] : memref<2x4x125x64xf32, #tpu.memory_space<vmem>> -> memref<1x1x125x64xf32, #tpu.memory_space<vmem>>
      %dma_wait3A_345 = tpu.memref_squeeze %dma_wait3A_344 : memref<1x1x125x64xf32, #tpu.memory_space<vmem>> -> memref<125x64xf32, #tpu.memory_space<vmem>>
      %dma_wait3A_346 = arith.constant 0 : i32
      %dma_wait3A_347 = tpu.memref_slice %arg6[%add3A_291, %dma_wait3A_346] : memref<80x125xi32, #tpu.memory_space<vmem>> -> memref<1x125xi32, #tpu.memory_space<vmem>>
      %dma_wait3A_348 = tpu.memref_squeeze %dma_wait3A_347 : memref<1x125xi32, #tpu.memory_space<vmem>> -> memref<125xi32, #tpu.memory_space<vmem>>
      %dma_wait3A_349 = arith.constant 0 : i32
      %dma_wait3A_350 = arith.constant 0 : i32
      %dma_wait3A_351 = tpu.memref_slice %arg2[%dma_wait3A_349, %dma_wait3A_350] : memref<10000x64xf32, #tpu.memory_space<hbm>> -> memref<10000x64xf32, #tpu.memory_space<hbm>>
      tpu.wait_indirect_dma semaphore(%arg12 : memref<!tpu.dma_semaphore, #tpu.memory_space<semaphore_mem>>) src(%dma_wait3A_351 : memref<10000x64xf32, #tpu.memory_space<hbm>>) dst(%dma_wait3A_345 : memref<125x64xf32, #tpu.memory_space<vmem>>)
      %dma_wait3A_352 = arith.constant 0 : i32
      %dma_wait3A_353 = arith.constant 0 : i32
      %dma_wait3A_354 = arith.constant 0 : i32
      %dma_wait3A_355 = arith.constant 0 : i32
      %dma_wait3A_356 = tpu.memref_slice %arg8[%dma_wait3A_352, %dma_wait3A_353, %dma_wait3A_354, %dma_wait3A_355] : memref<2x4x125x64xf32, #tpu.memory_space<vmem>> -> memref<1x1x125x64xf32, #tpu.memory_space<vmem>>
      %dma_wait3A_357 = tpu.memref_squeeze %dma_wait3A_356 : memref<1x1x125x64xf32, #tpu.memory_space<vmem>> -> memref<125x64xf32, #tpu.memory_space<vmem>>
      %dma_wait3A_358 = arith.constant 0 : i32
      %dma_wait3A_359 = tpu.memref_slice %arg7[%add3A_179, %dma_wait3A_358] : memref<80x125xi32, #tpu.memory_space<vmem>> -> memref<1x125xi32, #tpu.memory_space<vmem>>
      %dma_wait3A_360 = tpu.memref_squeeze %dma_wait3A_359 : memref<1x125xi32, #tpu.memory_space<vmem>> -> memref<125xi32, #tpu.memory_space<vmem>>
      %dma_wait3A_361 = arith.constant 0 : i32
      %dma_wait3A_362 = arith.constant 0 : i32
      %dma_wait3A_363 = tpu.memref_slice %arg10[%dma_wait3A_361, %dma_wait3A_362] : memref<10240x64xf32, #tpu.memory_space<vmem_shared>> -> memref<10240x64xf32, #tpu.memory_space<vmem_shared>>
      tpu.wait_indirect_dma semaphore(%arg13 : memref<!tpu.dma_semaphore, #tpu.memory_space<semaphore_mem>>) src(%dma_wait3A_357 : memref<125x64xf32, #tpu.memory_space<vmem>>) dst(%dma_wait3A_363 : memref<10240x64xf32, #tpu.memory_space<vmem_shared>>)
      %dma_wait3A_364 = arith.constant 0 : i32
      %dma_wait3A_365 = arith.constant 1 : i32
      %dma_wait3A_366 = arith.constant 0 : i32
      %dma_wait3A_367 = arith.constant 0 : i32
      %dma_wait3A_368 = tpu.memref_slice %arg8[%dma_wait3A_364, %dma_wait3A_365, %dma_wait3A_366, %dma_wait3A_367] : memref<2x4x125x64xf32, #tpu.memory_space<vmem>> -> memref<1x1x125x64xf32, #tpu.memory_space<vmem>>
      %dma_wait3A_369 = tpu.memref_squeeze %dma_wait3A_368 : memref<1x1x125x64xf32, #tpu.memory_space<vmem>> -> memref<125x64xf32, #tpu.memory_space<vmem>>
      %dma_wait3A_370 = arith.constant 0 : i32
      %dma_wait3A_371 = tpu.memref_slice %arg7[%add3A_195, %dma_wait3A_370] : memref<80x125xi32, #tpu.memory_space<vmem>> -> memref<1x125xi32, #tpu.memory_space<vmem>>
      %dma_wait3A_372 = tpu.memref_squeeze %dma_wait3A_371 : memref<1x125xi32, #tpu.memory_space<vmem>> -> memref<125xi32, #tpu.memory_space<vmem>>
      %dma_wait3A_373 = arith.constant 0 : i32
      %dma_wait3A_374 = arith.constant 0 : i32
      %dma_wait3A_375 = tpu.memref_slice %arg10[%dma_wait3A_373, %dma_wait3A_374] : memref<10240x64xf32, #tpu.memory_space<vmem_shared>> -> memref<10240x64xf32, #tpu.memory_space<vmem_shared>>
      tpu.wait_indirect_dma semaphore(%arg13 : memref<!tpu.dma_semaphore, #tpu.memory_space<semaphore_mem>>) src(%dma_wait3A_369 : memref<125x64xf32, #tpu.memory_space<vmem>>) dst(%dma_wait3A_375 : memref<10240x64xf32, #tpu.memory_space<vmem_shared>>)
      %dma_wait3A_376 = arith.constant 0 : i32
      %dma_wait3A_377 = arith.constant 2 : i32
      %dma_wait3A_378 = arith.constant 0 : i32
      %dma_wait3A_379 = arith.constant 0 : i32
      %dma_wait3A_380 = tpu.memref_slice %arg8[%dma_wait3A_376, %dma_wait3A_377, %dma_wait3A_378, %dma_wait3A_379] : memref<2x4x125x64xf32, #tpu.memory_space<vmem>> -> memref<1x1x125x64xf32, #tpu.memory_space<vmem>>
      %dma_wait3A_381 = tpu.memref_squeeze %dma_wait3A_380 : memref<1x1x125x64xf32, #tpu.memory_space<vmem>> -> memref<125x64xf32, #tpu.memory_space<vmem>>
      %dma_wait3A_382 = arith.constant 0 : i32
      %dma_wait3A_383 = tpu.memref_slice %arg7[%add3A_211, %dma_wait3A_382] : memref<80x125xi32, #tpu.memory_space<vmem>> -> memref<1x125xi32, #tpu.memory_space<vmem>>
      %dma_wait3A_384 = tpu.memref_squeeze %dma_wait3A_383 : memref<1x125xi32, #tpu.memory_space<vmem>> -> memref<125xi32, #tpu.memory_space<vmem>>
      %dma_wait3A_385 = arith.constant 0 : i32
      %dma_wait3A_386 = arith.constant 0 : i32
      %dma_wait3A_387 = tpu.memref_slice %arg10[%dma_wait3A_385, %dma_wait3A_386] : memref<10240x64xf32, #tpu.memory_space<vmem_shared>> -> memref<10240x64xf32, #tpu.memory_space<vmem_shared>>
      tpu.wait_indirect_dma semaphore(%arg13 : memref<!tpu.dma_semaphore, #tpu.memory_space<semaphore_mem>>) src(%dma_wait3A_381 : memref<125x64xf32, #tpu.memory_space<vmem>>) dst(%dma_wait3A_387 : memref<10240x64xf32, #tpu.memory_space<vmem_shared>>)
      %dma_wait3A_388 = arith.constant 0 : i32
      %dma_wait3A_389 = arith.constant 3 : i32
      %dma_wait3A_390 = arith.constant 0 : i32
      %dma_wait3A_391 = arith.constant 0 : i32
      %dma_wait3A_392 = tpu.memref_slice %arg8[%dma_wait3A_388, %dma_wait3A_389, %dma_wait3A_390, %dma_wait3A_391] : memref<2x4x125x64xf32, #tpu.memory_space<vmem>> -> memref<1x1x125x64xf32, #tpu.memory_space<vmem>>
      %dma_wait3A_393 = tpu.memref_squeeze %dma_wait3A_392 : memref<1x1x125x64xf32, #tpu.memory_space<vmem>> -> memref<125x64xf32, #tpu.memory_space<vmem>>
      %dma_wait3A_394 = arith.constant 0 : i32
      %dma_wait3A_395 = tpu.memref_slice %arg7[%add3A_227, %dma_wait3A_394] : memref<80x125xi32, #tpu.memory_space<vmem>> -> memref<1x125xi32, #tpu.memory_space<vmem>>
      %dma_wait3A_396 = tpu.memref_squeeze %dma_wait3A_395 : memref<1x125xi32, #tpu.memory_space<vmem>> -> memref<125xi32, #tpu.memory_space<vmem>>
      %dma_wait3A_397 = arith.constant 0 : i32
      %dma_wait3A_398 = arith.constant 0 : i32
      %dma_wait3A_399 = tpu.memref_slice %arg10[%dma_wait3A_397, %dma_wait3A_398] : memref<10240x64xf32, #tpu.memory_space<vmem_shared>> -> memref<10240x64xf32, #tpu.memory_space<vmem_shared>>
      tpu.wait_indirect_dma semaphore(%arg13 : memref<!tpu.dma_semaphore, #tpu.memory_space<semaphore_mem>>) src(%dma_wait3A_393 : memref<125x64xf32, #tpu.memory_space<vmem>>) dst(%dma_wait3A_399 : memref<10240x64xf32, #tpu.memory_space<vmem_shared>>)
      %mul3A_400 = arith.constant 4 : i32
      %mul3A_401 = arith.muli %add3A_65, %mul3A_400 : i32
      %add3A_402 = arith.constant 0 : i32
      %add3A_403 = arith.addi %mul3A_401, %add3A_402 : i32
      %dma_start3A_404 = arith.constant 1 : i32
      %dma_start3A_405 = arith.constant 0 : i32
      %dma_start3A_406 = arith.constant 0 : i32
      %dma_start3A_407 = arith.constant 0 : i32
      %dma_start3A_408 = tpu.memref_slice %arg8[%dma_start3A_404, %dma_start3A_405, %dma_start3A_406, %dma_start3A_407] : memref<2x4x125x64xf32, #tpu.memory_space<vmem>> -> memref<1x1x125x64xf32, #tpu.memory_space<vmem>>
      %dma_start3A_409 = tpu.memref_squeeze %dma_start3A_408 : memref<1x1x125x64xf32, #tpu.memory_space<vmem>> -> memref<125x64xf32, #tpu.memory_space<vmem>>
      %dma_start3A_410 = arith.constant 0 : i32
      %dma_start3A_411 = tpu.memref_slice %arg7[%add3A_403, %dma_start3A_410] : memref<80x125xi32, #tpu.memory_space<vmem>> -> memref<1x125xi32, #tpu.memory_space<vmem>>
      %dma_start3A_412 = tpu.memref_squeeze %dma_start3A_411 : memref<1x125xi32, #tpu.memory_space<vmem>> -> memref<125xi32, #tpu.memory_space<vmem>>
      %dma_start3A_413 = arith.constant 0 : i32
      %dma_start3A_414 = arith.constant 0 : i32
      %dma_start3A_415 = tpu.memref_slice %arg10[%dma_start3A_413, %dma_start3A_414] : memref<10240x64xf32, #tpu.memory_space<vmem_shared>> -> memref<10240x64xf32, #tpu.memory_space<vmem_shared>>
      tpu.enqueue_indirect_dma source(%dma_start3A_409 : memref<125x64xf32, #tpu.memory_space<vmem>>) target(%dma_start3A_415 : memref<10240x64xf32, #tpu.memory_space<vmem_shared>>) offsets(%dma_start3A_412 : memref<125xi32, #tpu.memory_space<vmem>>) semaphore(%arg14 : memref<!tpu.dma_semaphore, #tpu.memory_space<semaphore_mem>>) {add = true}
      %mul3A_416 = arith.constant 4 : i32
      %mul3A_417 = arith.muli %add3A_65, %mul3A_416 : i32
      %add3A_418 = arith.constant 1 : i32
      %add3A_419 = arith.addi %mul3A_417, %add3A_418 : i32
      %dma_start3A_420 = arith.constant 1 : i32
      %dma_start3A_421 = arith.constant 1 : i32
      %dma_start3A_422 = arith.constant 0 : i32
      %dma_start3A_423 = arith.constant 0 : i32
      %dma_start3A_424 = tpu.memref_slice %arg8[%dma_start3A_420, %dma_start3A_421, %dma_start3A_422, %dma_start3A_423] : memref<2x4x125x64xf32, #tpu.memory_space<vmem>> -> memref<1x1x125x64xf32, #tpu.memory_space<vmem>>
      %dma_start3A_425 = tpu.memref_squeeze %dma_start3A_424 : memref<1x1x125x64xf32, #tpu.memory_space<vmem>> -> memref<125x64xf32, #tpu.memory_space<vmem>>
      %dma_start3A_426 = arith.constant 0 : i32
      %dma_start3A_427 = tpu.memref_slice %arg7[%add3A_419, %dma_start3A_426] : memref<80x125xi32, #tpu.memory_space<vmem>> -> memref<1x125xi32, #tpu.memory_space<vmem>>
      %dma_start3A_428 = tpu.memref_squeeze %dma_start3A_427 : memref<1x125xi32, #tpu.memory_space<vmem>> -> memref<125xi32, #tpu.memory_space<vmem>>
      %dma_start3A_429 = arith.constant 0 : i32
      %dma_start3A_430 = arith.constant 0 : i32
      %dma_start3A_431 = tpu.memref_slice %arg10[%dma_start3A_429, %dma_start3A_430] : memref<10240x64xf32, #tpu.memory_space<vmem_shared>> -> memref<10240x64xf32, #tpu.memory_space<vmem_shared>>
      tpu.enqueue_indirect_dma source(%dma_start3A_425 : memref<125x64xf32, #tpu.memory_space<vmem>>) target(%dma_start3A_431 : memref<10240x64xf32, #tpu.memory_space<vmem_shared>>) offsets(%dma_start3A_428 : memref<125xi32, #tpu.memory_space<vmem>>) semaphore(%arg14 : memref<!tpu.dma_semaphore, #tpu.memory_space<semaphore_mem>>) {add = true}
      %mul3A_432 = arith.constant 4 : i32
      %mul3A_433 = arith.muli %add3A_65, %mul3A_432 : i32
      %add3A_434 = arith.constant 2 : i32
      %add3A_435 = arith.addi %mul3A_433, %add3A_434 : i32
      %dma_start3A_436 = arith.constant 1 : i32
      %dma_start3A_437 = arith.constant 2 : i32
      %dma_start3A_438 = arith.constant 0 : i32
      %dma_start3A_439 = arith.constant 0 : i32
      %dma_start3A_440 = tpu.memref_slice %arg8[%dma_start3A_436, %dma_start3A_437, %dma_start3A_438, %dma_start3A_439] : memref<2x4x125x64xf32, #tpu.memory_space<vmem>> -> memref<1x1x125x64xf32, #tpu.memory_space<vmem>>
      %dma_start3A_441 = tpu.memref_squeeze %dma_start3A_440 : memref<1x1x125x64xf32, #tpu.memory_space<vmem>> -> memref<125x64xf32, #tpu.memory_space<vmem>>
      %dma_start3A_442 = arith.constant 0 : i32
      %dma_start3A_443 = tpu.memref_slice %arg7[%add3A_435, %dma_start3A_442] : memref<80x125xi32, #tpu.memory_space<vmem>> -> memref<1x125xi32, #tpu.memory_space<vmem>>
      %dma_start3A_444 = tpu.memref_squeeze %dma_start3A_443 : memref<1x125xi32, #tpu.memory_space<vmem>> -> memref<125xi32, #tpu.memory_space<vmem>>
      %dma_start3A_445 = arith.constant 0 : i32
      %dma_start3A_446 = arith.constant 0 : i32
      %dma_start3A_447 = tpu.memref_slice %arg10[%dma_start3A_445, %dma_start3A_446] : memref<10240x64xf32, #tpu.memory_space<vmem_shared>> -> memref<10240x64xf32, #tpu.memory_space<vmem_shared>>
      tpu.enqueue_indirect_dma source(%dma_start3A_441 : memref<125x64xf32, #tpu.memory_space<vmem>>) target(%dma_start3A_447 : memref<10240x64xf32, #tpu.memory_space<vmem_shared>>) offsets(%dma_start3A_444 : memref<125xi32, #tpu.memory_space<vmem>>) semaphore(%arg14 : memref<!tpu.dma_semaphore, #tpu.memory_space<semaphore_mem>>) {add = true}
      %mul3A_448 = arith.constant 4 : i32
      %mul3A_449 = arith.muli %add3A_65, %mul3A_448 : i32
      %add3A_450 = arith.constant 3 : i32
      %add3A_451 = arith.addi %mul3A_449, %add3A_450 : i32
      %dma_start3A_452 = arith.constant 1 : i32
      %dma_start3A_453 = arith.constant 3 : i32
      %dma_start3A_454 = arith.constant 0 : i32
      %dma_start3A_455 = arith.constant 0 : i32
      %dma_start3A_456 = tpu.memref_slice %arg8[%dma_start3A_452, %dma_start3A_453, %dma_start3A_454, %dma_start3A_455] : memref<2x4x125x64xf32, #tpu.memory_space<vmem>> -> memref<1x1x125x64xf32, #tpu.memory_space<vmem>>
      %dma_start3A_457 = tpu.memref_squeeze %dma_start3A_456 : memref<1x1x125x64xf32, #tpu.memory_space<vmem>> -> memref<125x64xf32, #tpu.memory_space<vmem>>
      %dma_start3A_458 = arith.constant 0 : i32
      %dma_start3A_459 = tpu.memref_slice %arg7[%add3A_451, %dma_start3A_458] : memref<80x125xi32, #tpu.memory_space<vmem>> -> memref<1x125xi32, #tpu.memory_space<vmem>>
      %dma_start3A_460 = tpu.memref_squeeze %dma_start3A_459 : memref<1x125xi32, #tpu.memory_space<vmem>> -> memref<125xi32, #tpu.memory_space<vmem>>
      %dma_start3A_461 = arith.constant 0 : i32
      %dma_start3A_462 = arith.constant 0 : i32
      %dma_start3A_463 = tpu.memref_slice %arg10[%dma_start3A_461, %dma_start3A_462] : memref<10240x64xf32, #tpu.memory_space<vmem_shared>> -> memref<10240x64xf32, #tpu.memory_space<vmem_shared>>
      tpu.enqueue_indirect_dma source(%dma_start3A_457 : memref<125x64xf32, #tpu.memory_space<vmem>>) target(%dma_start3A_463 : memref<10240x64xf32, #tpu.memory_space<vmem_shared>>) offsets(%dma_start3A_460 : memref<125xi32, #tpu.memory_space<vmem>>) semaphore(%arg14 : memref<!tpu.dma_semaphore, #tpu.memory_space<semaphore_mem>>) {add = true}
      %dma_wait3A_464 = arith.constant 1 : i32
      %dma_wait3A_465 = arith.constant 0 : i32
      %dma_wait3A_466 = arith.constant 0 : i32
      %dma_wait3A_467 = arith.constant 0 : i32
      %dma_wait3A_468 = tpu.memref_slice %arg8[%dma_wait3A_464, %dma_wait3A_465, %dma_wait3A_466, %dma_wait3A_467] : memref<2x4x125x64xf32, #tpu.memory_space<vmem>> -> memref<1x1x125x64xf32, #tpu.memory_space<vmem>>
      %dma_wait3A_469 = tpu.memref_squeeze %dma_wait3A_468 : memref<1x1x125x64xf32, #tpu.memory_space<vmem>> -> memref<125x64xf32, #tpu.memory_space<vmem>>
      %dma_wait3A_470 = arith.constant 0 : i32
      %dma_wait3A_471 = tpu.memref_slice %arg7[%add3A_403, %dma_wait3A_470] : memref<80x125xi32, #tpu.memory_space<vmem>> -> memref<1x125xi32, #tpu.memory_space<vmem>>
      %dma_wait3A_472 = tpu.memref_squeeze %dma_wait3A_471 : memref<1x125xi32, #tpu.memory_space<vmem>> -> memref<125xi32, #tpu.memory_space<vmem>>
      %dma_wait3A_473 = arith.constant 0 : i32
      %dma_wait3A_474 = arith.constant 0 : i32
      %dma_wait3A_475 = tpu.memref_slice %arg10[%dma_wait3A_473, %dma_wait3A_474] : memref<10240x64xf32, #tpu.memory_space<vmem_shared>> -> memref<10240x64xf32, #tpu.memory_space<vmem_shared>>
      tpu.wait_indirect_dma semaphore(%arg14 : memref<!tpu.dma_semaphore, #tpu.memory_space<semaphore_mem>>) src(%dma_wait3A_469 : memref<125x64xf32, #tpu.memory_space<vmem>>) dst(%dma_wait3A_475 : memref<10240x64xf32, #tpu.memory_space<vmem_shared>>)
      %dma_wait3A_476 = arith.constant 1 : i32
      %dma_wait3A_477 = arith.constant 1 : i32
      %dma_wait3A_478 = arith.constant 0 : i32
      %dma_wait3A_479 = arith.constant 0 : i32
      %dma_wait3A_480 = tpu.memref_slice %arg8[%dma_wait3A_476, %dma_wait3A_477, %dma_wait3A_478, %dma_wait3A_479] : memref<2x4x125x64xf32, #tpu.memory_space<vmem>> -> memref<1x1x125x64xf32, #tpu.memory_space<vmem>>
      %dma_wait3A_481 = tpu.memref_squeeze %dma_wait3A_480 : memref<1x1x125x64xf32, #tpu.memory_space<vmem>> -> memref<125x64xf32, #tpu.memory_space<vmem>>
      %dma_wait3A_482 = arith.constant 0 : i32
      %dma_wait3A_483 = tpu.memref_slice %arg7[%add3A_419, %dma_wait3A_482] : memref<80x125xi32, #tpu.memory_space<vmem>> -> memref<1x125xi32, #tpu.memory_space<vmem>>
      %dma_wait3A_484 = tpu.memref_squeeze %dma_wait3A_483 : memref<1x125xi32, #tpu.memory_space<vmem>> -> memref<125xi32, #tpu.memory_space<vmem>>
      %dma_wait3A_485 = arith.constant 0 : i32
      %dma_wait3A_486 = arith.constant 0 : i32
      %dma_wait3A_487 = tpu.memref_slice %arg10[%dma_wait3A_485, %dma_wait3A_486] : memref<10240x64xf32, #tpu.memory_space<vmem_shared>> -> memref<10240x64xf32, #tpu.memory_space<vmem_shared>>
      tpu.wait_indirect_dma semaphore(%arg14 : memref<!tpu.dma_semaphore, #tpu.memory_space<semaphore_mem>>) src(%dma_wait3A_481 : memref<125x64xf32, #tpu.memory_space<vmem>>) dst(%dma_wait3A_487 : memref<10240x64xf32, #tpu.memory_space<vmem_shared>>)
      %dma_wait3A_488 = arith.constant 1 : i32
      %dma_wait3A_489 = arith.constant 2 : i32
      %dma_wait3A_490 = arith.constant 0 : i32
      %dma_wait3A_491 = arith.constant 0 : i32
      %dma_wait3A_492 = tpu.memref_slice %arg8[%dma_wait3A_488, %dma_wait3A_489, %dma_wait3A_490, %dma_wait3A_491] : memref<2x4x125x64xf32, #tpu.memory_space<vmem>> -> memref<1x1x125x64xf32, #tpu.memory_space<vmem>>
      %dma_wait3A_493 = tpu.memref_squeeze %dma_wait3A_492 : memref<1x1x125x64xf32, #tpu.memory_space<vmem>> -> memref<125x64xf32, #tpu.memory_space<vmem>>
      %dma_wait3A_494 = arith.constant 0 : i32
      %dma_wait3A_495 = tpu.memref_slice %arg7[%add3A_435, %dma_wait3A_494] : memref<80x125xi32, #tpu.memory_space<vmem>> -> memref<1x125xi32, #tpu.memory_space<vmem>>
      %dma_wait3A_496 = tpu.memref_squeeze %dma_wait3A_495 : memref<1x125xi32, #tpu.memory_space<vmem>> -> memref<125xi32, #tpu.memory_space<vmem>>
      %dma_wait3A_497 = arith.constant 0 : i32
      %dma_wait3A_498 = arith.constant 0 : i32
      %dma_wait3A_499 = tpu.memref_slice %arg10[%dma_wait3A_497, %dma_wait3A_498] : memref<10240x64xf32, #tpu.memory_space<vmem_shared>> -> memref<10240x64xf32, #tpu.memory_space<vmem_shared>>
      tpu.wait_indirect_dma semaphore(%arg14 : memref<!tpu.dma_semaphore, #tpu.memory_space<semaphore_mem>>) src(%dma_wait3A_493 : memref<125x64xf32, #tpu.memory_space<vmem>>) dst(%dma_wait3A_499 : memref<10240x64xf32, #tpu.memory_space<vmem_shared>>)
      %dma_wait3A_500 = arith.constant 1 : i32
      %dma_wait3A_501 = arith.constant 3 : i32
      %dma_wait3A_502 = arith.constant 0 : i32
      %dma_wait3A_503 = arith.constant 0 : i32
      %dma_wait3A_504 = tpu.memref_slice %arg8[%dma_wait3A_500, %dma_wait3A_501, %dma_wait3A_502, %dma_wait3A_503] : memref<2x4x125x64xf32, #tpu.memory_space<vmem>> -> memref<1x1x125x64xf32, #tpu.memory_space<vmem>>
      %dma_wait3A_505 = tpu.memref_squeeze %dma_wait3A_504 : memref<1x1x125x64xf32, #tpu.memory_space<vmem>> -> memref<125x64xf32, #tpu.memory_space<vmem>>
      %dma_wait3A_506 = arith.constant 0 : i32
      %dma_wait3A_507 = tpu.memref_slice %arg7[%add3A_451, %dma_wait3A_506] : memref<80x125xi32, #tpu.memory_space<vmem>> -> memref<1x125xi32, #tpu.memory_space<vmem>>
      %dma_wait3A_508 = tpu.memref_squeeze %dma_wait3A_507 : memref<1x125xi32, #tpu.memory_space<vmem>> -> memref<125xi32, #tpu.memory_space<vmem>>
      %dma_wait3A_509 = arith.constant 0 : i32
      %dma_wait3A_510 = arith.constant 0 : i32
      %dma_wait3A_511 = tpu.memref_slice %arg10[%dma_wait3A_509, %dma_wait3A_510] : memref<10240x64xf32, #tpu.memory_space<vmem_shared>> -> memref<10240x64xf32, #tpu.memory_space<vmem_shared>>
      tpu.wait_indirect_dma semaphore(%arg14 : memref<!tpu.dma_semaphore, #tpu.memory_space<semaphore_mem>>) src(%dma_wait3A_505 : memref<125x64xf32, #tpu.memory_space<vmem>>) dst(%dma_wait3A_511 : memref<10240x64xf32, #tpu.memory_space<vmem_shared>>)
    }
    %scan3A_57 = arith.constant 10 : i32
    %barrier3A_58 = arith.constant 0 : index
    tpu.barrier barrier_id(%barrier3A_58)
    "tpu.region"() ({
      %run_scoped3A = tpu.sem_alloc : memref<!tpu.dma_semaphore, #tpu.memory_space<semaphore_mem>>
      %dma_start3A = arith.constant 0 : i32
      %dma_start3A_59 = arith.constant 0 : i32
      %dma_start3A_60 = tpu.memref_slice %arg5[%arg0, %dma_start3A, %dma_start3A_59] : memref<2x10240x64xf32, #tpu.memory_space<hbm>> -> memref<1x10240x64xf32, #tpu.memory_space<hbm>>
      %dma_start3A_61 = tpu.memref_squeeze %dma_start3A_60 : memref<1x10240x64xf32, #tpu.memory_space<hbm>> -> memref<10240x64xf32, #tpu.memory_space<hbm>>
      %dma_start3A_62 = arith.constant 0 : i32
      %dma_start3A_63 = tpu.memref_slice %dma_start3A_61[%mul3A_2, %dma_start3A_62] : memref<10240x64xf32, #tpu.memory_space<hbm>> -> memref<640x64xf32, #tpu.memory_space<hbm>>
      %dma_start3A_64 = arith.constant 0 : i32
      %dma_start3A_65 = tpu.memref_slice %arg10[%mul3A_2, %dma_start3A_64] : memref<10240x64xf32, #tpu.memory_space<vmem_shared>> -> memref<640x64xf32, #tpu.memory_space<vmem_shared>>
      tpu.enqueue_dma source(%dma_start3A_65 : memref<640x64xf32, #tpu.memory_space<vmem_shared>>) target(%dma_start3A_63 : memref<640x64xf32, #tpu.memory_space<hbm>>) target_semaphore(%run_scoped3A : memref<!tpu.dma_semaphore, #tpu.memory_space<semaphore_mem>>)
      %dma_wait3A = arith.constant 0 : i32
      %dma_wait3A_66 = arith.constant 0 : i32
      %dma_wait3A_67 = tpu.memref_slice %arg5[%arg0, %dma_wait3A, %dma_wait3A_66] : memref<2x10240x64xf32, #tpu.memory_space<hbm>> -> memref<1x10240x64xf32, #tpu.memory_space<hbm>>
      %dma_wait3A_68 = tpu.memref_squeeze %dma_wait3A_67 : memref<1x10240x64xf32, #tpu.memory_space<hbm>> -> memref<10240x64xf32, #tpu.memory_space<hbm>>
      %dma_wait3A_69 = arith.constant 0 : i32
      %dma_wait3A_70 = tpu.memref_slice %dma_wait3A_68[%mul3A_2, %dma_wait3A_69] : memref<10240x64xf32, #tpu.memory_space<hbm>> -> memref<640x64xf32, #tpu.memory_space<hbm>>
      %dma_wait3A_71 = arith.constant 0 : i32
      %dma_wait3A_72 = tpu.memref_slice %arg10[%mul3A_2, %dma_wait3A_71] : memref<10240x64xf32, #tpu.memory_space<vmem_shared>> -> memref<640x64xf32, #tpu.memory_space<vmem_shared>>
      tpu.wait_dma2 semaphore(%run_scoped3A : memref<!tpu.dma_semaphore, #tpu.memory_space<semaphore_mem>>) src(%dma_wait3A_72 : memref<640x64xf32, #tpu.memory_space<vmem_shared>>) dst(%dma_wait3A_70 : memref<640x64xf32, #tpu.memory_space<hbm>>)
      tpu.yield
    }) : () -> ()
    return
  }
}

#map = affine_map<(d0, d1) -> (0, 0)>
#map1 = affine_map<(d0, d1) -> (0, 0, 0)>
module attributes {stable_mosaic.version = 14 : i64} {
  func.func @agg(%arg0: i32, %arg1: i32, %arg2: memref<10000x64xf32, #tpu.memory_space<hbm>>, %arg3: memref<2560x125xi32, #tpu.memory_space<hbm>>, %arg4: memref<2560x125xi32, #tpu.memory_space<hbm>>, %arg5: memref<2x10240x64xf32, #tpu.memory_space<hbm>>, %arg6: memref<80x125xi32, #tpu.memory_space<vmem>>, %arg7: memref<80x125xi32, #tpu.memory_space<vmem>>, %arg8: memref<2x4x125x64xf32, #tpu.memory_space<vmem>>, %arg9: memref<64x64xf32, #tpu.memory_space<vmem>>, %arg10: memref<10240x64xf32, #tpu.memory_space<vmem_shared>>, %arg11: memref<!tpu.dma_semaphore, #tpu.memory_space<semaphore_mem>>, %arg12: memref<!tpu.dma_semaphore, #tpu.memory_space<semaphore_mem>>, %arg13: memref<!tpu.dma_semaphore, #tpu.memory_space<semaphore_mem>>, %arg14: memref<!tpu.dma_semaphore, #tpu.memory_space<semaphore_mem>>, %arg15: memref<!tpu.dma_semaphore, #tpu.memory_space<semaphore_mem>>) attributes {dimension_semantics = [#tpu.dimension_semantics<core_parallel>, #tpu.dimension_semantics<subcore_parallel>], iteration_bounds = array<i64: 2, 16>, scalar_prefetch = 0 : i64, scratch_operands = 10 : i64, tpu.core_type = #tpu.core_type<sc_vector_subcore>, window_params = [{transform_indices = #map}, {transform_indices = #map}, {transform_indices = #map}, {transform_indices = #map1}]} {
    %mul3A = arith.constant 16 : i32
    %mul3A_0 = arith.muli %arg0, %mul3A : i32
    %add3A = arith.addi %mul3A_0, %arg1 : i32
    %mul3A_1 = arith.constant 640 : i32
    %mul3A_2 = arith.muli %arg1, %mul3A_1 : i32
    %mul3A_3 = arith.constant 80 : i32
    %mul3A_4 = arith.muli %add3A, %mul3A_3 : i32
    "tpu.region"() ({
      %run_scoped3A = tpu.sem_alloc : memref<!tpu.dma_semaphore, #tpu.memory_space<semaphore_mem>>
      %dma_start3A = arith.constant 0 : i32
      %dma_start3A_59 = tpu.memref_slice %arg3[%mul3A_4, %dma_start3A] : memref<2560x125xi32, #tpu.memory_space<hbm>> -> memref<80x125xi32, #tpu.memory_space<hbm>>
      %dma_start3A_60 = arith.constant 0 : i32
      %dma_start3A_61 = tpu.memref_slice %arg3[%mul3A_4, %dma_start3A_60] : memref<2560x125xi32, #tpu.memory_space<hbm>> -> memref<80x125xi32, #tpu.memory_space<hbm>>
      tpu.enqueue_dma source(%dma_start3A_61 : memref<80x125xi32, #tpu.memory_space<hbm>>) target(%arg6 : memref<80x125xi32, #tpu.memory_space<vmem>>) target_semaphore(%run_scoped3A : memref<!tpu.dma_semaphore, #tpu.memory_space<semaphore_mem>>)
      %dma_wait3A = arith.constant 0 : i32
      %dma_wait3A_62 = tpu.memref_slice %arg3[%mul3A_4, %dma_wait3A] : memref<2560x125xi32, #tpu.memory_space<hbm>> -> memref<80x125xi32, #tpu.memory_space<hbm>>
      %dma_wait3A_63 = arith.constant 0 : i32
      %dma_wait3A_64 = tpu.memref_slice %arg3[%mul3A_4, %dma_wait3A_63] : memref<2560x125xi32, #tpu.memory_space<hbm>> -> memref<80x125xi32, #tpu.memory_space<hbm>>
      tpu.wait_dma2 semaphore(%run_scoped3A : memref<!tpu.dma_semaphore, #tpu.memory_space<semaphore_mem>>) src(%dma_wait3A_64 : memref<80x125xi32, #tpu.memory_space<hbm>>) dst(%arg6 : memref<80x125xi32, #tpu.memory_space<vmem>>)
      tpu.yield
    }) : () -> ()
    %mul3A_5 = arith.constant 80 : i32
    %mul3A_6 = arith.muli %add3A, %mul3A_5 : i32
    "tpu.region"() ({
      %run_scoped3A = tpu.sem_alloc : memref<!tpu.dma_semaphore, #tpu.memory_space<semaphore_mem>>
      %dma_start3A = arith.constant 0 : i32
      %dma_start3A_59 = tpu.memref_slice %arg4[%mul3A_6, %dma_start3A] : memref<2560x125xi32, #tpu.memory_space<hbm>> -> memref<80x125xi32, #tpu.memory_space<hbm>>
      %dma_start3A_60 = arith.constant 0 : i32
      %dma_start3A_61 = tpu.memref_slice %arg4[%mul3A_6, %dma_start3A_60] : memref<2560x125xi32, #tpu.memory_space<hbm>> -> memref<80x125xi32, #tpu.memory_space<hbm>>
      tpu.enqueue_dma source(%dma_start3A_61 : memref<80x125xi32, #tpu.memory_space<hbm>>) target(%arg7 : memref<80x125xi32, #tpu.memory_space<vmem>>) target_semaphore(%run_scoped3A : memref<!tpu.dma_semaphore, #tpu.memory_space<semaphore_mem>>)
      %dma_wait3A = arith.constant 0 : i32
      %dma_wait3A_62 = tpu.memref_slice %arg4[%mul3A_6, %dma_wait3A] : memref<2560x125xi32, #tpu.memory_space<hbm>> -> memref<80x125xi32, #tpu.memory_space<hbm>>
      %dma_wait3A_63 = arith.constant 0 : i32
      %dma_wait3A_64 = tpu.memref_slice %arg4[%mul3A_6, %dma_wait3A_63] : memref<2560x125xi32, #tpu.memory_space<hbm>> -> memref<80x125xi32, #tpu.memory_space<hbm>>
      tpu.wait_dma2 semaphore(%run_scoped3A : memref<!tpu.dma_semaphore, #tpu.memory_space<semaphore_mem>>) src(%dma_wait3A_64 : memref<80x125xi32, #tpu.memory_space<hbm>>) dst(%arg7 : memref<80x125xi32, #tpu.memory_space<vmem>>)
      tpu.yield
    }) : () -> ()
    %scan3A = arith.constant 0 : i32
    %scan3A_7 = arith.constant 0 : i32
    %scan3A_8 = arith.constant 64 : i32
    %scan3A_9 = arith.addi %scan3A_7, %scan3A_8 : i32
    %scan3A_10 = arith.constant 1 : i32
    scf.for %scan3A_59 = %scan3A_7 to %scan3A_9 step %scan3A_10  : i32 {
      %broadcast_in_dim3A = arith.constant 0.000000e+00 : f32
      %broadcast_in_dim3A_60 = vector.broadcast %broadcast_in_dim3A : f32 to vector<16xf32>
      %swap3A = arith.index_cast %scan3A_59 : i32 to index
      %swap3A_61 = arith.constant 0 : index
      %swap3A_62 = tpu.vector_load %arg9[%swap3A, %swap3A_61] {strides = array<i32>} : memref<64x64xf32, #tpu.memory_space<vmem>>, vector<1x16xf32>,
      %swap3A_63 = vector.shape_cast %swap3A_62 : vector<1x16xf32> to vector<16xf32>
      %swap3A_64 = vector.shape_cast %broadcast_in_dim3A_60 : vector<16xf32> to vector<1x16xf32>
      tpu.vector_store %arg9[%swap3A, %swap3A_61], %swap3A_64 {strides = array<i32>} : memref<64x64xf32, #tpu.memory_space<vmem>>, vector<1x16xf32>,
      %broadcast_in_dim3A_65 = arith.constant 0.000000e+00 : f32
      %broadcast_in_dim3A_66 = vector.broadcast %broadcast_in_dim3A_65 : f32 to vector<16xf32>
      %swap3A_67 = arith.index_cast %scan3A_59 : i32 to index
      %swap3A_68 = arith.constant 16 : index
      %swap3A_69 = tpu.vector_load %arg9[%swap3A_67, %swap3A_68] {strides = array<i32>} : memref<64x64xf32, #tpu.memory_space<vmem>>, vector<1x16xf32>,
      %swap3A_70 = vector.shape_cast %swap3A_69 : vector<1x16xf32> to vector<16xf32>
      %swap3A_71 = vector.shape_cast %broadcast_in_dim3A_66 : vector<16xf32> to vector<1x16xf32>
      tpu.vector_store %arg9[%swap3A_67, %swap3A_68], %swap3A_71 {strides = array<i32>} : memref<64x64xf32, #tpu.memory_space<vmem>>, vector<1x16xf32>,
      %broadcast_in_dim3A_72 = arith.constant 0.000000e+00 : f32
      %broadcast_in_dim3A_73 = vector.broadcast %broadcast_in_dim3A_72 : f32 to vector<16xf32>
      %swap3A_74 = arith.index_cast %scan3A_59 : i32 to index
      %swap3A_75 = arith.constant 32 : index
      %swap3A_76 = tpu.vector_load %arg9[%swap3A_74, %swap3A_75] {strides = array<i32>} : memref<64x64xf32, #tpu.memory_space<vmem>>, vector<1x16xf32>,
      %swap3A_77 = vector.shape_cast %swap3A_76 : vector<1x16xf32> to vector<16xf32>
      %swap3A_78 = vector.shape_cast %broadcast_in_dim3A_73 : vector<16xf32> to vector<1x16xf32>
      tpu.vector_store %arg9[%swap3A_74, %swap3A_75], %swap3A_78 {strides = array<i32>} : memref<64x64xf32, #tpu.memory_space<vmem>>, vector<1x16xf32>,
      %broadcast_in_dim3A_79 = arith.constant 0.000000e+00 : f32
      %broadcast_in_dim3A_80 = vector.broadcast %broadcast_in_dim3A_79 : f32 to vector<16xf32>
      %swap3A_81 = arith.index_cast %scan3A_59 : i32 to index
      %swap3A_82 = arith.constant 48 : index
      %swap3A_83 = tpu.vector_load %arg9[%swap3A_81, %swap3A_82] {strides = array<i32>} : memref<64x64xf32, #tpu.memory_space<vmem>>, vector<1x16xf32>,
      %swap3A_84 = vector.shape_cast %swap3A_83 : vector<1x16xf32> to vector<16xf32>
      %swap3A_85 = vector.shape_cast %broadcast_in_dim3A_80 : vector<16xf32> to vector<1x16xf32>
      tpu.vector_store %arg9[%swap3A_81, %swap3A_82], %swap3A_85 {strides = array<i32>} : memref<64x64xf32, #tpu.memory_space<vmem>>, vector<1x16xf32>,
    }
    %scan3A_11 = arith.constant 64 : i32
    %mul3A_12 = arith.constant 640 : i32
    %mul3A_13 = arith.muli %arg1, %mul3A_12 : i32
    %add3A_14 = arith.constant 0 : i32
    %add3A_15 = arith.addi %mul3A_13, %add3A_14 : i32
    "tpu.region"() ({
      %run_scoped3A = tpu.sem_alloc : memref<!tpu.dma_semaphore, #tpu.memory_space<semaphore_mem>>
      %dma_start3A = arith.constant 0 : i32
      %dma_start3A_59 = tpu.memref_slice %arg10[%add3A_15, %dma_start3A] : memref<10240x64xf32, #tpu.memory_space<vmem_shared>> -> memref<64x64xf32, #tpu.memory_space<vmem_shared>>
      %dma_start3A_60 = arith.constant 0 : i32
      %dma_start3A_61 = tpu.memref_slice %arg10[%add3A_15, %dma_start3A_60] : memref<10240x64xf32, #tpu.memory_space<vmem_shared>> -> memref<64x64xf32, #tpu.memory_space<vmem_shared>>
      tpu.enqueue_dma source(%arg9 : memref<64x64xf32, #tpu.memory_space<vmem>>) target(%dma_start3A_61 : memref<64x64xf32, #tpu.memory_space<vmem_shared>>) target_semaphore(%run_scoped3A : memref<!tpu.dma_semaphore, #tpu.memory_space<semaphore_mem>>)
      %dma_wait3A = arith.constant 0 : i32
      %dma_wait3A_62 = tpu.memref_slice %arg10[%add3A_15, %dma_wait3A] : memref<10240x64xf32, #tpu.memory_space<vmem_shared>> -> memref<64x64xf32, #tpu.memory_space<vmem_shared>>
      %dma_wait3A_63 = arith.constant 0 : i32
      %dma_wait3A_64 = tpu.memref_slice %arg10[%add3A_15, %dma_wait3A_63] : memref<10240x64xf32, #tpu.memory_space<vmem_shared>> -> memref<64x64xf32, #tpu.memory_space<vmem_shared>>
      tpu.wait_dma2 semaphore(%run_scoped3A : memref<!tpu.dma_semaphore, #tpu.memory_space<semaphore_mem>>) src(%arg9 : memref<64x64xf32, #tpu.memory_space<vmem>>) dst(%dma_wait3A_64 : memref<64x64xf32, #tpu.memory_space<vmem_shared>>)
      tpu.yield
    }) : () -> ()
    %mul3A_16 = arith.constant 640 : i32
    %mul3A_17 = arith.muli %arg1, %mul3A_16 : i32
    %add3A_18 = arith.constant 64 : i32
    %add3A_19 = arith.addi %mul3A_17, %add3A_18 : i32
    "tpu.region"() ({
      %run_scoped3A = tpu.sem_alloc : memref<!tpu.dma_semaphore, #tpu.memory_space<semaphore_mem>>
      %dma_start3A = arith.constant 0 : i32
      %dma_start3A_59 = tpu.memref_slice %arg10[%add3A_19, %dma_start3A] : memref<10240x64xf32, #tpu.memory_space<vmem_shared>> -> memref<64x64xf32, #tpu.memory_space<vmem_shared>>
      %dma_start3A_60 = arith.constant 0 : i32
      %dma_start3A_61 = tpu.memref_slice %arg10[%add3A_19, %dma_start3A_60] : memref<10240x64xf32, #tpu.memory_space<vmem_shared>> -> memref<64x64xf32, #tpu.memory_space<vmem_shared>>
      tpu.enqueue_dma source(%arg9 : memref<64x64xf32, #tpu.memory_space<vmem>>) target(%dma_start3A_61 : memref<64x64xf32, #tpu.memory_space<vmem_shared>>) target_semaphore(%run_scoped3A : memref<!tpu.dma_semaphore, #tpu.memory_space<semaphore_mem>>)
      %dma_wait3A = arith.constant 0 : i32
      %dma_wait3A_62 = tpu.memref_slice %arg10[%add3A_19, %dma_wait3A] : memref<10240x64xf32, #tpu.memory_space<vmem_shared>> -> memref<64x64xf32, #tpu.memory_space<vmem_shared>>
      %dma_wait3A_63 = arith.constant 0 : i32
      %dma_wait3A_64 = tpu.memref_slice %arg10[%add3A_19, %dma_wait3A_63] : memref<10240x64xf32, #tpu.memory_space<vmem_shared>> -> memref<64x64xf32, #tpu.memory_space<vmem_shared>>
      tpu.wait_dma2 semaphore(%run_scoped3A : memref<!tpu.dma_semaphore, #tpu.memory_space<semaphore_mem>>) src(%arg9 : memref<64x64xf32, #tpu.memory_space<vmem>>) dst(%dma_wait3A_64 : memref<64x64xf32, #tpu.memory_space<vmem_shared>>)
      tpu.yield
    }) : () -> ()
    %mul3A_20 = arith.constant 640 : i32
    %mul3A_21 = arith.muli %arg1, %mul3A_20 : i32
    %add3A_22 = arith.constant 128 : i32
    %add3A_23 = arith.addi %mul3A_21, %add3A_22 : i32
    "tpu.region"() ({
      %run_scoped3A = tpu.sem_alloc : memref<!tpu.dma_semaphore, #tpu.memory_space<semaphore_mem>>
      %dma_start3A = arith.constant 0 : i32
      %dma_start3A_59 = tpu.memref_slice %arg10[%add3A_23, %dma_start3A] : memref<10240x64xf32, #tpu.memory_space<vmem_shared>> -> memref<64x64xf32, #tpu.memory_space<vmem_shared>>
      %dma_start3A_60 = arith.constant 0 : i32
      %dma_start3A_61 = tpu.memref_slice %arg10[%add3A_23, %dma_start3A_60] : memref<10240x64xf32, #tpu.memory_space<vmem_shared>> -> memref<64x64xf32, #tpu.memory_space<vmem_shared>>
      tpu.enqueue_dma source(%arg9 : memref<64x64xf32, #tpu.memory_space<vmem>>) target(%dma_start3A_61 : memref<64x64xf32, #tpu.memory_space<vmem_shared>>) target_semaphore(%run_scoped3A : memref<!tpu.dma_semaphore, #tpu.memory_space<semaphore_mem>>)
      %dma_wait3A = arith.constant 0 : i32
      %dma_wait3A_62 = tpu.memref_slice %arg10[%add3A_23, %dma_wait3A] : memref<10240x64xf32, #tpu.memory_space<vmem_shared>> -> memref<64x64xf32, #tpu.memory_space<vmem_shared>>
      %dma_wait3A_63 = arith.constant 0 : i32
      %dma_wait3A_64 = tpu.memref_slice %arg10[%add3A_23, %dma_wait3A_63] : memref<10240x64xf32, #tpu.memory_space<vmem_shared>> -> memref<64x64xf32, #tpu.memory_space<vmem_shared>>
      tpu.wait_dma2 semaphore(%run_scoped3A : memref<!tpu.dma_semaphore, #tpu.memory_space<semaphore_mem>>) src(%arg9 : memref<64x64xf32, #tpu.memory_space<vmem>>) dst(%dma_wait3A_64 : memref<64x64xf32, #tpu.memory_space<vmem_shared>>)
      tpu.yield
    }) : () -> ()
    %mul3A_24 = arith.constant 640 : i32
    %mul3A_25 = arith.muli %arg1, %mul3A_24 : i32
    %add3A_26 = arith.constant 192 : i32
    %add3A_27 = arith.addi %mul3A_25, %add3A_26 : i32
    "tpu.region"() ({
      %run_scoped3A = tpu.sem_alloc : memref<!tpu.dma_semaphore, #tpu.memory_space<semaphore_mem>>
      %dma_start3A = arith.constant 0 : i32
      %dma_start3A_59 = tpu.memref_slice %arg10[%add3A_27, %dma_start3A] : memref<10240x64xf32, #tpu.memory_space<vmem_shared>> -> memref<64x64xf32, #tpu.memory_space<vmem_shared>>
      %dma_start3A_60 = arith.constant 0 : i32
      %dma_start3A_61 = tpu.memref_slice %arg10[%add3A_27, %dma_start3A_60] : memref<10240x64xf32, #tpu.memory_space<vmem_shared>> -> memref<64x64xf32, #tpu.memory_space<vmem_shared>>
      tpu.enqueue_dma source(%arg9 : memref<64x64xf32, #tpu.memory_space<vmem>>) target(%dma_start3A_61 : memref<64x64xf32, #tpu.memory_space<vmem_shared>>) target_semaphore(%run_scoped3A : memref<!tpu.dma_semaphore, #tpu.memory_space<semaphore_mem>>)
      %dma_wait3A = arith.constant 0 : i32
      %dma_wait3A_62 = tpu.memref_slice %arg10[%add3A_27, %dma_wait3A] : memref<10240x64xf32, #tpu.memory_space<vmem_shared>> -> memref<64x64xf32, #tpu.memory_space<vmem_shared>>
      %dma_wait3A_63 = arith.constant 0 : i32
      %dma_wait3A_64 = tpu.memref_slice %arg10[%add3A_27, %dma_wait3A_63] : memref<10240x64xf32, #tpu.memory_space<vmem_shared>> -> memref<64x64xf32, #tpu.memory_space<vmem_shared>>
      tpu.wait_dma2 semaphore(%run_scoped3A : memref<!tpu.dma_semaphore, #tpu.memory_space<semaphore_mem>>) src(%arg9 : memref<64x64xf32, #tpu.memory_space<vmem>>) dst(%dma_wait3A_64 : memref<64x64xf32, #tpu.memory_space<vmem_shared>>)
      tpu.yield
    }) : () -> ()
    %mul3A_28 = arith.constant 640 : i32
    %mul3A_29 = arith.muli %arg1, %mul3A_28 : i32
    %add3A_30 = arith.constant 256 : i32
    %add3A_31 = arith.addi %mul3A_29, %add3A_30 : i32
    "tpu.region"() ({
      %run_scoped3A = tpu.sem_alloc : memref<!tpu.dma_semaphore, #tpu.memory_space<semaphore_mem>>
      %dma_start3A = arith.constant 0 : i32
      %dma_start3A_59 = tpu.memref_slice %arg10[%add3A_31, %dma_start3A] : memref<10240x64xf32, #tpu.memory_space<vmem_shared>> -> memref<64x64xf32, #tpu.memory_space<vmem_shared>>
      %dma_start3A_60 = arith.constant 0 : i32
      %dma_start3A_61 = tpu.memref_slice %arg10[%add3A_31, %dma_start3A_60] : memref<10240x64xf32, #tpu.memory_space<vmem_shared>> -> memref<64x64xf32, #tpu.memory_space<vmem_shared>>
      tpu.enqueue_dma source(%arg9 : memref<64x64xf32, #tpu.memory_space<vmem>>) target(%dma_start3A_61 : memref<64x64xf32, #tpu.memory_space<vmem_shared>>) target_semaphore(%run_scoped3A : memref<!tpu.dma_semaphore, #tpu.memory_space<semaphore_mem>>)
      %dma_wait3A = arith.constant 0 : i32
      %dma_wait3A_62 = tpu.memref_slice %arg10[%add3A_31, %dma_wait3A] : memref<10240x64xf32, #tpu.memory_space<vmem_shared>> -> memref<64x64xf32, #tpu.memory_space<vmem_shared>>
      %dma_wait3A_63 = arith.constant 0 : i32
      %dma_wait3A_64 = tpu.memref_slice %arg10[%add3A_31, %dma_wait3A_63] : memref<10240x64xf32, #tpu.memory_space<vmem_shared>> -> memref<64x64xf32, #tpu.memory_space<vmem_shared>>
      tpu.wait_dma2 semaphore(%run_scoped3A : memref<!tpu.dma_semaphore, #tpu.memory_space<semaphore_mem>>) src(%arg9 : memref<64x64xf32, #tpu.memory_space<vmem>>) dst(%dma_wait3A_64 : memref<64x64xf32, #tpu.memory_space<vmem_shared>>)
      tpu.yield
    }) : () -> ()
    %mul3A_32 = arith.constant 640 : i32
    %mul3A_33 = arith.muli %arg1, %mul3A_32 : i32
    %add3A_34 = arith.constant 320 : i32
    %add3A_35 = arith.addi %mul3A_33, %add3A_34 : i32
    "tpu.region"() ({
      %run_scoped3A = tpu.sem_alloc : memref<!tpu.dma_semaphore, #tpu.memory_space<semaphore_mem>>
      %dma_start3A = arith.constant 0 : i32
      %dma_start3A_59 = tpu.memref_slice %arg10[%add3A_35, %dma_start3A] : memref<10240x64xf32, #tpu.memory_space<vmem_shared>> -> memref<64x64xf32, #tpu.memory_space<vmem_shared>>
      %dma_start3A_60 = arith.constant 0 : i32
      %dma_start3A_61 = tpu.memref_slice %arg10[%add3A_35, %dma_start3A_60] : memref<10240x64xf32, #tpu.memory_space<vmem_shared>> -> memref<64x64xf32, #tpu.memory_space<vmem_shared>>
      tpu.enqueue_dma source(%arg9 : memref<64x64xf32, #tpu.memory_space<vmem>>) target(%dma_start3A_61 : memref<64x64xf32, #tpu.memory_space<vmem_shared>>) target_semaphore(%run_scoped3A : memref<!tpu.dma_semaphore, #tpu.memory_space<semaphore_mem>>)
      %dma_wait3A = arith.constant 0 : i32
      %dma_wait3A_62 = tpu.memref_slice %arg10[%add3A_35, %dma_wait3A] : memref<10240x64xf32, #tpu.memory_space<vmem_shared>> -> memref<64x64xf32, #tpu.memory_space<vmem_shared>>
      %dma_wait3A_63 = arith.constant 0 : i32
      %dma_wait3A_64 = tpu.memref_slice %arg10[%add3A_35, %dma_wait3A_63] : memref<10240x64xf32, #tpu.memory_space<vmem_shared>> -> memref<64x64xf32, #tpu.memory_space<vmem_shared>>
      tpu.wait_dma2 semaphore(%run_scoped3A : memref<!tpu.dma_semaphore, #tpu.memory_space<semaphore_mem>>) src(%arg9 : memref<64x64xf32, #tpu.memory_space<vmem>>) dst(%dma_wait3A_64 : memref<64x64xf32, #tpu.memory_space<vmem_shared>>)
      tpu.yield
    }) : () -> ()
    %mul3A_36 = arith.constant 640 : i32
    %mul3A_37 = arith.muli %arg1, %mul3A_36 : i32
    %add3A_38 = arith.constant 384 : i32
    %add3A_39 = arith.addi %mul3A_37, %add3A_38 : i32
    "tpu.region"() ({
      %run_scoped3A = tpu.sem_alloc : memref<!tpu.dma_semaphore, #tpu.memory_space<semaphore_mem>>
      %dma_start3A = arith.constant 0 : i32
      %dma_start3A_59 = tpu.memref_slice %arg10[%add3A_39, %dma_start3A] : memref<10240x64xf32, #tpu.memory_space<vmem_shared>> -> memref<64x64xf32, #tpu.memory_space<vmem_shared>>
      %dma_start3A_60 = arith.constant 0 : i32
      %dma_start3A_61 = tpu.memref_slice %arg10[%add3A_39, %dma_start3A_60] : memref<10240x64xf32, #tpu.memory_space<vmem_shared>> -> memref<64x64xf32, #tpu.memory_space<vmem_shared>>
      tpu.enqueue_dma source(%arg9 : memref<64x64xf32, #tpu.memory_space<vmem>>) target(%dma_start3A_61 : memref<64x64xf32, #tpu.memory_space<vmem_shared>>) target_semaphore(%run_scoped3A : memref<!tpu.dma_semaphore, #tpu.memory_space<semaphore_mem>>)
      %dma_wait3A = arith.constant 0 : i32
      %dma_wait3A_62 = tpu.memref_slice %arg10[%add3A_39, %dma_wait3A] : memref<10240x64xf32, #tpu.memory_space<vmem_shared>> -> memref<64x64xf32, #tpu.memory_space<vmem_shared>>
      %dma_wait3A_63 = arith.constant 0 : i32
      %dma_wait3A_64 = tpu.memref_slice %arg10[%add3A_39, %dma_wait3A_63] : memref<10240x64xf32, #tpu.memory_space<vmem_shared>> -> memref<64x64xf32, #tpu.memory_space<vmem_shared>>
      tpu.wait_dma2 semaphore(%run_scoped3A : memref<!tpu.dma_semaphore, #tpu.memory_space<semaphore_mem>>) src(%arg9 : memref<64x64xf32, #tpu.memory_space<vmem>>) dst(%dma_wait3A_64 : memref<64x64xf32, #tpu.memory_space<vmem_shared>>)
      tpu.yield
    }) : () -> ()
    %mul3A_40 = arith.constant 640 : i32
    %mul3A_41 = arith.muli %arg1, %mul3A_40 : i32
    %add3A_42 = arith.constant 448 : i32
    %add3A_43 = arith.addi %mul3A_41, %add3A_42 : i32
    "tpu.region"() ({
      %run_scoped3A = tpu.sem_alloc : memref<!tpu.dma_semaphore, #tpu.memory_space<semaphore_mem>>
      %dma_start3A = arith.constant 0 : i32
      %dma_start3A_59 = tpu.memref_slice %arg10[%add3A_43, %dma_start3A] : memref<10240x64xf32, #tpu.memory_space<vmem_shared>> -> memref<64x64xf32, #tpu.memory_space<vmem_shared>>
      %dma_start3A_60 = arith.constant 0 : i32
      %dma_start3A_61 = tpu.memref_slice %arg10[%add3A_43, %dma_start3A_60] : memref<10240x64xf32, #tpu.memory_space<vmem_shared>> -> memref<64x64xf32, #tpu.memory_space<vmem_shared>>
      tpu.enqueue_dma source(%arg9 : memref<64x64xf32, #tpu.memory_space<vmem>>) target(%dma_start3A_61 : memref<64x64xf32, #tpu.memory_space<vmem_shared>>) target_semaphore(%run_scoped3A : memref<!tpu.dma_semaphore, #tpu.memory_space<semaphore_mem>>)
      %dma_wait3A = arith.constant 0 : i32
      %dma_wait3A_62 = tpu.memref_slice %arg10[%add3A_43, %dma_wait3A] : memref<10240x64xf32, #tpu.memory_space<vmem_shared>> -> memref<64x64xf32, #tpu.memory_space<vmem_shared>>
      %dma_wait3A_63 = arith.constant 0 : i32
      %dma_wait3A_64 = tpu.memref_slice %arg10[%add3A_43, %dma_wait3A_63] : memref<10240x64xf32, #tpu.memory_space<vmem_shared>> -> memref<64x64xf32, #tpu.memory_space<vmem_shared>>
      tpu.wait_dma2 semaphore(%run_scoped3A : memref<!tpu.dma_semaphore, #tpu.memory_space<semaphore_mem>>) src(%arg9 : memref<64x64xf32, #tpu.memory_space<vmem>>) dst(%dma_wait3A_64 : memref<64x64xf32, #tpu.memory_space<vmem_shared>>)
      tpu.yield
    }) : () -> ()
    %mul3A_44 = arith.constant 640 : i32
    %mul3A_45 = arith.muli %arg1, %mul3A_44 : i32
    %add3A_46 = arith.constant 512 : i32
    %add3A_47 = arith.addi %mul3A_45, %add3A_46 : i32
    "tpu.region"() ({
      %run_scoped3A = tpu.sem_alloc : memref<!tpu.dma_semaphore, #tpu.memory_space<semaphore_mem>>
      %dma_start3A = arith.constant 0 : i32
      %dma_start3A_59 = tpu.memref_slice %arg10[%add3A_47, %dma_start3A] : memref<10240x64xf32, #tpu.memory_space<vmem_shared>> -> memref<64x64xf32, #tpu.memory_space<vmem_shared>>
      %dma_start3A_60 = arith.constant 0 : i32
      %dma_start3A_61 = tpu.memref_slice %arg10[%add3A_47, %dma_start3A_60] : memref<10240x64xf32, #tpu.memory_space<vmem_shared>> -> memref<64x64xf32, #tpu.memory_space<vmem_shared>>
      tpu.enqueue_dma source(%arg9 : memref<64x64xf32, #tpu.memory_space<vmem>>) target(%dma_start3A_61 : memref<64x64xf32, #tpu.memory_space<vmem_shared>>) target_semaphore(%run_scoped3A : memref<!tpu.dma_semaphore, #tpu.memory_space<semaphore_mem>>)
      %dma_wait3A = arith.constant 0 : i32
      %dma_wait3A_62 = tpu.memref_slice %arg10[%add3A_47, %dma_wait3A] : memref<10240x64xf32, #tpu.memory_space<vmem_shared>> -> memref<64x64xf32, #tpu.memory_space<vmem_shared>>
      %dma_wait3A_63 = arith.constant 0 : i32
      %dma_wait3A_64 = tpu.memref_slice %arg10[%add3A_47, %dma_wait3A_63] : memref<10240x64xf32, #tpu.memory_space<vmem_shared>> -> memref<64x64xf32, #tpu.memory_space<vmem_shared>>
      tpu.wait_dma2 semaphore(%run_scoped3A : memref<!tpu.dma_semaphore, #tpu.memory_space<semaphore_mem>>) src(%arg9 : memref<64x64xf32, #tpu.memory_space<vmem>>) dst(%dma_wait3A_64 : memref<64x64xf32, #tpu.memory_space<vmem_shared>>)
      tpu.yield
    }) : () -> ()
    %mul3A_48 = arith.constant 640 : i32
    %mul3A_49 = arith.muli %arg1, %mul3A_48 : i32
    %add3A_50 = arith.constant 576 : i32
    %add3A_51 = arith.addi %mul3A_49, %add3A_50 : i32
    "tpu.region"() ({
      %run_scoped3A = tpu.sem_alloc : memref<!tpu.dma_semaphore, #tpu.memory_space<semaphore_mem>>
      %dma_start3A = arith.constant 0 : i32
      %dma_start3A_59 = tpu.memref_slice %arg10[%add3A_51, %dma_start3A] : memref<10240x64xf32, #tpu.memory_space<vmem_shared>> -> memref<64x64xf32, #tpu.memory_space<vmem_shared>>
      %dma_start3A_60 = arith.constant 0 : i32
      %dma_start3A_61 = tpu.memref_slice %arg10[%add3A_51, %dma_start3A_60] : memref<10240x64xf32, #tpu.memory_space<vmem_shared>> -> memref<64x64xf32, #tpu.memory_space<vmem_shared>>
      tpu.enqueue_dma source(%arg9 : memref<64x64xf32, #tpu.memory_space<vmem>>) target(%dma_start3A_61 : memref<64x64xf32, #tpu.memory_space<vmem_shared>>) target_semaphore(%run_scoped3A : memref<!tpu.dma_semaphore, #tpu.memory_space<semaphore_mem>>)
      %dma_wait3A = arith.constant 0 : i32
      %dma_wait3A_62 = tpu.memref_slice %arg10[%add3A_51, %dma_wait3A] : memref<10240x64xf32, #tpu.memory_space<vmem_shared>> -> memref<64x64xf32, #tpu.memory_space<vmem_shared>>
      %dma_wait3A_63 = arith.constant 0 : i32
      %dma_wait3A_64 = tpu.memref_slice %arg10[%add3A_51, %dma_wait3A_63] : memref<10240x64xf32, #tpu.memory_space<vmem_shared>> -> memref<64x64xf32, #tpu.memory_space<vmem_shared>>
      tpu.wait_dma2 semaphore(%run_scoped3A : memref<!tpu.dma_semaphore, #tpu.memory_space<semaphore_mem>>) src(%arg9 : memref<64x64xf32, #tpu.memory_space<vmem>>) dst(%dma_wait3A_64 : memref<64x64xf32, #tpu.memory_space<vmem_shared>>)
      tpu.yield
    }) : () -> ()
    %barrier3A = arith.constant 0 : index
    tpu.barrier barrier_id(%barrier3A)
    %scan3A_52 = arith.constant 0 : i32
    %scan3A_53 = arith.constant 0 : i32
    %scan3A_54 = arith.constant 10 : i32
    %scan3A_55 = arith.addi %scan3A_53, %scan3A_54 : i32
    %scan3A_56 = arith.constant 1 : i32
    scf.for %scan3A_59 = %scan3A_53 to %scan3A_55 step %scan3A_56  : i32 {
      %mul3A_60 = arith.constant 2 : i32
      %mul3A_61 = arith.muli %mul3A_60, %scan3A_59 : i32
      %mul3A_62 = arith.constant 2 : i32
      %mul3A_63 = arith.muli %mul3A_62, %scan3A_59 : i32
      %add3A_64 = arith.constant 1 : i32
      %add3A_65 = arith.addi %mul3A_63, %add3A_64 : i32
      %mul3A_66 = arith.constant 4 : i32
      %mul3A_67 = arith.muli %mul3A_61, %mul3A_66 : i32
      %add3A_68 = arith.constant 0 : i32
      %add3A_69 = arith.addi %mul3A_67, %add3A_68 : i32
      %dma_start3A = arith.constant 0 : i32
      %dma_start3A_70 = arith.constant 0 : i32
      %dma_start3A_71 = arith.constant 0 : i32
      %dma_start3A_72 = arith.constant 0 : i32
      %dma_start3A_73 = tpu.memref_slice %arg8[%dma_start3A, %dma_start3A_70, %dma_start3A_71, %dma_start3A_72] : memref<2x4x125x64xf32, #tpu.memory_space<vmem>> -> memref<1x1x125x64xf32, #tpu.memory_space<vmem>>
      %dma_start3A_74 = tpu.memref_squeeze %dma_start3A_73 : memref<1x1x125x64xf32, #tpu.memory_space<vmem>> -> memref<125x64xf32, #tpu.memory_space<vmem>>
      %dma_start3A_75 = arith.constant 0 : i32
      %dma_start3A_76 = tpu.memref_slice %arg6[%add3A_69, %dma_start3A_75] : memref<80x125xi32, #tpu.memory_space<vmem>> -> memref<1x125xi32, #tpu.memory_space<vmem>>
      %dma_start3A_77 = tpu.memref_squeeze %dma_start3A_76 : memref<1x125xi32, #tpu.memory_space<vmem>> -> memref<125xi32, #tpu.memory_space<vmem>>
      %dma_start3A_78 = arith.constant 0 : i32
      %dma_start3A_79 = arith.constant 0 : i32
      %dma_start3A_80 = tpu.memref_slice %arg2[%dma_start3A_78, %dma_start3A_79] : memref<10000x64xf32, #tpu.memory_space<hbm>> -> memref<10000x64xf32, #tpu.memory_space<hbm>>
      tpu.enqueue_indirect_dma source(%dma_start3A_80 : memref<10000x64xf32, #tpu.memory_space<hbm>>) target(%dma_start3A_74 : memref<125x64xf32, #tpu.memory_space<vmem>>) offsets(%dma_start3A_77 : memref<125xi32, #tpu.memory_space<vmem>>) semaphore(%arg11 : memref<!tpu.dma_semaphore, #tpu.memory_space<semaphore_mem>>)
      %mul3A_81 = arith.constant 4 : i32
      %mul3A_82 = arith.muli %mul3A_61, %mul3A_81 : i32
      %add3A_83 = arith.constant 1 : i32
      %add3A_84 = arith.addi %mul3A_82, %add3A_83 : i32
      %dma_start3A_85 = arith.constant 0 : i32
      %dma_start3A_86 = arith.constant 1 : i32
      %dma_start3A_87 = arith.constant 0 : i32
      %dma_start3A_88 = arith.constant 0 : i32
      %dma_start3A_89 = tpu.memref_slice %arg8[%dma_start3A_85, %dma_start3A_86, %dma_start3A_87, %dma_start3A_88] : memref<2x4x125x64xf32, #tpu.memory_space<vmem>> -> memref<1x1x125x64xf32, #tpu.memory_space<vmem>>
      %dma_start3A_90 = tpu.memref_squeeze %dma_start3A_89 : memref<1x1x125x64xf32, #tpu.memory_space<vmem>> -> memref<125x64xf32, #tpu.memory_space<vmem>>
      %dma_start3A_91 = arith.constant 0 : i32
      %dma_start3A_92 = tpu.memref_slice %arg6[%add3A_84, %dma_start3A_91] : memref<80x125xi32, #tpu.memory_space<vmem>> -> memref<1x125xi32, #tpu.memory_space<vmem>>
      %dma_start3A_93 = tpu.memref_squeeze %dma_start3A_92 : memref<1x125xi32, #tpu.memory_space<vmem>> -> memref<125xi32, #tpu.memory_space<vmem>>
      %dma_start3A_94 = arith.constant 0 : i32
      %dma_start3A_95 = arith.constant 0 : i32
      %dma_start3A_96 = tpu.memref_slice %arg2[%dma_start3A_94, %dma_start3A_95] : memref<10000x64xf32, #tpu.memory_space<hbm>> -> memref<10000x64xf32, #tpu.memory_space<hbm>>
      tpu.enqueue_indirect_dma source(%dma_start3A_96 : memref<10000x64xf32, #tpu.memory_space<hbm>>) target(%dma_start3A_90 : memref<125x64xf32, #tpu.memory_space<vmem>>) offsets(%dma_start3A_93 : memref<125xi32, #tpu.memory_space<vmem>>) semaphore(%arg11 : memref<!tpu.dma_semaphore, #tpu.memory_space<semaphore_mem>>)
      %mul3A_97 = arith.constant 4 : i32
      %mul3A_98 = arith.muli %mul3A_61, %mul3A_97 : i32
      %add3A_99 = arith.constant 2 : i32
      %add3A_100 = arith.addi %mul3A_98, %add3A_99 : i32
      %dma_start3A_101 = arith.constant 0 : i32
      %dma_start3A_102 = arith.constant 2 : i32
      %dma_start3A_103 = arith.constant 0 : i32
      %dma_start3A_104 = arith.constant 0 : i32
      %dma_start3A_105 = tpu.memref_slice %arg8[%dma_start3A_101, %dma_start3A_102, %dma_start3A_103, %dma_start3A_104] : memref<2x4x125x64xf32, #tpu.memory_space<vmem>> -> memref<1x1x125x64xf32, #tpu.memory_space<vmem>>
      %dma_start3A_106 = tpu.memref_squeeze %dma_start3A_105 : memref<1x1x125x64xf32, #tpu.memory_space<vmem>> -> memref<125x64xf32, #tpu.memory_space<vmem>>
      %dma_start3A_107 = arith.constant 0 : i32
      %dma_start3A_108 = tpu.memref_slice %arg6[%add3A_100, %dma_start3A_107] : memref<80x125xi32, #tpu.memory_space<vmem>> -> memref<1x125xi32, #tpu.memory_space<vmem>>
      %dma_start3A_109 = tpu.memref_squeeze %dma_start3A_108 : memref<1x125xi32, #tpu.memory_space<vmem>> -> memref<125xi32, #tpu.memory_space<vmem>>
      %dma_start3A_110 = arith.constant 0 : i32
      %dma_start3A_111 = arith.constant 0 : i32
      %dma_start3A_112 = tpu.memref_slice %arg2[%dma_start3A_110, %dma_start3A_111] : memref<10000x64xf32, #tpu.memory_space<hbm>> -> memref<10000x64xf32, #tpu.memory_space<hbm>>
      tpu.enqueue_indirect_dma source(%dma_start3A_112 : memref<10000x64xf32, #tpu.memory_space<hbm>>) target(%dma_start3A_106 : memref<125x64xf32, #tpu.memory_space<vmem>>) offsets(%dma_start3A_109 : memref<125xi32, #tpu.memory_space<vmem>>) semaphore(%arg11 : memref<!tpu.dma_semaphore, #tpu.memory_space<semaphore_mem>>)
      %mul3A_113 = arith.constant 4 : i32
      %mul3A_114 = arith.muli %mul3A_61, %mul3A_113 : i32
      %add3A_115 = arith.constant 3 : i32
      %add3A_116 = arith.addi %mul3A_114, %add3A_115 : i32
      %dma_start3A_117 = arith.constant 0 : i32
      %dma_start3A_118 = arith.constant 3 : i32
      %dma_start3A_119 = arith.constant 0 : i32
      %dma_start3A_120 = arith.constant 0 : i32
      %dma_start3A_121 = tpu.memref_slice %arg8[%dma_start3A_117, %dma_start3A_118, %dma_start3A_119, %dma_start3A_120] : memref<2x4x125x64xf32, #tpu.memory_space<vmem>> -> memref<1x1x125x64xf32, #tpu.memory_space<vmem>>
      %dma_start3A_122 = tpu.memref_squeeze %dma_start3A_121 : memref<1x1x125x64xf32, #tpu.memory_space<vmem>> -> memref<125x64xf32, #tpu.memory_space<vmem>>
      %dma_start3A_123 = arith.constant 0 : i32
      %dma_start3A_124 = tpu.memref_slice %arg6[%add3A_116, %dma_start3A_123] : memref<80x125xi32, #tpu.memory_space<vmem>> -> memref<1x125xi32, #tpu.memory_space<vmem>>
      %dma_start3A_125 = tpu.memref_squeeze %dma_start3A_124 : memref<1x125xi32, #tpu.memory_space<vmem>> -> memref<125xi32, #tpu.memory_space<vmem>>
      %dma_start3A_126 = arith.constant 0 : i32
      %dma_start3A_127 = arith.constant 0 : i32
      %dma_start3A_128 = tpu.memref_slice %arg2[%dma_start3A_126, %dma_start3A_127] : memref<10000x64xf32, #tpu.memory_space<hbm>> -> memref<10000x64xf32, #tpu.memory_space<hbm>>
      tpu.enqueue_indirect_dma source(%dma_start3A_128 : memref<10000x64xf32, #tpu.memory_space<hbm>>) target(%dma_start3A_122 : memref<125x64xf32, #tpu.memory_space<vmem>>) offsets(%dma_start3A_125 : memref<125xi32, #tpu.memory_space<vmem>>) semaphore(%arg11 : memref<!tpu.dma_semaphore, #tpu.memory_space<semaphore_mem>>)
      %dma_wait3A = arith.constant 0 : i32
      %dma_wait3A_129 = arith.constant 0 : i32
      %dma_wait3A_130 = arith.constant 0 : i32
      %dma_wait3A_131 = arith.constant 0 : i32
      %dma_wait3A_132 = tpu.memref_slice %arg8[%dma_wait3A, %dma_wait3A_129, %dma_wait3A_130, %dma_wait3A_131] : memref<2x4x125x64xf32, #tpu.memory_space<vmem>> -> memref<1x1x125x64xf32, #tpu.memory_space<vmem>>
      %dma_wait3A_133 = tpu.memref_squeeze %dma_wait3A_132 : memref<1x1x125x64xf32, #tpu.memory_space<vmem>> -> memref<125x64xf32, #tpu.memory_space<vmem>>
      %dma_wait3A_134 = arith.constant 0 : i32
      %dma_wait3A_135 = tpu.memref_slice %arg6[%add3A_69, %dma_wait3A_134] : memref<80x125xi32, #tpu.memory_space<vmem>> -> memref<1x125xi32, #tpu.memory_space<vmem>>
      %dma_wait3A_136 = tpu.memref_squeeze %dma_wait3A_135 : memref<1x125xi32, #tpu.memory_space<vmem>> -> memref<125xi32, #tpu.memory_space<vmem>>
      %dma_wait3A_137 = arith.constant 0 : i32
      %dma_wait3A_138 = arith.constant 0 : i32
      %dma_wait3A_139 = tpu.memref_slice %arg2[%dma_wait3A_137, %dma_wait3A_138] : memref<10000x64xf32, #tpu.memory_space<hbm>> -> memref<10000x64xf32, #tpu.memory_space<hbm>>
      tpu.wait_indirect_dma semaphore(%arg11 : memref<!tpu.dma_semaphore, #tpu.memory_space<semaphore_mem>>) src(%dma_wait3A_139 : memref<10000x64xf32, #tpu.memory_space<hbm>>) dst(%dma_wait3A_133 : memref<125x64xf32, #tpu.memory_space<vmem>>)
      %dma_wait3A_140 = arith.constant 0 : i32
      %dma_wait3A_141 = arith.constant 1 : i32
      %dma_wait3A_142 = arith.constant 0 : i32
      %dma_wait3A_143 = arith.constant 0 : i32
      %dma_wait3A_144 = tpu.memref_slice %arg8[%dma_wait3A_140, %dma_wait3A_141, %dma_wait3A_142, %dma_wait3A_143] : memref<2x4x125x64xf32, #tpu.memory_space<vmem>> -> memref<1x1x125x64xf32, #tpu.memory_space<vmem>>
      %dma_wait3A_145 = tpu.memref_squeeze %dma_wait3A_144 : memref<1x1x125x64xf32, #tpu.memory_space<vmem>> -> memref<125x64xf32, #tpu.memory_space<vmem>>
      %dma_wait3A_146 = arith.constant 0 : i32
      %dma_wait3A_147 = tpu.memref_slice %arg6[%add3A_84, %dma_wait3A_146] : memref<80x125xi32, #tpu.memory_space<vmem>> -> memref<1x125xi32, #tpu.memory_space<vmem>>
      %dma_wait3A_148 = tpu.memref_squeeze %dma_wait3A_147 : memref<1x125xi32, #tpu.memory_space<vmem>> -> memref<125xi32, #tpu.memory_space<vmem>>
      %dma_wait3A_149 = arith.constant 0 : i32
      %dma_wait3A_150 = arith.constant 0 : i32
      %dma_wait3A_151 = tpu.memref_slice %arg2[%dma_wait3A_149, %dma_wait3A_150] : memref<10000x64xf32, #tpu.memory_space<hbm>> -> memref<10000x64xf32, #tpu.memory_space<hbm>>
      tpu.wait_indirect_dma semaphore(%arg11 : memref<!tpu.dma_semaphore, #tpu.memory_space<semaphore_mem>>) src(%dma_wait3A_151 : memref<10000x64xf32, #tpu.memory_space<hbm>>) dst(%dma_wait3A_145 : memref<125x64xf32, #tpu.memory_space<vmem>>)
      %dma_wait3A_152 = arith.constant 0 : i32
      %dma_wait3A_153 = arith.constant 2 : i32
      %dma_wait3A_154 = arith.constant 0 : i32
      %dma_wait3A_155 = arith.constant 0 : i32
      %dma_wait3A_156 = tpu.memref_slice %arg8[%dma_wait3A_152, %dma_wait3A_153, %dma_wait3A_154, %dma_wait3A_155] : memref<2x4x125x64xf32, #tpu.memory_space<vmem>> -> memref<1x1x125x64xf32, #tpu.memory_space<vmem>>
      %dma_wait3A_157 = tpu.memref_squeeze %dma_wait3A_156 : memref<1x1x125x64xf32, #tpu.memory_space<vmem>> -> memref<125x64xf32, #tpu.memory_space<vmem>>
      %dma_wait3A_158 = arith.constant 0 : i32
      %dma_wait3A_159 = tpu.memref_slice %arg6[%add3A_100, %dma_wait3A_158] : memref<80x125xi32, #tpu.memory_space<vmem>> -> memref<1x125xi32, #tpu.memory_space<vmem>>
      %dma_wait3A_160 = tpu.memref_squeeze %dma_wait3A_159 : memref<1x125xi32, #tpu.memory_space<vmem>> -> memref<125xi32, #tpu.memory_space<vmem>>
      %dma_wait3A_161 = arith.constant 0 : i32
      %dma_wait3A_162 = arith.constant 0 : i32
      %dma_wait3A_163 = tpu.memref_slice %arg2[%dma_wait3A_161, %dma_wait3A_162] : memref<10000x64xf32, #tpu.memory_space<hbm>> -> memref<10000x64xf32, #tpu.memory_space<hbm>>
      tpu.wait_indirect_dma semaphore(%arg11 : memref<!tpu.dma_semaphore, #tpu.memory_space<semaphore_mem>>) src(%dma_wait3A_163 : memref<10000x64xf32, #tpu.memory_space<hbm>>) dst(%dma_wait3A_157 : memref<125x64xf32, #tpu.memory_space<vmem>>)
      %dma_wait3A_164 = arith.constant 0 : i32
      %dma_wait3A_165 = arith.constant 3 : i32
      %dma_wait3A_166 = arith.constant 0 : i32
      %dma_wait3A_167 = arith.constant 0 : i32
      %dma_wait3A_168 = tpu.memref_slice %arg8[%dma_wait3A_164, %dma_wait3A_165, %dma_wait3A_166, %dma_wait3A_167] : memref<2x4x125x64xf32, #tpu.memory_space<vmem>> -> memref<1x1x125x64xf32, #tpu.memory_space<vmem>>
      %dma_wait3A_169 = tpu.memref_squeeze %dma_wait3A_168 : memref<1x1x125x64xf32, #tpu.memory_space<vmem>> -> memref<125x64xf32, #tpu.memory_space<vmem>>
      %dma_wait3A_170 = arith.constant 0 : i32
      %dma_wait3A_171 = tpu.memref_slice %arg6[%add3A_116, %dma_wait3A_170] : memref<80x125xi32, #tpu.memory_space<vmem>> -> memref<1x125xi32, #tpu.memory_space<vmem>>
      %dma_wait3A_172 = tpu.memref_squeeze %dma_wait3A_171 : memref<1x125xi32, #tpu.memory_space<vmem>> -> memref<125xi32, #tpu.memory_space<vmem>>
      %dma_wait3A_173 = arith.constant 0 : i32
      %dma_wait3A_174 = arith.constant 0 : i32
      %dma_wait3A_175 = tpu.memref_slice %arg2[%dma_wait3A_173, %dma_wait3A_174] : memref<10000x64xf32, #tpu.memory_space<hbm>> -> memref<10000x64xf32, #tpu.memory_space<hbm>>
      tpu.wait_indirect_dma semaphore(%arg11 : memref<!tpu.dma_semaphore, #tpu.memory_space<semaphore_mem>>) src(%dma_wait3A_175 : memref<10000x64xf32, #tpu.memory_space<hbm>>) dst(%dma_wait3A_169 : memref<125x64xf32, #tpu.memory_space<vmem>>)
      %mul3A_176 = arith.constant 4 : i32
      %mul3A_177 = arith.muli %mul3A_61, %mul3A_176 : i32
      %add3A_178 = arith.constant 0 : i32
      %add3A_179 = arith.addi %mul3A_177, %add3A_178 : i32
      %dma_start3A_180 = arith.constant 0 : i32
      %dma_start3A_181 = arith.constant 0 : i32
      %dma_start3A_182 = arith.constant 0 : i32
      %dma_start3A_183 = arith.constant 0 : i32
      %dma_start3A_184 = tpu.memref_slice %arg8[%dma_start3A_180, %dma_start3A_181, %dma_start3A_182, %dma_start3A_183] : memref<2x4x125x64xf32, #tpu.memory_space<vmem>> -> memref<1x1x125x64xf32, #tpu.memory_space<vmem>>
      %dma_start3A_185 = tpu.memref_squeeze %dma_start3A_184 : memref<1x1x125x64xf32, #tpu.memory_space<vmem>> -> memref<125x64xf32, #tpu.memory_space<vmem>>
      %dma_start3A_186 = arith.constant 0 : i32
      %dma_start3A_187 = tpu.memref_slice %arg7[%add3A_179, %dma_start3A_186] : memref<80x125xi32, #tpu.memory_space<vmem>> -> memref<1x125xi32, #tpu.memory_space<vmem>>
      %dma_start3A_188 = tpu.memref_squeeze %dma_start3A_187 : memref<1x125xi32, #tpu.memory_space<vmem>> -> memref<125xi32, #tpu.memory_space<vmem>>
      %dma_start3A_189 = arith.constant 0 : i32
      %dma_start3A_190 = arith.constant 0 : i32
      %dma_start3A_191 = tpu.memref_slice %arg10[%dma_start3A_189, %dma_start3A_190] : memref<10240x64xf32, #tpu.memory_space<vmem_shared>> -> memref<10240x64xf32, #tpu.memory_space<vmem_shared>>
      tpu.enqueue_indirect_dma source(%dma_start3A_185 : memref<125x64xf32, #tpu.memory_space<vmem>>) target(%dma_start3A_191 : memref<10240x64xf32, #tpu.memory_space<vmem_shared>>) offsets(%dma_start3A_188 : memref<125xi32, #tpu.memory_space<vmem>>) semaphore(%arg13 : memref<!tpu.dma_semaphore, #tpu.memory_space<semaphore_mem>>) {add = true}
      %mul3A_192 = arith.constant 4 : i32
      %mul3A_193 = arith.muli %mul3A_61, %mul3A_192 : i32
      %add3A_194 = arith.constant 1 : i32
      %add3A_195 = arith.addi %mul3A_193, %add3A_194 : i32
      %dma_start3A_196 = arith.constant 0 : i32
      %dma_start3A_197 = arith.constant 1 : i32
      %dma_start3A_198 = arith.constant 0 : i32
      %dma_start3A_199 = arith.constant 0 : i32
      %dma_start3A_200 = tpu.memref_slice %arg8[%dma_start3A_196, %dma_start3A_197, %dma_start3A_198, %dma_start3A_199] : memref<2x4x125x64xf32, #tpu.memory_space<vmem>> -> memref<1x1x125x64xf32, #tpu.memory_space<vmem>>
      %dma_start3A_201 = tpu.memref_squeeze %dma_start3A_200 : memref<1x1x125x64xf32, #tpu.memory_space<vmem>> -> memref<125x64xf32, #tpu.memory_space<vmem>>
      %dma_start3A_202 = arith.constant 0 : i32
      %dma_start3A_203 = tpu.memref_slice %arg7[%add3A_195, %dma_start3A_202] : memref<80x125xi32, #tpu.memory_space<vmem>> -> memref<1x125xi32, #tpu.memory_space<vmem>>
      %dma_start3A_204 = tpu.memref_squeeze %dma_start3A_203 : memref<1x125xi32, #tpu.memory_space<vmem>> -> memref<125xi32, #tpu.memory_space<vmem>>
      %dma_start3A_205 = arith.constant 0 : i32
      %dma_start3A_206 = arith.constant 0 : i32
      %dma_start3A_207 = tpu.memref_slice %arg10[%dma_start3A_205, %dma_start3A_206] : memref<10240x64xf32, #tpu.memory_space<vmem_shared>> -> memref<10240x64xf32, #tpu.memory_space<vmem_shared>>
      tpu.enqueue_indirect_dma source(%dma_start3A_201 : memref<125x64xf32, #tpu.memory_space<vmem>>) target(%dma_start3A_207 : memref<10240x64xf32, #tpu.memory_space<vmem_shared>>) offsets(%dma_start3A_204 : memref<125xi32, #tpu.memory_space<vmem>>) semaphore(%arg13 : memref<!tpu.dma_semaphore, #tpu.memory_space<semaphore_mem>>) {add = true}
      %mul3A_208 = arith.constant 4 : i32
      %mul3A_209 = arith.muli %mul3A_61, %mul3A_208 : i32
      %add3A_210 = arith.constant 2 : i32
      %add3A_211 = arith.addi %mul3A_209, %add3A_210 : i32
      %dma_start3A_212 = arith.constant 0 : i32
      %dma_start3A_213 = arith.constant 2 : i32
      %dma_start3A_214 = arith.constant 0 : i32
      %dma_start3A_215 = arith.constant 0 : i32
      %dma_start3A_216 = tpu.memref_slice %arg8[%dma_start3A_212, %dma_start3A_213, %dma_start3A_214, %dma_start3A_215] : memref<2x4x125x64xf32, #tpu.memory_space<vmem>> -> memref<1x1x125x64xf32, #tpu.memory_space<vmem>>
      %dma_start3A_217 = tpu.memref_squeeze %dma_start3A_216 : memref<1x1x125x64xf32, #tpu.memory_space<vmem>> -> memref<125x64xf32, #tpu.memory_space<vmem>>
      %dma_start3A_218 = arith.constant 0 : i32
      %dma_start3A_219 = tpu.memref_slice %arg7[%add3A_211, %dma_start3A_218] : memref<80x125xi32, #tpu.memory_space<vmem>> -> memref<1x125xi32, #tpu.memory_space<vmem>>
      %dma_start3A_220 = tpu.memref_squeeze %dma_start3A_219 : memref<1x125xi32, #tpu.memory_space<vmem>> -> memref<125xi32, #tpu.memory_space<vmem>>
      %dma_start3A_221 = arith.constant 0 : i32
      %dma_start3A_222 = arith.constant 0 : i32
      %dma_start3A_223 = tpu.memref_slice %arg10[%dma_start3A_221, %dma_start3A_222] : memref<10240x64xf32, #tpu.memory_space<vmem_shared>> -> memref<10240x64xf32, #tpu.memory_space<vmem_shared>>
      tpu.enqueue_indirect_dma source(%dma_start3A_217 : memref<125x64xf32, #tpu.memory_space<vmem>>) target(%dma_start3A_223 : memref<10240x64xf32, #tpu.memory_space<vmem_shared>>) offsets(%dma_start3A_220 : memref<125xi32, #tpu.memory_space<vmem>>) semaphore(%arg13 : memref<!tpu.dma_semaphore, #tpu.memory_space<semaphore_mem>>) {add = true}
      %mul3A_224 = arith.constant 4 : i32
      %mul3A_225 = arith.muli %mul3A_61, %mul3A_224 : i32
      %add3A_226 = arith.constant 3 : i32
      %add3A_227 = arith.addi %mul3A_225, %add3A_226 : i32
      %dma_start3A_228 = arith.constant 0 : i32
      %dma_start3A_229 = arith.constant 3 : i32
      %dma_start3A_230 = arith.constant 0 : i32
      %dma_start3A_231 = arith.constant 0 : i32
      %dma_start3A_232 = tpu.memref_slice %arg8[%dma_start3A_228, %dma_start3A_229, %dma_start3A_230, %dma_start3A_231] : memref<2x4x125x64xf32, #tpu.memory_space<vmem>> -> memref<1x1x125x64xf32, #tpu.memory_space<vmem>>
      %dma_start3A_233 = tpu.memref_squeeze %dma_start3A_232 : memref<1x1x125x64xf32, #tpu.memory_space<vmem>> -> memref<125x64xf32, #tpu.memory_space<vmem>>
      %dma_start3A_234 = arith.constant 0 : i32
      %dma_start3A_235 = tpu.memref_slice %arg7[%add3A_227, %dma_start3A_234] : memref<80x125xi32, #tpu.memory_space<vmem>> -> memref<1x125xi32, #tpu.memory_space<vmem>>
      %dma_start3A_236 = tpu.memref_squeeze %dma_start3A_235 : memref<1x125xi32, #tpu.memory_space<vmem>> -> memref<125xi32, #tpu.memory_space<vmem>>
      %dma_start3A_237 = arith.constant 0 : i32
      %dma_start3A_238 = arith.constant 0 : i32
      %dma_start3A_239 = tpu.memref_slice %arg10[%dma_start3A_237, %dma_start3A_238] : memref<10240x64xf32, #tpu.memory_space<vmem_shared>> -> memref<10240x64xf32, #tpu.memory_space<vmem_shared>>
      tpu.enqueue_indirect_dma source(%dma_start3A_233 : memref<125x64xf32, #tpu.memory_space<vmem>>) target(%dma_start3A_239 : memref<10240x64xf32, #tpu.memory_space<vmem_shared>>) offsets(%dma_start3A_236 : memref<125xi32, #tpu.memory_space<vmem>>) semaphore(%arg13 : memref<!tpu.dma_semaphore, #tpu.memory_space<semaphore_mem>>) {add = true}
      %mul3A_240 = arith.constant 4 : i32
      %mul3A_241 = arith.muli %add3A_65, %mul3A_240 : i32
      %add3A_242 = arith.constant 0 : i32
      %add3A_243 = arith.addi %mul3A_241, %add3A_242 : i32
      %dma_start3A_244 = arith.constant 1 : i32
      %dma_start3A_245 = arith.constant 0 : i32
      %dma_start3A_246 = arith.constant 0 : i32
      %dma_start3A_247 = arith.constant 0 : i32
      %dma_start3A_248 = tpu.memref_slice %arg8[%dma_start3A_244, %dma_start3A_245, %dma_start3A_246, %dma_start3A_247] : memref<2x4x125x64xf32, #tpu.memory_space<vmem>> -> memref<1x1x125x64xf32, #tpu.memory_space<vmem>>
      %dma_start3A_249 = tpu.memref_squeeze %dma_start3A_248 : memref<1x1x125x64xf32, #tpu.memory_space<vmem>> -> memref<125x64xf32, #tpu.memory_space<vmem>>
      %dma_start3A_250 = arith.constant 0 : i32
      %dma_start3A_251 = tpu.memref_slice %arg6[%add3A_243, %dma_start3A_250] : memref<80x125xi32, #tpu.memory_space<vmem>> -> memref<1x125xi32, #tpu.memory_space<vmem>>
      %dma_start3A_252 = tpu.memref_squeeze %dma_start3A_251 : memref<1x125xi32, #tpu.memory_space<vmem>> -> memref<125xi32, #tpu.memory_space<vmem>>
      %dma_start3A_253 = arith.constant 0 : i32
      %dma_start3A_254 = arith.constant 0 : i32
      %dma_start3A_255 = tpu.memref_slice %arg2[%dma_start3A_253, %dma_start3A_254] : memref<10000x64xf32, #tpu.memory_space<hbm>> -> memref<10000x64xf32, #tpu.memory_space<hbm>>
      tpu.enqueue_indirect_dma source(%dma_start3A_255 : memref<10000x64xf32, #tpu.memory_space<hbm>>) target(%dma_start3A_249 : memref<125x64xf32, #tpu.memory_space<vmem>>) offsets(%dma_start3A_252 : memref<125xi32, #tpu.memory_space<vmem>>) semaphore(%arg12 : memref<!tpu.dma_semaphore, #tpu.memory_space<semaphore_mem>>)
      %mul3A_256 = arith.constant 4 : i32
      %mul3A_257 = arith.muli %add3A_65, %mul3A_256 : i32
      %add3A_258 = arith.constant 1 : i32
      %add3A_259 = arith.addi %mul3A_257, %add3A_258 : i32
      %dma_start3A_260 = arith.constant 1 : i32
      %dma_start3A_261 = arith.constant 1 : i32
      %dma_start3A_262 = arith.constant 0 : i32
      %dma_start3A_263 = arith.constant 0 : i32
      %dma_start3A_264 = tpu.memref_slice %arg8[%dma_start3A_260, %dma_start3A_261, %dma_start3A_262, %dma_start3A_263] : memref<2x4x125x64xf32, #tpu.memory_space<vmem>> -> memref<1x1x125x64xf32, #tpu.memory_space<vmem>>
      %dma_start3A_265 = tpu.memref_squeeze %dma_start3A_264 : memref<1x1x125x64xf32, #tpu.memory_space<vmem>> -> memref<125x64xf32, #tpu.memory_space<vmem>>
      %dma_start3A_266 = arith.constant 0 : i32
      %dma_start3A_267 = tpu.memref_slice %arg6[%add3A_259, %dma_start3A_266] : memref<80x125xi32, #tpu.memory_space<vmem>> -> memref<1x125xi32, #tpu.memory_space<vmem>>
      %dma_start3A_268 = tpu.memref_squeeze %dma_start3A_267 : memref<1x125xi32, #tpu.memory_space<vmem>> -> memref<125xi32, #tpu.memory_space<vmem>>
      %dma_start3A_269 = arith.constant 0 : i32
      %dma_start3A_270 = arith.constant 0 : i32
      %dma_start3A_271 = tpu.memref_slice %arg2[%dma_start3A_269, %dma_start3A_270] : memref<10000x64xf32, #tpu.memory_space<hbm>> -> memref<10000x64xf32, #tpu.memory_space<hbm>>
      tpu.enqueue_indirect_dma source(%dma_start3A_271 : memref<10000x64xf32, #tpu.memory_space<hbm>>) target(%dma_start3A_265 : memref<125x64xf32, #tpu.memory_space<vmem>>) offsets(%dma_start3A_268 : memref<125xi32, #tpu.memory_space<vmem>>) semaphore(%arg12 : memref<!tpu.dma_semaphore, #tpu.memory_space<semaphore_mem>>)
      %mul3A_272 = arith.constant 4 : i32
      %mul3A_273 = arith.muli %add3A_65, %mul3A_272 : i32
      %add3A_274 = arith.constant 2 : i32
      %add3A_275 = arith.addi %mul3A_273, %add3A_274 : i32
      %dma_start3A_276 = arith.constant 1 : i32
      %dma_start3A_277 = arith.constant 2 : i32
      %dma_start3A_278 = arith.constant 0 : i32
      %dma_start3A_279 = arith.constant 0 : i32
      %dma_start3A_280 = tpu.memref_slice %arg8[%dma_start3A_276, %dma_start3A_277, %dma_start3A_278, %dma_start3A_279] : memref<2x4x125x64xf32, #tpu.memory_space<vmem>> -> memref<1x1x125x64xf32, #tpu.memory_space<vmem>>
      %dma_start3A_281 = tpu.memref_squeeze %dma_start3A_280 : memref<1x1x125x64xf32, #tpu.memory_space<vmem>> -> memref<125x64xf32, #tpu.memory_space<vmem>>
      %dma_start3A_282 = arith.constant 0 : i32
      %dma_start3A_283 = tpu.memref_slice %arg6[%add3A_275, %dma_start3A_282] : memref<80x125xi32, #tpu.memory_space<vmem>> -> memref<1x125xi32, #tpu.memory_space<vmem>>
      %dma_start3A_284 = tpu.memref_squeeze %dma_start3A_283 : memref<1x125xi32, #tpu.memory_space<vmem>> -> memref<125xi32, #tpu.memory_space<vmem>>
      %dma_start3A_285 = arith.constant 0 : i32
      %dma_start3A_286 = arith.constant 0 : i32
      %dma_start3A_287 = tpu.memref_slice %arg2[%dma_start3A_285, %dma_start3A_286] : memref<10000x64xf32, #tpu.memory_space<hbm>> -> memref<10000x64xf32, #tpu.memory_space<hbm>>
      tpu.enqueue_indirect_dma source(%dma_start3A_287 : memref<10000x64xf32, #tpu.memory_space<hbm>>) target(%dma_start3A_281 : memref<125x64xf32, #tpu.memory_space<vmem>>) offsets(%dma_start3A_284 : memref<125xi32, #tpu.memory_space<vmem>>) semaphore(%arg12 : memref<!tpu.dma_semaphore, #tpu.memory_space<semaphore_mem>>)
      %mul3A_288 = arith.constant 4 : i32
      %mul3A_289 = arith.muli %add3A_65, %mul3A_288 : i32
      %add3A_290 = arith.constant 3 : i32
      %add3A_291 = arith.addi %mul3A_289, %add3A_290 : i32
      %dma_start3A_292 = arith.constant 1 : i32
      %dma_start3A_293 = arith.constant 3 : i32
      %dma_start3A_294 = arith.constant 0 : i32
      %dma_start3A_295 = arith.constant 0 : i32
      %dma_start3A_296 = tpu.memref_slice %arg8[%dma_start3A_292, %dma_start3A_293, %dma_start3A_294, %dma_start3A_295] : memref<2x4x125x64xf32, #tpu.memory_space<vmem>> -> memref<1x1x125x64xf32, #tpu.memory_space<vmem>>
      %dma_start3A_297 = tpu.memref_squeeze %dma_start3A_296 : memref<1x1x125x64xf32, #tpu.memory_space<vmem>> -> memref<125x64xf32, #tpu.memory_space<vmem>>
      %dma_start3A_298 = arith.constant 0 : i32
      %dma_start3A_299 = tpu.memref_slice %arg6[%add3A_291, %dma_start3A_298] : memref<80x125xi32, #tpu.memory_space<vmem>> -> memref<1x125xi32, #tpu.memory_space<vmem>>
      %dma_start3A_300 = tpu.memref_squeeze %dma_start3A_299 : memref<1x125xi32, #tpu.memory_space<vmem>> -> memref<125xi32, #tpu.memory_space<vmem>>
      %dma_start3A_301 = arith.constant 0 : i32
      %dma_start3A_302 = arith.constant 0 : i32
      %dma_start3A_303 = tpu.memref_slice %arg2[%dma_start3A_301, %dma_start3A_302] : memref<10000x64xf32, #tpu.memory_space<hbm>> -> memref<10000x64xf32, #tpu.memory_space<hbm>>
      tpu.enqueue_indirect_dma source(%dma_start3A_303 : memref<10000x64xf32, #tpu.memory_space<hbm>>) target(%dma_start3A_297 : memref<125x64xf32, #tpu.memory_space<vmem>>) offsets(%dma_start3A_300 : memref<125xi32, #tpu.memory_space<vmem>>) semaphore(%arg12 : memref<!tpu.dma_semaphore, #tpu.memory_space<semaphore_mem>>)
      %dma_wait3A_304 = arith.constant 1 : i32
      %dma_wait3A_305 = arith.constant 0 : i32
      %dma_wait3A_306 = arith.constant 0 : i32
      %dma_wait3A_307 = arith.constant 0 : i32
      %dma_wait3A_308 = tpu.memref_slice %arg8[%dma_wait3A_304, %dma_wait3A_305, %dma_wait3A_306, %dma_wait3A_307] : memref<2x4x125x64xf32, #tpu.memory_space<vmem>> -> memref<1x1x125x64xf32, #tpu.memory_space<vmem>>
      %dma_wait3A_309 = tpu.memref_squeeze %dma_wait3A_308 : memref<1x1x125x64xf32, #tpu.memory_space<vmem>> -> memref<125x64xf32, #tpu.memory_space<vmem>>
      %dma_wait3A_310 = arith.constant 0 : i32
      %dma_wait3A_311 = tpu.memref_slice %arg6[%add3A_243, %dma_wait3A_310] : memref<80x125xi32, #tpu.memory_space<vmem>> -> memref<1x125xi32, #tpu.memory_space<vmem>>
      %dma_wait3A_312 = tpu.memref_squeeze %dma_wait3A_311 : memref<1x125xi32, #tpu.memory_space<vmem>> -> memref<125xi32, #tpu.memory_space<vmem>>
      %dma_wait3A_313 = arith.constant 0 : i32
      %dma_wait3A_314 = arith.constant 0 : i32
      %dma_wait3A_315 = tpu.memref_slice %arg2[%dma_wait3A_313, %dma_wait3A_314] : memref<10000x64xf32, #tpu.memory_space<hbm>> -> memref<10000x64xf32, #tpu.memory_space<hbm>>
      tpu.wait_indirect_dma semaphore(%arg12 : memref<!tpu.dma_semaphore, #tpu.memory_space<semaphore_mem>>) src(%dma_wait3A_315 : memref<10000x64xf32, #tpu.memory_space<hbm>>) dst(%dma_wait3A_309 : memref<125x64xf32, #tpu.memory_space<vmem>>)
      %dma_wait3A_316 = arith.constant 1 : i32
      %dma_wait3A_317 = arith.constant 1 : i32
      %dma_wait3A_318 = arith.constant 0 : i32
      %dma_wait3A_319 = arith.constant 0 : i32
      %dma_wait3A_320 = tpu.memref_slice %arg8[%dma_wait3A_316, %dma_wait3A_317, %dma_wait3A_318, %dma_wait3A_319] : memref<2x4x125x64xf32, #tpu.memory_space<vmem>> -> memref<1x1x125x64xf32, #tpu.memory_space<vmem>>
      %dma_wait3A_321 = tpu.memref_squeeze %dma_wait3A_320 : memref<1x1x125x64xf32, #tpu.memory_space<vmem>> -> memref<125x64xf32, #tpu.memory_space<vmem>>
      %dma_wait3A_322 = arith.constant 0 : i32
      %dma_wait3A_323 = tpu.memref_slice %arg6[%add3A_259, %dma_wait3A_322] : memref<80x125xi32, #tpu.memory_space<vmem>> -> memref<1x125xi32, #tpu.memory_space<vmem>>
      %dma_wait3A_324 = tpu.memref_squeeze %dma_wait3A_323 : memref<1x125xi32, #tpu.memory_space<vmem>> -> memref<125xi32, #tpu.memory_space<vmem>>
      %dma_wait3A_325 = arith.constant 0 : i32
      %dma_wait3A_326 = arith.constant 0 : i32
      %dma_wait3A_327 = tpu.memref_slice %arg2[%dma_wait3A_325, %dma_wait3A_326] : memref<10000x64xf32, #tpu.memory_space<hbm>> -> memref<10000x64xf32, #tpu.memory_space<hbm>>
      tpu.wait_indirect_dma semaphore(%arg12 : memref<!tpu.dma_semaphore, #tpu.memory_space<semaphore_mem>>) src(%dma_wait3A_327 : memref<10000x64xf32, #tpu.memory_space<hbm>>) dst(%dma_wait3A_321 : memref<125x64xf32, #tpu.memory_space<vmem>>)
      %dma_wait3A_328 = arith.constant 1 : i32
      %dma_wait3A_329 = arith.constant 2 : i32
      %dma_wait3A_330 = arith.constant 0 : i32
      %dma_wait3A_331 = arith.constant 0 : i32
      %dma_wait3A_332 = tpu.memref_slice %arg8[%dma_wait3A_328, %dma_wait3A_329, %dma_wait3A_330, %dma_wait3A_331] : memref<2x4x125x64xf32, #tpu.memory_space<vmem>> -> memref<1x1x125x64xf32, #tpu.memory_space<vmem>>
      %dma_wait3A_333 = tpu.memref_squeeze %dma_wait3A_332 : memref<1x1x125x64xf32, #tpu.memory_space<vmem>> -> memref<125x64xf32, #tpu.memory_space<vmem>>
      %dma_wait3A_334 = arith.constant 0 : i32
      %dma_wait3A_335 = tpu.memref_slice %arg6[%add3A_275, %dma_wait3A_334] : memref<80x125xi32, #tpu.memory_space<vmem>> -> memref<1x125xi32, #tpu.memory_space<vmem>>
      %dma_wait3A_336 = tpu.memref_squeeze %dma_wait3A_335 : memref<1x125xi32, #tpu.memory_space<vmem>> -> memref<125xi32, #tpu.memory_space<vmem>>
      %dma_wait3A_337 = arith.constant 0 : i32
      %dma_wait3A_338 = arith.constant 0 : i32
      %dma_wait3A_339 = tpu.memref_slice %arg2[%dma_wait3A_337, %dma_wait3A_338] : memref<10000x64xf32, #tpu.memory_space<hbm>> -> memref<10000x64xf32, #tpu.memory_space<hbm>>
      tpu.wait_indirect_dma semaphore(%arg12 : memref<!tpu.dma_semaphore, #tpu.memory_space<semaphore_mem>>) src(%dma_wait3A_339 : memref<10000x64xf32, #tpu.memory_space<hbm>>) dst(%dma_wait3A_333 : memref<125x64xf32, #tpu.memory_space<vmem>>)
      %dma_wait3A_340 = arith.constant 1 : i32
      %dma_wait3A_341 = arith.constant 3 : i32
      %dma_wait3A_342 = arith.constant 0 : i32
      %dma_wait3A_343 = arith.constant 0 : i32
      %dma_wait3A_344 = tpu.memref_slice %arg8[%dma_wait3A_340, %dma_wait3A_341, %dma_wait3A_342, %dma_wait3A_343] : memref<2x4x125x64xf32, #tpu.memory_space<vmem>> -> memref<1x1x125x64xf32, #tpu.memory_space<vmem>>
      %dma_wait3A_345 = tpu.memref_squeeze %dma_wait3A_344 : memref<1x1x125x64xf32, #tpu.memory_space<vmem>> -> memref<125x64xf32, #tpu.memory_space<vmem>>
      %dma_wait3A_346 = arith.constant 0 : i32
      %dma_wait3A_347 = tpu.memref_slice %arg6[%add3A_291, %dma_wait3A_346] : memref<80x125xi32, #tpu.memory_space<vmem>> -> memref<1x125xi32, #tpu.memory_space<vmem>>
      %dma_wait3A_348 = tpu.memref_squeeze %dma_wait3A_347 : memref<1x125xi32, #tpu.memory_space<vmem>> -> memref<125xi32, #tpu.memory_space<vmem>>
      %dma_wait3A_349 = arith.constant 0 : i32
      %dma_wait3A_350 = arith.constant 0 : i32
      %dma_wait3A_351 = tpu.memref_slice %arg2[%dma_wait3A_349, %dma_wait3A_350] : memref<10000x64xf32, #tpu.memory_space<hbm>> -> memref<10000x64xf32, #tpu.memory_space<hbm>>
      tpu.wait_indirect_dma semaphore(%arg12 : memref<!tpu.dma_semaphore, #tpu.memory_space<semaphore_mem>>) src(%dma_wait3A_351 : memref<10000x64xf32, #tpu.memory_space<hbm>>) dst(%dma_wait3A_345 : memref<125x64xf32, #tpu.memory_space<vmem>>)
      %dma_wait3A_352 = arith.constant 0 : i32
      %dma_wait3A_353 = arith.constant 0 : i32
      %dma_wait3A_354 = arith.constant 0 : i32
      %dma_wait3A_355 = arith.constant 0 : i32
      %dma_wait3A_356 = tpu.memref_slice %arg8[%dma_wait3A_352, %dma_wait3A_353, %dma_wait3A_354, %dma_wait3A_355] : memref<2x4x125x64xf32, #tpu.memory_space<vmem>> -> memref<1x1x125x64xf32, #tpu.memory_space<vmem>>
      %dma_wait3A_357 = tpu.memref_squeeze %dma_wait3A_356 : memref<1x1x125x64xf32, #tpu.memory_space<vmem>> -> memref<125x64xf32, #tpu.memory_space<vmem>>
      %dma_wait3A_358 = arith.constant 0 : i32
      %dma_wait3A_359 = tpu.memref_slice %arg7[%add3A_179, %dma_wait3A_358] : memref<80x125xi32, #tpu.memory_space<vmem>> -> memref<1x125xi32, #tpu.memory_space<vmem>>
      %dma_wait3A_360 = tpu.memref_squeeze %dma_wait3A_359 : memref<1x125xi32, #tpu.memory_space<vmem>> -> memref<125xi32, #tpu.memory_space<vmem>>
      %dma_wait3A_361 = arith.constant 0 : i32
      %dma_wait3A_362 = arith.constant 0 : i32
      %dma_wait3A_363 = tpu.memref_slice %arg10[%dma_wait3A_361, %dma_wait3A_362] : memref<10240x64xf32, #tpu.memory_space<vmem_shared>> -> memref<10240x64xf32, #tpu.memory_space<vmem_shared>>
      tpu.wait_indirect_dma semaphore(%arg13 : memref<!tpu.dma_semaphore, #tpu.memory_space<semaphore_mem>>) src(%dma_wait3A_357 : memref<125x64xf32, #tpu.memory_space<vmem>>) dst(%dma_wait3A_363 : memref<10240x64xf32, #tpu.memory_space<vmem_shared>>)
      %dma_wait3A_364 = arith.constant 0 : i32
      %dma_wait3A_365 = arith.constant 1 : i32
      %dma_wait3A_366 = arith.constant 0 : i32
      %dma_wait3A_367 = arith.constant 0 : i32
      %dma_wait3A_368 = tpu.memref_slice %arg8[%dma_wait3A_364, %dma_wait3A_365, %dma_wait3A_366, %dma_wait3A_367] : memref<2x4x125x64xf32, #tpu.memory_space<vmem>> -> memref<1x1x125x64xf32, #tpu.memory_space<vmem>>
      %dma_wait3A_369 = tpu.memref_squeeze %dma_wait3A_368 : memref<1x1x125x64xf32, #tpu.memory_space<vmem>> -> memref<125x64xf32, #tpu.memory_space<vmem>>
      %dma_wait3A_370 = arith.constant 0 : i32
      %dma_wait3A_371 = tpu.memref_slice %arg7[%add3A_195, %dma_wait3A_370] : memref<80x125xi32, #tpu.memory_space<vmem>> -> memref<1x125xi32, #tpu.memory_space<vmem>>
      %dma_wait3A_372 = tpu.memref_squeeze %dma_wait3A_371 : memref<1x125xi32, #tpu.memory_space<vmem>> -> memref<125xi32, #tpu.memory_space<vmem>>
      %dma_wait3A_373 = arith.constant 0 : i32
      %dma_wait3A_374 = arith.constant 0 : i32
      %dma_wait3A_375 = tpu.memref_slice %arg10[%dma_wait3A_373, %dma_wait3A_374] : memref<10240x64xf32, #tpu.memory_space<vmem_shared>> -> memref<10240x64xf32, #tpu.memory_space<vmem_shared>>
      tpu.wait_indirect_dma semaphore(%arg13 : memref<!tpu.dma_semaphore, #tpu.memory_space<semaphore_mem>>) src(%dma_wait3A_369 : memref<125x64xf32, #tpu.memory_space<vmem>>) dst(%dma_wait3A_375 : memref<10240x64xf32, #tpu.memory_space<vmem_shared>>)
      %dma_wait3A_376 = arith.constant 0 : i32
      %dma_wait3A_377 = arith.constant 2 : i32
      %dma_wait3A_378 = arith.constant 0 : i32
      %dma_wait3A_379 = arith.constant 0 : i32
      %dma_wait3A_380 = tpu.memref_slice %arg8[%dma_wait3A_376, %dma_wait3A_377, %dma_wait3A_378, %dma_wait3A_379] : memref<2x4x125x64xf32, #tpu.memory_space<vmem>> -> memref<1x1x125x64xf32, #tpu.memory_space<vmem>>
      %dma_wait3A_381 = tpu.memref_squeeze %dma_wait3A_380 : memref<1x1x125x64xf32, #tpu.memory_space<vmem>> -> memref<125x64xf32, #tpu.memory_space<vmem>>
      %dma_wait3A_382 = arith.constant 0 : i32
      %dma_wait3A_383 = tpu.memref_slice %arg7[%add3A_211, %dma_wait3A_382] : memref<80x125xi32, #tpu.memory_space<vmem>> -> memref<1x125xi32, #tpu.memory_space<vmem>>
      %dma_wait3A_384 = tpu.memref_squeeze %dma_wait3A_383 : memref<1x125xi32, #tpu.memory_space<vmem>> -> memref<125xi32, #tpu.memory_space<vmem>>
      %dma_wait3A_385 = arith.constant 0 : i32
      %dma_wait3A_386 = arith.constant 0 : i32
      %dma_wait3A_387 = tpu.memref_slice %arg10[%dma_wait3A_385, %dma_wait3A_386] : memref<10240x64xf32, #tpu.memory_space<vmem_shared>> -> memref<10240x64xf32, #tpu.memory_space<vmem_shared>>
      tpu.wait_indirect_dma semaphore(%arg13 : memref<!tpu.dma_semaphore, #tpu.memory_space<semaphore_mem>>) src(%dma_wait3A_381 : memref<125x64xf32, #tpu.memory_space<vmem>>) dst(%dma_wait3A_387 : memref<10240x64xf32, #tpu.memory_space<vmem_shared>>)
      %dma_wait3A_388 = arith.constant 0 : i32
      %dma_wait3A_389 = arith.constant 3 : i32
      %dma_wait3A_390 = arith.constant 0 : i32
      %dma_wait3A_391 = arith.constant 0 : i32
      %dma_wait3A_392 = tpu.memref_slice %arg8[%dma_wait3A_388, %dma_wait3A_389, %dma_wait3A_390, %dma_wait3A_391] : memref<2x4x125x64xf32, #tpu.memory_space<vmem>> -> memref<1x1x125x64xf32, #tpu.memory_space<vmem>>
      %dma_wait3A_393 = tpu.memref_squeeze %dma_wait3A_392 : memref<1x1x125x64xf32, #tpu.memory_space<vmem>> -> memref<125x64xf32, #tpu.memory_space<vmem>>
      %dma_wait3A_394 = arith.constant 0 : i32
      %dma_wait3A_395 = tpu.memref_slice %arg7[%add3A_227, %dma_wait3A_394] : memref<80x125xi32, #tpu.memory_space<vmem>> -> memref<1x125xi32, #tpu.memory_space<vmem>>
      %dma_wait3A_396 = tpu.memref_squeeze %dma_wait3A_395 : memref<1x125xi32, #tpu.memory_space<vmem>> -> memref<125xi32, #tpu.memory_space<vmem>>
      %dma_wait3A_397 = arith.constant 0 : i32
      %dma_wait3A_398 = arith.constant 0 : i32
      %dma_wait3A_399 = tpu.memref_slice %arg10[%dma_wait3A_397, %dma_wait3A_398] : memref<10240x64xf32, #tpu.memory_space<vmem_shared>> -> memref<10240x64xf32, #tpu.memory_space<vmem_shared>>
      tpu.wait_indirect_dma semaphore(%arg13 : memref<!tpu.dma_semaphore, #tpu.memory_space<semaphore_mem>>) src(%dma_wait3A_393 : memref<125x64xf32, #tpu.memory_space<vmem>>) dst(%dma_wait3A_399 : memref<10240x64xf32, #tpu.memory_space<vmem_shared>>)
      %mul3A_400 = arith.constant 4 : i32
      %mul3A_401 = arith.muli %add3A_65, %mul3A_400 : i32
      %add3A_402 = arith.constant 0 : i32
      %add3A_403 = arith.addi %mul3A_401, %add3A_402 : i32
      %dma_start3A_404 = arith.constant 1 : i32
      %dma_start3A_405 = arith.constant 0 : i32
      %dma_start3A_406 = arith.constant 0 : i32
      %dma_start3A_407 = arith.constant 0 : i32
      %dma_start3A_408 = tpu.memref_slice %arg8[%dma_start3A_404, %dma_start3A_405, %dma_start3A_406, %dma_start3A_407] : memref<2x4x125x64xf32, #tpu.memory_space<vmem>> -> memref<1x1x125x64xf32, #tpu.memory_space<vmem>>
      %dma_start3A_409 = tpu.memref_squeeze %dma_start3A_408 : memref<1x1x125x64xf32, #tpu.memory_space<vmem>> -> memref<125x64xf32, #tpu.memory_space<vmem>>
      %dma_start3A_410 = arith.constant 0 : i32
      %dma_start3A_411 = tpu.memref_slice %arg7[%add3A_403, %dma_start3A_410] : memref<80x125xi32, #tpu.memory_space<vmem>> -> memref<1x125xi32, #tpu.memory_space<vmem>>
      %dma_start3A_412 = tpu.memref_squeeze %dma_start3A_411 : memref<1x125xi32, #tpu.memory_space<vmem>> -> memref<125xi32, #tpu.memory_space<vmem>>
      %dma_start3A_413 = arith.constant 0 : i32
      %dma_start3A_414 = arith.constant 0 : i32
      %dma_start3A_415 = tpu.memref_slice %arg10[%dma_start3A_413, %dma_start3A_414] : memref<10240x64xf32, #tpu.memory_space<vmem_shared>> -> memref<10240x64xf32, #tpu.memory_space<vmem_shared>>
      tpu.enqueue_indirect_dma source(%dma_start3A_409 : memref<125x64xf32, #tpu.memory_space<vmem>>) target(%dma_start3A_415 : memref<10240x64xf32, #tpu.memory_space<vmem_shared>>) offsets(%dma_start3A_412 : memref<125xi32, #tpu.memory_space<vmem>>) semaphore(%arg14 : memref<!tpu.dma_semaphore, #tpu.memory_space<semaphore_mem>>) {add = true}
      %mul3A_416 = arith.constant 4 : i32
      %mul3A_417 = arith.muli %add3A_65, %mul3A_416 : i32
      %add3A_418 = arith.constant 1 : i32
      %add3A_419 = arith.addi %mul3A_417, %add3A_418 : i32
      %dma_start3A_420 = arith.constant 1 : i32
      %dma_start3A_421 = arith.constant 1 : i32
      %dma_start3A_422 = arith.constant 0 : i32
      %dma_start3A_423 = arith.constant 0 : i32
      %dma_start3A_424 = tpu.memref_slice %arg8[%dma_start3A_420, %dma_start3A_421, %dma_start3A_422, %dma_start3A_423] : memref<2x4x125x64xf32, #tpu.memory_space<vmem>> -> memref<1x1x125x64xf32, #tpu.memory_space<vmem>>
      %dma_start3A_425 = tpu.memref_squeeze %dma_start3A_424 : memref<1x1x125x64xf32, #tpu.memory_space<vmem>> -> memref<125x64xf32, #tpu.memory_space<vmem>>
      %dma_start3A_426 = arith.constant 0 : i32
      %dma_start3A_427 = tpu.memref_slice %arg7[%add3A_419, %dma_start3A_426] : memref<80x125xi32, #tpu.memory_space<vmem>> -> memref<1x125xi32, #tpu.memory_space<vmem>>
      %dma_start3A_428 = tpu.memref_squeeze %dma_start3A_427 : memref<1x125xi32, #tpu.memory_space<vmem>> -> memref<125xi32, #tpu.memory_space<vmem>>
      %dma_start3A_429 = arith.constant 0 : i32
      %dma_start3A_430 = arith.constant 0 : i32
      %dma_start3A_431 = tpu.memref_slice %arg10[%dma_start3A_429, %dma_start3A_430] : memref<10240x64xf32, #tpu.memory_space<vmem_shared>> -> memref<10240x64xf32, #tpu.memory_space<vmem_shared>>
      tpu.enqueue_indirect_dma source(%dma_start3A_425 : memref<125x64xf32, #tpu.memory_space<vmem>>) target(%dma_start3A_431 : memref<10240x64xf32, #tpu.memory_space<vmem_shared>>) offsets(%dma_start3A_428 : memref<125xi32, #tpu.memory_space<vmem>>) semaphore(%arg14 : memref<!tpu.dma_semaphore, #tpu.memory_space<semaphore_mem>>) {add = true}
      %mul3A_432 = arith.constant 4 : i32
      %mul3A_433 = arith.muli %add3A_65, %mul3A_432 : i32
      %add3A_434 = arith.constant 2 : i32
      %add3A_435 = arith.addi %mul3A_433, %add3A_434 : i32
      %dma_start3A_436 = arith.constant 1 : i32
      %dma_start3A_437 = arith.constant 2 : i32
      %dma_start3A_438 = arith.constant 0 : i32
      %dma_start3A_439 = arith.constant 0 : i32
      %dma_start3A_440 = tpu.memref_slice %arg8[%dma_start3A_436, %dma_start3A_437, %dma_start3A_438, %dma_start3A_439] : memref<2x4x125x64xf32, #tpu.memory_space<vmem>> -> memref<1x1x125x64xf32, #tpu.memory_space<vmem>>
      %dma_start3A_441 = tpu.memref_squeeze %dma_start3A_440 : memref<1x1x125x64xf32, #tpu.memory_space<vmem>> -> memref<125x64xf32, #tpu.memory_space<vmem>>
      %dma_start3A_442 = arith.constant 0 : i32
      %dma_start3A_443 = tpu.memref_slice %arg7[%add3A_435, %dma_start3A_442] : memref<80x125xi32, #tpu.memory_space<vmem>> -> memref<1x125xi32, #tpu.memory_space<vmem>>
      %dma_start3A_444 = tpu.memref_squeeze %dma_start3A_443 : memref<1x125xi32, #tpu.memory_space<vmem>> -> memref<125xi32, #tpu.memory_space<vmem>>
      %dma_start3A_445 = arith.constant 0 : i32
      %dma_start3A_446 = arith.constant 0 : i32
      %dma_start3A_447 = tpu.memref_slice %arg10[%dma_start3A_445, %dma_start3A_446] : memref<10240x64xf32, #tpu.memory_space<vmem_shared>> -> memref<10240x64xf32, #tpu.memory_space<vmem_shared>>
      tpu.enqueue_indirect_dma source(%dma_start3A_441 : memref<125x64xf32, #tpu.memory_space<vmem>>) target(%dma_start3A_447 : memref<10240x64xf32, #tpu.memory_space<vmem_shared>>) offsets(%dma_start3A_444 : memref<125xi32, #tpu.memory_space<vmem>>) semaphore(%arg14 : memref<!tpu.dma_semaphore, #tpu.memory_space<semaphore_mem>>) {add = true}
      %mul3A_448 = arith.constant 4 : i32
      %mul3A_449 = arith.muli %add3A_65, %mul3A_448 : i32
      %add3A_450 = arith.constant 3 : i32
      %add3A_451 = arith.addi %mul3A_449, %add3A_450 : i32
      %dma_start3A_452 = arith.constant 1 : i32
      %dma_start3A_453 = arith.constant 3 : i32
      %dma_start3A_454 = arith.constant 0 : i32
      %dma_start3A_455 = arith.constant 0 : i32
      %dma_start3A_456 = tpu.memref_slice %arg8[%dma_start3A_452, %dma_start3A_453, %dma_start3A_454, %dma_start3A_455] : memref<2x4x125x64xf32, #tpu.memory_space<vmem>> -> memref<1x1x125x64xf32, #tpu.memory_space<vmem>>
      %dma_start3A_457 = tpu.memref_squeeze %dma_start3A_456 : memref<1x1x125x64xf32, #tpu.memory_space<vmem>> -> memref<125x64xf32, #tpu.memory_space<vmem>>
      %dma_start3A_458 = arith.constant 0 : i32
      %dma_start3A_459 = tpu.memref_slice %arg7[%add3A_451, %dma_start3A_458] : memref<80x125xi32, #tpu.memory_space<vmem>> -> memref<1x125xi32, #tpu.memory_space<vmem>>
      %dma_start3A_460 = tpu.memref_squeeze %dma_start3A_459 : memref<1x125xi32, #tpu.memory_space<vmem>> -> memref<125xi32, #tpu.memory_space<vmem>>
      %dma_start3A_461 = arith.constant 0 : i32
      %dma_start3A_462 = arith.constant 0 : i32
      %dma_start3A_463 = tpu.memref_slice %arg10[%dma_start3A_461, %dma_start3A_462] : memref<10240x64xf32, #tpu.memory_space<vmem_shared>> -> memref<10240x64xf32, #tpu.memory_space<vmem_shared>>
      tpu.enqueue_indirect_dma source(%dma_start3A_457 : memref<125x64xf32, #tpu.memory_space<vmem>>) target(%dma_start3A_463 : memref<10240x64xf32, #tpu.memory_space<vmem_shared>>) offsets(%dma_start3A_460 : memref<125xi32, #tpu.memory_space<vmem>>) semaphore(%arg14 : memref<!tpu.dma_semaphore, #tpu.memory_space<semaphore_mem>>) {add = true}
      %dma_wait3A_464 = arith.constant 1 : i32
      %dma_wait3A_465 = arith.constant 0 : i32
      %dma_wait3A_466 = arith.constant 0 : i32
      %dma_wait3A_467 = arith.constant 0 : i32
      %dma_wait3A_468 = tpu.memref_slice %arg8[%dma_wait3A_464, %dma_wait3A_465, %dma_wait3A_466, %dma_wait3A_467] : memref<2x4x125x64xf32, #tpu.memory_space<vmem>> -> memref<1x1x125x64xf32, #tpu.memory_space<vmem>>
      %dma_wait3A_469 = tpu.memref_squeeze %dma_wait3A_468 : memref<1x1x125x64xf32, #tpu.memory_space<vmem>> -> memref<125x64xf32, #tpu.memory_space<vmem>>
      %dma_wait3A_470 = arith.constant 0 : i32
      %dma_wait3A_471 = tpu.memref_slice %arg7[%add3A_403, %dma_wait3A_470] : memref<80x125xi32, #tpu.memory_space<vmem>> -> memref<1x125xi32, #tpu.memory_space<vmem>>
      %dma_wait3A_472 = tpu.memref_squeeze %dma_wait3A_471 : memref<1x125xi32, #tpu.memory_space<vmem>> -> memref<125xi32, #tpu.memory_space<vmem>>
      %dma_wait3A_473 = arith.constant 0 : i32
      %dma_wait3A_474 = arith.constant 0 : i32
      %dma_wait3A_475 = tpu.memref_slice %arg10[%dma_wait3A_473, %dma_wait3A_474] : memref<10240x64xf32, #tpu.memory_space<vmem_shared>> -> memref<10240x64xf32, #tpu.memory_space<vmem_shared>>
      tpu.wait_indirect_dma semaphore(%arg14 : memref<!tpu.dma_semaphore, #tpu.memory_space<semaphore_mem>>) src(%dma_wait3A_469 : memref<125x64xf32, #tpu.memory_space<vmem>>) dst(%dma_wait3A_475 : memref<10240x64xf32, #tpu.memory_space<vmem_shared>>)
      %dma_wait3A_476 = arith.constant 1 : i32
      %dma_wait3A_477 = arith.constant 1 : i32
      %dma_wait3A_478 = arith.constant 0 : i32
      %dma_wait3A_479 = arith.constant 0 : i32
      %dma_wait3A_480 = tpu.memref_slice %arg8[%dma_wait3A_476, %dma_wait3A_477, %dma_wait3A_478, %dma_wait3A_479] : memref<2x4x125x64xf32, #tpu.memory_space<vmem>> -> memref<1x1x125x64xf32, #tpu.memory_space<vmem>>
      %dma_wait3A_481 = tpu.memref_squeeze %dma_wait3A_480 : memref<1x1x125x64xf32, #tpu.memory_space<vmem>> -> memref<125x64xf32, #tpu.memory_space<vmem>>
      %dma_wait3A_482 = arith.constant 0 : i32
      %dma_wait3A_483 = tpu.memref_slice %arg7[%add3A_419, %dma_wait3A_482] : memref<80x125xi32, #tpu.memory_space<vmem>> -> memref<1x125xi32, #tpu.memory_space<vmem>>
      %dma_wait3A_484 = tpu.memref_squeeze %dma_wait3A_483 : memref<1x125xi32, #tpu.memory_space<vmem>> -> memref<125xi32, #tpu.memory_space<vmem>>
      %dma_wait3A_485 = arith.constant 0 : i32
      %dma_wait3A_486 = arith.constant 0 : i32
      %dma_wait3A_487 = tpu.memref_slice %arg10[%dma_wait3A_485, %dma_wait3A_486] : memref<10240x64xf32, #tpu.memory_space<vmem_shared>> -> memref<10240x64xf32, #tpu.memory_space<vmem_shared>>
      tpu.wait_indirect_dma semaphore(%arg14 : memref<!tpu.dma_semaphore, #tpu.memory_space<semaphore_mem>>) src(%dma_wait3A_481 : memref<125x64xf32, #tpu.memory_space<vmem>>) dst(%dma_wait3A_487 : memref<10240x64xf32, #tpu.memory_space<vmem_shared>>)
      %dma_wait3A_488 = arith.constant 1 : i32
      %dma_wait3A_489 = arith.constant 2 : i32
      %dma_wait3A_490 = arith.constant 0 : i32
      %dma_wait3A_491 = arith.constant 0 : i32
      %dma_wait3A_492 = tpu.memref_slice %arg8[%dma_wait3A_488, %dma_wait3A_489, %dma_wait3A_490, %dma_wait3A_491] : memref<2x4x125x64xf32, #tpu.memory_space<vmem>> -> memref<1x1x125x64xf32, #tpu.memory_space<vmem>>
      %dma_wait3A_493 = tpu.memref_squeeze %dma_wait3A_492 : memref<1x1x125x64xf32, #tpu.memory_space<vmem>> -> memref<125x64xf32, #tpu.memory_space<vmem>>
      %dma_wait3A_494 = arith.constant 0 : i32
      %dma_wait3A_495 = tpu.memref_slice %arg7[%add3A_435, %dma_wait3A_494] : memref<80x125xi32, #tpu.memory_space<vmem>> -> memref<1x125xi32, #tpu.memory_space<vmem>>
      %dma_wait3A_496 = tpu.memref_squeeze %dma_wait3A_495 : memref<1x125xi32, #tpu.memory_space<vmem>> -> memref<125xi32, #tpu.memory_space<vmem>>
      %dma_wait3A_497 = arith.constant 0 : i32
      %dma_wait3A_498 = arith.constant 0 : i32
      %dma_wait3A_499 = tpu.memref_slice %arg10[%dma_wait3A_497, %dma_wait3A_498] : memref<10240x64xf32, #tpu.memory_space<vmem_shared>> -> memref<10240x64xf32, #tpu.memory_space<vmem_shared>>
      tpu.wait_indirect_dma semaphore(%arg14 : memref<!tpu.dma_semaphore, #tpu.memory_space<semaphore_mem>>) src(%dma_wait3A_493 : memref<125x64xf32, #tpu.memory_space<vmem>>) dst(%dma_wait3A_499 : memref<10240x64xf32, #tpu.memory_space<vmem_shared>>)
      %dma_wait3A_500 = arith.constant 1 : i32
      %dma_wait3A_501 = arith.constant 3 : i32
      %dma_wait3A_502 = arith.constant 0 : i32
      %dma_wait3A_503 = arith.constant 0 : i32
      %dma_wait3A_504 = tpu.memref_slice %arg8[%dma_wait3A_500, %dma_wait3A_501, %dma_wait3A_502, %dma_wait3A_503] : memref<2x4x125x64xf32, #tpu.memory_space<vmem>> -> memref<1x1x125x64xf32, #tpu.memory_space<vmem>>
      %dma_wait3A_505 = tpu.memref_squeeze %dma_wait3A_504 : memref<1x1x125x64xf32, #tpu.memory_space<vmem>> -> memref<125x64xf32, #tpu.memory_space<vmem>>
      %dma_wait3A_506 = arith.constant 0 : i32
      %dma_wait3A_507 = tpu.memref_slice %arg7[%add3A_451, %dma_wait3A_506] : memref<80x125xi32, #tpu.memory_space<vmem>> -> memref<1x125xi32, #tpu.memory_space<vmem>>
      %dma_wait3A_508 = tpu.memref_squeeze %dma_wait3A_507 : memref<1x125xi32, #tpu.memory_space<vmem>> -> memref<125xi32, #tpu.memory_space<vmem>>
      %dma_wait3A_509 = arith.constant 0 : i32
      %dma_wait3A_510 = arith.constant 0 : i32
      %dma_wait3A_511 = tpu.memref_slice %arg10[%dma_wait3A_509, %dma_wait3A_510] : memref<10240x64xf32, #tpu.memory_space<vmem_shared>> -> memref<10240x64xf32, #tpu.memory_space<vmem_shared>>
      tpu.wait_indirect_dma semaphore(%arg14 : memref<!tpu.dma_semaphore, #tpu.memory_space<semaphore_mem>>) src(%dma_wait3A_505 : memref<125x64xf32, #tpu.memory_space<vmem>>) dst(%dma_wait3A_511 : memref<10240x64xf32, #tpu.memory_space<vmem_shared>>)
    }
    %scan3A_57 = arith.constant 10 : i32
    %barrier3A_58 = arith.constant 0 : index
    tpu.barrier barrier_id(%barrier3A_58)
    "tpu.region"() ({
      %run_scoped3A = tpu.sem_alloc : memref<!tpu.dma_semaphore, #tpu.memory_space<semaphore_mem>>
      %dma_start3A = arith.constant 0 : i32
      %dma_start3A_59 = arith.constant 0 : i32
      %dma_start3A_60 = tpu.memref_slice %arg5[%arg0, %dma_start3A, %dma_start3A_59] : memref<2x10240x64xf32, #tpu.memory_space<hbm>> -> memref<1x10240x64xf32, #tpu.memory_space<hbm>>
      %dma_start3A_61 = tpu.memref_squeeze %dma_start3A_60 : memref<1x10240x64xf32, #tpu.memory_space<hbm>> -> memref<10240x64xf32, #tpu.memory_space<hbm>>
      %dma_start3A_62 = arith.constant 0 : i32
      %dma_start3A_63 = tpu.memref_slice %dma_start3A_61[%mul3A_2, %dma_start3A_62] : memref<10240x64xf32, #tpu.memory_space<hbm>> -> memref<640x64xf32, #tpu.memory_space<hbm>>
      %dma_start3A_64 = arith.constant 0 : i32
      %dma_start3A_65 = tpu.memref_slice %arg10[%mul3A_2, %dma_start3A_64] : memref<10240x64xf32, #tpu.memory_space<vmem_shared>> -> memref<640x64xf32, #tpu.memory_space<vmem_shared>>
      tpu.enqueue_dma source(%dma_start3A_65 : memref<640x64xf32, #tpu.memory_space<vmem_shared>>) target(%dma_start3A_63 : memref<640x64xf32, #tpu.memory_space<hbm>>) target_semaphore(%run_scoped3A : memref<!tpu.dma_semaphore, #tpu.memory_space<semaphore_mem>>)
      %dma_wait3A = arith.constant 0 : i32
      %dma_wait3A_66 = arith.constant 0 : i32
      %dma_wait3A_67 = tpu.memref_slice %arg5[%arg0, %dma_wait3A, %dma_wait3A_66] : memref<2x10240x64xf32, #tpu.memory_space<hbm>> -> memref<1x10240x64xf32, #tpu.memory_space<hbm>>
      %dma_wait3A_68 = tpu.memref_squeeze %dma_wait3A_67 : memref<1x10240x64xf32, #tpu.memory_space<hbm>> -> memref<10240x64xf32, #tpu.memory_space<hbm>>
      %dma_wait3A_69 = arith.constant 0 : i32
      %dma_wait3A_70 = tpu.memref_slice %dma_wait3A_68[%mul3A_2, %dma_wait3A_69] : memref<10240x64xf32, #tpu.memory_space<hbm>> -> memref<640x64xf32, #tpu.memory_space<hbm>>
      %dma_wait3A_71 = arith.constant 0 : i32
      %dma_wait3A_72 = tpu.memref_slice %arg10[%mul3A_2, %dma_wait3A_71] : memref<10240x64xf32, #tpu.memory_space<vmem_shared>> -> memref<640x64xf32, #tpu.memory_space<vmem_shared>>
      tpu.wait_dma2 semaphore(%run_scoped3A : memref<!tpu.dma_semaphore, #tpu.memory_space<semaphore_mem>>) src(%dma_wait3A_72 : memref<640x64xf32, #tpu.memory_space<vmem_shared>>) dst(%dma_wait3A_70 : memref<640x64xf32, #tpu.memory_space<hbm>>)
      tpu.yield
    }) : () -> ()
    return
  }
}

#map = affine_map<(d0, d1) -> (0, 0)>
#map1 = affine_map<(d0, d1) -> (0, 0, 0)>
module attributes {stable_mosaic.version = 14 : i64} {
  func.func @agg(%arg0: i32, %arg1: i32, %arg2: memref<10000x64xf32, #tpu.memory_space<hbm>>, %arg3: memref<2560x125xi32, #tpu.memory_space<hbm>>, %arg4: memref<2560x125xi32, #tpu.memory_space<hbm>>, %arg5: memref<2x10240x64xf32, #tpu.memory_space<hbm>>, %arg6: memref<80x125xi32, #tpu.memory_space<vmem>>, %arg7: memref<80x125xi32, #tpu.memory_space<vmem>>, %arg8: memref<2x4x125x64xf32, #tpu.memory_space<vmem>>, %arg9: memref<64x64xf32, #tpu.memory_space<vmem>>, %arg10: memref<10240x64xf32, #tpu.memory_space<vmem_shared>>, %arg11: memref<!tpu.dma_semaphore, #tpu.memory_space<semaphore_mem>>, %arg12: memref<!tpu.dma_semaphore, #tpu.memory_space<semaphore_mem>>, %arg13: memref<!tpu.dma_semaphore, #tpu.memory_space<semaphore_mem>>, %arg14: memref<!tpu.dma_semaphore, #tpu.memory_space<semaphore_mem>>, %arg15: memref<!tpu.dma_semaphore, #tpu.memory_space<semaphore_mem>>) attributes {dimension_semantics = [#tpu.dimension_semantics<core_parallel>, #tpu.dimension_semantics<subcore_parallel>], iteration_bounds = array<i64: 2, 16>, scalar_prefetch = 0 : i64, scratch_operands = 10 : i64, tpu.core_type = #tpu.core_type<sc_vector_subcore>, window_params = [{transform_indices = #map}, {transform_indices = #map}, {transform_indices = #map}, {transform_indices = #map1}]} {
    %mul3A = arith.constant 16 : i32
    %mul3A_0 = arith.muli %arg0, %mul3A : i32
    %add3A = arith.addi %mul3A_0, %arg1 : i32
    %mul3A_1 = arith.constant 640 : i32
    %mul3A_2 = arith.muli %arg1, %mul3A_1 : i32
    %mul3A_3 = arith.constant 80 : i32
    %mul3A_4 = arith.muli %add3A, %mul3A_3 : i32
    "tpu.region"() ({
      %run_scoped3A = tpu.sem_alloc : memref<!tpu.dma_semaphore, #tpu.memory_space<semaphore_mem>>
      %dma_start3A = arith.constant 0 : i32
      %dma_start3A_59 = tpu.memref_slice %arg3[%mul3A_4, %dma_start3A] : memref<2560x125xi32, #tpu.memory_space<hbm>> -> memref<80x125xi32, #tpu.memory_space<hbm>>
      %dma_start3A_60 = arith.constant 0 : i32
      %dma_start3A_61 = tpu.memref_slice %arg3[%mul3A_4, %dma_start3A_60] : memref<2560x125xi32, #tpu.memory_space<hbm>> -> memref<80x125xi32, #tpu.memory_space<hbm>>
      tpu.enqueue_dma source(%dma_start3A_61 : memref<80x125xi32, #tpu.memory_space<hbm>>) target(%arg6 : memref<80x125xi32, #tpu.memory_space<vmem>>) target_semaphore(%run_scoped3A : memref<!tpu.dma_semaphore, #tpu.memory_space<semaphore_mem>>)
      %dma_wait3A = arith.constant 0 : i32
      %dma_wait3A_62 = tpu.memref_slice %arg3[%mul3A_4, %dma_wait3A] : memref<2560x125xi32, #tpu.memory_space<hbm>> -> memref<80x125xi32, #tpu.memory_space<hbm>>
      %dma_wait3A_63 = arith.constant 0 : i32
      %dma_wait3A_64 = tpu.memref_slice %arg3[%mul3A_4, %dma_wait3A_63] : memref<2560x125xi32, #tpu.memory_space<hbm>> -> memref<80x125xi32, #tpu.memory_space<hbm>>
      tpu.wait_dma2 semaphore(%run_scoped3A : memref<!tpu.dma_semaphore, #tpu.memory_space<semaphore_mem>>) src(%dma_wait3A_64 : memref<80x125xi32, #tpu.memory_space<hbm>>) dst(%arg6 : memref<80x125xi32, #tpu.memory_space<vmem>>)
      tpu.yield
    }) : () -> ()
    %mul3A_5 = arith.constant 80 : i32
    %mul3A_6 = arith.muli %add3A, %mul3A_5 : i32
    "tpu.region"() ({
      %run_scoped3A = tpu.sem_alloc : memref<!tpu.dma_semaphore, #tpu.memory_space<semaphore_mem>>
      %dma_start3A = arith.constant 0 : i32
      %dma_start3A_59 = tpu.memref_slice %arg4[%mul3A_6, %dma_start3A] : memref<2560x125xi32, #tpu.memory_space<hbm>> -> memref<80x125xi32, #tpu.memory_space<hbm>>
      %dma_start3A_60 = arith.constant 0 : i32
      %dma_start3A_61 = tpu.memref_slice %arg4[%mul3A_6, %dma_start3A_60] : memref<2560x125xi32, #tpu.memory_space<hbm>> -> memref<80x125xi32, #tpu.memory_space<hbm>>
      tpu.enqueue_dma source(%dma_start3A_61 : memref<80x125xi32, #tpu.memory_space<hbm>>) target(%arg7 : memref<80x125xi32, #tpu.memory_space<vmem>>) target_semaphore(%run_scoped3A : memref<!tpu.dma_semaphore, #tpu.memory_space<semaphore_mem>>)
      %dma_wait3A = arith.constant 0 : i32
      %dma_wait3A_62 = tpu.memref_slice %arg4[%mul3A_6, %dma_wait3A] : memref<2560x125xi32, #tpu.memory_space<hbm>> -> memref<80x125xi32, #tpu.memory_space<hbm>>
      %dma_wait3A_63 = arith.constant 0 : i32
      %dma_wait3A_64 = tpu.memref_slice %arg4[%mul3A_6, %dma_wait3A_63] : memref<2560x125xi32, #tpu.memory_space<hbm>> -> memref<80x125xi32, #tpu.memory_space<hbm>>
      tpu.wait_dma2 semaphore(%run_scoped3A : memref<!tpu.dma_semaphore, #tpu.memory_space<semaphore_mem>>) src(%dma_wait3A_64 : memref<80x125xi32, #tpu.memory_space<hbm>>) dst(%arg7 : memref<80x125xi32, #tpu.memory_space<vmem>>)
      tpu.yield
    }) : () -> ()
    %scan3A = arith.constant 0 : i32
    %scan3A_7 = arith.constant 0 : i32
    %scan3A_8 = arith.constant 64 : i32
    %scan3A_9 = arith.addi %scan3A_7, %scan3A_8 : i32
    %scan3A_10 = arith.constant 1 : i32
    scf.for %scan3A_59 = %scan3A_7 to %scan3A_9 step %scan3A_10  : i32 {
      %broadcast_in_dim3A = arith.constant 0.000000e+00 : f32
      %broadcast_in_dim3A_60 = vector.broadcast %broadcast_in_dim3A : f32 to vector<16xf32>
      %swap3A = arith.index_cast %scan3A_59 : i32 to index
      %swap3A_61 = arith.constant 0 : index
      %swap3A_62 = tpu.vector_load %arg9[%swap3A, %swap3A_61] {strides = array<i32>} : memref<64x64xf32, #tpu.memory_space<vmem>>, vector<1x16xf32>,
      %swap3A_63 = vector.shape_cast %swap3A_62 : vector<1x16xf32> to vector<16xf32>
      %swap3A_64 = vector.shape_cast %broadcast_in_dim3A_60 : vector<16xf32> to vector<1x16xf32>
      tpu.vector_store %arg9[%swap3A, %swap3A_61], %swap3A_64 {strides = array<i32>} : memref<64x64xf32, #tpu.memory_space<vmem>>, vector<1x16xf32>,
      %broadcast_in_dim3A_65 = arith.constant 0.000000e+00 : f32
      %broadcast_in_dim3A_66 = vector.broadcast %broadcast_in_dim3A_65 : f32 to vector<16xf32>
      %swap3A_67 = arith.index_cast %scan3A_59 : i32 to index
      %swap3A_68 = arith.constant 16 : index
      %swap3A_69 = tpu.vector_load %arg9[%swap3A_67, %swap3A_68] {strides = array<i32>} : memref<64x64xf32, #tpu.memory_space<vmem>>, vector<1x16xf32>,
      %swap3A_70 = vector.shape_cast %swap3A_69 : vector<1x16xf32> to vector<16xf32>
      %swap3A_71 = vector.shape_cast %broadcast_in_dim3A_66 : vector<16xf32> to vector<1x16xf32>
      tpu.vector_store %arg9[%swap3A_67, %swap3A_68], %swap3A_71 {strides = array<i32>} : memref<64x64xf32, #tpu.memory_space<vmem>>, vector<1x16xf32>,
      %broadcast_in_dim3A_72 = arith.constant 0.000000e+00 : f32
      %broadcast_in_dim3A_73 = vector.broadcast %broadcast_in_dim3A_72 : f32 to vector<16xf32>
      %swap3A_74 = arith.index_cast %scan3A_59 : i32 to index
      %swap3A_75 = arith.constant 32 : index
      %swap3A_76 = tpu.vector_load %arg9[%swap3A_74, %swap3A_75] {strides = array<i32>} : memref<64x64xf32, #tpu.memory_space<vmem>>, vector<1x16xf32>,
      %swap3A_77 = vector.shape_cast %swap3A_76 : vector<1x16xf32> to vector<16xf32>
      %swap3A_78 = vector.shape_cast %broadcast_in_dim3A_73 : vector<16xf32> to vector<1x16xf32>
      tpu.vector_store %arg9[%swap3A_74, %swap3A_75], %swap3A_78 {strides = array<i32>} : memref<64x64xf32, #tpu.memory_space<vmem>>, vector<1x16xf32>,
      %broadcast_in_dim3A_79 = arith.constant 0.000000e+00 : f32
      %broadcast_in_dim3A_80 = vector.broadcast %broadcast_in_dim3A_79 : f32 to vector<16xf32>
      %swap3A_81 = arith.index_cast %scan3A_59 : i32 to index
      %swap3A_82 = arith.constant 48 : index
      %swap3A_83 = tpu.vector_load %arg9[%swap3A_81, %swap3A_82] {strides = array<i32>} : memref<64x64xf32, #tpu.memory_space<vmem>>, vector<1x16xf32>,
      %swap3A_84 = vector.shape_cast %swap3A_83 : vector<1x16xf32> to vector<16xf32>
      %swap3A_85 = vector.shape_cast %broadcast_in_dim3A_80 : vector<16xf32> to vector<1x16xf32>
      tpu.vector_store %arg9[%swap3A_81, %swap3A_82], %swap3A_85 {strides = array<i32>} : memref<64x64xf32, #tpu.memory_space<vmem>>, vector<1x16xf32>,
    }
    %scan3A_11 = arith.constant 64 : i32
    %mul3A_12 = arith.constant 640 : i32
    %mul3A_13 = arith.muli %arg1, %mul3A_12 : i32
    %add3A_14 = arith.constant 0 : i32
    %add3A_15 = arith.addi %mul3A_13, %add3A_14 : i32
    "tpu.region"() ({
      %run_scoped3A = tpu.sem_alloc : memref<!tpu.dma_semaphore, #tpu.memory_space<semaphore_mem>>
      %dma_start3A = arith.constant 0 : i32
      %dma_start3A_59 = tpu.memref_slice %arg10[%add3A_15, %dma_start3A] : memref<10240x64xf32, #tpu.memory_space<vmem_shared>> -> memref<64x64xf32, #tpu.memory_space<vmem_shared>>
      %dma_start3A_60 = arith.constant 0 : i32
      %dma_start3A_61 = tpu.memref_slice %arg10[%add3A_15, %dma_start3A_60] : memref<10240x64xf32, #tpu.memory_space<vmem_shared>> -> memref<64x64xf32, #tpu.memory_space<vmem_shared>>
      tpu.enqueue_dma source(%arg9 : memref<64x64xf32, #tpu.memory_space<vmem>>) target(%dma_start3A_61 : memref<64x64xf32, #tpu.memory_space<vmem_shared>>) target_semaphore(%run_scoped3A : memref<!tpu.dma_semaphore, #tpu.memory_space<semaphore_mem>>)
      %dma_wait3A = arith.constant 0 : i32
      %dma_wait3A_62 = tpu.memref_slice %arg10[%add3A_15, %dma_wait3A] : memref<10240x64xf32, #tpu.memory_space<vmem_shared>> -> memref<64x64xf32, #tpu.memory_space<vmem_shared>>
      %dma_wait3A_63 = arith.constant 0 : i32
      %dma_wait3A_64 = tpu.memref_slice %arg10[%add3A_15, %dma_wait3A_63] : memref<10240x64xf32, #tpu.memory_space<vmem_shared>> -> memref<64x64xf32, #tpu.memory_space<vmem_shared>>
      tpu.wait_dma2 semaphore(%run_scoped3A : memref<!tpu.dma_semaphore, #tpu.memory_space<semaphore_mem>>) src(%arg9 : memref<64x64xf32, #tpu.memory_space<vmem>>) dst(%dma_wait3A_64 : memref<64x64xf32, #tpu.memory_space<vmem_shared>>)
      tpu.yield
    }) : () -> ()
    %mul3A_16 = arith.constant 640 : i32
    %mul3A_17 = arith.muli %arg1, %mul3A_16 : i32
    %add3A_18 = arith.constant 64 : i32
    %add3A_19 = arith.addi %mul3A_17, %add3A_18 : i32
    "tpu.region"() ({
      %run_scoped3A = tpu.sem_alloc : memref<!tpu.dma_semaphore, #tpu.memory_space<semaphore_mem>>
      %dma_start3A = arith.constant 0 : i32
      %dma_start3A_59 = tpu.memref_slice %arg10[%add3A_19, %dma_start3A] : memref<10240x64xf32, #tpu.memory_space<vmem_shared>> -> memref<64x64xf32, #tpu.memory_space<vmem_shared>>
      %dma_start3A_60 = arith.constant 0 : i32
      %dma_start3A_61 = tpu.memref_slice %arg10[%add3A_19, %dma_start3A_60] : memref<10240x64xf32, #tpu.memory_space<vmem_shared>> -> memref<64x64xf32, #tpu.memory_space<vmem_shared>>
      tpu.enqueue_dma source(%arg9 : memref<64x64xf32, #tpu.memory_space<vmem>>) target(%dma_start3A_61 : memref<64x64xf32, #tpu.memory_space<vmem_shared>>) target_semaphore(%run_scoped3A : memref<!tpu.dma_semaphore, #tpu.memory_space<semaphore_mem>>)
      %dma_wait3A = arith.constant 0 : i32
      %dma_wait3A_62 = tpu.memref_slice %arg10[%add3A_19, %dma_wait3A] : memref<10240x64xf32, #tpu.memory_space<vmem_shared>> -> memref<64x64xf32, #tpu.memory_space<vmem_shared>>
      %dma_wait3A_63 = arith.constant 0 : i32
      %dma_wait3A_64 = tpu.memref_slice %arg10[%add3A_19, %dma_wait3A_63] : memref<10240x64xf32, #tpu.memory_space<vmem_shared>> -> memref<64x64xf32, #tpu.memory_space<vmem_shared>>
      tpu.wait_dma2 semaphore(%run_scoped3A : memref<!tpu.dma_semaphore, #tpu.memory_space<semaphore_mem>>) src(%arg9 : memref<64x64xf32, #tpu.memory_space<vmem>>) dst(%dma_wait3A_64 : memref<64x64xf32, #tpu.memory_space<vmem_shared>>)
      tpu.yield
    }) : () -> ()
    %mul3A_20 = arith.constant 640 : i32
    %mul3A_21 = arith.muli %arg1, %mul3A_20 : i32
    %add3A_22 = arith.constant 128 : i32
    %add3A_23 = arith.addi %mul3A_21, %add3A_22 : i32
    "tpu.region"() ({
      %run_scoped3A = tpu.sem_alloc : memref<!tpu.dma_semaphore, #tpu.memory_space<semaphore_mem>>
      %dma_start3A = arith.constant 0 : i32
      %dma_start3A_59 = tpu.memref_slice %arg10[%add3A_23, %dma_start3A] : memref<10240x64xf32, #tpu.memory_space<vmem_shared>> -> memref<64x64xf32, #tpu.memory_space<vmem_shared>>
      %dma_start3A_60 = arith.constant 0 : i32
      %dma_start3A_61 = tpu.memref_slice %arg10[%add3A_23, %dma_start3A_60] : memref<10240x64xf32, #tpu.memory_space<vmem_shared>> -> memref<64x64xf32, #tpu.memory_space<vmem_shared>>
      tpu.enqueue_dma source(%arg9 : memref<64x64xf32, #tpu.memory_space<vmem>>) target(%dma_start3A_61 : memref<64x64xf32, #tpu.memory_space<vmem_shared>>) target_semaphore(%run_scoped3A : memref<!tpu.dma_semaphore, #tpu.memory_space<semaphore_mem>>)
      %dma_wait3A = arith.constant 0 : i32
      %dma_wait3A_62 = tpu.memref_slice %arg10[%add3A_23, %dma_wait3A] : memref<10240x64xf32, #tpu.memory_space<vmem_shared>> -> memref<64x64xf32, #tpu.memory_space<vmem_shared>>
      %dma_wait3A_63 = arith.constant 0 : i32
      %dma_wait3A_64 = tpu.memref_slice %arg10[%add3A_23, %dma_wait3A_63] : memref<10240x64xf32, #tpu.memory_space<vmem_shared>> -> memref<64x64xf32, #tpu.memory_space<vmem_shared>>
      tpu.wait_dma2 semaphore(%run_scoped3A : memref<!tpu.dma_semaphore, #tpu.memory_space<semaphore_mem>>) src(%arg9 : memref<64x64xf32, #tpu.memory_space<vmem>>) dst(%dma_wait3A_64 : memref<64x64xf32, #tpu.memory_space<vmem_shared>>)
      tpu.yield
    }) : () -> ()
    %mul3A_24 = arith.constant 640 : i32
    %mul3A_25 = arith.muli %arg1, %mul3A_24 : i32
    %add3A_26 = arith.constant 192 : i32
    %add3A_27 = arith.addi %mul3A_25, %add3A_26 : i32
    "tpu.region"() ({
      %run_scoped3A = tpu.sem_alloc : memref<!tpu.dma_semaphore, #tpu.memory_space<semaphore_mem>>
      %dma_start3A = arith.constant 0 : i32
      %dma_start3A_59 = tpu.memref_slice %arg10[%add3A_27, %dma_start3A] : memref<10240x64xf32, #tpu.memory_space<vmem_shared>> -> memref<64x64xf32, #tpu.memory_space<vmem_shared>>
      %dma_start3A_60 = arith.constant 0 : i32
      %dma_start3A_61 = tpu.memref_slice %arg10[%add3A_27, %dma_start3A_60] : memref<10240x64xf32, #tpu.memory_space<vmem_shared>> -> memref<64x64xf32, #tpu.memory_space<vmem_shared>>
      tpu.enqueue_dma source(%arg9 : memref<64x64xf32, #tpu.memory_space<vmem>>) target(%dma_start3A_61 : memref<64x64xf32, #tpu.memory_space<vmem_shared>>) target_semaphore(%run_scoped3A : memref<!tpu.dma_semaphore, #tpu.memory_space<semaphore_mem>>)
      %dma_wait3A = arith.constant 0 : i32
      %dma_wait3A_62 = tpu.memref_slice %arg10[%add3A_27, %dma_wait3A] : memref<10240x64xf32, #tpu.memory_space<vmem_shared>> -> memref<64x64xf32, #tpu.memory_space<vmem_shared>>
      %dma_wait3A_63 = arith.constant 0 : i32
      %dma_wait3A_64 = tpu.memref_slice %arg10[%add3A_27, %dma_wait3A_63] : memref<10240x64xf32, #tpu.memory_space<vmem_shared>> -> memref<64x64xf32, #tpu.memory_space<vmem_shared>>
      tpu.wait_dma2 semaphore(%run_scoped3A : memref<!tpu.dma_semaphore, #tpu.memory_space<semaphore_mem>>) src(%arg9 : memref<64x64xf32, #tpu.memory_space<vmem>>) dst(%dma_wait3A_64 : memref<64x64xf32, #tpu.memory_space<vmem_shared>>)
      tpu.yield
    }) : () -> ()
    %mul3A_28 = arith.constant 640 : i32
    %mul3A_29 = arith.muli %arg1, %mul3A_28 : i32
    %add3A_30 = arith.constant 256 : i32
    %add3A_31 = arith.addi %mul3A_29, %add3A_30 : i32
    "tpu.region"() ({
      %run_scoped3A = tpu.sem_alloc : memref<!tpu.dma_semaphore, #tpu.memory_space<semaphore_mem>>
      %dma_start3A = arith.constant 0 : i32
      %dma_start3A_59 = tpu.memref_slice %arg10[%add3A_31, %dma_start3A] : memref<10240x64xf32, #tpu.memory_space<vmem_shared>> -> memref<64x64xf32, #tpu.memory_space<vmem_shared>>
      %dma_start3A_60 = arith.constant 0 : i32
      %dma_start3A_61 = tpu.memref_slice %arg10[%add3A_31, %dma_start3A_60] : memref<10240x64xf32, #tpu.memory_space<vmem_shared>> -> memref<64x64xf32, #tpu.memory_space<vmem_shared>>
      tpu.enqueue_dma source(%arg9 : memref<64x64xf32, #tpu.memory_space<vmem>>) target(%dma_start3A_61 : memref<64x64xf32, #tpu.memory_space<vmem_shared>>) target_semaphore(%run_scoped3A : memref<!tpu.dma_semaphore, #tpu.memory_space<semaphore_mem>>)
      %dma_wait3A = arith.constant 0 : i32
      %dma_wait3A_62 = tpu.memref_slice %arg10[%add3A_31, %dma_wait3A] : memref<10240x64xf32, #tpu.memory_space<vmem_shared>> -> memref<64x64xf32, #tpu.memory_space<vmem_shared>>
      %dma_wait3A_63 = arith.constant 0 : i32
      %dma_wait3A_64 = tpu.memref_slice %arg10[%add3A_31, %dma_wait3A_63] : memref<10240x64xf32, #tpu.memory_space<vmem_shared>> -> memref<64x64xf32, #tpu.memory_space<vmem_shared>>
      tpu.wait_dma2 semaphore(%run_scoped3A : memref<!tpu.dma_semaphore, #tpu.memory_space<semaphore_mem>>) src(%arg9 : memref<64x64xf32, #tpu.memory_space<vmem>>) dst(%dma_wait3A_64 : memref<64x64xf32, #tpu.memory_space<vmem_shared>>)
      tpu.yield
    }) : () -> ()
    %mul3A_32 = arith.constant 640 : i32
    %mul3A_33 = arith.muli %arg1, %mul3A_32 : i32
    %add3A_34 = arith.constant 320 : i32
    %add3A_35 = arith.addi %mul3A_33, %add3A_34 : i32
    "tpu.region"() ({
      %run_scoped3A = tpu.sem_alloc : memref<!tpu.dma_semaphore, #tpu.memory_space<semaphore_mem>>
      %dma_start3A = arith.constant 0 : i32
      %dma_start3A_59 = tpu.memref_slice %arg10[%add3A_35, %dma_start3A] : memref<10240x64xf32, #tpu.memory_space<vmem_shared>> -> memref<64x64xf32, #tpu.memory_space<vmem_shared>>
      %dma_start3A_60 = arith.constant 0 : i32
      %dma_start3A_61 = tpu.memref_slice %arg10[%add3A_35, %dma_start3A_60] : memref<10240x64xf32, #tpu.memory_space<vmem_shared>> -> memref<64x64xf32, #tpu.memory_space<vmem_shared>>
      tpu.enqueue_dma source(%arg9 : memref<64x64xf32, #tpu.memory_space<vmem>>) target(%dma_start3A_61 : memref<64x64xf32, #tpu.memory_space<vmem_shared>>) target_semaphore(%run_scoped3A : memref<!tpu.dma_semaphore, #tpu.memory_space<semaphore_mem>>)
      %dma_wait3A = arith.constant 0 : i32
      %dma_wait3A_62 = tpu.memref_slice %arg10[%add3A_35, %dma_wait3A] : memref<10240x64xf32, #tpu.memory_space<vmem_shared>> -> memref<64x64xf32, #tpu.memory_space<vmem_shared>>
      %dma_wait3A_63 = arith.constant 0 : i32
      %dma_wait3A_64 = tpu.memref_slice %arg10[%add3A_35, %dma_wait3A_63] : memref<10240x64xf32, #tpu.memory_space<vmem_shared>> -> memref<64x64xf32, #tpu.memory_space<vmem_shared>>
      tpu.wait_dma2 semaphore(%run_scoped3A : memref<!tpu.dma_semaphore, #tpu.memory_space<semaphore_mem>>) src(%arg9 : memref<64x64xf32, #tpu.memory_space<vmem>>) dst(%dma_wait3A_64 : memref<64x64xf32, #tpu.memory_space<vmem_shared>>)
      tpu.yield
    }) : () -> ()
    %mul3A_36 = arith.constant 640 : i32
    %mul3A_37 = arith.muli %arg1, %mul3A_36 : i32
    %add3A_38 = arith.constant 384 : i32
    %add3A_39 = arith.addi %mul3A_37, %add3A_38 : i32
    "tpu.region"() ({
      %run_scoped3A = tpu.sem_alloc : memref<!tpu.dma_semaphore, #tpu.memory_space<semaphore_mem>>
      %dma_start3A = arith.constant 0 : i32
      %dma_start3A_59 = tpu.memref_slice %arg10[%add3A_39, %dma_start3A] : memref<10240x64xf32, #tpu.memory_space<vmem_shared>> -> memref<64x64xf32, #tpu.memory_space<vmem_shared>>
      %dma_start3A_60 = arith.constant 0 : i32
      %dma_start3A_61 = tpu.memref_slice %arg10[%add3A_39, %dma_start3A_60] : memref<10240x64xf32, #tpu.memory_space<vmem_shared>> -> memref<64x64xf32, #tpu.memory_space<vmem_shared>>
      tpu.enqueue_dma source(%arg9 : memref<64x64xf32, #tpu.memory_space<vmem>>) target(%dma_start3A_61 : memref<64x64xf32, #tpu.memory_space<vmem_shared>>) target_semaphore(%run_scoped3A : memref<!tpu.dma_semaphore, #tpu.memory_space<semaphore_mem>>)
      %dma_wait3A = arith.constant 0 : i32
      %dma_wait3A_62 = tpu.memref_slice %arg10[%add3A_39, %dma_wait3A] : memref<10240x64xf32, #tpu.memory_space<vmem_shared>> -> memref<64x64xf32, #tpu.memory_space<vmem_shared>>
      %dma_wait3A_63 = arith.constant 0 : i32
      %dma_wait3A_64 = tpu.memref_slice %arg10[%add3A_39, %dma_wait3A_63] : memref<10240x64xf32, #tpu.memory_space<vmem_shared>> -> memref<64x64xf32, #tpu.memory_space<vmem_shared>>
      tpu.wait_dma2 semaphore(%run_scoped3A : memref<!tpu.dma_semaphore, #tpu.memory_space<semaphore_mem>>) src(%arg9 : memref<64x64xf32, #tpu.memory_space<vmem>>) dst(%dma_wait3A_64 : memref<64x64xf32, #tpu.memory_space<vmem_shared>>)
      tpu.yield
    }) : () -> ()
    %mul3A_40 = arith.constant 640 : i32
    %mul3A_41 = arith.muli %arg1, %mul3A_40 : i32
    %add3A_42 = arith.constant 448 : i32
    %add3A_43 = arith.addi %mul3A_41, %add3A_42 : i32
    "tpu.region"() ({
      %run_scoped3A = tpu.sem_alloc : memref<!tpu.dma_semaphore, #tpu.memory_space<semaphore_mem>>
      %dma_start3A = arith.constant 0 : i32
      %dma_start3A_59 = tpu.memref_slice %arg10[%add3A_43, %dma_start3A] : memref<10240x64xf32, #tpu.memory_space<vmem_shared>> -> memref<64x64xf32, #tpu.memory_space<vmem_shared>>
      %dma_start3A_60 = arith.constant 0 : i32
      %dma_start3A_61 = tpu.memref_slice %arg10[%add3A_43, %dma_start3A_60] : memref<10240x64xf32, #tpu.memory_space<vmem_shared>> -> memref<64x64xf32, #tpu.memory_space<vmem_shared>>
      tpu.enqueue_dma source(%arg9 : memref<64x64xf32, #tpu.memory_space<vmem>>) target(%dma_start3A_61 : memref<64x64xf32, #tpu.memory_space<vmem_shared>>) target_semaphore(%run_scoped3A : memref<!tpu.dma_semaphore, #tpu.memory_space<semaphore_mem>>)
      %dma_wait3A = arith.constant 0 : i32
      %dma_wait3A_62 = tpu.memref_slice %arg10[%add3A_43, %dma_wait3A] : memref<10240x64xf32, #tpu.memory_space<vmem_shared>> -> memref<64x64xf32, #tpu.memory_space<vmem_shared>>
      %dma_wait3A_63 = arith.constant 0 : i32
      %dma_wait3A_64 = tpu.memref_slice %arg10[%add3A_43, %dma_wait3A_63] : memref<10240x64xf32, #tpu.memory_space<vmem_shared>> -> memref<64x64xf32, #tpu.memory_space<vmem_shared>>
      tpu.wait_dma2 semaphore(%run_scoped3A : memref<!tpu.dma_semaphore, #tpu.memory_space<semaphore_mem>>) src(%arg9 : memref<64x64xf32, #tpu.memory_space<vmem>>) dst(%dma_wait3A_64 : memref<64x64xf32, #tpu.memory_space<vmem_shared>>)
      tpu.yield
    }) : () -> ()
    %mul3A_44 = arith.constant 640 : i32
    %mul3A_45 = arith.muli %arg1, %mul3A_44 : i32
    %add3A_46 = arith.constant 512 : i32
    %add3A_47 = arith.addi %mul3A_45, %add3A_46 : i32
    "tpu.region"() ({
      %run_scoped3A = tpu.sem_alloc : memref<!tpu.dma_semaphore, #tpu.memory_space<semaphore_mem>>
      %dma_start3A = arith.constant 0 : i32
      %dma_start3A_59 = tpu.memref_slice %arg10[%add3A_47, %dma_start3A] : memref<10240x64xf32, #tpu.memory_space<vmem_shared>> -> memref<64x64xf32, #tpu.memory_space<vmem_shared>>
      %dma_start3A_60 = arith.constant 0 : i32
      %dma_start3A_61 = tpu.memref_slice %arg10[%add3A_47, %dma_start3A_60] : memref<10240x64xf32, #tpu.memory_space<vmem_shared>> -> memref<64x64xf32, #tpu.memory_space<vmem_shared>>
      tpu.enqueue_dma source(%arg9 : memref<64x64xf32, #tpu.memory_space<vmem>>) target(%dma_start3A_61 : memref<64x64xf32, #tpu.memory_space<vmem_shared>>) target_semaphore(%run_scoped3A : memref<!tpu.dma_semaphore, #tpu.memory_space<semaphore_mem>>)
      %dma_wait3A = arith.constant 0 : i32
      %dma_wait3A_62 = tpu.memref_slice %arg10[%add3A_47, %dma_wait3A] : memref<10240x64xf32, #tpu.memory_space<vmem_shared>> -> memref<64x64xf32, #tpu.memory_space<vmem_shared>>
      %dma_wait3A_63 = arith.constant 0 : i32
      %dma_wait3A_64 = tpu.memref_slice %arg10[%add3A_47, %dma_wait3A_63] : memref<10240x64xf32, #tpu.memory_space<vmem_shared>> -> memref<64x64xf32, #tpu.memory_space<vmem_shared>>
      tpu.wait_dma2 semaphore(%run_scoped3A : memref<!tpu.dma_semaphore, #tpu.memory_space<semaphore_mem>>) src(%arg9 : memref<64x64xf32, #tpu.memory_space<vmem>>) dst(%dma_wait3A_64 : memref<64x64xf32, #tpu.memory_space<vmem_shared>>)
      tpu.yield
    }) : () -> ()
    %mul3A_48 = arith.constant 640 : i32
    %mul3A_49 = arith.muli %arg1, %mul3A_48 : i32
    %add3A_50 = arith.constant 576 : i32
    %add3A_51 = arith.addi %mul3A_49, %add3A_50 : i32
    "tpu.region"() ({
      %run_scoped3A = tpu.sem_alloc : memref<!tpu.dma_semaphore, #tpu.memory_space<semaphore_mem>>
      %dma_start3A = arith.constant 0 : i32
      %dma_start3A_59 = tpu.memref_slice %arg10[%add3A_51, %dma_start3A] : memref<10240x64xf32, #tpu.memory_space<vmem_shared>> -> memref<64x64xf32, #tpu.memory_space<vmem_shared>>
      %dma_start3A_60 = arith.constant 0 : i32
      %dma_start3A_61 = tpu.memref_slice %arg10[%add3A_51, %dma_start3A_60] : memref<10240x64xf32, #tpu.memory_space<vmem_shared>> -> memref<64x64xf32, #tpu.memory_space<vmem_shared>>
      tpu.enqueue_dma source(%arg9 : memref<64x64xf32, #tpu.memory_space<vmem>>) target(%dma_start3A_61 : memref<64x64xf32, #tpu.memory_space<vmem_shared>>) target_semaphore(%run_scoped3A : memref<!tpu.dma_semaphore, #tpu.memory_space<semaphore_mem>>)
      %dma_wait3A = arith.constant 0 : i32
      %dma_wait3A_62 = tpu.memref_slice %arg10[%add3A_51, %dma_wait3A] : memref<10240x64xf32, #tpu.memory_space<vmem_shared>> -> memref<64x64xf32, #tpu.memory_space<vmem_shared>>
      %dma_wait3A_63 = arith.constant 0 : i32
      %dma_wait3A_64 = tpu.memref_slice %arg10[%add3A_51, %dma_wait3A_63] : memref<10240x64xf32, #tpu.memory_space<vmem_shared>> -> memref<64x64xf32, #tpu.memory_space<vmem_shared>>
      tpu.wait_dma2 semaphore(%run_scoped3A : memref<!tpu.dma_semaphore, #tpu.memory_space<semaphore_mem>>) src(%arg9 : memref<64x64xf32, #tpu.memory_space<vmem>>) dst(%dma_wait3A_64 : memref<64x64xf32, #tpu.memory_space<vmem_shared>>)
      tpu.yield
    }) : () -> ()
    %barrier3A = arith.constant 0 : index
    tpu.barrier barrier_id(%barrier3A)
    %scan3A_52 = arith.constant 0 : i32
    %scan3A_53 = arith.constant 0 : i32
    %scan3A_54 = arith.constant 10 : i32
    %scan3A_55 = arith.addi %scan3A_53, %scan3A_54 : i32
    %scan3A_56 = arith.constant 1 : i32
    scf.for %scan3A_59 = %scan3A_53 to %scan3A_55 step %scan3A_56  : i32 {
      %mul3A_60 = arith.constant 2 : i32
      %mul3A_61 = arith.muli %mul3A_60, %scan3A_59 : i32
      %mul3A_62 = arith.constant 2 : i32
      %mul3A_63 = arith.muli %mul3A_62, %scan3A_59 : i32
      %add3A_64 = arith.constant 1 : i32
      %add3A_65 = arith.addi %mul3A_63, %add3A_64 : i32
      %mul3A_66 = arith.constant 4 : i32
      %mul3A_67 = arith.muli %mul3A_61, %mul3A_66 : i32
      %add3A_68 = arith.constant 0 : i32
      %add3A_69 = arith.addi %mul3A_67, %add3A_68 : i32
      %dma_start3A = arith.constant 0 : i32
      %dma_start3A_70 = arith.constant 0 : i32
      %dma_start3A_71 = arith.constant 0 : i32
      %dma_start3A_72 = arith.constant 0 : i32
      %dma_start3A_73 = tpu.memref_slice %arg8[%dma_start3A, %dma_start3A_70, %dma_start3A_71, %dma_start3A_72] : memref<2x4x125x64xf32, #tpu.memory_space<vmem>> -> memref<1x1x125x64xf32, #tpu.memory_space<vmem>>
      %dma_start3A_74 = tpu.memref_squeeze %dma_start3A_73 : memref<1x1x125x64xf32, #tpu.memory_space<vmem>> -> memref<125x64xf32, #tpu.memory_space<vmem>>
      %dma_start3A_75 = arith.constant 0 : i32
      %dma_start3A_76 = tpu.memref_slice %arg6[%add3A_69, %dma_start3A_75] : memref<80x125xi32, #tpu.memory_space<vmem>> -> memref<1x125xi32, #tpu.memory_space<vmem>>
      %dma_start3A_77 = tpu.memref_squeeze %dma_start3A_76 : memref<1x125xi32, #tpu.memory_space<vmem>> -> memref<125xi32, #tpu.memory_space<vmem>>
      %dma_start3A_78 = arith.constant 0 : i32
      %dma_start3A_79 = arith.constant 0 : i32
      %dma_start3A_80 = tpu.memref_slice %arg2[%dma_start3A_78, %dma_start3A_79] : memref<10000x64xf32, #tpu.memory_space<hbm>> -> memref<10000x64xf32, #tpu.memory_space<hbm>>
      tpu.enqueue_indirect_dma source(%dma_start3A_80 : memref<10000x64xf32, #tpu.memory_space<hbm>>) target(%dma_start3A_74 : memref<125x64xf32, #tpu.memory_space<vmem>>) offsets(%dma_start3A_77 : memref<125xi32, #tpu.memory_space<vmem>>) semaphore(%arg11 : memref<!tpu.dma_semaphore, #tpu.memory_space<semaphore_mem>>)
      %mul3A_81 = arith.constant 4 : i32
      %mul3A_82 = arith.muli %mul3A_61, %mul3A_81 : i32
      %add3A_83 = arith.constant 1 : i32
      %add3A_84 = arith.addi %mul3A_82, %add3A_83 : i32
      %dma_start3A_85 = arith.constant 0 : i32
      %dma_start3A_86 = arith.constant 1 : i32
      %dma_start3A_87 = arith.constant 0 : i32
      %dma_start3A_88 = arith.constant 0 : i32
      %dma_start3A_89 = tpu.memref_slice %arg8[%dma_start3A_85, %dma_start3A_86, %dma_start3A_87, %dma_start3A_88] : memref<2x4x125x64xf32, #tpu.memory_space<vmem>> -> memref<1x1x125x64xf32, #tpu.memory_space<vmem>>
      %dma_start3A_90 = tpu.memref_squeeze %dma_start3A_89 : memref<1x1x125x64xf32, #tpu.memory_space<vmem>> -> memref<125x64xf32, #tpu.memory_space<vmem>>
      %dma_start3A_91 = arith.constant 0 : i32
      %dma_start3A_92 = tpu.memref_slice %arg6[%add3A_84, %dma_start3A_91] : memref<80x125xi32, #tpu.memory_space<vmem>> -> memref<1x125xi32, #tpu.memory_space<vmem>>
      %dma_start3A_93 = tpu.memref_squeeze %dma_start3A_92 : memref<1x125xi32, #tpu.memory_space<vmem>> -> memref<125xi32, #tpu.memory_space<vmem>>
      %dma_start3A_94 = arith.constant 0 : i32
      %dma_start3A_95 = arith.constant 0 : i32
      %dma_start3A_96 = tpu.memref_slice %arg2[%dma_start3A_94, %dma_start3A_95] : memref<10000x64xf32, #tpu.memory_space<hbm>> -> memref<10000x64xf32, #tpu.memory_space<hbm>>
      tpu.enqueue_indirect_dma source(%dma_start3A_96 : memref<10000x64xf32, #tpu.memory_space<hbm>>) target(%dma_start3A_90 : memref<125x64xf32, #tpu.memory_space<vmem>>) offsets(%dma_start3A_93 : memref<125xi32, #tpu.memory_space<vmem>>) semaphore(%arg11 : memref<!tpu.dma_semaphore, #tpu.memory_space<semaphore_mem>>)
      %mul3A_97 = arith.constant 4 : i32
      %mul3A_98 = arith.muli %mul3A_61, %mul3A_97 : i32
      %add3A_99 = arith.constant 2 : i32
      %add3A_100 = arith.addi %mul3A_98, %add3A_99 : i32
      %dma_start3A_101 = arith.constant 0 : i32
      %dma_start3A_102 = arith.constant 2 : i32
      %dma_start3A_103 = arith.constant 0 : i32
      %dma_start3A_104 = arith.constant 0 : i32
      %dma_start3A_105 = tpu.memref_slice %arg8[%dma_start3A_101, %dma_start3A_102, %dma_start3A_103, %dma_start3A_104] : memref<2x4x125x64xf32, #tpu.memory_space<vmem>> -> memref<1x1x125x64xf32, #tpu.memory_space<vmem>>
      %dma_start3A_106 = tpu.memref_squeeze %dma_start3A_105 : memref<1x1x125x64xf32, #tpu.memory_space<vmem>> -> memref<125x64xf32, #tpu.memory_space<vmem>>
      %dma_start3A_107 = arith.constant 0 : i32
      %dma_start3A_108 = tpu.memref_slice %arg6[%add3A_100, %dma_start3A_107] : memref<80x125xi32, #tpu.memory_space<vmem>> -> memref<1x125xi32, #tpu.memory_space<vmem>>
      %dma_start3A_109 = tpu.memref_squeeze %dma_start3A_108 : memref<1x125xi32, #tpu.memory_space<vmem>> -> memref<125xi32, #tpu.memory_space<vmem>>
      %dma_start3A_110 = arith.constant 0 : i32
      %dma_start3A_111 = arith.constant 0 : i32
      %dma_start3A_112 = tpu.memref_slice %arg2[%dma_start3A_110, %dma_start3A_111] : memref<10000x64xf32, #tpu.memory_space<hbm>> -> memref<10000x64xf32, #tpu.memory_space<hbm>>
      tpu.enqueue_indirect_dma source(%dma_start3A_112 : memref<10000x64xf32, #tpu.memory_space<hbm>>) target(%dma_start3A_106 : memref<125x64xf32, #tpu.memory_space<vmem>>) offsets(%dma_start3A_109 : memref<125xi32, #tpu.memory_space<vmem>>) semaphore(%arg11 : memref<!tpu.dma_semaphore, #tpu.memory_space<semaphore_mem>>)
      %mul3A_113 = arith.constant 4 : i32
      %mul3A_114 = arith.muli %mul3A_61, %mul3A_113 : i32
      %add3A_115 = arith.constant 3 : i32
      %add3A_116 = arith.addi %mul3A_114, %add3A_115 : i32
      %dma_start3A_117 = arith.constant 0 : i32
      %dma_start3A_118 = arith.constant 3 : i32
      %dma_start3A_119 = arith.constant 0 : i32
      %dma_start3A_120 = arith.constant 0 : i32
      %dma_start3A_121 = tpu.memref_slice %arg8[%dma_start3A_117, %dma_start3A_118, %dma_start3A_119, %dma_start3A_120] : memref<2x4x125x64xf32, #tpu.memory_space<vmem>> -> memref<1x1x125x64xf32, #tpu.memory_space<vmem>>
      %dma_start3A_122 = tpu.memref_squeeze %dma_start3A_121 : memref<1x1x125x64xf32, #tpu.memory_space<vmem>> -> memref<125x64xf32, #tpu.memory_space<vmem>>
      %dma_start3A_123 = arith.constant 0 : i32
      %dma_start3A_124 = tpu.memref_slice %arg6[%add3A_116, %dma_start3A_123] : memref<80x125xi32, #tpu.memory_space<vmem>> -> memref<1x125xi32, #tpu.memory_space<vmem>>
      %dma_start3A_125 = tpu.memref_squeeze %dma_start3A_124 : memref<1x125xi32, #tpu.memory_space<vmem>> -> memref<125xi32, #tpu.memory_space<vmem>>
      %dma_start3A_126 = arith.constant 0 : i32
      %dma_start3A_127 = arith.constant 0 : i32
      %dma_start3A_128 = tpu.memref_slice %arg2[%dma_start3A_126, %dma_start3A_127] : memref<10000x64xf32, #tpu.memory_space<hbm>> -> memref<10000x64xf32, #tpu.memory_space<hbm>>
      tpu.enqueue_indirect_dma source(%dma_start3A_128 : memref<10000x64xf32, #tpu.memory_space<hbm>>) target(%dma_start3A_122 : memref<125x64xf32, #tpu.memory_space<vmem>>) offsets(%dma_start3A_125 : memref<125xi32, #tpu.memory_space<vmem>>) semaphore(%arg11 : memref<!tpu.dma_semaphore, #tpu.memory_space<semaphore_mem>>)
      %dma_wait3A = arith.constant 0 : i32
      %dma_wait3A_129 = arith.constant 0 : i32
      %dma_wait3A_130 = arith.constant 0 : i32
      %dma_wait3A_131 = arith.constant 0 : i32
      %dma_wait3A_132 = tpu.memref_slice %arg8[%dma_wait3A, %dma_wait3A_129, %dma_wait3A_130, %dma_wait3A_131] : memref<2x4x125x64xf32, #tpu.memory_space<vmem>> -> memref<1x1x125x64xf32, #tpu.memory_space<vmem>>
      %dma_wait3A_133 = tpu.memref_squeeze %dma_wait3A_132 : memref<1x1x125x64xf32, #tpu.memory_space<vmem>> -> memref<125x64xf32, #tpu.memory_space<vmem>>
      %dma_wait3A_134 = arith.constant 0 : i32
      %dma_wait3A_135 = tpu.memref_slice %arg6[%add3A_69, %dma_wait3A_134] : memref<80x125xi32, #tpu.memory_space<vmem>> -> memref<1x125xi32, #tpu.memory_space<vmem>>
      %dma_wait3A_136 = tpu.memref_squeeze %dma_wait3A_135 : memref<1x125xi32, #tpu.memory_space<vmem>> -> memref<125xi32, #tpu.memory_space<vmem>>
      %dma_wait3A_137 = arith.constant 0 : i32
      %dma_wait3A_138 = arith.constant 0 : i32
      %dma_wait3A_139 = tpu.memref_slice %arg2[%dma_wait3A_137, %dma_wait3A_138] : memref<10000x64xf32, #tpu.memory_space<hbm>> -> memref<10000x64xf32, #tpu.memory_space<hbm>>
      tpu.wait_indirect_dma semaphore(%arg11 : memref<!tpu.dma_semaphore, #tpu.memory_space<semaphore_mem>>) src(%dma_wait3A_139 : memref<10000x64xf32, #tpu.memory_space<hbm>>) dst(%dma_wait3A_133 : memref<125x64xf32, #tpu.memory_space<vmem>>)
      %dma_wait3A_140 = arith.constant 0 : i32
      %dma_wait3A_141 = arith.constant 1 : i32
      %dma_wait3A_142 = arith.constant 0 : i32
      %dma_wait3A_143 = arith.constant 0 : i32
      %dma_wait3A_144 = tpu.memref_slice %arg8[%dma_wait3A_140, %dma_wait3A_141, %dma_wait3A_142, %dma_wait3A_143] : memref<2x4x125x64xf32, #tpu.memory_space<vmem>> -> memref<1x1x125x64xf32, #tpu.memory_space<vmem>>
      %dma_wait3A_145 = tpu.memref_squeeze %dma_wait3A_144 : memref<1x1x125x64xf32, #tpu.memory_space<vmem>> -> memref<125x64xf32, #tpu.memory_space<vmem>>
      %dma_wait3A_146 = arith.constant 0 : i32
      %dma_wait3A_147 = tpu.memref_slice %arg6[%add3A_84, %dma_wait3A_146] : memref<80x125xi32, #tpu.memory_space<vmem>> -> memref<1x125xi32, #tpu.memory_space<vmem>>
      %dma_wait3A_148 = tpu.memref_squeeze %dma_wait3A_147 : memref<1x125xi32, #tpu.memory_space<vmem>> -> memref<125xi32, #tpu.memory_space<vmem>>
      %dma_wait3A_149 = arith.constant 0 : i32
      %dma_wait3A_150 = arith.constant 0 : i32
      %dma_wait3A_151 = tpu.memref_slice %arg2[%dma_wait3A_149, %dma_wait3A_150] : memref<10000x64xf32, #tpu.memory_space<hbm>> -> memref<10000x64xf32, #tpu.memory_space<hbm>>
      tpu.wait_indirect_dma semaphore(%arg11 : memref<!tpu.dma_semaphore, #tpu.memory_space<semaphore_mem>>) src(%dma_wait3A_151 : memref<10000x64xf32, #tpu.memory_space<hbm>>) dst(%dma_wait3A_145 : memref<125x64xf32, #tpu.memory_space<vmem>>)
      %dma_wait3A_152 = arith.constant 0 : i32
      %dma_wait3A_153 = arith.constant 2 : i32
      %dma_wait3A_154 = arith.constant 0 : i32
      %dma_wait3A_155 = arith.constant 0 : i32
      %dma_wait3A_156 = tpu.memref_slice %arg8[%dma_wait3A_152, %dma_wait3A_153, %dma_wait3A_154, %dma_wait3A_155] : memref<2x4x125x64xf32, #tpu.memory_space<vmem>> -> memref<1x1x125x64xf32, #tpu.memory_space<vmem>>
      %dma_wait3A_157 = tpu.memref_squeeze %dma_wait3A_156 : memref<1x1x125x64xf32, #tpu.memory_space<vmem>> -> memref<125x64xf32, #tpu.memory_space<vmem>>
      %dma_wait3A_158 = arith.constant 0 : i32
      %dma_wait3A_159 = tpu.memref_slice %arg6[%add3A_100, %dma_wait3A_158] : memref<80x125xi32, #tpu.memory_space<vmem>> -> memref<1x125xi32, #tpu.memory_space<vmem>>
      %dma_wait3A_160 = tpu.memref_squeeze %dma_wait3A_159 : memref<1x125xi32, #tpu.memory_space<vmem>> -> memref<125xi32, #tpu.memory_space<vmem>>
      %dma_wait3A_161 = arith.constant 0 : i32
      %dma_wait3A_162 = arith.constant 0 : i32
      %dma_wait3A_163 = tpu.memref_slice %arg2[%dma_wait3A_161, %dma_wait3A_162] : memref<10000x64xf32, #tpu.memory_space<hbm>> -> memref<10000x64xf32, #tpu.memory_space<hbm>>
      tpu.wait_indirect_dma semaphore(%arg11 : memref<!tpu.dma_semaphore, #tpu.memory_space<semaphore_mem>>) src(%dma_wait3A_163 : memref<10000x64xf32, #tpu.memory_space<hbm>>) dst(%dma_wait3A_157 : memref<125x64xf32, #tpu.memory_space<vmem>>)
      %dma_wait3A_164 = arith.constant 0 : i32
      %dma_wait3A_165 = arith.constant 3 : i32
      %dma_wait3A_166 = arith.constant 0 : i32
      %dma_wait3A_167 = arith.constant 0 : i32
      %dma_wait3A_168 = tpu.memref_slice %arg8[%dma_wait3A_164, %dma_wait3A_165, %dma_wait3A_166, %dma_wait3A_167] : memref<2x4x125x64xf32, #tpu.memory_space<vmem>> -> memref<1x1x125x64xf32, #tpu.memory_space<vmem>>
      %dma_wait3A_169 = tpu.memref_squeeze %dma_wait3A_168 : memref<1x1x125x64xf32, #tpu.memory_space<vmem>> -> memref<125x64xf32, #tpu.memory_space<vmem>>
      %dma_wait3A_170 = arith.constant 0 : i32
      %dma_wait3A_171 = tpu.memref_slice %arg6[%add3A_116, %dma_wait3A_170] : memref<80x125xi32, #tpu.memory_space<vmem>> -> memref<1x125xi32, #tpu.memory_space<vmem>>
      %dma_wait3A_172 = tpu.memref_squeeze %dma_wait3A_171 : memref<1x125xi32, #tpu.memory_space<vmem>> -> memref<125xi32, #tpu.memory_space<vmem>>
      %dma_wait3A_173 = arith.constant 0 : i32
      %dma_wait3A_174 = arith.constant 0 : i32
      %dma_wait3A_175 = tpu.memref_slice %arg2[%dma_wait3A_173, %dma_wait3A_174] : memref<10000x64xf32, #tpu.memory_space<hbm>> -> memref<10000x64xf32, #tpu.memory_space<hbm>>
      tpu.wait_indirect_dma semaphore(%arg11 : memref<!tpu.dma_semaphore, #tpu.memory_space<semaphore_mem>>) src(%dma_wait3A_175 : memref<10000x64xf32, #tpu.memory_space<hbm>>) dst(%dma_wait3A_169 : memref<125x64xf32, #tpu.memory_space<vmem>>)
      %mul3A_176 = arith.constant 4 : i32
      %mul3A_177 = arith.muli %mul3A_61, %mul3A_176 : i32
      %add3A_178 = arith.constant 0 : i32
      %add3A_179 = arith.addi %mul3A_177, %add3A_178 : i32
      %dma_start3A_180 = arith.constant 0 : i32
      %dma_start3A_181 = arith.constant 0 : i32
      %dma_start3A_182 = arith.constant 0 : i32
      %dma_start3A_183 = arith.constant 0 : i32
      %dma_start3A_184 = tpu.memref_slice %arg8[%dma_start3A_180, %dma_start3A_181, %dma_start3A_182, %dma_start3A_183] : memref<2x4x125x64xf32, #tpu.memory_space<vmem>> -> memref<1x1x125x64xf32, #tpu.memory_space<vmem>>
      %dma_start3A_185 = tpu.memref_squeeze %dma_start3A_184 : memref<1x1x125x64xf32, #tpu.memory_space<vmem>> -> memref<125x64xf32, #tpu.memory_space<vmem>>
      %dma_start3A_186 = arith.constant 0 : i32
      %dma_start3A_187 = tpu.memref_slice %arg7[%add3A_179, %dma_start3A_186] : memref<80x125xi32, #tpu.memory_space<vmem>> -> memref<1x125xi32, #tpu.memory_space<vmem>>
      %dma_start3A_188 = tpu.memref_squeeze %dma_start3A_187 : memref<1x125xi32, #tpu.memory_space<vmem>> -> memref<125xi32, #tpu.memory_space<vmem>>
      %dma_start3A_189 = arith.constant 0 : i32
      %dma_start3A_190 = arith.constant 0 : i32
      %dma_start3A_191 = tpu.memref_slice %arg10[%dma_start3A_189, %dma_start3A_190] : memref<10240x64xf32, #tpu.memory_space<vmem_shared>> -> memref<10240x64xf32, #tpu.memory_space<vmem_shared>>
      tpu.enqueue_indirect_dma source(%dma_start3A_185 : memref<125x64xf32, #tpu.memory_space<vmem>>) target(%dma_start3A_191 : memref<10240x64xf32, #tpu.memory_space<vmem_shared>>) offsets(%dma_start3A_188 : memref<125xi32, #tpu.memory_space<vmem>>) semaphore(%arg13 : memref<!tpu.dma_semaphore, #tpu.memory_space<semaphore_mem>>) {add = true}
      %mul3A_192 = arith.constant 4 : i32
      %mul3A_193 = arith.muli %mul3A_61, %mul3A_192 : i32
      %add3A_194 = arith.constant 1 : i32
      %add3A_195 = arith.addi %mul3A_193, %add3A_194 : i32
      %dma_start3A_196 = arith.constant 0 : i32
      %dma_start3A_197 = arith.constant 1 : i32
      %dma_start3A_198 = arith.constant 0 : i32
      %dma_start3A_199 = arith.constant 0 : i32
      %dma_start3A_200 = tpu.memref_slice %arg8[%dma_start3A_196, %dma_start3A_197, %dma_start3A_198, %dma_start3A_199] : memref<2x4x125x64xf32, #tpu.memory_space<vmem>> -> memref<1x1x125x64xf32, #tpu.memory_space<vmem>>
      %dma_start3A_201 = tpu.memref_squeeze %dma_start3A_200 : memref<1x1x125x64xf32, #tpu.memory_space<vmem>> -> memref<125x64xf32, #tpu.memory_space<vmem>>
      %dma_start3A_202 = arith.constant 0 : i32
      %dma_start3A_203 = tpu.memref_slice %arg7[%add3A_195, %dma_start3A_202] : memref<80x125xi32, #tpu.memory_space<vmem>> -> memref<1x125xi32, #tpu.memory_space<vmem>>
      %dma_start3A_204 = tpu.memref_squeeze %dma_start3A_203 : memref<1x125xi32, #tpu.memory_space<vmem>> -> memref<125xi32, #tpu.memory_space<vmem>>
      %dma_start3A_205 = arith.constant 0 : i32
      %dma_start3A_206 = arith.constant 0 : i32
      %dma_start3A_207 = tpu.memref_slice %arg10[%dma_start3A_205, %dma_start3A_206] : memref<10240x64xf32, #tpu.memory_space<vmem_shared>> -> memref<10240x64xf32, #tpu.memory_space<vmem_shared>>
      tpu.enqueue_indirect_dma source(%dma_start3A_201 : memref<125x64xf32, #tpu.memory_space<vmem>>) target(%dma_start3A_207 : memref<10240x64xf32, #tpu.memory_space<vmem_shared>>) offsets(%dma_start3A_204 : memref<125xi32, #tpu.memory_space<vmem>>) semaphore(%arg13 : memref<!tpu.dma_semaphore, #tpu.memory_space<semaphore_mem>>) {add = true}
      %mul3A_208 = arith.constant 4 : i32
      %mul3A_209 = arith.muli %mul3A_61, %mul3A_208 : i32
      %add3A_210 = arith.constant 2 : i32
      %add3A_211 = arith.addi %mul3A_209, %add3A_210 : i32
      %dma_start3A_212 = arith.constant 0 : i32
      %dma_start3A_213 = arith.constant 2 : i32
      %dma_start3A_214 = arith.constant 0 : i32
      %dma_start3A_215 = arith.constant 0 : i32
      %dma_start3A_216 = tpu.memref_slice %arg8[%dma_start3A_212, %dma_start3A_213, %dma_start3A_214, %dma_start3A_215] : memref<2x4x125x64xf32, #tpu.memory_space<vmem>> -> memref<1x1x125x64xf32, #tpu.memory_space<vmem>>
      %dma_start3A_217 = tpu.memref_squeeze %dma_start3A_216 : memref<1x1x125x64xf32, #tpu.memory_space<vmem>> -> memref<125x64xf32, #tpu.memory_space<vmem>>
      %dma_start3A_218 = arith.constant 0 : i32
      %dma_start3A_219 = tpu.memref_slice %arg7[%add3A_211, %dma_start3A_218] : memref<80x125xi32, #tpu.memory_space<vmem>> -> memref<1x125xi32, #tpu.memory_space<vmem>>
      %dma_start3A_220 = tpu.memref_squeeze %dma_start3A_219 : memref<1x125xi32, #tpu.memory_space<vmem>> -> memref<125xi32, #tpu.memory_space<vmem>>
      %dma_start3A_221 = arith.constant 0 : i32
      %dma_start3A_222 = arith.constant 0 : i32
      %dma_start3A_223 = tpu.memref_slice %arg10[%dma_start3A_221, %dma_start3A_222] : memref<10240x64xf32, #tpu.memory_space<vmem_shared>> -> memref<10240x64xf32, #tpu.memory_space<vmem_shared>>
      tpu.enqueue_indirect_dma source(%dma_start3A_217 : memref<125x64xf32, #tpu.memory_space<vmem>>) target(%dma_start3A_223 : memref<10240x64xf32, #tpu.memory_space<vmem_shared>>) offsets(%dma_start3A_220 : memref<125xi32, #tpu.memory_space<vmem>>) semaphore(%arg13 : memref<!tpu.dma_semaphore, #tpu.memory_space<semaphore_mem>>) {add = true}
      %mul3A_224 = arith.constant 4 : i32
      %mul3A_225 = arith.muli %mul3A_61, %mul3A_224 : i32
      %add3A_226 = arith.constant 3 : i32
      %add3A_227 = arith.addi %mul3A_225, %add3A_226 : i32
      %dma_start3A_228 = arith.constant 0 : i32
      %dma_start3A_229 = arith.constant 3 : i32
      %dma_start3A_230 = arith.constant 0 : i32
      %dma_start3A_231 = arith.constant 0 : i32
      %dma_start3A_232 = tpu.memref_slice %arg8[%dma_start3A_228, %dma_start3A_229, %dma_start3A_230, %dma_start3A_231] : memref<2x4x125x64xf32, #tpu.memory_space<vmem>> -> memref<1x1x125x64xf32, #tpu.memory_space<vmem>>
      %dma_start3A_233 = tpu.memref_squeeze %dma_start3A_232 : memref<1x1x125x64xf32, #tpu.memory_space<vmem>> -> memref<125x64xf32, #tpu.memory_space<vmem>>
      %dma_start3A_234 = arith.constant 0 : i32
      %dma_start3A_235 = tpu.memref_slice %arg7[%add3A_227, %dma_start3A_234] : memref<80x125xi32, #tpu.memory_space<vmem>> -> memref<1x125xi32, #tpu.memory_space<vmem>>
      %dma_start3A_236 = tpu.memref_squeeze %dma_start3A_235 : memref<1x125xi32, #tpu.memory_space<vmem>> -> memref<125xi32, #tpu.memory_space<vmem>>
      %dma_start3A_237 = arith.constant 0 : i32
      %dma_start3A_238 = arith.constant 0 : i32
      %dma_start3A_239 = tpu.memref_slice %arg10[%dma_start3A_237, %dma_start3A_238] : memref<10240x64xf32, #tpu.memory_space<vmem_shared>> -> memref<10240x64xf32, #tpu.memory_space<vmem_shared>>
      tpu.enqueue_indirect_dma source(%dma_start3A_233 : memref<125x64xf32, #tpu.memory_space<vmem>>) target(%dma_start3A_239 : memref<10240x64xf32, #tpu.memory_space<vmem_shared>>) offsets(%dma_start3A_236 : memref<125xi32, #tpu.memory_space<vmem>>) semaphore(%arg13 : memref<!tpu.dma_semaphore, #tpu.memory_space<semaphore_mem>>) {add = true}
      %mul3A_240 = arith.constant 4 : i32
      %mul3A_241 = arith.muli %add3A_65, %mul3A_240 : i32
      %add3A_242 = arith.constant 0 : i32
      %add3A_243 = arith.addi %mul3A_241, %add3A_242 : i32
      %dma_start3A_244 = arith.constant 1 : i32
      %dma_start3A_245 = arith.constant 0 : i32
      %dma_start3A_246 = arith.constant 0 : i32
      %dma_start3A_247 = arith.constant 0 : i32
      %dma_start3A_248 = tpu.memref_slice %arg8[%dma_start3A_244, %dma_start3A_245, %dma_start3A_246, %dma_start3A_247] : memref<2x4x125x64xf32, #tpu.memory_space<vmem>> -> memref<1x1x125x64xf32, #tpu.memory_space<vmem>>
      %dma_start3A_249 = tpu.memref_squeeze %dma_start3A_248 : memref<1x1x125x64xf32, #tpu.memory_space<vmem>> -> memref<125x64xf32, #tpu.memory_space<vmem>>
      %dma_start3A_250 = arith.constant 0 : i32
      %dma_start3A_251 = tpu.memref_slice %arg6[%add3A_243, %dma_start3A_250] : memref<80x125xi32, #tpu.memory_space<vmem>> -> memref<1x125xi32, #tpu.memory_space<vmem>>
      %dma_start3A_252 = tpu.memref_squeeze %dma_start3A_251 : memref<1x125xi32, #tpu.memory_space<vmem>> -> memref<125xi32, #tpu.memory_space<vmem>>
      %dma_start3A_253 = arith.constant 0 : i32
      %dma_start3A_254 = arith.constant 0 : i32
      %dma_start3A_255 = tpu.memref_slice %arg2[%dma_start3A_253, %dma_start3A_254] : memref<10000x64xf32, #tpu.memory_space<hbm>> -> memref<10000x64xf32, #tpu.memory_space<hbm>>
      tpu.enqueue_indirect_dma source(%dma_start3A_255 : memref<10000x64xf32, #tpu.memory_space<hbm>>) target(%dma_start3A_249 : memref<125x64xf32, #tpu.memory_space<vmem>>) offsets(%dma_start3A_252 : memref<125xi32, #tpu.memory_space<vmem>>) semaphore(%arg12 : memref<!tpu.dma_semaphore, #tpu.memory_space<semaphore_mem>>)
      %mul3A_256 = arith.constant 4 : i32
      %mul3A_257 = arith.muli %add3A_65, %mul3A_256 : i32
      %add3A_258 = arith.constant 1 : i32
      %add3A_259 = arith.addi %mul3A_257, %add3A_258 : i32
      %dma_start3A_260 = arith.constant 1 : i32
      %dma_start3A_261 = arith.constant 1 : i32
      %dma_start3A_262 = arith.constant 0 : i32
      %dma_start3A_263 = arith.constant 0 : i32
      %dma_start3A_264 = tpu.memref_slice %arg8[%dma_start3A_260, %dma_start3A_261, %dma_start3A_262, %dma_start3A_263] : memref<2x4x125x64xf32, #tpu.memory_space<vmem>> -> memref<1x1x125x64xf32, #tpu.memory_space<vmem>>
      %dma_start3A_265 = tpu.memref_squeeze %dma_start3A_264 : memref<1x1x125x64xf32, #tpu.memory_space<vmem>> -> memref<125x64xf32, #tpu.memory_space<vmem>>
      %dma_start3A_266 = arith.constant 0 : i32
      %dma_start3A_267 = tpu.memref_slice %arg6[%add3A_259, %dma_start3A_266] : memref<80x125xi32, #tpu.memory_space<vmem>> -> memref<1x125xi32, #tpu.memory_space<vmem>>
      %dma_start3A_268 = tpu.memref_squeeze %dma_start3A_267 : memref<1x125xi32, #tpu.memory_space<vmem>> -> memref<125xi32, #tpu.memory_space<vmem>>
      %dma_start3A_269 = arith.constant 0 : i32
      %dma_start3A_270 = arith.constant 0 : i32
      %dma_start3A_271 = tpu.memref_slice %arg2[%dma_start3A_269, %dma_start3A_270] : memref<10000x64xf32, #tpu.memory_space<hbm>> -> memref<10000x64xf32, #tpu.memory_space<hbm>>
      tpu.enqueue_indirect_dma source(%dma_start3A_271 : memref<10000x64xf32, #tpu.memory_space<hbm>>) target(%dma_start3A_265 : memref<125x64xf32, #tpu.memory_space<vmem>>) offsets(%dma_start3A_268 : memref<125xi32, #tpu.memory_space<vmem>>) semaphore(%arg12 : memref<!tpu.dma_semaphore, #tpu.memory_space<semaphore_mem>>)
      %mul3A_272 = arith.constant 4 : i32
      %mul3A_273 = arith.muli %add3A_65, %mul3A_272 : i32
      %add3A_274 = arith.constant 2 : i32
      %add3A_275 = arith.addi %mul3A_273, %add3A_274 : i32
      %dma_start3A_276 = arith.constant 1 : i32
      %dma_start3A_277 = arith.constant 2 : i32
      %dma_start3A_278 = arith.constant 0 : i32
      %dma_start3A_279 = arith.constant 0 : i32
      %dma_start3A_280 = tpu.memref_slice %arg8[%dma_start3A_276, %dma_start3A_277, %dma_start3A_278, %dma_start3A_279] : memref<2x4x125x64xf32, #tpu.memory_space<vmem>> -> memref<1x1x125x64xf32, #tpu.memory_space<vmem>>
      %dma_start3A_281 = tpu.memref_squeeze %dma_start3A_280 : memref<1x1x125x64xf32, #tpu.memory_space<vmem>> -> memref<125x64xf32, #tpu.memory_space<vmem>>
      %dma_start3A_282 = arith.constant 0 : i32
      %dma_start3A_283 = tpu.memref_slice %arg6[%add3A_275, %dma_start3A_282] : memref<80x125xi32, #tpu.memory_space<vmem>> -> memref<1x125xi32, #tpu.memory_space<vmem>>
      %dma_start3A_284 = tpu.memref_squeeze %dma_start3A_283 : memref<1x125xi32, #tpu.memory_space<vmem>> -> memref<125xi32, #tpu.memory_space<vmem>>
      %dma_start3A_285 = arith.constant 0 : i32
      %dma_start3A_286 = arith.constant 0 : i32
      %dma_start3A_287 = tpu.memref_slice %arg2[%dma_start3A_285, %dma_start3A_286] : memref<10000x64xf32, #tpu.memory_space<hbm>> -> memref<10000x64xf32, #tpu.memory_space<hbm>>
      tpu.enqueue_indirect_dma source(%dma_start3A_287 : memref<10000x64xf32, #tpu.memory_space<hbm>>) target(%dma_start3A_281 : memref<125x64xf32, #tpu.memory_space<vmem>>) offsets(%dma_start3A_284 : memref<125xi32, #tpu.memory_space<vmem>>) semaphore(%arg12 : memref<!tpu.dma_semaphore, #tpu.memory_space<semaphore_mem>>)
      %mul3A_288 = arith.constant 4 : i32
      %mul3A_289 = arith.muli %add3A_65, %mul3A_288 : i32
      %add3A_290 = arith.constant 3 : i32
      %add3A_291 = arith.addi %mul3A_289, %add3A_290 : i32
      %dma_start3A_292 = arith.constant 1 : i32
      %dma_start3A_293 = arith.constant 3 : i32
      %dma_start3A_294 = arith.constant 0 : i32
      %dma_start3A_295 = arith.constant 0 : i32
      %dma_start3A_296 = tpu.memref_slice %arg8[%dma_start3A_292, %dma_start3A_293, %dma_start3A_294, %dma_start3A_295] : memref<2x4x125x64xf32, #tpu.memory_space<vmem>> -> memref<1x1x125x64xf32, #tpu.memory_space<vmem>>
      %dma_start3A_297 = tpu.memref_squeeze %dma_start3A_296 : memref<1x1x125x64xf32, #tpu.memory_space<vmem>> -> memref<125x64xf32, #tpu.memory_space<vmem>>
      %dma_start3A_298 = arith.constant 0 : i32
      %dma_start3A_299 = tpu.memref_slice %arg6[%add3A_291, %dma_start3A_298] : memref<80x125xi32, #tpu.memory_space<vmem>> -> memref<1x125xi32, #tpu.memory_space<vmem>>
      %dma_start3A_300 = tpu.memref_squeeze %dma_start3A_299 : memref<1x125xi32, #tpu.memory_space<vmem>> -> memref<125xi32, #tpu.memory_space<vmem>>
      %dma_start3A_301 = arith.constant 0 : i32
      %dma_start3A_302 = arith.constant 0 : i32
      %dma_start3A_303 = tpu.memref_slice %arg2[%dma_start3A_301, %dma_start3A_302] : memref<10000x64xf32, #tpu.memory_space<hbm>> -> memref<10000x64xf32, #tpu.memory_space<hbm>>
      tpu.enqueue_indirect_dma source(%dma_start3A_303 : memref<10000x64xf32, #tpu.memory_space<hbm>>) target(%dma_start3A_297 : memref<125x64xf32, #tpu.memory_space<vmem>>) offsets(%dma_start3A_300 : memref<125xi32, #tpu.memory_space<vmem>>) semaphore(%arg12 : memref<!tpu.dma_semaphore, #tpu.memory_space<semaphore_mem>>)
      %dma_wait3A_304 = arith.constant 1 : i32
      %dma_wait3A_305 = arith.constant 0 : i32
      %dma_wait3A_306 = arith.constant 0 : i32
      %dma_wait3A_307 = arith.constant 0 : i32
      %dma_wait3A_308 = tpu.memref_slice %arg8[%dma_wait3A_304, %dma_wait3A_305, %dma_wait3A_306, %dma_wait3A_307] : memref<2x4x125x64xf32, #tpu.memory_space<vmem>> -> memref<1x1x125x64xf32, #tpu.memory_space<vmem>>
      %dma_wait3A_309 = tpu.memref_squeeze %dma_wait3A_308 : memref<1x1x125x64xf32, #tpu.memory_space<vmem>> -> memref<125x64xf32, #tpu.memory_space<vmem>>
      %dma_wait3A_310 = arith.constant 0 : i32
      %dma_wait3A_311 = tpu.memref_slice %arg6[%add3A_243, %dma_wait3A_310] : memref<80x125xi32, #tpu.memory_space<vmem>> -> memref<1x125xi32, #tpu.memory_space<vmem>>
      %dma_wait3A_312 = tpu.memref_squeeze %dma_wait3A_311 : memref<1x125xi32, #tpu.memory_space<vmem>> -> memref<125xi32, #tpu.memory_space<vmem>>
      %dma_wait3A_313 = arith.constant 0 : i32
      %dma_wait3A_314 = arith.constant 0 : i32
      %dma_wait3A_315 = tpu.memref_slice %arg2[%dma_wait3A_313, %dma_wait3A_314] : memref<10000x64xf32, #tpu.memory_space<hbm>> -> memref<10000x64xf32, #tpu.memory_space<hbm>>
      tpu.wait_indirect_dma semaphore(%arg12 : memref<!tpu.dma_semaphore, #tpu.memory_space<semaphore_mem>>) src(%dma_wait3A_315 : memref<10000x64xf32, #tpu.memory_space<hbm>>) dst(%dma_wait3A_309 : memref<125x64xf32, #tpu.memory_space<vmem>>)
      %dma_wait3A_316 = arith.constant 1 : i32
      %dma_wait3A_317 = arith.constant 1 : i32
      %dma_wait3A_318 = arith.constant 0 : i32
      %dma_wait3A_319 = arith.constant 0 : i32
      %dma_wait3A_320 = tpu.memref_slice %arg8[%dma_wait3A_316, %dma_wait3A_317, %dma_wait3A_318, %dma_wait3A_319] : memref<2x4x125x64xf32, #tpu.memory_space<vmem>> -> memref<1x1x125x64xf32, #tpu.memory_space<vmem>>
      %dma_wait3A_321 = tpu.memref_squeeze %dma_wait3A_320 : memref<1x1x125x64xf32, #tpu.memory_space<vmem>> -> memref<125x64xf32, #tpu.memory_space<vmem>>
      %dma_wait3A_322 = arith.constant 0 : i32
      %dma_wait3A_323 = tpu.memref_slice %arg6[%add3A_259, %dma_wait3A_322] : memref<80x125xi32, #tpu.memory_space<vmem>> -> memref<1x125xi32, #tpu.memory_space<vmem>>
      %dma_wait3A_324 = tpu.memref_squeeze %dma_wait3A_323 : memref<1x125xi32, #tpu.memory_space<vmem>> -> memref<125xi32, #tpu.memory_space<vmem>>
      %dma_wait3A_325 = arith.constant 0 : i32
      %dma_wait3A_326 = arith.constant 0 : i32
      %dma_wait3A_327 = tpu.memref_slice %arg2[%dma_wait3A_325, %dma_wait3A_326] : memref<10000x64xf32, #tpu.memory_space<hbm>> -> memref<10000x64xf32, #tpu.memory_space<hbm>>
      tpu.wait_indirect_dma semaphore(%arg12 : memref<!tpu.dma_semaphore, #tpu.memory_space<semaphore_mem>>) src(%dma_wait3A_327 : memref<10000x64xf32, #tpu.memory_space<hbm>>) dst(%dma_wait3A_321 : memref<125x64xf32, #tpu.memory_space<vmem>>)
      %dma_wait3A_328 = arith.constant 1 : i32
      %dma_wait3A_329 = arith.constant 2 : i32
      %dma_wait3A_330 = arith.constant 0 : i32
      %dma_wait3A_331 = arith.constant 0 : i32
      %dma_wait3A_332 = tpu.memref_slice %arg8[%dma_wait3A_328, %dma_wait3A_329, %dma_wait3A_330, %dma_wait3A_331] : memref<2x4x125x64xf32, #tpu.memory_space<vmem>> -> memref<1x1x125x64xf32, #tpu.memory_space<vmem>>
      %dma_wait3A_333 = tpu.memref_squeeze %dma_wait3A_332 : memref<1x1x125x64xf32, #tpu.memory_space<vmem>> -> memref<125x64xf32, #tpu.memory_space<vmem>>
      %dma_wait3A_334 = arith.constant 0 : i32
      %dma_wait3A_335 = tpu.memref_slice %arg6[%add3A_275, %dma_wait3A_334] : memref<80x125xi32, #tpu.memory_space<vmem>> -> memref<1x125xi32, #tpu.memory_space<vmem>>
      %dma_wait3A_336 = tpu.memref_squeeze %dma_wait3A_335 : memref<1x125xi32, #tpu.memory_space<vmem>> -> memref<125xi32, #tpu.memory_space<vmem>>
      %dma_wait3A_337 = arith.constant 0 : i32
      %dma_wait3A_338 = arith.constant 0 : i32
      %dma_wait3A_339 = tpu.memref_slice %arg2[%dma_wait3A_337, %dma_wait3A_338] : memref<10000x64xf32, #tpu.memory_space<hbm>> -> memref<10000x64xf32, #tpu.memory_space<hbm>>
      tpu.wait_indirect_dma semaphore(%arg12 : memref<!tpu.dma_semaphore, #tpu.memory_space<semaphore_mem>>) src(%dma_wait3A_339 : memref<10000x64xf32, #tpu.memory_space<hbm>>) dst(%dma_wait3A_333 : memref<125x64xf32, #tpu.memory_space<vmem>>)
      %dma_wait3A_340 = arith.constant 1 : i32
      %dma_wait3A_341 = arith.constant 3 : i32
      %dma_wait3A_342 = arith.constant 0 : i32
      %dma_wait3A_343 = arith.constant 0 : i32
      %dma_wait3A_344 = tpu.memref_slice %arg8[%dma_wait3A_340, %dma_wait3A_341, %dma_wait3A_342, %dma_wait3A_343] : memref<2x4x125x64xf32, #tpu.memory_space<vmem>> -> memref<1x1x125x64xf32, #tpu.memory_space<vmem>>
      %dma_wait3A_345 = tpu.memref_squeeze %dma_wait3A_344 : memref<1x1x125x64xf32, #tpu.memory_space<vmem>> -> memref<125x64xf32, #tpu.memory_space<vmem>>
      %dma_wait3A_346 = arith.constant 0 : i32
      %dma_wait3A_347 = tpu.memref_slice %arg6[%add3A_291, %dma_wait3A_346] : memref<80x125xi32, #tpu.memory_space<vmem>> -> memref<1x125xi32, #tpu.memory_space<vmem>>
      %dma_wait3A_348 = tpu.memref_squeeze %dma_wait3A_347 : memref<1x125xi32, #tpu.memory_space<vmem>> -> memref<125xi32, #tpu.memory_space<vmem>>
      %dma_wait3A_349 = arith.constant 0 : i32
      %dma_wait3A_350 = arith.constant 0 : i32
      %dma_wait3A_351 = tpu.memref_slice %arg2[%dma_wait3A_349, %dma_wait3A_350] : memref<10000x64xf32, #tpu.memory_space<hbm>> -> memref<10000x64xf32, #tpu.memory_space<hbm>>
      tpu.wait_indirect_dma semaphore(%arg12 : memref<!tpu.dma_semaphore, #tpu.memory_space<semaphore_mem>>) src(%dma_wait3A_351 : memref<10000x64xf32, #tpu.memory_space<hbm>>) dst(%dma_wait3A_345 : memref<125x64xf32, #tpu.memory_space<vmem>>)
      %dma_wait3A_352 = arith.constant 0 : i32
      %dma_wait3A_353 = arith.constant 0 : i32
      %dma_wait3A_354 = arith.constant 0 : i32
      %dma_wait3A_355 = arith.constant 0 : i32
      %dma_wait3A_356 = tpu.memref_slice %arg8[%dma_wait3A_352, %dma_wait3A_353, %dma_wait3A_354, %dma_wait3A_355] : memref<2x4x125x64xf32, #tpu.memory_space<vmem>> -> memref<1x1x125x64xf32, #tpu.memory_space<vmem>>
      %dma_wait3A_357 = tpu.memref_squeeze %dma_wait3A_356 : memref<1x1x125x64xf32, #tpu.memory_space<vmem>> -> memref<125x64xf32, #tpu.memory_space<vmem>>
      %dma_wait3A_358 = arith.constant 0 : i32
      %dma_wait3A_359 = tpu.memref_slice %arg7[%add3A_179, %dma_wait3A_358] : memref<80x125xi32, #tpu.memory_space<vmem>> -> memref<1x125xi32, #tpu.memory_space<vmem>>
      %dma_wait3A_360 = tpu.memref_squeeze %dma_wait3A_359 : memref<1x125xi32, #tpu.memory_space<vmem>> -> memref<125xi32, #tpu.memory_space<vmem>>
      %dma_wait3A_361 = arith.constant 0 : i32
      %dma_wait3A_362 = arith.constant 0 : i32
      %dma_wait3A_363 = tpu.memref_slice %arg10[%dma_wait3A_361, %dma_wait3A_362] : memref<10240x64xf32, #tpu.memory_space<vmem_shared>> -> memref<10240x64xf32, #tpu.memory_space<vmem_shared>>
      tpu.wait_indirect_dma semaphore(%arg13 : memref<!tpu.dma_semaphore, #tpu.memory_space<semaphore_mem>>) src(%dma_wait3A_357 : memref<125x64xf32, #tpu.memory_space<vmem>>) dst(%dma_wait3A_363 : memref<10240x64xf32, #tpu.memory_space<vmem_shared>>)
      %dma_wait3A_364 = arith.constant 0 : i32
      %dma_wait3A_365 = arith.constant 1 : i32
      %dma_wait3A_366 = arith.constant 0 : i32
      %dma_wait3A_367 = arith.constant 0 : i32
      %dma_wait3A_368 = tpu.memref_slice %arg8[%dma_wait3A_364, %dma_wait3A_365, %dma_wait3A_366, %dma_wait3A_367] : memref<2x4x125x64xf32, #tpu.memory_space<vmem>> -> memref<1x1x125x64xf32, #tpu.memory_space<vmem>>
      %dma_wait3A_369 = tpu.memref_squeeze %dma_wait3A_368 : memref<1x1x125x64xf32, #tpu.memory_space<vmem>> -> memref<125x64xf32, #tpu.memory_space<vmem>>
      %dma_wait3A_370 = arith.constant 0 : i32
      %dma_wait3A_371 = tpu.memref_slice %arg7[%add3A_195, %dma_wait3A_370] : memref<80x125xi32, #tpu.memory_space<vmem>> -> memref<1x125xi32, #tpu.memory_space<vmem>>
      %dma_wait3A_372 = tpu.memref_squeeze %dma_wait3A_371 : memref<1x125xi32, #tpu.memory_space<vmem>> -> memref<125xi32, #tpu.memory_space<vmem>>
      %dma_wait3A_373 = arith.constant 0 : i32
      %dma_wait3A_374 = arith.constant 0 : i32
      %dma_wait3A_375 = tpu.memref_slice %arg10[%dma_wait3A_373, %dma_wait3A_374] : memref<10240x64xf32, #tpu.memory_space<vmem_shared>> -> memref<10240x64xf32, #tpu.memory_space<vmem_shared>>
      tpu.wait_indirect_dma semaphore(%arg13 : memref<!tpu.dma_semaphore, #tpu.memory_space<semaphore_mem>>) src(%dma_wait3A_369 : memref<125x64xf32, #tpu.memory_space<vmem>>) dst(%dma_wait3A_375 : memref<10240x64xf32, #tpu.memory_space<vmem_shared>>)
      %dma_wait3A_376 = arith.constant 0 : i32
      %dma_wait3A_377 = arith.constant 2 : i32
      %dma_wait3A_378 = arith.constant 0 : i32
      %dma_wait3A_379 = arith.constant 0 : i32
      %dma_wait3A_380 = tpu.memref_slice %arg8[%dma_wait3A_376, %dma_wait3A_377, %dma_wait3A_378, %dma_wait3A_379] : memref<2x4x125x64xf32, #tpu.memory_space<vmem>> -> memref<1x1x125x64xf32, #tpu.memory_space<vmem>>
      %dma_wait3A_381 = tpu.memref_squeeze %dma_wait3A_380 : memref<1x1x125x64xf32, #tpu.memory_space<vmem>> -> memref<125x64xf32, #tpu.memory_space<vmem>>
      %dma_wait3A_382 = arith.constant 0 : i32
      %dma_wait3A_383 = tpu.memref_slice %arg7[%add3A_211, %dma_wait3A_382] : memref<80x125xi32, #tpu.memory_space<vmem>> -> memref<1x125xi32, #tpu.memory_space<vmem>>
      %dma_wait3A_384 = tpu.memref_squeeze %dma_wait3A_383 : memref<1x125xi32, #tpu.memory_space<vmem>> -> memref<125xi32, #tpu.memory_space<vmem>>
      %dma_wait3A_385 = arith.constant 0 : i32
      %dma_wait3A_386 = arith.constant 0 : i32
      %dma_wait3A_387 = tpu.memref_slice %arg10[%dma_wait3A_385, %dma_wait3A_386] : memref<10240x64xf32, #tpu.memory_space<vmem_shared>> -> memref<10240x64xf32, #tpu.memory_space<vmem_shared>>
      tpu.wait_indirect_dma semaphore(%arg13 : memref<!tpu.dma_semaphore, #tpu.memory_space<semaphore_mem>>) src(%dma_wait3A_381 : memref<125x64xf32, #tpu.memory_space<vmem>>) dst(%dma_wait3A_387 : memref<10240x64xf32, #tpu.memory_space<vmem_shared>>)
      %dma_wait3A_388 = arith.constant 0 : i32
      %dma_wait3A_389 = arith.constant 3 : i32
      %dma_wait3A_390 = arith.constant 0 : i32
      %dma_wait3A_391 = arith.constant 0 : i32
      %dma_wait3A_392 = tpu.memref_slice %arg8[%dma_wait3A_388, %dma_wait3A_389, %dma_wait3A_390, %dma_wait3A_391] : memref<2x4x125x64xf32, #tpu.memory_space<vmem>> -> memref<1x1x125x64xf32, #tpu.memory_space<vmem>>
      %dma_wait3A_393 = tpu.memref_squeeze %dma_wait3A_392 : memref<1x1x125x64xf32, #tpu.memory_space<vmem>> -> memref<125x64xf32, #tpu.memory_space<vmem>>
      %dma_wait3A_394 = arith.constant 0 : i32
      %dma_wait3A_395 = tpu.memref_slice %arg7[%add3A_227, %dma_wait3A_394] : memref<80x125xi32, #tpu.memory_space<vmem>> -> memref<1x125xi32, #tpu.memory_space<vmem>>
      %dma_wait3A_396 = tpu.memref_squeeze %dma_wait3A_395 : memref<1x125xi32, #tpu.memory_space<vmem>> -> memref<125xi32, #tpu.memory_space<vmem>>
      %dma_wait3A_397 = arith.constant 0 : i32
      %dma_wait3A_398 = arith.constant 0 : i32
      %dma_wait3A_399 = tpu.memref_slice %arg10[%dma_wait3A_397, %dma_wait3A_398] : memref<10240x64xf32, #tpu.memory_space<vmem_shared>> -> memref<10240x64xf32, #tpu.memory_space<vmem_shared>>
      tpu.wait_indirect_dma semaphore(%arg13 : memref<!tpu.dma_semaphore, #tpu.memory_space<semaphore_mem>>) src(%dma_wait3A_393 : memref<125x64xf32, #tpu.memory_space<vmem>>) dst(%dma_wait3A_399 : memref<10240x64xf32, #tpu.memory_space<vmem_shared>>)
      %mul3A_400 = arith.constant 4 : i32
      %mul3A_401 = arith.muli %add3A_65, %mul3A_400 : i32
      %add3A_402 = arith.constant 0 : i32
      %add3A_403 = arith.addi %mul3A_401, %add3A_402 : i32
      %dma_start3A_404 = arith.constant 1 : i32
      %dma_start3A_405 = arith.constant 0 : i32
      %dma_start3A_406 = arith.constant 0 : i32
      %dma_start3A_407 = arith.constant 0 : i32
      %dma_start3A_408 = tpu.memref_slice %arg8[%dma_start3A_404, %dma_start3A_405, %dma_start3A_406, %dma_start3A_407] : memref<2x4x125x64xf32, #tpu.memory_space<vmem>> -> memref<1x1x125x64xf32, #tpu.memory_space<vmem>>
      %dma_start3A_409 = tpu.memref_squeeze %dma_start3A_408 : memref<1x1x125x64xf32, #tpu.memory_space<vmem>> -> memref<125x64xf32, #tpu.memory_space<vmem>>
      %dma_start3A_410 = arith.constant 0 : i32
      %dma_start3A_411 = tpu.memref_slice %arg7[%add3A_403, %dma_start3A_410] : memref<80x125xi32, #tpu.memory_space<vmem>> -> memref<1x125xi32, #tpu.memory_space<vmem>>
      %dma_start3A_412 = tpu.memref_squeeze %dma_start3A_411 : memref<1x125xi32, #tpu.memory_space<vmem>> -> memref<125xi32, #tpu.memory_space<vmem>>
      %dma_start3A_413 = arith.constant 0 : i32
      %dma_start3A_414 = arith.constant 0 : i32
      %dma_start3A_415 = tpu.memref_slice %arg10[%dma_start3A_413, %dma_start3A_414] : memref<10240x64xf32, #tpu.memory_space<vmem_shared>> -> memref<10240x64xf32, #tpu.memory_space<vmem_shared>>
      tpu.enqueue_indirect_dma source(%dma_start3A_409 : memref<125x64xf32, #tpu.memory_space<vmem>>) target(%dma_start3A_415 : memref<10240x64xf32, #tpu.memory_space<vmem_shared>>) offsets(%dma_start3A_412 : memref<125xi32, #tpu.memory_space<vmem>>) semaphore(%arg14 : memref<!tpu.dma_semaphore, #tpu.memory_space<semaphore_mem>>) {add = true}
      %mul3A_416 = arith.constant 4 : i32
      %mul3A_417 = arith.muli %add3A_65, %mul3A_416 : i32
      %add3A_418 = arith.constant 1 : i32
      %add3A_419 = arith.addi %mul3A_417, %add3A_418 : i32
      %dma_start3A_420 = arith.constant 1 : i32
      %dma_start3A_421 = arith.constant 1 : i32
      %dma_start3A_422 = arith.constant 0 : i32
      %dma_start3A_423 = arith.constant 0 : i32
      %dma_start3A_424 = tpu.memref_slice %arg8[%dma_start3A_420, %dma_start3A_421, %dma_start3A_422, %dma_start3A_423] : memref<2x4x125x64xf32, #tpu.memory_space<vmem>> -> memref<1x1x125x64xf32, #tpu.memory_space<vmem>>
      %dma_start3A_425 = tpu.memref_squeeze %dma_start3A_424 : memref<1x1x125x64xf32, #tpu.memory_space<vmem>> -> memref<125x64xf32, #tpu.memory_space<vmem>>
      %dma_start3A_426 = arith.constant 0 : i32
      %dma_start3A_427 = tpu.memref_slice %arg7[%add3A_419, %dma_start3A_426] : memref<80x125xi32, #tpu.memory_space<vmem>> -> memref<1x125xi32, #tpu.memory_space<vmem>>
      %dma_start3A_428 = tpu.memref_squeeze %dma_start3A_427 : memref<1x125xi32, #tpu.memory_space<vmem>> -> memref<125xi32, #tpu.memory_space<vmem>>
      %dma_start3A_429 = arith.constant 0 : i32
      %dma_start3A_430 = arith.constant 0 : i32
      %dma_start3A_431 = tpu.memref_slice %arg10[%dma_start3A_429, %dma_start3A_430] : memref<10240x64xf32, #tpu.memory_space<vmem_shared>> -> memref<10240x64xf32, #tpu.memory_space<vmem_shared>>
      tpu.enqueue_indirect_dma source(%dma_start3A_425 : memref<125x64xf32, #tpu.memory_space<vmem>>) target(%dma_start3A_431 : memref<10240x64xf32, #tpu.memory_space<vmem_shared>>) offsets(%dma_start3A_428 : memref<125xi32, #tpu.memory_space<vmem>>) semaphore(%arg14 : memref<!tpu.dma_semaphore, #tpu.memory_space<semaphore_mem>>) {add = true}
      %mul3A_432 = arith.constant 4 : i32
      %mul3A_433 = arith.muli %add3A_65, %mul3A_432 : i32
      %add3A_434 = arith.constant 2 : i32
      %add3A_435 = arith.addi %mul3A_433, %add3A_434 : i32
      %dma_start3A_436 = arith.constant 1 : i32
      %dma_start3A_437 = arith.constant 2 : i32
      %dma_start3A_438 = arith.constant 0 : i32
      %dma_start3A_439 = arith.constant 0 : i32
      %dma_start3A_440 = tpu.memref_slice %arg8[%dma_start3A_436, %dma_start3A_437, %dma_start3A_438, %dma_start3A_439] : memref<2x4x125x64xf32, #tpu.memory_space<vmem>> -> memref<1x1x125x64xf32, #tpu.memory_space<vmem>>
      %dma_start3A_441 = tpu.memref_squeeze %dma_start3A_440 : memref<1x1x125x64xf32, #tpu.memory_space<vmem>> -> memref<125x64xf32, #tpu.memory_space<vmem>>
      %dma_start3A_442 = arith.constant 0 : i32
      %dma_start3A_443 = tpu.memref_slice %arg7[%add3A_435, %dma_start3A_442] : memref<80x125xi32, #tpu.memory_space<vmem>> -> memref<1x125xi32, #tpu.memory_space<vmem>>
      %dma_start3A_444 = tpu.memref_squeeze %dma_start3A_443 : memref<1x125xi32, #tpu.memory_space<vmem>> -> memref<125xi32, #tpu.memory_space<vmem>>
      %dma_start3A_445 = arith.constant 0 : i32
      %dma_start3A_446 = arith.constant 0 : i32
      %dma_start3A_447 = tpu.memref_slice %arg10[%dma_start3A_445, %dma_start3A_446] : memref<10240x64xf32, #tpu.memory_space<vmem_shared>> -> memref<10240x64xf32, #tpu.memory_space<vmem_shared>>
      tpu.enqueue_indirect_dma source(%dma_start3A_441 : memref<125x64xf32, #tpu.memory_space<vmem>>) target(%dma_start3A_447 : memref<10240x64xf32, #tpu.memory_space<vmem_shared>>) offsets(%dma_start3A_444 : memref<125xi32, #tpu.memory_space<vmem>>) semaphore(%arg14 : memref<!tpu.dma_semaphore, #tpu.memory_space<semaphore_mem>>) {add = true}
      %mul3A_448 = arith.constant 4 : i32
      %mul3A_449 = arith.muli %add3A_65, %mul3A_448 : i32
      %add3A_450 = arith.constant 3 : i32
      %add3A_451 = arith.addi %mul3A_449, %add3A_450 : i32
      %dma_start3A_452 = arith.constant 1 : i32
      %dma_start3A_453 = arith.constant 3 : i32
      %dma_start3A_454 = arith.constant 0 : i32
      %dma_start3A_455 = arith.constant 0 : i32
      %dma_start3A_456 = tpu.memref_slice %arg8[%dma_start3A_452, %dma_start3A_453, %dma_start3A_454, %dma_start3A_455] : memref<2x4x125x64xf32, #tpu.memory_space<vmem>> -> memref<1x1x125x64xf32, #tpu.memory_space<vmem>>
      %dma_start3A_457 = tpu.memref_squeeze %dma_start3A_456 : memref<1x1x125x64xf32, #tpu.memory_space<vmem>> -> memref<125x64xf32, #tpu.memory_space<vmem>>
      %dma_start3A_458 = arith.constant 0 : i32
      %dma_start3A_459 = tpu.memref_slice %arg7[%add3A_451, %dma_start3A_458] : memref<80x125xi32, #tpu.memory_space<vmem>> -> memref<1x125xi32, #tpu.memory_space<vmem>>
      %dma_start3A_460 = tpu.memref_squeeze %dma_start3A_459 : memref<1x125xi32, #tpu.memory_space<vmem>> -> memref<125xi32, #tpu.memory_space<vmem>>
      %dma_start3A_461 = arith.constant 0 : i32
      %dma_start3A_462 = arith.constant 0 : i32
      %dma_start3A_463 = tpu.memref_slice %arg10[%dma_start3A_461, %dma_start3A_462] : memref<10240x64xf32, #tpu.memory_space<vmem_shared>> -> memref<10240x64xf32, #tpu.memory_space<vmem_shared>>
      tpu.enqueue_indirect_dma source(%dma_start3A_457 : memref<125x64xf32, #tpu.memory_space<vmem>>) target(%dma_start3A_463 : memref<10240x64xf32, #tpu.memory_space<vmem_shared>>) offsets(%dma_start3A_460 : memref<125xi32, #tpu.memory_space<vmem>>) semaphore(%arg14 : memref<!tpu.dma_semaphore, #tpu.memory_space<semaphore_mem>>) {add = true}
      %dma_wait3A_464 = arith.constant 1 : i32
      %dma_wait3A_465 = arith.constant 0 : i32
      %dma_wait3A_466 = arith.constant 0 : i32
      %dma_wait3A_467 = arith.constant 0 : i32
      %dma_wait3A_468 = tpu.memref_slice %arg8[%dma_wait3A_464, %dma_wait3A_465, %dma_wait3A_466, %dma_wait3A_467] : memref<2x4x125x64xf32, #tpu.memory_space<vmem>> -> memref<1x1x125x64xf32, #tpu.memory_space<vmem>>
      %dma_wait3A_469 = tpu.memref_squeeze %dma_wait3A_468 : memref<1x1x125x64xf32, #tpu.memory_space<vmem>> -> memref<125x64xf32, #tpu.memory_space<vmem>>
      %dma_wait3A_470 = arith.constant 0 : i32
      %dma_wait3A_471 = tpu.memref_slice %arg7[%add3A_403, %dma_wait3A_470] : memref<80x125xi32, #tpu.memory_space<vmem>> -> memref<1x125xi32, #tpu.memory_space<vmem>>
      %dma_wait3A_472 = tpu.memref_squeeze %dma_wait3A_471 : memref<1x125xi32, #tpu.memory_space<vmem>> -> memref<125xi32, #tpu.memory_space<vmem>>
      %dma_wait3A_473 = arith.constant 0 : i32
      %dma_wait3A_474 = arith.constant 0 : i32
      %dma_wait3A_475 = tpu.memref_slice %arg10[%dma_wait3A_473, %dma_wait3A_474] : memref<10240x64xf32, #tpu.memory_space<vmem_shared>> -> memref<10240x64xf32, #tpu.memory_space<vmem_shared>>
      tpu.wait_indirect_dma semaphore(%arg14 : memref<!tpu.dma_semaphore, #tpu.memory_space<semaphore_mem>>) src(%dma_wait3A_469 : memref<125x64xf32, #tpu.memory_space<vmem>>) dst(%dma_wait3A_475 : memref<10240x64xf32, #tpu.memory_space<vmem_shared>>)
      %dma_wait3A_476 = arith.constant 1 : i32
      %dma_wait3A_477 = arith.constant 1 : i32
      %dma_wait3A_478 = arith.constant 0 : i32
      %dma_wait3A_479 = arith.constant 0 : i32
      %dma_wait3A_480 = tpu.memref_slice %arg8[%dma_wait3A_476, %dma_wait3A_477, %dma_wait3A_478, %dma_wait3A_479] : memref<2x4x125x64xf32, #tpu.memory_space<vmem>> -> memref<1x1x125x64xf32, #tpu.memory_space<vmem>>
      %dma_wait3A_481 = tpu.memref_squeeze %dma_wait3A_480 : memref<1x1x125x64xf32, #tpu.memory_space<vmem>> -> memref<125x64xf32, #tpu.memory_space<vmem>>
      %dma_wait3A_482 = arith.constant 0 : i32
      %dma_wait3A_483 = tpu.memref_slice %arg7[%add3A_419, %dma_wait3A_482] : memref<80x125xi32, #tpu.memory_space<vmem>> -> memref<1x125xi32, #tpu.memory_space<vmem>>
      %dma_wait3A_484 = tpu.memref_squeeze %dma_wait3A_483 : memref<1x125xi32, #tpu.memory_space<vmem>> -> memref<125xi32, #tpu.memory_space<vmem>>
      %dma_wait3A_485 = arith.constant 0 : i32
      %dma_wait3A_486 = arith.constant 0 : i32
      %dma_wait3A_487 = tpu.memref_slice %arg10[%dma_wait3A_485, %dma_wait3A_486] : memref<10240x64xf32, #tpu.memory_space<vmem_shared>> -> memref<10240x64xf32, #tpu.memory_space<vmem_shared>>
      tpu.wait_indirect_dma semaphore(%arg14 : memref<!tpu.dma_semaphore, #tpu.memory_space<semaphore_mem>>) src(%dma_wait3A_481 : memref<125x64xf32, #tpu.memory_space<vmem>>) dst(%dma_wait3A_487 : memref<10240x64xf32, #tpu.memory_space<vmem_shared>>)
      %dma_wait3A_488 = arith.constant 1 : i32
      %dma_wait3A_489 = arith.constant 2 : i32
      %dma_wait3A_490 = arith.constant 0 : i32
      %dma_wait3A_491 = arith.constant 0 : i32
      %dma_wait3A_492 = tpu.memref_slice %arg8[%dma_wait3A_488, %dma_wait3A_489, %dma_wait3A_490, %dma_wait3A_491] : memref<2x4x125x64xf32, #tpu.memory_space<vmem>> -> memref<1x1x125x64xf32, #tpu.memory_space<vmem>>
      %dma_wait3A_493 = tpu.memref_squeeze %dma_wait3A_492 : memref<1x1x125x64xf32, #tpu.memory_space<vmem>> -> memref<125x64xf32, #tpu.memory_space<vmem>>
      %dma_wait3A_494 = arith.constant 0 : i32
      %dma_wait3A_495 = tpu.memref_slice %arg7[%add3A_435, %dma_wait3A_494] : memref<80x125xi32, #tpu.memory_space<vmem>> -> memref<1x125xi32, #tpu.memory_space<vmem>>
      %dma_wait3A_496 = tpu.memref_squeeze %dma_wait3A_495 : memref<1x125xi32, #tpu.memory_space<vmem>> -> memref<125xi32, #tpu.memory_space<vmem>>
      %dma_wait3A_497 = arith.constant 0 : i32
      %dma_wait3A_498 = arith.constant 0 : i32
      %dma_wait3A_499 = tpu.memref_slice %arg10[%dma_wait3A_497, %dma_wait3A_498] : memref<10240x64xf32, #tpu.memory_space<vmem_shared>> -> memref<10240x64xf32, #tpu.memory_space<vmem_shared>>
      tpu.wait_indirect_dma semaphore(%arg14 : memref<!tpu.dma_semaphore, #tpu.memory_space<semaphore_mem>>) src(%dma_wait3A_493 : memref<125x64xf32, #tpu.memory_space<vmem>>) dst(%dma_wait3A_499 : memref<10240x64xf32, #tpu.memory_space<vmem_shared>>)
      %dma_wait3A_500 = arith.constant 1 : i32
      %dma_wait3A_501 = arith.constant 3 : i32
      %dma_wait3A_502 = arith.constant 0 : i32
      %dma_wait3A_503 = arith.constant 0 : i32
      %dma_wait3A_504 = tpu.memref_slice %arg8[%dma_wait3A_500, %dma_wait3A_501, %dma_wait3A_502, %dma_wait3A_503] : memref<2x4x125x64xf32, #tpu.memory_space<vmem>> -> memref<1x1x125x64xf32, #tpu.memory_space<vmem>>
      %dma_wait3A_505 = tpu.memref_squeeze %dma_wait3A_504 : memref<1x1x125x64xf32, #tpu.memory_space<vmem>> -> memref<125x64xf32, #tpu.memory_space<vmem>>
      %dma_wait3A_506 = arith.constant 0 : i32
      %dma_wait3A_507 = tpu.memref_slice %arg7[%add3A_451, %dma_wait3A_506] : memref<80x125xi32, #tpu.memory_space<vmem>> -> memref<1x125xi32, #tpu.memory_space<vmem>>
      %dma_wait3A_508 = tpu.memref_squeeze %dma_wait3A_507 : memref<1x125xi32, #tpu.memory_space<vmem>> -> memref<125xi32, #tpu.memory_space<vmem>>
      %dma_wait3A_509 = arith.constant 0 : i32
      %dma_wait3A_510 = arith.constant 0 : i32
      %dma_wait3A_511 = tpu.memref_slice %arg10[%dma_wait3A_509, %dma_wait3A_510] : memref<10240x64xf32, #tpu.memory_space<vmem_shared>> -> memref<10240x64xf32, #tpu.memory_space<vmem_shared>>
      tpu.wait_indirect_dma semaphore(%arg14 : memref<!tpu.dma_semaphore, #tpu.memory_space<semaphore_mem>>) src(%dma_wait3A_505 : memref<125x64xf32, #tpu.memory_space<vmem>>) dst(%dma_wait3A_511 : memref<10240x64xf32, #tpu.memory_space<vmem_shared>>)
    }
    %scan3A_57 = arith.constant 10 : i32
    %barrier3A_58 = arith.constant 0 : index
    tpu.barrier barrier_id(%barrier3A_58)
    "tpu.region"() ({
      %run_scoped3A = tpu.sem_alloc : memref<!tpu.dma_semaphore, #tpu.memory_space<semaphore_mem>>
      %dma_start3A = arith.constant 0 : i32
      %dma_start3A_59 = arith.constant 0 : i32
      %dma_start3A_60 = tpu.memref_slice %arg5[%arg0, %dma_start3A, %dma_start3A_59] : memref<2x10240x64xf32, #tpu.memory_space<hbm>> -> memref<1x10240x64xf32, #tpu.memory_space<hbm>>
      %dma_start3A_61 = tpu.memref_squeeze %dma_start3A_60 : memref<1x10240x64xf32, #tpu.memory_space<hbm>> -> memref<10240x64xf32, #tpu.memory_space<hbm>>
      %dma_start3A_62 = arith.constant 0 : i32
      %dma_start3A_63 = tpu.memref_slice %dma_start3A_61[%mul3A_2, %dma_start3A_62] : memref<10240x64xf32, #tpu.memory_space<hbm>> -> memref<640x64xf32, #tpu.memory_space<hbm>>
      %dma_start3A_64 = arith.constant 0 : i32
      %dma_start3A_65 = tpu.memref_slice %arg10[%mul3A_2, %dma_start3A_64] : memref<10240x64xf32, #tpu.memory_space<vmem_shared>> -> memref<640x64xf32, #tpu.memory_space<vmem_shared>>
      tpu.enqueue_dma source(%dma_start3A_65 : memref<640x64xf32, #tpu.memory_space<vmem_shared>>) target(%dma_start3A_63 : memref<640x64xf32, #tpu.memory_space<hbm>>) target_semaphore(%run_scoped3A : memref<!tpu.dma_semaphore, #tpu.memory_space<semaphore_mem>>)
      %dma_wait3A = arith.constant 0 : i32
      %dma_wait3A_66 = arith.constant 0 : i32
      %dma_wait3A_67 = tpu.memref_slice %arg5[%arg0, %dma_wait3A, %dma_wait3A_66] : memref<2x10240x64xf32, #tpu.memory_space<hbm>> -> memref<1x10240x64xf32, #tpu.memory_space<hbm>>
      %dma_wait3A_68 = tpu.memref_squeeze %dma_wait3A_67 : memref<1x10240x64xf32, #tpu.memory_space<hbm>> -> memref<10240x64xf32, #tpu.memory_space<hbm>>
      %dma_wait3A_69 = arith.constant 0 : i32
      %dma_wait3A_70 = tpu.memref_slice %dma_wait3A_68[%mul3A_2, %dma_wait3A_69] : memref<10240x64xf32, #tpu.memory_space<hbm>> -> memref<640x64xf32, #tpu.memory_space<hbm>>
      %dma_wait3A_71 = arith.constant 0 : i32
      %dma_wait3A_72 = tpu.memref_slice %arg10[%mul3A_2, %dma_wait3A_71] : memref<10240x64xf32, #tpu.memory_space<vmem_shared>> -> memref<640x64xf32, #tpu.memory_space<vmem_shared>>
      tpu.wait_dma2 semaphore(%run_scoped3A : memref<!tpu.dma_semaphore, #tpu.memory_space<semaphore_mem>>) src(%dma_wait3A_72 : memref<640x64xf32, #tpu.memory_space<vmem_shared>>) dst(%dma_wait3A_70 : memref<640x64xf32, #tpu.memory_space<hbm>>)
      tpu.yield
    }) : () -> ()
    return
  }
}

module attributes {stable_mosaic.version = 14 : i64} {
  func.func @_gin_dense1_body(%arg0: memref<10000x128xf32, #tpu.memory_space<vmem>>, %arg1: memref<2x10240x64xf32, #tpu.memory_space<vmem>>, %arg2: memref<2x10240x64xf32, #tpu.memory_space<vmem>>, %arg3: memref<128x64xf32, #tpu.memory_space<vmem>>, %arg4: memref<1x64xf32, #tpu.memory_space<vmem>>, %arg5: memref<1x64xf32, #tpu.memory_space<vmem>>, %arg6: memref<1x64xf32, #tpu.memory_space<vmem>>, %arg7: memref<64x64xf32, #tpu.memory_space<vmem>>, %arg8: memref<1x64xf32, #tpu.memory_space<vmem>>, %arg9: memref<10000x64xf32, #tpu.memory_space<vmem>>) attributes {dimension_semantics = [], scalar_prefetch = 0 : i64, scratch_operands = 0 : i64, tpu.core_type = #tpu.core_type<tc>} {
    %get3A = arith.constant 0 : index
    %get3A_0 = arith.constant 0 : index
    %get3A_1 = arith.constant 0 : index
    %get3A_2 = vector.load %arg1[%get3A, %get3A_0, %get3A_1] : memref<2x10240x64xf32, #tpu.memory_space<vmem>>, vector<1x10240x64xf32>
    %get3A_3 = vector.shape_cast %get3A_2 : vector<1x10240x64xf32> to vector<10240x64xf32>
    %slice3A = vector.extract_strided_slice %get3A_3 {offsets = [0, 0], sizes = [10000, 64], strides = [1, 1]} : vector<10240x64xf32> to vector<10000x64xf32>
    %get3A_4 = arith.constant 1 : index
    %get3A_5 = arith.constant 0 : index
    %get3A_6 = arith.constant 0 : index
    %get3A_7 = vector.load %arg1[%get3A_4, %get3A_5, %get3A_6] : memref<2x10240x64xf32, #tpu.memory_space<vmem>>, vector<1x10240x64xf32>
    %get3A_8 = vector.shape_cast %get3A_7 : vector<1x10240x64xf32> to vector<10240x64xf32>
    %slice3A_9 = vector.extract_strided_slice %get3A_8 {offsets = [0, 0], sizes = [10000, 64], strides = [1, 1]} : vector<10240x64xf32> to vector<10000x64xf32>
    %add3A = arith.addf %slice3A, %slice3A_9 : vector<10000x64xf32>
    %get3A_10 = arith.constant 0 : index
    %get3A_11 = arith.constant 0 : index
    %get3A_12 = arith.constant 0 : index
    %get3A_13 = vector.load %arg2[%get3A_10, %get3A_11, %get3A_12] : memref<2x10240x64xf32, #tpu.memory_space<vmem>>, vector<1x10240x64xf32>
    %get3A_14 = vector.shape_cast %get3A_13 : vector<1x10240x64xf32> to vector<10240x64xf32>
    %slice3A_15 = vector.extract_strided_slice %get3A_14 {offsets = [0, 0], sizes = [10000, 64], strides = [1, 1]} : vector<10240x64xf32> to vector<10000x64xf32>
    %get3A_16 = arith.constant 1 : index
    %get3A_17 = arith.constant 0 : index
    %get3A_18 = arith.constant 0 : index
    %get3A_19 = vector.load %arg2[%get3A_16, %get3A_17, %get3A_18] : memref<2x10240x64xf32, #tpu.memory_space<vmem>>, vector<1x10240x64xf32>
    %get3A_20 = vector.shape_cast %get3A_19 : vector<1x10240x64xf32> to vector<10240x64xf32>
    %slice3A_21 = vector.extract_strided_slice %get3A_20 {offsets = [0, 0], sizes = [10000, 64], strides = [1, 1]} : vector<10240x64xf32> to vector<10000x64xf32>
    %add3A_22 = arith.addf %slice3A_15, %slice3A_21 : vector<10000x64xf32>
    %concatenate3A = tpu.concatenate %add3A, %add3A_22 in 1 : vector<10000x64xf32>, vector<10000x64xf32> -> vector<10000x128xf32>
    %get3A_23 = arith.constant 0 : index
    %get3A_24 = arith.constant 0 : index
    %get3A_25 = vector.load %arg0[%get3A_23, %get3A_24] : memref<10000x128xf32, #tpu.memory_space<vmem>>, vector<10000x128xf32>
    %add3A_26 = arith.addf %get3A_25, %concatenate3A : vector<10000x128xf32>
    %get3A_27 = arith.constant 0 : index
    %get3A_28 = arith.constant 0 : index
    %get3A_29 = vector.load %arg3[%get3A_27, %get3A_28] : memref<128x64xf32, #tpu.memory_space<vmem>>, vector<128x64xf32>
    %dot_general3A = arith.constant dense<0.000000e+00> : vector<10000x64xf32>
    %dot_general3A_30 = tpu.matmul %add3A_26, %get3A_29, %dot_general3A {dimension_numbers = #tpu.dot_dimension_numbers<[1], [0], [0], [1], [0, 0, 1, 1], [], []>, transpose_lhs_hint = false} : vector<10000x128xf32>, vector<128x64xf32>, vector<10000x64xf32> -> vector<10000x64xf32>
    %get3A_31 = arith.constant 0 : index
    %get3A_32 = arith.constant 0 : index
    %get3A_33 = vector.load %arg4[%get3A_31, %get3A_32] : memref<1x64xf32, #tpu.memory_space<vmem>>, vector<1x64xf32>
    %add3A_34 = vector.broadcast %get3A_33 : vector<1x64xf32> to vector<10000x64xf32>
    %add3A_35 = arith.addf %dot_general3A_30, %add3A_34 : vector<10000x64xf32>
    %reduce_sum3A = arith.constant dense<0.000000e+00> : vector<64xf32>
    %reduce_sum3A_36 = vector.multi_reduction <add>, %add3A_35, %reduce_sum3A [0] : vector<10000x64xf32> to vector<64xf32>
    %broadcast_in_dim3A = vector.shape_cast %reduce_sum3A_36 : vector<64xf32> to vector<1x64xf32>
    %mul3A = arith.constant 9.99999974E-5 : f32
    %mul3A_37 = vector.broadcast %mul3A : f32 to vector<1x64xf32>
    %mul3A_38 = arith.mulf %broadcast_in_dim3A, %mul3A_37 : vector<1x64xf32>
    %sub3A = vector.broadcast %mul3A_38 : vector<1x64xf32> to vector<10000x64xf32>
    %sub3A_39 = arith.subf %add3A_35, %sub3A : vector<10000x64xf32>
    %mul3A_40 = arith.mulf %sub3A_39, %sub3A_39 : vector<10000x64xf32>
    %reduce_sum3A_41 = arith.constant dense<0.000000e+00> : vector<64xf32>
    %reduce_sum3A_42 = vector.multi_reduction <add>, %mul3A_40, %reduce_sum3A_41 [0] : vector<10000x64xf32> to vector<64xf32>
    %broadcast_in_dim3A_43 = vector.shape_cast %reduce_sum3A_42 : vector<64xf32> to vector<1x64xf32>
    %mul3A_44 = arith.constant 9.99999974E-5 : f32
    %mul3A_45 = vector.broadcast %mul3A_44 : f32 to vector<1x64xf32>
    %mul3A_46 = arith.mulf %broadcast_in_dim3A_43, %mul3A_45 : vector<1x64xf32>
    %add3A_47 = arith.constant 9.99999974E-6 : f32
    %add3A_48 = vector.broadcast %add3A_47 : f32 to vector<1x64xf32>
    %add3A_49 = arith.addf %mul3A_46, %add3A_48 : vector<1x64xf32>
    %rsqrt3A = math.rsqrt %add3A_49 : vector<1x64xf32>
    %mul3A_50 = vector.broadcast %rsqrt3A : vector<1x64xf32> to vector<10000x64xf32>
    %mul3A_51 = arith.mulf %sub3A_39, %mul3A_50 : vector<10000x64xf32>
    %get3A_52 = arith.constant 0 : index
    %get3A_53 = arith.constant 0 : index
    %get3A_54 = vector.load %arg5[%get3A_52, %get3A_53] : memref<1x64xf32, #tpu.memory_space<vmem>>, vector<1x64xf32>
    %mul3A_55 = vector.broadcast %get3A_54 : vector<1x64xf32> to vector<10000x64xf32>
    %mul3A_56 = arith.mulf %mul3A_51, %mul3A_55 : vector<10000x64xf32>
    %get3A_57 = arith.constant 0 : index
    %get3A_58 = arith.constant 0 : index
    %get3A_59 = vector.load %arg6[%get3A_57, %get3A_58] : memref<1x64xf32, #tpu.memory_space<vmem>>, vector<1x64xf32>
    %add3A_60 = vector.broadcast %get3A_59 : vector<1x64xf32> to vector<10000x64xf32>
    %add3A_61 = arith.addf %mul3A_56, %add3A_60 : vector<10000x64xf32>
    %max3A = arith.constant 0.000000e+00 : f32
    %max3A_62 = vector.broadcast %max3A : f32 to vector<10000x64xf32>
    %max3A_63 = arith.maximumf %add3A_61, %max3A_62 : vector<10000x64xf32>
    %get3A_64 = arith.constant 0 : index
    %get3A_65 = arith.constant 0 : index
    %get3A_66 = vector.load %arg7[%get3A_64, %get3A_65] : memref<64x64xf32, #tpu.memory_space<vmem>>, vector<64x64xf32>
    %dot_general3A_67 = arith.constant dense<0.000000e+00> : vector<10000x64xf32>
    %dot_general3A_68 = tpu.matmul %max3A_63, %get3A_66, %dot_general3A_67 {dimension_numbers = #tpu.dot_dimension_numbers<[1], [0], [0], [1], [0, 0, 1, 1], [], []>, transpose_lhs_hint = false} : vector<10000x64xf32>, vector<64x64xf32>, vector<10000x64xf32> -> vector<10000x64xf32>
    %get3A_69 = arith.constant 0 : index
    %get3A_70 = arith.constant 0 : index
    %get3A_71 = vector.load %arg8[%get3A_69, %get3A_70] : memref<1x64xf32, #tpu.memory_space<vmem>>, vector<1x64xf32>
    %add3A_72 = vector.broadcast %get3A_71 : vector<1x64xf32> to vector<10000x64xf32>
    %add3A_73 = arith.addf %dot_general3A_68, %add3A_72 : vector<10000x64xf32>
    %max3A_74 = arith.constant 0.000000e+00 : f32
    %max3A_75 = vector.broadcast %max3A_74 : f32 to vector<10000x64xf32>
    %max3A_76 = arith.maximumf %add3A_73, %max3A_75 : vector<10000x64xf32>
    %swap3A = arith.constant 0 : index
    %swap3A_77 = arith.constant 0 : index
    %swap3A_78 = vector.load %arg9[%swap3A, %swap3A_77] : memref<10000x64xf32, #tpu.memory_space<vmem>>, vector<10000x64xf32>
    tpu.vector_store %arg9[%swap3A, %swap3A_77], %max3A_76 {strides = array<i32>} : memref<10000x64xf32, #tpu.memory_space<vmem>>, vector<10000x64xf32>,
    return
  }
}

module attributes {stable_mosaic.version = 14 : i64} {
  func.func @_gin_dense_body(%arg0: memref<10000x64xf32, #tpu.memory_space<vmem>>, %arg1: memref<2x10240x64xf32, #tpu.memory_space<vmem>>, %arg2: memref<64x64xf32, #tpu.memory_space<vmem>>, %arg3: memref<1x64xf32, #tpu.memory_space<vmem>>, %arg4: memref<1x64xf32, #tpu.memory_space<vmem>>, %arg5: memref<1x64xf32, #tpu.memory_space<vmem>>, %arg6: memref<64x64xf32, #tpu.memory_space<vmem>>, %arg7: memref<1x64xf32, #tpu.memory_space<vmem>>, %arg8: memref<10000x64xf32, #tpu.memory_space<vmem>>) attributes {dimension_semantics = [], scalar_prefetch = 0 : i64, scratch_operands = 0 : i64, tpu.core_type = #tpu.core_type<tc>} {
    %get3A = arith.constant 0 : index
    %get3A_0 = arith.constant 0 : index
    %get3A_1 = vector.load %arg0[%get3A, %get3A_0] : memref<10000x64xf32, #tpu.memory_space<vmem>>, vector<10000x64xf32>
    %get3A_2 = arith.constant 0 : index
    %get3A_3 = arith.constant 0 : index
    %get3A_4 = arith.constant 0 : index
    %get3A_5 = vector.load %arg1[%get3A_2, %get3A_3, %get3A_4] : memref<2x10240x64xf32, #tpu.memory_space<vmem>>, vector<1x10240x64xf32>
    %get3A_6 = vector.shape_cast %get3A_5 : vector<1x10240x64xf32> to vector<10240x64xf32>
    %slice3A = vector.extract_strided_slice %get3A_6 {offsets = [0, 0], sizes = [10000, 64], strides = [1, 1]} : vector<10240x64xf32> to vector<10000x64xf32>
    %add3A = arith.addf %get3A_1, %slice3A : vector<10000x64xf32>
    %get3A_7 = arith.constant 1 : index
    %get3A_8 = arith.constant 0 : index
    %get3A_9 = arith.constant 0 : index
    %get3A_10 = vector.load %arg1[%get3A_7, %get3A_8, %get3A_9] : memref<2x10240x64xf32, #tpu.memory_space<vmem>>, vector<1x10240x64xf32>
    %get3A_11 = vector.shape_cast %get3A_10 : vector<1x10240x64xf32> to vector<10240x64xf32>
    %slice3A_12 = vector.extract_strided_slice %get3A_11 {offsets = [0, 0], sizes = [10000, 64], strides = [1, 1]} : vector<10240x64xf32> to vector<10000x64xf32>
    %add3A_13 = arith.addf %add3A, %slice3A_12 : vector<10000x64xf32>
    %get3A_14 = arith.constant 0 : index
    %get3A_15 = arith.constant 0 : index
    %get3A_16 = vector.load %arg2[%get3A_14, %get3A_15] : memref<64x64xf32, #tpu.memory_space<vmem>>, vector<64x64xf32>
    %dot_general3A = arith.constant dense<0.000000e+00> : vector<10000x64xf32>
    %dot_general3A_17 = tpu.matmul %add3A_13, %get3A_16, %dot_general3A {dimension_numbers = #tpu.dot_dimension_numbers<[1], [0], [0], [1], [0, 0, 1, 1], [], []>, transpose_lhs_hint = false} : vector<10000x64xf32>, vector<64x64xf32>, vector<10000x64xf32> -> vector<10000x64xf32>
    %get3A_18 = arith.constant 0 : index
    %get3A_19 = arith.constant 0 : index
    %get3A_20 = vector.load %arg3[%get3A_18, %get3A_19] : memref<1x64xf32, #tpu.memory_space<vmem>>, vector<1x64xf32>
    %add3A_21 = vector.broadcast %get3A_20 : vector<1x64xf32> to vector<10000x64xf32>
    %add3A_22 = arith.addf %dot_general3A_17, %add3A_21 : vector<10000x64xf32>
    %reduce_sum3A = arith.constant dense<0.000000e+00> : vector<64xf32>
    %reduce_sum3A_23 = vector.multi_reduction <add>, %add3A_22, %reduce_sum3A [0] : vector<10000x64xf32> to vector<64xf32>
    %broadcast_in_dim3A = vector.shape_cast %reduce_sum3A_23 : vector<64xf32> to vector<1x64xf32>
    %mul3A = arith.constant 9.99999974E-5 : f32
    %mul3A_24 = vector.broadcast %mul3A : f32 to vector<1x64xf32>
    %mul3A_25 = arith.mulf %broadcast_in_dim3A, %mul3A_24 : vector<1x64xf32>
    %sub3A = vector.broadcast %mul3A_25 : vector<1x64xf32> to vector<10000x64xf32>
    %sub3A_26 = arith.subf %add3A_22, %sub3A : vector<10000x64xf32>
    %mul3A_27 = arith.mulf %sub3A_26, %sub3A_26 : vector<10000x64xf32>
    %reduce_sum3A_28 = arith.constant dense<0.000000e+00> : vector<64xf32>
    %reduce_sum3A_29 = vector.multi_reduction <add>, %mul3A_27, %reduce_sum3A_28 [0] : vector<10000x64xf32> to vector<64xf32>
    %broadcast_in_dim3A_30 = vector.shape_cast %reduce_sum3A_29 : vector<64xf32> to vector<1x64xf32>
    %mul3A_31 = arith.constant 9.99999974E-5 : f32
    %mul3A_32 = vector.broadcast %mul3A_31 : f32 to vector<1x64xf32>
    %mul3A_33 = arith.mulf %broadcast_in_dim3A_30, %mul3A_32 : vector<1x64xf32>
    %add3A_34 = arith.constant 9.99999974E-6 : f32
    %add3A_35 = vector.broadcast %add3A_34 : f32 to vector<1x64xf32>
    %add3A_36 = arith.addf %mul3A_33, %add3A_35 : vector<1x64xf32>
    %rsqrt3A = math.rsqrt %add3A_36 : vector<1x64xf32>
    %mul3A_37 = vector.broadcast %rsqrt3A : vector<1x64xf32> to vector<10000x64xf32>
    %mul3A_38 = arith.mulf %sub3A_26, %mul3A_37 : vector<10000x64xf32>
    %get3A_39 = arith.constant 0 : index
    %get3A_40 = arith.constant 0 : index
    %get3A_41 = vector.load %arg4[%get3A_39, %get3A_40] : memref<1x64xf32, #tpu.memory_space<vmem>>, vector<1x64xf32>
    %mul3A_42 = vector.broadcast %get3A_41 : vector<1x64xf32> to vector<10000x64xf32>
    %mul3A_43 = arith.mulf %mul3A_38, %mul3A_42 : vector<10000x64xf32>
    %get3A_44 = arith.constant 0 : index
    %get3A_45 = arith.constant 0 : index
    %get3A_46 = vector.load %arg5[%get3A_44, %get3A_45] : memref<1x64xf32, #tpu.memory_space<vmem>>, vector<1x64xf32>
    %add3A_47 = vector.broadcast %get3A_46 : vector<1x64xf32> to vector<10000x64xf32>
    %add3A_48 = arith.addf %mul3A_43, %add3A_47 : vector<10000x64xf32>
    %max3A = arith.constant 0.000000e+00 : f32
    %max3A_49 = vector.broadcast %max3A : f32 to vector<10000x64xf32>
    %max3A_50 = arith.maximumf %add3A_48, %max3A_49 : vector<10000x64xf32>
    %get3A_51 = arith.constant 0 : index
    %get3A_52 = arith.constant 0 : index
    %get3A_53 = vector.load %arg6[%get3A_51, %get3A_52] : memref<64x64xf32, #tpu.memory_space<vmem>>, vector<64x64xf32>
    %dot_general3A_54 = arith.constant dense<0.000000e+00> : vector<10000x64xf32>
    %dot_general3A_55 = tpu.matmul %max3A_50, %get3A_53, %dot_general3A_54 {dimension_numbers = #tpu.dot_dimension_numbers<[1], [0], [0], [1], [0, 0, 1, 1], [], []>, transpose_lhs_hint = false} : vector<10000x64xf32>, vector<64x64xf32>, vector<10000x64xf32> -> vector<10000x64xf32>
    %get3A_56 = arith.constant 0 : index
    %get3A_57 = arith.constant 0 : index
    %get3A_58 = vector.load %arg7[%get3A_56, %get3A_57] : memref<1x64xf32, #tpu.memory_space<vmem>>, vector<1x64xf32>
    %add3A_59 = vector.broadcast %get3A_58 : vector<1x64xf32> to vector<10000x64xf32>
    %add3A_60 = arith.addf %dot_general3A_55, %add3A_59 : vector<10000x64xf32>
    %max3A_61 = arith.constant 0.000000e+00 : f32
    %max3A_62 = vector.broadcast %max3A_61 : f32 to vector<10000x64xf32>
    %max3A_63 = arith.maximumf %add3A_60, %max3A_62 : vector<10000x64xf32>
    %swap3A = arith.constant 0 : index
    %swap3A_64 = arith.constant 0 : index
    %swap3A_65 = vector.load %arg8[%swap3A, %swap3A_64] : memref<10000x64xf32, #tpu.memory_space<vmem>>, vector<10000x64xf32>
    tpu.vector_store %arg8[%swap3A, %swap3A_64], %max3A_63 {strides = array<i32>} : memref<10000x64xf32, #tpu.memory_space<vmem>>, vector<10000x64xf32>,
    return
  }
}

module attributes {stable_mosaic.version = 14 : i64} {
  func.func @_dense3_pool_head_body(%arg0: memref<10000x64xf32, #tpu.memory_space<vmem>>, %arg1: memref<2x10240x64xf32, #tpu.memory_space<vmem>>, %arg2: memref<64x64xf32, #tpu.memory_space<vmem>>, %arg3: memref<1x64xf32, #tpu.memory_space<vmem>>, %arg4: memref<1x64xf32, #tpu.memory_space<vmem>>, %arg5: memref<1x64xf32, #tpu.memory_space<vmem>>, %arg6: memref<64x64xf32, #tpu.memory_space<vmem>>, %arg7: memref<1x64xf32, #tpu.memory_space<vmem>>, %arg8: memref<10000x64xf32, #tpu.memory_space<vmem>>, %arg9: memref<10000x64xf32, #tpu.memory_space<vmem>>, %arg10: memref<1x10000xi32, #tpu.memory_space<vmem>>, %arg11: memref<192x192xf32, #tpu.memory_space<vmem>>, %arg12: memref<1x192xf32, #tpu.memory_space<vmem>>, %arg13: memref<192x2xf32, #tpu.memory_space<vmem>>, %arg14: memref<1x2xf32, #tpu.memory_space<vmem>>, %arg15: memref<64x2xf32, #tpu.memory_space<vmem>>) attributes {dimension_semantics = [], scalar_prefetch = 0 : i64, scratch_operands = 0 : i64, tpu.core_type = #tpu.core_type<tc>} {
    %get3A = arith.constant 0 : index
    %get3A_0 = arith.constant 0 : index
    %get3A_1 = vector.load %arg0[%get3A, %get3A_0] : memref<10000x64xf32, #tpu.memory_space<vmem>>, vector<10000x64xf32>
    %get3A_2 = arith.constant 0 : index
    %get3A_3 = arith.constant 0 : index
    %get3A_4 = arith.constant 0 : index
    %get3A_5 = vector.load %arg1[%get3A_2, %get3A_3, %get3A_4] : memref<2x10240x64xf32, #tpu.memory_space<vmem>>, vector<1x10240x64xf32>
    %get3A_6 = vector.shape_cast %get3A_5 : vector<1x10240x64xf32> to vector<10240x64xf32>
    %slice3A = vector.extract_strided_slice %get3A_6 {offsets = [0, 0], sizes = [10000, 64], strides = [1, 1]} : vector<10240x64xf32> to vector<10000x64xf32>
    %add3A = arith.addf %get3A_1, %slice3A : vector<10000x64xf32>
    %get3A_7 = arith.constant 1 : index
    %get3A_8 = arith.constant 0 : index
    %get3A_9 = arith.constant 0 : index
    %get3A_10 = vector.load %arg1[%get3A_7, %get3A_8, %get3A_9] : memref<2x10240x64xf32, #tpu.memory_space<vmem>>, vector<1x10240x64xf32>
    %get3A_11 = vector.shape_cast %get3A_10 : vector<1x10240x64xf32> to vector<10240x64xf32>
    %slice3A_12 = vector.extract_strided_slice %get3A_11 {offsets = [0, 0], sizes = [10000, 64], strides = [1, 1]} : vector<10240x64xf32> to vector<10000x64xf32>
    %add3A_13 = arith.addf %add3A, %slice3A_12 : vector<10000x64xf32>
    %get3A_14 = arith.constant 0 : index
    %get3A_15 = arith.constant 0 : index
    %get3A_16 = vector.load %arg2[%get3A_14, %get3A_15] : memref<64x64xf32, #tpu.memory_space<vmem>>, vector<64x64xf32>
    %dot_general3A = arith.constant dense<0.000000e+00> : vector<10000x64xf32>
    %dot_general3A_17 = tpu.matmul %add3A_13, %get3A_16, %dot_general3A {dimension_numbers = #tpu.dot_dimension_numbers<[1], [0], [0], [1], [0, 0, 1, 1], [], []>, transpose_lhs_hint = false} : vector<10000x64xf32>, vector<64x64xf32>, vector<10000x64xf32> -> vector<10000x64xf32>
    %get3A_18 = arith.constant 0 : index
    %get3A_19 = arith.constant 0 : index
    %get3A_20 = vector.load %arg3[%get3A_18, %get3A_19] : memref<1x64xf32, #tpu.memory_space<vmem>>, vector<1x64xf32>
    %add3A_21 = vector.broadcast %get3A_20 : vector<1x64xf32> to vector<10000x64xf32>
    %add3A_22 = arith.addf %dot_general3A_17, %add3A_21 : vector<10000x64xf32>
    %reduce_sum3A = arith.constant dense<0.000000e+00> : vector<64xf32>
    %reduce_sum3A_23 = vector.multi_reduction <add>, %add3A_22, %reduce_sum3A [0] : vector<10000x64xf32> to vector<64xf32>
    %broadcast_in_dim3A = vector.shape_cast %reduce_sum3A_23 : vector<64xf32> to vector<1x64xf32>
    %mul3A = arith.constant 9.99999974E-5 : f32
    %mul3A_24 = vector.broadcast %mul3A : f32 to vector<1x64xf32>
    %mul3A_25 = arith.mulf %broadcast_in_dim3A, %mul3A_24 : vector<1x64xf32>
    %sub3A = vector.broadcast %mul3A_25 : vector<1x64xf32> to vector<10000x64xf32>
    %sub3A_26 = arith.subf %add3A_22, %sub3A : vector<10000x64xf32>
    %mul3A_27 = arith.mulf %sub3A_26, %sub3A_26 : vector<10000x64xf32>
    %reduce_sum3A_28 = arith.constant dense<0.000000e+00> : vector<64xf32>
    %reduce_sum3A_29 = vector.multi_reduction <add>, %mul3A_27, %reduce_sum3A_28 [0] : vector<10000x64xf32> to vector<64xf32>
    %broadcast_in_dim3A_30 = vector.shape_cast %reduce_sum3A_29 : vector<64xf32> to vector<1x64xf32>
    %mul3A_31 = arith.constant 9.99999974E-5 : f32
    %mul3A_32 = vector.broadcast %mul3A_31 : f32 to vector<1x64xf32>
    %mul3A_33 = arith.mulf %broadcast_in_dim3A_30, %mul3A_32 : vector<1x64xf32>
    %add3A_34 = arith.constant 9.99999974E-6 : f32
    %add3A_35 = vector.broadcast %add3A_34 : f32 to vector<1x64xf32>
    %add3A_36 = arith.addf %mul3A_33, %add3A_35 : vector<1x64xf32>
    %rsqrt3A = math.rsqrt %add3A_36 : vector<1x64xf32>
    %mul3A_37 = vector.broadcast %rsqrt3A : vector<1x64xf32> to vector<10000x64xf32>
    %mul3A_38 = arith.mulf %sub3A_26, %mul3A_37 : vector<10000x64xf32>
    %get3A_39 = arith.constant 0 : index
    %get3A_40 = arith.constant 0 : index
    %get3A_41 = vector.load %arg4[%get3A_39, %get3A_40] : memref<1x64xf32, #tpu.memory_space<vmem>>, vector<1x64xf32>
    %mul3A_42 = vector.broadcast %get3A_41 : vector<1x64xf32> to vector<10000x64xf32>
    %mul3A_43 = arith.mulf %mul3A_38, %mul3A_42 : vector<10000x64xf32>
    %get3A_44 = arith.constant 0 : index
    %get3A_45 = arith.constant 0 : index
    %get3A_46 = vector.load %arg5[%get3A_44, %get3A_45] : memref<1x64xf32, #tpu.memory_space<vmem>>, vector<1x64xf32>
    %add3A_47 = vector.broadcast %get3A_46 : vector<1x64xf32> to vector<10000x64xf32>
    %add3A_48 = arith.addf %mul3A_43, %add3A_47 : vector<10000x64xf32>
    %max3A = arith.constant 0.000000e+00 : f32
    %max3A_49 = vector.broadcast %max3A : f32 to vector<10000x64xf32>
    %max3A_50 = arith.maximumf %add3A_48, %max3A_49 : vector<10000x64xf32>
    %get3A_51 = arith.constant 0 : index
    %get3A_52 = arith.constant 0 : index
    %get3A_53 = vector.load %arg6[%get3A_51, %get3A_52] : memref<64x64xf32, #tpu.memory_space<vmem>>, vector<64x64xf32>
    %dot_general3A_54 = arith.constant dense<0.000000e+00> : vector<10000x64xf32>
    %dot_general3A_55 = tpu.matmul %max3A_50, %get3A_53, %dot_general3A_54 {dimension_numbers = #tpu.dot_dimension_numbers<[1], [0], [0], [1], [0, 0, 1, 1], [], []>, transpose_lhs_hint = false} : vector<10000x64xf32>, vector<64x64xf32>, vector<10000x64xf32> -> vector<10000x64xf32>
    %get3A_56 = arith.constant 0 : index
    %get3A_57 = arith.constant 0 : index
    %get3A_58 = vector.load %arg7[%get3A_56, %get3A_57] : memref<1x64xf32, #tpu.memory_space<vmem>>, vector<1x64xf32>
    %add3A_59 = vector.broadcast %get3A_58 : vector<1x64xf32> to vector<10000x64xf32>
    %add3A_60 = arith.addf %dot_general3A_55, %add3A_59 : vector<10000x64xf32>
    %max3A_61 = arith.constant 0.000000e+00 : f32
    %max3A_62 = vector.broadcast %max3A_61 : f32 to vector<10000x64xf32>
    %max3A_63 = arith.maximumf %add3A_60, %max3A_62 : vector<10000x64xf32>
    %get3A_64 = arith.constant 0 : index
    %get3A_65 = arith.constant 0 : index
    %get3A_66 = vector.load %arg10[%get3A_64, %get3A_65] : memref<1x10000xi32, #tpu.memory_space<vmem>>, vector<1x10000xi32>
    %iota3A = tpu.iota {dimensions = array<i32: 0>} : vector<64x10000xi32>
    %eq3A = vector.broadcast %get3A_66 : vector<1x10000xi32> to vector<64x10000xi32>
    %eq3A_67 = arith.cmpi eq, %iota3A, %eq3A : vector<64x10000xi32>
    %jit3A = arith.constant 1.000000e+00 : f32
    %jit3A_68 = arith.constant 0.000000e+00 : f32
    %broadcast_in_dim3A_69 = vector.broadcast %jit3A : f32 to vector<64x10000xf32>
    %broadcast_in_dim3A_70 = vector.broadcast %jit3A_68 : f32 to vector<64x10000xf32>
    %select_n3A = arith.select %eq3A_67, %broadcast_in_dim3A_69, %broadcast_in_dim3A_70 : vector<64x10000xi1>, vector<64x10000xf32>
    %get3A_71 = arith.constant 0 : index
    %get3A_72 = arith.constant 0 : index
    %get3A_73 = vector.load %arg8[%get3A_71, %get3A_72] : memref<10000x64xf32, #tpu.memory_space<vmem>>, vector<10000x64xf32>
    %dot_general3A_74 = arith.constant dense<0.000000e+00> : vector<64x64xf32>
    %dot_general3A_75 = tpu.matmul %select_n3A, %get3A_73, %dot_general3A_74 {dimension_numbers = #tpu.dot_dimension_numbers<[1], [0], [0], [1], [0, 0, 1, 1], [], []>, transpose_lhs_hint = false} : vector<64x10000xf32>, vector<10000x64xf32>, vector<64x64xf32> -> vector<64x64xf32>
    %get3A_76 = arith.constant 0 : index
    %get3A_77 = arith.constant 0 : index
    %get3A_78 = vector.load %arg9[%get3A_76, %get3A_77] : memref<10000x64xf32, #tpu.memory_space<vmem>>, vector<10000x64xf32>
    %dot_general3A_79 = arith.constant dense<0.000000e+00> : vector<64x64xf32>
    %dot_general3A_80 = tpu.matmul %select_n3A, %get3A_78, %dot_general3A_79 {dimension_numbers = #tpu.dot_dimension_numbers<[1], [0], [0], [1], [0, 0, 1, 1], [], []>, transpose_lhs_hint = false} : vector<64x10000xf32>, vector<10000x64xf32>, vector<64x64xf32> -> vector<64x64xf32>
    %dot_general3A_81 = arith.constant dense<0.000000e+00> : vector<64x64xf32>
    %dot_general3A_82 = tpu.matmul %select_n3A, %max3A_63, %dot_general3A_81 {dimension_numbers = #tpu.dot_dimension_numbers<[1], [0], [0], [1], [0, 0, 1, 1], [], []>, transpose_lhs_hint = false} : vector<64x10000xf32>, vector<10000x64xf32>, vector<64x64xf32> -> vector<64x64xf32>
    %concatenate3A = tpu.concatenate %dot_general3A_75, %dot_general3A_80, %dot_general3A_82 in 1 : vector<64x64xf32>, vector<64x64xf32>, vector<64x64xf32> -> vector<64x192xf32>
    %get3A_83 = arith.constant 0 : index
    %get3A_84 = arith.constant 0 : index
    %get3A_85 = vector.load %arg11[%get3A_83, %get3A_84] : memref<192x192xf32, #tpu.memory_space<vmem>>, vector<192x192xf32>
    %dot_general3A_86 = arith.constant dense<0.000000e+00> : vector<64x192xf32>
    %dot_general3A_87 = tpu.matmul %concatenate3A, %get3A_85, %dot_general3A_86 {dimension_numbers = #tpu.dot_dimension_numbers<[1], [0], [0], [1], [0, 0, 1, 1], [], []>, transpose_lhs_hint = false} : vector<64x192xf32>, vector<192x192xf32>, vector<64x192xf32> -> vector<64x192xf32>
    %get3A_88 = arith.constant 0 : index
    %get3A_89 = arith.constant 0 : index
    %get3A_90 = vector.load %arg12[%get3A_88, %get3A_89] : memref<1x192xf32, #tpu.memory_space<vmem>>, vector<1x192xf32>
    %add3A_91 = vector.broadcast %get3A_90 : vector<1x192xf32> to vector<64x192xf32>
    %add3A_92 = arith.addf %dot_general3A_87, %add3A_91 : vector<64x192xf32>
    %max3A_93 = arith.constant 0.000000e+00 : f32
    %max3A_94 = vector.broadcast %max3A_93 : f32 to vector<64x192xf32>
    %max3A_95 = arith.maximumf %add3A_92, %max3A_94 : vector<64x192xf32>
    %get3A_96 = arith.constant 0 : index
    %get3A_97 = arith.constant 0 : index
    %get3A_98 = vector.load %arg13[%get3A_96, %get3A_97] : memref<192x2xf32, #tpu.memory_space<vmem>>, vector<192x2xf32>
    %dot_general3A_99 = arith.constant dense<0.000000e+00> : vector<64x2xf32>
    %dot_general3A_100 = tpu.matmul %max3A_95, %get3A_98, %dot_general3A_99 {dimension_numbers = #tpu.dot_dimension_numbers<[1], [0], [0], [1], [0, 0, 1, 1], [], []>, transpose_lhs_hint = false} : vector<64x192xf32>, vector<192x2xf32>, vector<64x2xf32> -> vector<64x2xf32>
    %get3A_101 = arith.constant 0 : index
    %get3A_102 = arith.constant 0 : index
    %get3A_103 = vector.load %arg14[%get3A_101, %get3A_102] : memref<1x2xf32, #tpu.memory_space<vmem>>, vector<1x2xf32>
    %add3A_104 = vector.broadcast %get3A_103 : vector<1x2xf32> to vector<64x2xf32>
    %add3A_105 = arith.addf %dot_general3A_100, %add3A_104 : vector<64x2xf32>
    %reduce_max3A = arith.constant dense<0xFF800000> : vector<64xf32>
    %reduce_max3A_106 = vector.multi_reduction <maximumf>, %add3A_105, %reduce_max3A [1] : vector<64x2xf32> to vector<64xf32>
    %broadcast_in_dim3A_107 = vector.shape_cast %reduce_max3A_106 : vector<64xf32> to vector<64x1xf32>
    %sub3A_108 = vector.broadcast %broadcast_in_dim3A_107 : vector<64x1xf32> to vector<64x2xf32>
    %sub3A_109 = arith.subf %add3A_105, %sub3A_108 : vector<64x2xf32>
    %exp3A = math.exp %sub3A_109 : vector<64x2xf32>
    %sub3A_110 = vector.broadcast %broadcast_in_dim3A_107 : vector<64x1xf32> to vector<64x2xf32>
    %sub3A_111 = arith.subf %add3A_105, %sub3A_110 : vector<64x2xf32>
    %reduce_sum3A_112 = arith.constant dense<0.000000e+00> : vector<64xf32>
    %reduce_sum3A_113 = vector.multi_reduction <add>, %exp3A, %reduce_sum3A_112 [1] : vector<64x2xf32> to vector<64xf32>
    %broadcast_in_dim3A_114 = vector.shape_cast %reduce_sum3A_113 : vector<64xf32> to vector<64x1xf32>
    %log3A = math.log %broadcast_in_dim3A_114 : vector<64x1xf32>
    %sub3A_115 = vector.broadcast %log3A : vector<64x1xf32> to vector<64x2xf32>
    %sub3A_116 = arith.subf %sub3A_111, %sub3A_115 : vector<64x2xf32>
    %swap3A = arith.constant 0 : index
    %swap3A_117 = arith.constant 0 : index
    %swap3A_118 = vector.load %arg15[%swap3A, %swap3A_117] : memref<64x2xf32, #tpu.memory_space<vmem>>, vector<64x2xf32>
    tpu.vector_store %arg15[%swap3A, %swap3A_117], %sub3A_116 {strides = array<i32>} : memref<64x2xf32, #tpu.memory_space<vmem>>, vector<64x2xf32>,
    return
  }
}

</mosaic_0001>

<sc_bundles>
// kernel: kernel.12.cloned.1.call-start
scs
__scs_entry_jumppad:
0x0: {  	(pc) =	sbr.rel $0x88, $3  }
0x1: {  	(tag) =	ssettag $0x0;
	lr =	simm.s32 $0x1  }
0x2: {  	[smem:$0x3F88] =	sst lr;
	_ =	strace $0xD0000000  }
0x3: {  	_ = 	snop  }
0x4: {  	_ = 	snop  }
0x5: {  	_ = 	snop  }
0x6: {  	_ = 	snop  }
0x7: {  	_ = 	snop  }
__scs_overlays_trampoline_lowered:
0x8: {  	[smem:$0x3F97] =	sst s0  }
0x9: {  	[smem:$0x3F98] =	sst s1  }
0xa: {  	[smem:$0x3F99] =	sst s2  }
0xb: {  	[smem:$0x3F9A] =	sst s3  }
0xc: {  	[smem:$0x3F9B] =	sst s4  }
0xd: {  	[smem:$0x3F9C] =	sst s5  }
0xe: {  	[smem:$0x3F9D] =	sst s6  }
0xf: {  	[smem:$0x3F9E] =	sst s7  }
0x10: {  	[smem:$0x3F9F] =	sst s8  }
0x11: {  	[smem:$0x3FA0] =	sst s9;
	s0 =	simm.s32 @!p0 $0x0  }
0x12: {  	s1 =	sld [smem:$0x3F86];
	s0 =	simm.s32 @p0 $0x1  }
0x13: {  	[smem:$0x3FA1] =	sst s0;
	s0 =	simm.s32 @!p1 $0x0  }
0x14: {  	s2 =	sld [smem:$0x3F85];
	s0 =	simm.s32 @p1 $0x1  }
0x15: {  	[smem:$0x3FA2] =	sst s0;
	s0 =	simm.s32 @!p2 $0x0  }
0x16: {  	s3 =	sld [smem:$0x3FDB];
	s0 =	simm.s32 @p2 $0x1  }
0x17: {  	s4 =	simm.s32 $0x1BF5;
	[smem:$0x3FA4] =	sst s0  }
0x18: {  	s0 =	sld [smem:$0x3F87];
	_ =	swait.ge [sflag:s4], $0x0  }
0x19: {  	s7 =	sld [smem:$0x3F88]  }
0x1a: {  	s8 =	sadd.s32 $0xFFFFE003, lr  }
0x1b: {  	s9 =	sadd.s32 $0xFFFFFEF7, lr;
	s5 =	simm.s32 $0xFFFFFFFF;
	p2 =	slt.u32 s8, $0xFFFFF086  }
0x1c: {  	p1 =	slt.u32 s9, $0xF7A;
	s5 =	simm.s32 @!p2 $0x0  }
0x1d: {  	s5 =	simm.s32 @p1 $0x1;
	p0 =	seq.s32 s7, s2  }
0x1e: {  	s7 =	smul.u32 @!p0 $0xF7A, s2;
	p2 =	seq.s32 @!p0 s5, $0x0  }
0x1f: {  	s9 =	smul.u32 $0xF7A, s1;
	s8 =	simm.s32 @!p0 $0x1BF5;
	p2 =	por !p2, p0  }
0x20: {  	[sflag:s8] =	ssyncset.s32 @!p0 $0xFFFFF086;
	s6 =	sadd.s32 @!p0 s3, s7;
	s7 =	simm.s32 @!p0 $0x108  }
0x21: {  	s3 =	sadd.s32 s3, s9;
	s6 =	sadd.s32 @!p0 $0x88, s6;
	s7 =	simm.s32 @p2 $0x1082  }
0x22: {  	[simem:s7], [sflag:s8] =	dma.local @!p0 [hbm:s6], $0xF7A  }
0x23: {  	s9 =	sor.u32 $0xD0000000, s2;
	s6 =	simm.s32 $0x108;
	_ =	swait.ge @!p0 [sflag:s8], $0x0  }
0x24: {  	s3 =	sadd.s32 $0x88, s3;
	s6 =	simm.s32 @!p1 $0x1082;
	[sflag:s4] =	ssyncset.s32 $0xFFFFF086  }
0x25: {  	[simem:s6], [sflag:s4] =	dma.local [hbm:s3], $0xF7A  }
0x26: {  	[smem:$0x3F88] =	sst s1;
	(tag) =	ssettag s2;
	_ =	strace s9  }
0x27: {  	s1 =	sld [smem:$0x3F98]  }
0x28: {  	s2 =	sld [smem:$0x3F99]  }
0x29: {  	s4 =	sld [smem:$0x3F9B]  }
0x2a: {  	p0 =	seq.s32 s5, $0x0;
	s5 =	sld [smem:$0x3F9C]  }
0x2b: {  	s6 =	sld [smem:$0x3F9D]  }
0x2c: {  	s7 =	sld [smem:$0x3F9E]  }
0x2d: {  	s3 =	simm.s32 $0x108;
	s8 =	sld [smem:$0x3F9F]  }
0x2e: {  	s3 =	simm.s32 @!p0 $0x1082;
	s9 =	sld [smem:$0x3FA0]  }
0x2f: {  	lr =	sadd.s32 s0, s3;
	s0 =	sld [smem:$0x3F97]  }
0x30: {  	s3 =	sld [smem:$0x3F9A]  }
0x31: {  	[smem:$0x3FA3] =	sst s10  }
0x32: {  	s10 =	sld [smem:$0x3FA1];
	_ =	sdelay $0x3  }
0x33: {  	p0 =	seq.s32 s10, $0x1;
	s10 =	sld [smem:$0x3FA3];
	_ =	sdelay $0x3  }
0x34: {  	[smem:$0x3FA3] =	sst s10  }
0x35: {  	s10 =	sld [smem:$0x3FA2];
	_ =	sdelay $0x3  }
0x36: {  	p1 =	seq.s32 s10, $0x1;
	s10 =	sld [smem:$0x3FA3];
	_ =	sdelay $0x3  }
0x37: {  	[smem:$0x3FA3] =	sst s10  }
0x38: {  	s10 =	sld [smem:$0x3FA4]  }
0x39: {  	_ = 	snop;
	(pc) =	sbr.ind lr, $3  }
0x3a: {  	_ = 	snop  }
0x3b: {  	_ = 	snop  }
0x3c: {  	p2 =	seq.s32 s10, $0x1;
	s10 =	sld [smem:$0x3FA3]  }
0x3d: {  	_ =	shalt  }
0x3e: {  	_ =	shalt  }
0x3f: {  	_ =	shalt  }
0x40: {  	_ =	shalt  }
0x41: {  	_ =	shalt  }
0x42: {  	_ =	shalt  }
0x43: {  	_ =	shalt  }
0x44: {  	_ =	shalt  }
0x45: {  	_ =	shalt  }
0x46: {  	_ =	shalt  }
0x47: {  	_ =	shalt  }
0x48: {  	_ =	shalt  }
0x49: {  	_ =	shalt  }
0x4a: {  	_ =	shalt  }
0x4b: {  	_ =	shalt  }
0x4c: {  	_ =	shalt  }
0x4d: {  	_ =	shalt  }
0x4e: {  	_ =	shalt  }
0x4f: {  	_ =	shalt  }
0x50: {  	_ =	shalt  }
0x51: {  	_ =	shalt  }
0x52: {  	_ =	shalt  }
0x53: {  	_ =	shalt  }
0x54: {  	_ =	shalt  }
0x55: {  	_ =	shalt  }
0x56: {  	_ =	shalt  }
0x57: {  	_ =	shalt  }
0x58: {  	_ =	shalt  }
0x59: {  	_ =	shalt  }
0x5a: {  	_ =	shalt  }
0x5b: {  	_ =	shalt  }
0x5c: {  	_ =	shalt  }
0x5d: {  	_ =	shalt  }
0x5e: {  	_ =	shalt  }
0x5f: {  	_ =	shalt  }
0x60: {  	_ =	shalt  }
0x61: {  	_ =	shalt  }
0x62: {  	_ =	shalt  }
0x63: {  	_ =	shalt  }
0x64: {  	_ =	shalt  }
0x65: {  	_ =	shalt  }
0x66: {  	_ =	shalt  }
0x67: {  	_ =	shalt  }
0x68: {  	_ =	shalt  }
0x69: {  	_ =	shalt  }
0x6a: {  	_ =	shalt  }
0x6b: {  	_ =	shalt  }
0x6c: {  	_ =	shalt  }
0x6d: {  	_ =	shalt  }
0x6e: {  	_ =	shalt  }
0x6f: {  	_ =	shalt  }
0x70: {  	_ =	shalt  }
0x71: {  	_ =	shalt  }
0x72: {  	_ =	shalt  }
0x73: {  	_ =	shalt  }
0x74: {  	_ =	shalt  }
0x75: {  	_ =	shalt  }
0x76: {  	_ =	shalt  }
0x77: {  	_ =	shalt  }
0x78: {  	_ =	shalt  }
0x79: {  	_ =	shalt  }
0x7a: {  	_ =	shalt  }
0x7b: {  	_ =	shalt  }
0x7c: {  	_ =	shalt  }
0x7d: {  	_ =	shalt  }
0x7e: {  	_ =	shalt  }
0x7f: {  	_ =	shalt  }
0x80: {  	_ =	shalt  }
0x81: {  	_ =	shalt  }
0x82: {  	_ =	shalt  }
0x83: {  	_ =	shalt  }
0x84: {  	_ =	shalt  }
0x85: {  	_ =	shalt  }
0x86: {  	_ =	shalt  }
0x87: {  	_ =	shalt  }
.Lfunc_end0:
.L_simem_size_0:
called_computation.1_lowered:
.L_overlay_start_0:
0x88: {  	s2 =	sld [smem:$0x3FD9]  }
0x89: {  	s3 =	sld [smem:$0x3FFE];
	_ =	sdelay $0x1  }
0x8a: {  	s1 =	srdreg.scid  }
0x8b: {  	s0 =	sand.u32 $0x1, s1  }
0x8c: {  	s16 =	sshll.u32 s0, $0xA;
	s2 =	sadd.s32 s3, s2  }
0x8d: {  	s2 =	sadd.s32 s2, s16  }
0x8e: {  	[smem:$0x3FAF] =	sst s2  }
0x8f: {  	_ = 	snop  }
0x90: {  	(tm) =	ssettm $0x1  }
0x91: {  	s17 =	sld [smem:$0x3FFB];
	_ =	sdelay $0x3  }
0x92: {  	_ =	strace s17  }
0x93: {  	s2 =	sld [smem:$0x3FFC];
	_ =	sdelay $0x3  }
0x94: {  	_ =	strace s2  }
0x95: {  	s2 =	sld [smem:$0x3FFD];
	_ =	sdelay $0x3  }
0x96: {  	_ =	strace s2  }
0x97: {  	_ =	strace $0x8FFFFFFF  }
0x98: {  	s18 =	sld [smem:$0x3FDB];
	_ =	sdelay $0x1  }
0x99: {  	s19 =	simm.s32 $_scs_section_size  }
0x9a: {  	s4 =	simm.s32 $_size__tile_overlayer_lowered;
	s5 =	simm.s32 $_tile_overlayer_lowered  }
0x9b: {  	s22 =	simm.s32 $0x1BFF;
	s21 =	sshll.u32 s5, $0x1;
	s2 =	sadd.s32 s19, s18  }
0x9c: {  	s6 =	simm.s32 $0x0;
	s20 =	sshll.u32 s4, $0x1;
	s4 =	sadd.s32 s21, s2  }
0x9d: {  	[timem:s6], [sflag:s22] =	dma.local [hbm:s4], s20  }
0x9e: {  	_ =	swait.ge [sflag:s22], s20  }
0x9f: {  	s3 =	ssub.s32 $0x0, s20;
	[sflag:s22] =	ssyncset.done $0x0  }
0xa0: {  	[sflag:s22] =	ssyncadd.s32 s3;
	_ =	sdelay $0x1  }
0xa1: {  	s23 =	simm.s32 $0x1B8B  }
0xa2: {  	_ =	swait.ge [sflag:s23], $0x1  }
0xa3: {  	[sflag:s23] =	ssyncset.done $0x0  }
0xa4: {  	s25 =	simm.s32 $0x1B8E;
	s24 =	sld [smem:$0x3FFE];
	[sflag:s23] =	ssyncadd.s32 $0xFFFFFFFF  }
0xa5: {  	s26 =	simm.s32 $execute0_lowered;
	[smem:$0x3FD2] =	sst s25  }
0xa6: {  	s4 =	sshll.u32 s26, $0x1;
	_ =	strace $0x80000046;
	[dreg:$0x1] =	wrdreg $0xFFFFFFFF  }
0xa7: {  	s28 =	simm.s32 $_size_execute0_lowered;
	s2 =	sadd.s32 s2, s4;
	[dreg:$0x0] =	wrdreg $0x0  }
0xa8: {  	s4 =	sshll.u32 s28, $0x1;
	[dreg:$0x2] =	wrdreg s2  }
0xa9: {  	[dreg:$0x3] =	wrdreg s4  }
0xaa: {  	[dreg:$0x4] =	wrdreg $0xC0  }
0xab: {  	_ =	task [dreg:s6], $0x5FFFF  }
0xac: {  	[dreg:$0x1] =	wrdreg $0xFFFFFFFF  }
0xad: {  	[dreg:$0x0] =	wrdreg $0x60  }
0xae: {  	[dreg:$0x2] =	wrdreg s24  }
0xaf: {  	[dreg:$0x3] =	wrdreg $0x15A000  }
0xb0: {  	[dreg:$0x4] =	wrdreg $0xA  }
0xb1: {  	_ =	task.clear_ibuf [dreg:s6], $0x5FFFF;
	_ =	strace $0x90000046  }
0xb2: {  	s29 =	simm.s32 $0xA;
	_ =	strace $0x80000048  }
0xb3: {  	_ =	swait.ge [sflag:s29], $0x1  }
0xb4: {  	[sflag:s29] =	ssyncadd.s32 $0xFFFFFFFF  }
0xb5: {  	_ =	strace $0x90000048  }
0xb6: {  	_ =	sfence  }
0xb7: {  	s30 =	sld [smem:$0x0];
	_ =	sdelay $0x2  }
0xb8: {  	s31 =	sshll.u32 s1, $0xD;
	s1 =	sshrl.u32 s1, $0x2  }
0xb9: {  	s3 =	sand.u32 $0x4000, s31;
	s1 =	sadd.s32 s1, s30  }
0xba: {  	s0 =	sor.u32 s3, s0;
	s1 =	sshll.u32 s1, $0x11  }
0xbb: {  	s0 =	sor.u32 s1, s0  }
0xbc: {  	s0 =	sadd.s32 $0x8F2B, s0  }
0xbd: {  	[sflag:s0] =	ssyncadd.remote.s32 $0x1  }
0xbe: {  	_ =	sfence.sel $0xFFFF  }
0xbf: {  	[dreg:$0x0] =	wrdreg $0xFFFFFFFF;
	(pc) =	sbr.abs _section_cstart, $3  }
0xc0: {  	[dreg:$0x1] =	wrdreg $0xFFFFFFFF  }
0xc1: {  	_ =	task.clear_ibuf [dreg:s6], $0x2FFFF;
	_ =	strace $0x9FFFFFFF  }
0xc2: {  	(tm) =	ssettm $0x7FFFFFFF  }
0xc3: {  	_ =	shalt  }
tec
execute0_lowered:
.L_overlay_start_1:
0x0: {  	(tag) =	ssettag $0x1  }
0x1: {  	s0 =	srdreg.scid;
	s1 =	rddreg [dreg:$0x0]  }
0x2: {  	s2 =	rddreg [dreg:$0x1];
	s7 =	stileid.u32;
	s4 =	simm.s32 $0x0  }
0x3: {  	s18 =	simm.s32 $0x5;
	s28 =	simm.s32 $0x1;
	s29 =	simm.s32 $0xCD00  }
0x4: {  	s30 =	simm.s32 $0xEC40;
	s31 =	simm.s32 $0x10B80;
	s19 =	simm.s32 $0x2  }
0x5: {  	s0 =	sand.u32 $0x1, s0;
	[smem:$0x7FF] =	sst s4;
	s6 =	smul.u32 $0x28000, s7  }
0x6: {  	s4 =	sadd.s32 $0x18000, s1;
	s8 =	smul.u32 $0xA000, s7;
	s3 =	sshll.u32 s0, $0x4  }
0x7: {  	_ =	strace $0x80000047;
	s5 =	smul.u32 $0x14000, s0;
	s0 =	ssub.s32 $0x2, s0  }
0x8: {  	s3 =	sor.u32 s7, s3;
	s20 =	sshrl.u32 s0, $0x1;
	s22 =	sshrl.u32 s6, $0x2  }
0x9: {  	s7 =	sadd.s32 s8, s2;
	s26 =	sshrl.u32 s8, $0x3;
	s3 =	smul.u32 $0x500, s3  }
0xa: {  	s0 =	ssub.s32 s0, s20;
	s23 =	sadd.s32 s22, s2;
	s20 =	simm.s32 $0x14A00  }
0xb: {  	s22 =	simm.s32 $0x5000;
	s24 =	sadd.s32 $0x2000, s23;
	s25 =	sadd.s32 $0x3000, s23  }
0xc: {  	s11 =	sadd.s32 $0x4000, s23;
	s12 =	sadd.s32 $0x5000, s23;
	s13 =	sadd.s32 $0x6000, s23  }
0xd: {  	s14 =	sadd.s32 $0x7000, s23;
	s15 =	sadd.s32 $0x8000, s23;
	s16 =	sadd.s32 $0x9000, s23  }
0xe: {  	s17 =	smax.u32 s0, $0x1;
	s0 =	simm.s32 $0x12AC0;
	s3 =	sadd.s32 s3, s1  }
0xf: {  	s1 =	sadd.s32 s5, s1;
	s5 =	sadd.s32 $0x1000, s23;
	[dreg:$0x6] =	wrdreg s24  }
0x10: {  	[dreg:$0x7] =	wrdreg s25;
	s23 =	simm.s32 $0x6F40;
	s25 =	simm.s32 $0x8E80  }
0x11: {  	s21 =	sadd.s32 $0xE000, s3;
	s3 =	sadd.s32 $0x4000, s3;
	[dreg:$0x5] =	wrdreg s5  }
0x12: {  	s1 =	sadd.s32 $0x2BA00, s1;
	s5 =	simm.s32 $0x0;
	[dreg:$0x3] =	wrdreg s21  }
0x13: {  	[dreg:$0x4] =	wrdreg s3;
	s21 =	simm.s32 $0x7D;
	s24 =	sadd.s32 s26, s1  }
0x14: {  	v0 =	vimm.f32 $0.0e+00;
	s26 =	simm.s32 $0xADC0;
	s1 =	simm.s32 $0x3;
	s3 =	simm.s32 $0x4  }
.LBB2_1:
0x15: {  	s6 =	simm.s32 $0x0;
	s8 =	rddreg [dreg:$0x3]  }
0x16: {  	[tilespmem:s6], [sflag:$0x5] =	stream.linear.gather [hbm4b:s8+s6], $0x2800, $0x38;
	[tilespmem:$0x1FA00] =	vst v63  }
0x17: {  	_ =	swait.ge [sflag:s18], $0x2800  }
0x18: {  	[sflag:s18] =	ssyncset.done $0x0  }
0x19: {  	s9 =	simm.s32 $0x2800;
	s10 =	rddreg [dreg:$0x4];
	[sflag:s18] =	ssyncadd.s32 $0xFFFFD800  }
0x1a: {  	[tilespmem:s9], [sflag:$0x5] =	stream.linear.gather [hbm4b:s10+s6], $0x2800, $0x38;
	[tilespmem:$0x1FA00] =	vst v63  }
0x1b: {  	_ =	swait.ge [sflag:s18], $0x2800  }
0x1c: {  	[sflag:s18] =	ssyncset.done $0x0  }
0x1d: {  	s8 =	simm.s32 $0x100;
	s6 =	simm.s32 $0x0;
	[sflag:s18] =	ssyncadd.s32 $0xFFFFD800  }
.LBB2_2:
0x1e: {  	p0 =	sne.s32 s8, $0x3F00;
	[tilespmem:s6+$0x14A30] =	vst v0;
	s9 =	smov.u32 s8;
	s8 =	sadd.s32 $0x100, s8  }
.Ltmp0:
0x1f: {  	[tilespmem:s6+$0x14A20] =	vst v0;
	(pc) =	sbr.rel @p0 .LBB2_2-.Ltmp0, $3  }
0x20: {  	[tilespmem:s6+$0x14A00] =	vst v0  }
0x21: {  	[tilespmem:s6+$0x14A10] =	vst v0;
	_ =	sdelay $0x1  }
0x22: {  	s6 =	sshra.s32 s9, $0x2  }
0x23: {  	[tilespmem:s6+$0x14A30] =	vst v0  }
0x24: {  	[tilespmem:s6+$0x14A20] =	vst v0  }
0x25: {  	[tilespmem:s6+$0x14A00] =	vst v0  }
0x26: {  	[tilespmem:s6+$0x14A10] =	vst v0  }
0x27: {  	[spmem:s7] =	stream.linear.scatter [tilespmem:s20], [sflag:$0x5], $0x1000, $0x38;
	[tilespmem:$0x1FA00] =	vst v63  }
0x28: {  	_ =	swait.ge [sflag:s18], $0x1000  }
0x29: {  	[sflag:s18] =	ssyncset.done $0x0  }
0x2a: {  	s10 =	rddreg [dreg:$0x5];
	[sflag:s18] =	ssyncadd.s32 $0xFFFFF000  }
0x2b: {  	[spmem:s10] =	stream.linear.scatter [tilespmem:s20], [sflag:$0x5], $0x1000, $0x38;
	[tilespmem:$0x1FA00] =	vst v63  }
0x2c: {  	_ =	swait.ge [sflag:s18], $0x1000  }
0x2d: {  	[sflag:s18] =	ssyncset.done $0x0  }
0x2e: {  	s8 =	rddreg [dreg:$0x6];
	[sflag:s18] =	ssyncadd.s32 $0xFFFFF000  }
0x2f: {  	[spmem:s8] =	stream.linear.scatter [tilespmem:s20], [sflag:$0x5], $0x1000, $0x38;
	[tilespmem:$0x1FA00] =	vst v63  }
0x30: {  	_ =	swait.ge [sflag:s18], $0x1000  }
0x31: {  	[sflag:s18] =	ssyncset.done $0x0  }
0x32: {  	s9 =	rddreg [dreg:$0x7];
	[sflag:s18] =	ssyncadd.s32 $0xFFFFF000  }
0x33: {  	[spmem:s9] =	stream.linear.scatter [tilespmem:s20], [sflag:$0x5], $0x1000, $0x38;
	[tilespmem:$0x1FA00] =	vst v63  }
0x34: {  	_ =	swait.ge [sflag:s18], $0x1000  }
0x35: {  	[sflag:s18] =	ssyncset.done $0x0  }
0x36: {  	[sflag:s18] =	ssyncadd.s32 $0xFFFFF000  }
0x37: {  	[spmem:s11] =	stream.linear.scatter [tilespmem:s20], [sflag:$0x5], $0x1000, $0x38;
	[tilespmem:$0x1FA00] =	vst v63  }
0x38: {  	_ =	swait.ge [sflag:s18], $0x1000  }
0x39: {  	[sflag:s18] =	ssyncset.done $0x0  }
0x3a: {  	[sflag:s18] =	ssyncadd.s32 $0xFFFFF000  }
0x3b: {  	[spmem:s12] =	stream.linear.scatter [tilespmem:s20], [sflag:$0x5], $0x1000, $0x38;
	[tilespmem:$0x1FA00] =	vst v63  }
0x3c: {  	_ =	swait.ge [sflag:s18], $0x1000  }
0x3d: {  	[sflag:s18] =	ssyncset.done $0x0  }
0x3e: {  	[sflag:s18] =	ssyncadd.s32 $0xFFFFF000  }
0x3f: {  	[spmem:s13] =	stream.linear.scatter [tilespmem:s20], [sflag:$0x5], $0x1000, $0x38;
	[tilespmem:$0x1FA00] =	vst v63  }
0x40: {  	_ =	swait.ge [sflag:s18], $0x1000  }
0x41: {  	[sflag:s18] =	ssyncset.done $0x0  }
0x42: {  	[sflag:s18] =	ssyncadd.s32 $0xFFFFF000  }
0x43: {  	[spmem:s14] =	stream.linear.scatter [tilespmem:s20], [sflag:$0x5], $0x1000, $0x38;
	[tilespmem:$0x1FA00] =	vst v63  }
0x44: {  	_ =	swait.ge [sflag:s18], $0x1000  }
0x45: {  	[sflag:s18] =	ssyncset.done $0x0  }
0x46: {  	[sflag:s18] =	ssyncadd.s32 $0xFFFFF000  }
0x47: {  	[spmem:s15] =	stream.linear.scatter [tilespmem:s20], [sflag:$0x5], $0x1000, $0x38;
	[tilespmem:$0x1FA00] =	vst v63  }
0x48: {  	_ =	swait.ge [sflag:s18], $0x1000  }
0x49: {  	[sflag:s18] =	ssyncset.done $0x0  }
0x4a: {  	[sflag:s18] =	ssyncadd.s32 $0xFFFFF000  }
0x4b: {  	[spmem:s16] =	stream.linear.scatter [tilespmem:s20], [sflag:$0x5], $0x1000, $0x38;
	[tilespmem:$0x1FA00] =	vst v63  }
0x4c: {  	_ =	swait.ge [sflag:s18], $0x1000  }
0x4d: {  	[sflag:s18] =	ssyncset.done $0x0  }
0x4e: {  	[sflag:s18] =	ssyncadd.s32 $0xFFFFF000  }
0x4f: {  	s10 =	simm.s32 $0x0;
	[bflag:$0x0] =	sbarrier.arrive $0xFFFF  }
0x50: {  	[tilespmem:s22], [sflag:$0x1] =	stream.indirect.gather [hbm4b:s4+s21], $0x40, s10, s21, $0xb8;
	[tilespmem:$0x1FA00] =	vst v63  }
0x51: {  	s8 =	simm.s32 $0x80  }
0x52: {  	[tilespmem:s23], [sflag:$0x1] =	stream.indirect.gather [hbm4b:s4+s21], $0x40, s8, s21, $0xb8;
	[tilespmem:$0x1FA00] =	vst v63  }
0x53: {  	s9 =	simm.s32 $0x100  }
0x54: {  	[tilespmem:s25], [sflag:$0x1] =	stream.indirect.gather [hbm4b:s4+s21], $0x40, s9, s21, $0xb8;
	[tilespmem:$0x1FA00] =	vst v63  }
0x55: {  	s10 =	simm.s32 $0x180  }
0x56: {  	[tilespmem:s26], [sflag:$0x1] =	stream.indirect.gather [hbm4b:s4+s21], $0x40, s10, s21, $0xb8;
	[tilespmem:$0x1FA00] =	vst v63  }
0x57: {  	_ =	swait.ge [sflag:s28], $0x1F40  }
0x58: {  	[sflag:s28] =	ssyncset.done $0x0  }
0x59: {  	[sflag:s28] =	ssyncadd.s32 $0xFFFFE0C0  }
0x5a: {  	_ =	swait.ge [sflag:s28], $0x1F40  }
0x5b: {  	[sflag:s28] =	ssyncset.done $0x0  }
0x5c: {  	[sflag:s28] =	ssyncadd.s32 $0xFFFFE0C0  }
0x5d: {  	_ =	swait.ge [sflag:s28], $0x1F40  }
0x5e: {  	[sflag:s28] =	ssyncset.done $0x0  }
0x5f: {  	[sflag:s28] =	ssyncadd.s32 $0xFFFFE0C0  }
0x60: {  	_ =	swait.ge [sflag:s28], $0x1F40  }
0x61: {  	[sflag:s28] =	ssyncset.done $0x0  }
0x62: {  	s8 =	simm.s32 $0x2800;
	[sflag:s28] =	ssyncadd.s32 $0xFFFFE0C0  }
0x63: {  	[spmem:s2] =	stream.indirect.scatter.add.f32 [tilespmem:s22], [sflag:$0x3], $0x40, s8, s21, $0xb8;
	[tilespmem:$0x1FA00] =	vst v63  }
0x64: {  	s9 =	simm.s32 $0x2880  }
0x65: {  	[spmem:s2] =	stream.indirect.scatter.add.f32 [tilespmem:s23], [sflag:$0x3], $0x40, s9, s21, $0xb8;
	[tilespmem:$0x1FA00] =	vst v63  }
0x66: {  	s10 =	simm.s32 $0x2900  }
0x67: {  	[spmem:s2] =	stream.indirect.scatter.add.f32 [tilespmem:s25], [sflag:$0x3], $0x40, s10, s21, $0xb8;
	[tilespmem:$0x1FA00] =	vst v63  }
0x68: {  	s8 =	simm.s32 $0x2980  }
0x69: {  	[spmem:s2] =	stream.indirect.scatter.add.f32 [tilespmem:s26], [sflag:$0x3], $0x40, s8, s21, $0xb8;
	[tilespmem:$0x1FA00] =	vst v63  }
0x6a: {  	s9 =	simm.s32 $0x200  }
0x6b: {  	[tilespmem:s29], [sflag:$0x2] =	stream.indirect.gather [hbm4b:s4+s21], $0x40, s9, s21, $0xb8;
	[tilespmem:$0x1FA00] =	vst v63  }
0x6c: {  	s10 =	simm.s32 $0x280  }
0x6d: {  	[tilespmem:s30], [sflag:$0x2] =	stream.indirect.gather [hbm4b:s4+s21], $0x40, s10, s21, $0xb8;
	[tilespmem:$0x1FA00] =	vst v63  }
0x6e: {  	s8 =	simm.s32 $0x300  }
0x6f: {  	[tilespmem:s31], [sflag:$0x2] =	stream.indirect.gather [hbm4b:s4+s21], $0x40, s8, s21, $0xb8;
	[tilespmem:$0x1FA00] =	vst v63  }
0x70: {  	s9 =	simm.s32 $0x380  }
0x71: {  	[tilespmem:s0], [sflag:$0x2] =	stream.indirect.gather [hbm4b:s4+s21], $0x40, s9, s21, $0xb8;
	[tilespmem:$0x1FA00] =	vst v63  }
0x72: {  	_ =	swait.ge [sflag:s19], $0x1F40  }
0x73: {  	[sflag:s19] =	ssyncset.done $0x0  }
0x74: {  	[sflag:s19] =	ssyncadd.s32 $0xFFFFE0C0  }
0x75: {  	_ =	swait.ge [sflag:s19], $0x1F40  }
0x76: {  	[sflag:s19] =	ssyncset.done $0x0  }
0x77: {  	[sflag:s19] =	ssyncadd.s32 $0xFFFFE0C0  }
0x78: {  	_ =	swait.ge [sflag:s19], $0x1F40  }
0x79: {  	[sflag:s19] =	ssyncset.done $0x0  }
0x7a: {  	[sflag:s19] =	ssyncadd.s32 $0xFFFFE0C0  }
0x7b: {  	_ =	swait.ge [sflag:s19], $0x1F40  }
0x7c: {  	[sflag:s19] =	ssyncset.done $0x0  }
0x7d: {  	[sflag:s19] =	ssyncadd.s32 $0xFFFFE0C0  }
0x7e: {  	_ =	swait.ge [sflag:s1], $0x1F40  }
0x7f: {  	[sflag:s1] =	ssyncset.done $0x0  }
0x80: {  	[sflag:s1] =	ssyncadd.s32 $0xFFFFE0C0  }
0x81: {  	_ =	swait.ge [sflag:s1], $0x1F40  }
0x82: {  	[sflag:s1] =	ssyncset.done $0x0  }
0x83: {  	[sflag:s1] =	ssyncadd.s32 $0xFFFFE0C0  }
0x84: {  	_ =	swait.ge [sflag:s1], $0x1F40  }
0x85: {  	[sflag:s1] =	ssyncset.done $0x0  }
0x86: {  	[sflag:s1] =	ssyncadd.s32 $0xFFFFE0C0  }
0x87: {  	_ =	swait.ge [sflag:s1], $0x1F40  }
0x88: {  	[sflag:s1] =	ssyncset.done $0x0  }
0x89: {  	s10 =	simm.s32 $0x2A00;
	[sflag:s1] =	ssyncadd.s32 $0xFFFFE0C0  }
0x8a: {  	[spmem:s2] =	stream.indirect.scatter.add.f32 [tilespmem:s29], [sflag:$0x4], $0x40, s10, s21, $0xb8;
	[tilespmem:$0x1FA00] =	vst v63  }
0x8b: {  	s8 =	simm.s32 $0x2A80  }
0x8c: {  	[spmem:s2] =	stream.indirect.scatter.add.f32 [tilespmem:s30], [sflag:$0x4], $0x40, s8, s21, $0xb8;
	[tilespmem:$0x1FA00] =	vst v63  }
0x8d: {  	s9 =	simm.s32 $0x2B00  }
0x8e: {  	[spmem:s2] =	stream.indirect.scatter.add.f32 [tilespmem:s31], [sflag:$0x4], $0x40, s9, s21, $0xb8;
	[tilespmem:$0x1FA00] =	vst v63  }
0x8f: {  	s10 =	simm.s32 $0x2B80  }
0x90: {  	[spmem:s2] =	stream.indirect.scatter.add.f32 [tilespmem:s0], [sflag:$0x4], $0x40, s10, s21, $0xb8;
	[tilespmem:$0x1FA00] =	vst v63  }
0x91: {  	_ =	swait.ge [sflag:s3], $0x1F40  }
0x92: {  	[sflag:s3] =	ssyncset.done $0x0  }
0x93: {  	[sflag:s3] =	ssyncadd.s32 $0xFFFFE0C0  }
0x94: {  	_ =	swait.ge [sflag:s3], $0x1F40  }
0x95: {  	[sflag:s3] =	ssyncset.done $0x0  }
0x96: {  	[sflag:s3] =	ssyncadd.s32 $0xFFFFE0C0  }
0x97: {  	_ =	swait.ge [sflag:s3], $0x1F40  }
0x98: {  	[sflag:s3] =	ssyncset.done $0x0  }
0x99: {  	[sflag:s3] =	ssyncadd.s32 $0xFFFFE0C0  }
0x9a: {  	_ =	swait.ge [sflag:s3], $0x1F40  }
0x9b: {  	s6 =	simm.s32 $0x1000;
	s8 =	simm.s32 $0x2000;
	[sflag:s3] =	ssyncset.done $0x0  }
.LBB2_4:
0x9c: {  	s9 =	sshra.s32 s6, $0x2  }
0x9d: {  	[sflag:s3] =	ssyncadd.s32 $0xFFFFE0C0;
	s6 =	smov.u32 s8;
	s10 =	sadd.s32 $0x1000, s8  }
0x9e: {  	[tilespmem:s22], [sflag:$0x1] =	stream.indirect.gather [hbm4b:s4+s21], $0x40, s9, s21, $0xb8;
	[tilespmem:$0x1FA00] =	vst v63  }
0x9f: {  	p0 =	sne.s32 s8, $0x9000;
	s8 =	sadd.s32 $0x80, s9  }
0xa0: {  	[tilespmem:s23], [sflag:$0x1] =	stream.indirect.gather [hbm4b:s4+s21], $0x40, s8, s21, $0xb8;
	[tilespmem:$0x1FA00] =	vst v63  }
0xa1: {  	s8 =	sadd.s32 $0x100, s9  }
0xa2: {  	[tilespmem:s25], [sflag:$0x1] =	stream.indirect.gather [hbm4b:s4+s21], $0x40, s8, s21, $0xb8;
	[tilespmem:$0x1FA00] =	vst v63  }
0xa3: {  	s8 =	sadd.s32 $0x180, s9  }
0xa4: {  	[tilespmem:s26], [sflag:$0x1] =	stream.indirect.gather [hbm4b:s4+s21], $0x40, s8, s21, $0xb8;
	[tilespmem:$0x1FA00] =	vst v63  }
0xa5: {  	_ =	swait.ge [sflag:s28], $0x1F40  }
0xa6: {  	[sflag:s28] =	ssyncset.done $0x0  }
0xa7: {  	[sflag:s28] =	ssyncadd.s32 $0xFFFFE0C0  }
0xa8: {  	_ =	swait.ge [sflag:s28], $0x1F40  }
0xa9: {  	[sflag:s28] =	ssyncset.done $0x0  }
0xaa: {  	[sflag:s28] =	ssyncadd.s32 $0xFFFFE0C0  }
0xab: {  	_ =	swait.ge [sflag:s28], $0x1F40  }
0xac: {  	[sflag:s28] =	ssyncset.done $0x0  }
0xad: {  	[sflag:s28] =	ssyncadd.s32 $0xFFFFE0C0  }
0xae: {  	_ =	swait.ge [sflag:s28], $0x1F40  }
0xaf: {  	[sflag:s28] =	ssyncset.done $0x0  }
0xb0: {  	s8 =	sadd.s32 $0x2800, s9;
	[sflag:s28] =	ssyncadd.s32 $0xFFFFE0C0  }
0xb1: {  	[spmem:s2] =	stream.indirect.scatter.add.f32 [tilespmem:s22], [sflag:$0x3], $0x40, s8, s21, $0xb8;
	[tilespmem:$0x1FA00] =	vst v63  }
0xb2: {  	s8 =	sadd.s32 $0x2880, s9  }
0xb3: {  	[spmem:s2] =	stream.indirect.scatter.add.f32 [tilespmem:s23], [sflag:$0x3], $0x40, s8, s21, $0xb8;
	[tilespmem:$0x1FA00] =	vst v63  }
0xb4: {  	s8 =	sadd.s32 $0x2900, s9  }
0xb5: {  	[spmem:s2] =	stream.indirect.scatter.add.f32 [tilespmem:s25], [sflag:$0x3], $0x40, s8, s21, $0xb8;
	[tilespmem:$0x1FA00] =	vst v63  }
0xb6: {  	s8 =	sadd.s32 $0x2980, s9  }
0xb7: {  	[spmem:s2] =	stream.indirect.scatter.add.f32 [tilespmem:s26], [sflag:$0x3], $0x40, s8, s21, $0xb8;
	[tilespmem:$0x1FA00] =	vst v63  }
0xb8: {  	s8 =	sadd.s32 $0x200, s9  }
0xb9: {  	[tilespmem:s29], [sflag:$0x2] =	stream.indirect.gather [hbm4b:s4+s21], $0x40, s8, s21, $0xb8;
	[tilespmem:$0x1FA00] =	vst v63  }
0xba: {  	s8 =	sadd.s32 $0x280, s9  }
0xbb: {  	[tilespmem:s30], [sflag:$0x2] =	stream.indirect.gather [hbm4b:s4+s21], $0x40, s8, s21, $0xb8;
	[tilespmem:$0x1FA00] =	vst v63  }
0xbc: {  	s8 =	sadd.s32 $0x300, s9  }
0xbd: {  	[tilespmem:s31], [sflag:$0x2] =	stream.indirect.gather [hbm4b:s4+s21], $0x40, s8, s21, $0xb8;
	[tilespmem:$0x1FA00] =	vst v63  }
0xbe: {  	s8 =	sadd.s32 $0x380, s9  }
0xbf: {  	[tilespmem:s0], [sflag:$0x2] =	stream.indirect.gather [hbm4b:s4+s21], $0x40, s8, s21, $0xb8;
	[tilespmem:$0x1FA00] =	vst v63  }
0xc0: {  	_ =	swait.ge [sflag:s19], $0x1F40  }
0xc1: {  	[sflag:s19] =	ssyncset.done $0x0  }
0xc2: {  	[sflag:s19] =	ssyncadd.s32 $0xFFFFE0C0  }
0xc3: {  	_ =	swait.ge [sflag:s19], $0x1F40  }
0xc4: {  	[sflag:s19] =	ssyncset.done $0x0  }
0xc5: {  	[sflag:s19] =	ssyncadd.s32 $0xFFFFE0C0  }
0xc6: {  	_ =	swait.ge [sflag:s19], $0x1F40  }
0xc7: {  	[sflag:s19] =	ssyncset.done $0x0  }
0xc8: {  	[sflag:s19] =	ssyncadd.s32 $0xFFFFE0C0  }
0xc9: {  	_ =	swait.ge [sflag:s19], $0x1F40  }
0xca: {  	[sflag:s19] =	ssyncset.done $0x0  }
0xcb: {  	[sflag:s19] =	ssyncadd.s32 $0xFFFFE0C0  }
0xcc: {  	_ =	swait.ge [sflag:s1], $0x1F40  }
0xcd: {  	[sflag:s1] =	ssyncset.done $0x0  }
0xce: {  	[sflag:s1] =	ssyncadd.s32 $0xFFFFE0C0  }
0xcf: {  	_ =	swait.ge [sflag:s1], $0x1F40  }
0xd0: {  	[sflag:s1] =	ssyncset.done $0x0  }
0xd1: {  	[sflag:s1] =	ssyncadd.s32 $0xFFFFE0C0  }
0xd2: {  	_ =	swait.ge [sflag:s1], $0x1F40  }
0xd3: {  	[sflag:s1] =	ssyncset.done $0x0  }
0xd4: {  	[sflag:s1] =	ssyncadd.s32 $0xFFFFE0C0  }
0xd5: {  	_ =	swait.ge [sflag:s1], $0x1F40  }
0xd6: {  	[sflag:s1] =	ssyncset.done $0x0  }
0xd7: {  	s8 =	sadd.s32 $0x2A00, s9;
	[sflag:s1] =	ssyncadd.s32 $0xFFFFE0C0  }
0xd8: {  	[spmem:s2] =	stream.indirect.scatter.add.f32 [tilespmem:s29], [sflag:$0x4], $0x40, s8, s21, $0xb8;
	[tilespmem:$0x1FA00] =	vst v63  }
0xd9: {  	s8 =	sadd.s32 $0x2A80, s9  }
0xda: {  	[spmem:s2] =	stream.indirect.scatter.add.f32 [tilespmem:s30], [sflag:$0x4], $0x40, s8, s21, $0xb8;
	[tilespmem:$0x1FA00] =	vst v63  }
0xdb: {  	s8 =	sadd.s32 $0x2B00, s9  }
0xdc: {  	[spmem:s2] =	stream.indirect.scatter.add.f32 [tilespmem:s31], [sflag:$0x4], $0x40, s8, s21, $0xb8;
	[tilespmem:$0x1FA00] =	vst v63  }
0xdd: {  	s8 =	sadd.s32 $0x2B80, s9  }
0xde: {  	[spmem:s2] =	stream.indirect.scatter.add.f32 [tilespmem:s0], [sflag:$0x4], $0x40, s8, s21, $0xb8;
	[tilespmem:$0x1FA00] =	vst v63  }
0xdf: {  	_ =	swait.ge [sflag:s3], $0x1F40  }
0xe0: {  	[sflag:s3] =	ssyncset.done $0x0  }
0xe1: {  	[sflag:s3] =	ssyncadd.s32 $0xFFFFE0C0  }
0xe2: {  	_ =	swait.ge [sflag:s3], $0x1F40  }
0xe3: {  	[sflag:s3] =	ssyncset.done $0x0  }
0xe4: {  	[sflag:s3] =	ssyncadd.s32 $0xFFFFE0C0  }
.Ltmp1:
0xe5: {  	_ =	swait.ge [sflag:s3], $0x1F40;
	(pc) =	sbr.rel @p0 .LBB2_4-.Ltmp1, $4  }
0xe6: {  	[sflag:s3] =	ssyncset.done $0x0  }
0xe7: {  	[sflag:s3] =	ssyncadd.s32 $0xFFFFE0C0  }
0xe8: {  	_ =	swait.ge [sflag:s3], $0x1F40  }
0xe9: {  	s8 =	smov.u32 s10;
	[sflag:s3] =	ssyncset.done $0x0  }
0xea: {  	s6 =	sshra.s32 s6, $0x2;
	[sflag:s3] =	ssyncadd.s32 $0xFFFFE0C0  }
0xeb: {  	[tilespmem:s22], [sflag:$0x1] =	stream.indirect.gather [hbm4b:s4+s21], $0x40, s6, s21, $0xb8;
	[tilespmem:$0x1FA00] =	vst v63  }
0xec: {  	s8 =	sadd.s32 $0x80, s6  }
0xed: {  	[tilespmem:s23], [sflag:$0x1] =	stream.indirect.gather [hbm4b:s4+s21], $0x40, s8, s21, $0xb8;
	[tilespmem:$0x1FA00] =	vst v63  }
0xee: {  	s10 =	sadd.s32 $0x100, s6  }
0xef: {  	[tilespmem:s25], [sflag:$0x1] =	stream.indirect.gather [hbm4b:s4+s21], $0x40, s10, s21, $0xb8;
	[tilespmem:$0x1FA00] =	vst v63  }
0xf0: {  	s9 =	sadd.s32 $0x180, s6  }
0xf1: {  	[tilespmem:s26], [sflag:$0x1] =	stream.indirect.gather [hbm4b:s4+s21], $0x40, s9, s21, $0xb8;
	[tilespmem:$0x1FA00] =	vst v63  }
0xf2: {  	_ =	swait.ge [sflag:s28], $0x1F40  }
0xf3: {  	[sflag:s28] =	ssyncset.done $0x0  }
0xf4: {  	[sflag:s28] =	ssyncadd.s32 $0xFFFFE0C0  }
0xf5: {  	_ =	swait.ge [sflag:s28], $0x1F40  }
0xf6: {  	[sflag:s28] =	ssyncset.done $0x0  }
0xf7: {  	[sflag:s28] =	ssyncadd.s32 $0xFFFFE0C0  }
0xf8: {  	_ =	swait.ge [sflag:s28], $0x1F40  }
0xf9: {  	[sflag:s28] =	ssyncset.done $0x0  }
0xfa: {  	[sflag:s28] =	ssyncadd.s32 $0xFFFFE0C0  }
0xfb: {  	_ =	swait.ge [sflag:s28], $0x1F40  }
0xfc: {  	[sflag:s28] =	ssyncset.done $0x0  }
0xfd: {  	s10 =	sadd.s32 $0x2800, s6;
	[sflag:s28] =	ssyncadd.s32 $0xFFFFE0C0  }
0xfe: {  	[spmem:s2] =	stream.indirect.scatter.add.f32 [tilespmem:s22], [sflag:$0x3], $0x40, s10, s21, $0xb8;
	[tilespmem:$0x1FA00] =	vst v63  }
0xff: {  	s9 =	sadd.s32 $0x2880, s6  }
0x100: {  	[spmem:s2] =	stream.indirect.scatter.add.f32 [tilespmem:s23], [sflag:$0x3], $0x40, s9, s21, $0xb8;
	[tilespmem:$0x1FA00] =	vst v63  }
0x101: {  	s10 =	sadd.s32 $0x2900, s6  }
0x102: {  	[spmem:s2] =	stream.indirect.scatter.add.f32 [tilespmem:s25], [sflag:$0x3], $0x40, s10, s21, $0xb8;
	[tilespmem:$0x1FA00] =	vst v63  }
0x103: {  	s9 =	sadd.s32 $0x2980, s6  }
0x104: {  	[spmem:s2] =	stream.indirect.scatter.add.f32 [tilespmem:s26], [sflag:$0x3], $0x40, s9, s21, $0xb8;
	[tilespmem:$0x1FA00] =	vst v63  }
0x105: {  	s10 =	sadd.s32 $0x200, s6  }
0x106: {  	[tilespmem:s29], [sflag:$0x2] =	stream.indirect.gather [hbm4b:s4+s21], $0x40, s10, s21, $0xb8;
	[tilespmem:$0x1FA00] =	vst v63  }
0x107: {  	s9 =	sadd.s32 $0x280, s6  }
0x108: {  	[tilespmem:s30], [sflag:$0x2] =	stream.indirect.gather [hbm4b:s4+s21], $0x40, s9, s21, $0xb8;
	[tilespmem:$0x1FA00] =	vst v63  }
0x109: {  	s10 =	sadd.s32 $0x300, s6  }
0x10a: {  	[tilespmem:s31], [sflag:$0x2] =	stream.indirect.gather [hbm4b:s4+s21], $0x40, s10, s21, $0xb8;
	[tilespmem:$0x1FA00] =	vst v63  }
0x10b: {  	s9 =	sadd.s32 $0x380, s6  }
0x10c: {  	[tilespmem:s0], [sflag:$0x2] =	stream.indirect.gather [hbm4b:s4+s21], $0x40, s9, s21, $0xb8;
	[tilespmem:$0x1FA00] =	vst v63  }
0x10d: {  	_ =	swait.ge [sflag:s19], $0x1F40  }
0x10e: {  	[sflag:s19] =	ssyncset.done $0x0  }
0x10f: {  	[sflag:s19] =	ssyncadd.s32 $0xFFFFE0C0  }
0x110: {  	_ =	swait.ge [sflag:s19], $0x1F40  }
0x111: {  	[sflag:s19] =	ssyncset.done $0x0  }
0x112: {  	[sflag:s19] =	ssyncadd.s32 $0xFFFFE0C0  }
0x113: {  	_ =	swait.ge [sflag:s19], $0x1F40  }
0x114: {  	[sflag:s19] =	ssyncset.done $0x0  }
0x115: {  	[sflag:s19] =	ssyncadd.s32 $0xFFFFE0C0  }
0x116: {  	_ =	swait.ge [sflag:s19], $0x1F40  }
0x117: {  	[sflag:s19] =	ssyncset.done $0x0  }
0x118: {  	[sflag:s19] =	ssyncadd.s32 $0xFFFFE0C0  }
0x119: {  	_ =	swait.ge [sflag:s1], $0x1F40  }
0x11a: {  	[sflag:s1] =	ssyncset.done $0x0  }
0x11b: {  	[sflag:s1] =	ssyncadd.s32 $0xFFFFE0C0  }
0x11c: {  	_ =	swait.ge [sflag:s1], $0x1F40  }
0x11d: {  	[sflag:s1] =	ssyncset.done $0x0  }
0x11e: {  	[sflag:s1] =	ssyncadd.s32 $0xFFFFE0C0  }
0x11f: {  	_ =	swait.ge [sflag:s1], $0x1F40  }
0x120: {  	[sflag:s1] =	ssyncset.done $0x0  }
0x121: {  	[sflag:s1] =	ssyncadd.s32 $0xFFFFE0C0  }
0x122: {  	_ =	swait.ge [sflag:s1], $0x1F40  }
0x123: {  	[sflag:s1] =	ssyncset.done $0x0  }
0x124: {  	s10 =	sadd.s32 $0x2A00, s6;
	[sflag:s1] =	ssyncadd.s32 $0xFFFFE0C0  }
0x125: {  	[spmem:s2] =	stream.indirect.scatter.add.f32 [tilespmem:s29], [sflag:$0x4], $0x40, s10, s21, $0xb8;
	[tilespmem:$0x1FA00] =	vst v63  }
0x126: {  	s9 =	sadd.s32 $0x2A80, s6  }
0x127: {  	[spmem:s2] =	stream.indirect.scatter.add.f32 [tilespmem:s30], [sflag:$0x4], $0x40, s9, s21, $0xb8;
	[tilespmem:$0x1FA00] =	vst v63  }
0x128: {  	s10 =	sadd.s32 $0x2B00, s6  }
0x129: {  	[spmem:s2] =	stream.indirect.scatter.add.f32 [tilespmem:s31], [sflag:$0x4], $0x40, s10, s21, $0xb8;
	[tilespmem:$0x1FA00] =	vst v63  }
0x12a: {  	s6 =	sadd.s32 $0x2B80, s6  }
0x12b: {  	[spmem:s2] =	stream.indirect.scatter.add.f32 [tilespmem:s0], [sflag:$0x4], $0x40, s6, s21, $0xb8;
	[tilespmem:$0x1FA00] =	vst v63  }
0x12c: {  	_ =	swait.ge [sflag:s3], $0x1F40  }
0x12d: {  	[sflag:s3] =	ssyncset.done $0x0  }
0x12e: {  	[sflag:s3] =	ssyncadd.s32 $0xFFFFE0C0  }
0x12f: {  	_ =	swait.ge [sflag:s3], $0x1F40  }
0x130: {  	[sflag:s3] =	ssyncset.done $0x0  }
0x131: {  	[sflag:s3] =	ssyncadd.s32 $0xFFFFE0C0  }
0x132: {  	_ =	swait.ge [sflag:s3], $0x1F40  }
0x133: {  	[sflag:s3] =	ssyncset.done $0x0  }
0x134: {  	[sflag:s3] =	ssyncadd.s32 $0xFFFFE0C0  }
0x135: {  	s5 =	sadd.s32 $0x1, s5;
	_ =	swait.ge [sflag:s3], $0x1F40  }
0x136: {  	p0 =	sne.s32 s5, s17;
	s9 =	stileid.u32;
	[sflag:s3] =	ssyncset.done $0x0  }
0x137: {  	s10 =	sshrl.u32 s7, $0x3;
	s6 =	sshll.u32 s9, $0x6;
	[sflag:s3] =	ssyncadd.s32 $0xFFFFE0C0  }
.Ltmp2:
0x138: {  	s6 =	sor.u32 $0x1C05, s6;
	[bflag:$0x0] =	sbarrier.arrive $0xFFFF;
	(pc) =	sbr.rel @p0 .LBB2_1-.Ltmp2, $4  }
0x139: {  	[hbm:s24], [sflag:s6] =	dma.local [spmem:s10], $0x1400  }
0x13a: {  	_ =	swait.ge [sflag:s18], $0x1400  }
0x13b: {  	[sflag:s18] =	ssyncset.done $0x0  }
0x13c: {  	[sflag:s18] =	ssyncadd.s32 $0xFFFFEC00  }
0x13d: {  	_ =	sfence.sel $0x180000  }
0x13e: {  	[bflag:$0x0] =	sbarrier.arrive $0xFFFF  }
0x13f: {  	_ =	strace $0x90000047  }
0x140: {  	s0 =	stileid.u32;
	[bflag:$0x2] =	sbarrier.arrive $0xFFFF  }
0x141: {  	p0 =	sne.s32 s0, $0x0;
	s0 =	rddreg [dreg:$0x2]  }
0x142: {  	s0 =	sadd.s32 @!p0 $0x100000, s0  }
0x143: {  	[sflag:s0] =	ssyncadd.tile.s32 @!p0 $0x1;
	_ =	shalt  }
.Lfunc_end2:
_tile_overlayer_lowered:
.L_overlay_start_2:
0x144: {  	(tag) =	ssettag $0x2  }
0x145: {  	s0 =	rddreg [dreg:$0x0];
	s2 =	stileid.u32  }
0x146: {  	s1 =	rddreg [dreg:$0x1];
	p0 =	sne.s32 s2, $0x0  }
0x147: {  	s3 =	rddreg [dreg:$0x2];
	[bflag:$0x3] =	sbarrier.arrive $0xFFFF;
	s2 =	simm.s32 @!p0 $0x1C05  }
0x148: {  	[timem:s3], [sflag:s2] =	dma.local @!p0 [hbm:s0], s1  }
0x149: {  	s0 =	simm.s32 @!p0 $0x5  }
0x14a: {  	_ =	swait.ge @!p0 [sflag:s0], s1  }
0x14b: {  	s1 =	ssub.s32 @!p0 $0x0, s1;
	[sflag:s0] =	ssyncset.done @!p0 $0x0  }
0x14c: {  	[sflag:s0] =	ssyncadd.s32 @!p0 s1  }
0x14d: {  	[bflag:$0x3] =	sbarrier.arrive $0xFFFF  }
0x14e: {  	_ =	shalt  }

// kernel: kernel.15.cloned.1.call-start
scs
__scs_entry_jumppad:
0x0: {  	(pc) =	sbr.rel $0x88, $3  }
0x1: {  	(tag) =	ssettag $0x0;
	lr =	simm.s32 $0x1  }
0x2: {  	[smem:$0x3F88] =	sst lr;
	_ =	strace $0xD0000000  }
0x3: {  	_ = 	snop  }
0x4: {  	_ = 	snop  }
0x5: {  	_ = 	snop  }
0x6: {  	_ = 	snop  }
0x7: {  	_ = 	snop  }
__scs_overlays_trampoline_lowered:
0x8: {  	[smem:$0x3F97] =	sst s0  }
0x9: {  	[smem:$0x3F98] =	sst s1  }
0xa: {  	[smem:$0x3F99] =	sst s2  }
0xb: {  	[smem:$0x3F9A] =	sst s3  }
0xc: {  	[smem:$0x3F9B] =	sst s4  }
0xd: {  	[smem:$0x3F9C] =	sst s5  }
0xe: {  	[smem:$0x3F9D] =	sst s6  }
0xf: {  	[smem:$0x3F9E] =	sst s7  }
0x10: {  	[smem:$0x3F9F] =	sst s8  }
0x11: {  	[smem:$0x3FA0] =	sst s9;
	s0 =	simm.s32 @!p0 $0x0  }
0x12: {  	s1 =	sld [smem:$0x3F86];
	s0 =	simm.s32 @p0 $0x1  }
0x13: {  	[smem:$0x3FA1] =	sst s0;
	s0 =	simm.s32 @!p1 $0x0  }
0x14: {  	s2 =	sld [smem:$0x3F85];
	s0 =	simm.s32 @p1 $0x1  }
0x15: {  	[smem:$0x3FA2] =	sst s0;
	s0 =	simm.s32 @!p2 $0x0  }
0x16: {  	s3 =	sld [smem:$0x3FDB];
	s0 =	simm.s32 @p2 $0x1  }
0x17: {  	s4 =	simm.s32 $0x1BF5;
	[smem:$0x3FA4] =	sst s0  }
0x18: {  	s0 =	sld [smem:$0x3F87];
	_ =	swait.ge [sflag:s4], $0x0  }
0x19: {  	s7 =	sld [smem:$0x3F88]  }
0x1a: {  	s8 =	sadd.s32 $0xFFFFE003, lr  }
0x1b: {  	s9 =	sadd.s32 $0xFFFFFEF7, lr;
	s5 =	simm.s32 $0xFFFFFFFF;
	p2 =	slt.u32 s8, $0xFFFFF086  }
0x1c: {  	p1 =	slt.u32 s9, $0xF7A;
	s5 =	simm.s32 @!p2 $0x0  }
0x1d: {  	s5 =	simm.s32 @p1 $0x1;
	p0 =	seq.s32 s7, s2  }
0x1e: {  	s7 =	smul.u32 @!p0 $0xF7A, s2;
	p2 =	seq.s32 @!p0 s5, $0x0  }
0x1f: {  	s9 =	smul.u32 $0xF7A, s1;
	s8 =	simm.s32 @!p0 $0x1BF5;
	p2 =	por !p2, p0  }
0x20: {  	[sflag:s8] =	ssyncset.s32 @!p0 $0xFFFFF086;
	s6 =	sadd.s32 @!p0 s3, s7;
	s7 =	simm.s32 @!p0 $0x108  }
0x21: {  	s3 =	sadd.s32 s3, s9;
	s6 =	sadd.s32 @!p0 $0x88, s6;
	s7 =	simm.s32 @p2 $0x1082  }
0x22: {  	[simem:s7], [sflag:s8] =	dma.local @!p0 [hbm:s6], $0xF7A  }
0x23: {  	s9 =	sor.u32 $0xD0000000, s2;
	s6 =	simm.s32 $0x108;
	_ =	swait.ge @!p0 [sflag:s8], $0x0  }
0x24: {  	s3 =	sadd.s32 $0x88, s3;
	s6 =	simm.s32 @!p1 $0x1082;
	[sflag:s4] =	ssyncset.s32 $0xFFFFF086  }
0x25: {  	[simem:s6], [sflag:s4] =	dma.local [hbm:s3], $0xF7A  }
0x26: {  	[smem:$0x3F88] =	sst s1;
	(tag) =	ssettag s2;
	_ =	strace s9  }
0x27: {  	s1 =	sld [smem:$0x3F98]  }
0x28: {  	s2 =	sld [smem:$0x3F99]  }
0x29: {  	s4 =	sld [smem:$0x3F9B]  }
0x2a: {  	p0 =	seq.s32 s5, $0x0;
	s5 =	sld [smem:$0x3F9C]  }
0x2b: {  	s6 =	sld [smem:$0x3F9D]  }
0x2c: {  	s7 =	sld [smem:$0x3F9E]  }
0x2d: {  	s3 =	simm.s32 $0x108;
	s8 =	sld [smem:$0x3F9F]  }
0x2e: {  	s3 =	simm.s32 @!p0 $0x1082;
	s9 =	sld [smem:$0x3FA0]  }
0x2f: {  	lr =	sadd.s32 s0, s3;
	s0 =	sld [smem:$0x3F97]  }
0x30: {  	s3 =	sld [smem:$0x3F9A]  }
0x31: {  	[smem:$0x3FA3] =	sst s10  }
0x32: {  	s10 =	sld [smem:$0x3FA1];
	_ =	sdelay $0x3  }
0x33: {  	p0 =	seq.s32 s10, $0x1;
	s10 =	sld [smem:$0x3FA3];
	_ =	sdelay $0x3  }
0x34: {  	[smem:$0x3FA3] =	sst s10  }
0x35: {  	s10 =	sld [smem:$0x3FA2];
	_ =	sdelay $0x3  }
0x36: {  	p1 =	seq.s32 s10, $0x1;
	s10 =	sld [smem:$0x3FA3];
	_ =	sdelay $0x3  }
0x37: {  	[smem:$0x3FA3] =	sst s10  }
0x38: {  	s10 =	sld [smem:$0x3FA4]  }
0x39: {  	_ = 	snop;
	(pc) =	sbr.ind lr, $3  }
0x3a: {  	_ = 	snop  }
0x3b: {  	_ = 	snop  }
0x3c: {  	p2 =	seq.s32 s10, $0x1;
	s10 =	sld [smem:$0x3FA3]  }
0x3d: {  	_ =	shalt  }
0x3e: {  	_ =	shalt  }
0x3f: {  	_ =	shalt  }
0x40: {  	_ =	shalt  }
0x41: {  	_ =	shalt  }
0x42: {  	_ =	shalt  }
0x43: {  	_ =	shalt  }
0x44: {  	_ =	shalt  }
0x45: {  	_ =	shalt  }
0x46: {  	_ =	shalt  }
0x47: {  	_ =	shalt  }
0x48: {  	_ =	shalt  }
0x49: {  	_ =	shalt  }
0x4a: {  	_ =	shalt  }
0x4b: {  	_ =	shalt  }
0x4c: {  	_ =	shalt  }
0x4d: {  	_ =	shalt  }
0x4e: {  	_ =	shalt  }
0x4f: {  	_ =	shalt  }
0x50: {  	_ =	shalt  }
0x51: {  	_ =	shalt  }
0x52: {  	_ =	shalt  }
0x53: {  	_ =	shalt  }
0x54: {  	_ =	shalt  }
0x55: {  	_ =	shalt  }
0x56: {  	_ =	shalt  }
0x57: {  	_ =	shalt  }
0x58: {  	_ =	shalt  }
0x59: {  	_ =	shalt  }
0x5a: {  	_ =	shalt  }
0x5b: {  	_ =	shalt  }
0x5c: {  	_ =	shalt  }
0x5d: {  	_ =	shalt  }
0x5e: {  	_ =	shalt  }
0x5f: {  	_ =	shalt  }
0x60: {  	_ =	shalt  }
0x61: {  	_ =	shalt  }
0x62: {  	_ =	shalt  }
0x63: {  	_ =	shalt  }
0x64: {  	_ =	shalt  }
0x65: {  	_ =	shalt  }
0x66: {  	_ =	shalt  }
0x67: {  	_ =	shalt  }
0x68: {  	_ =	shalt  }
0x69: {  	_ =	shalt  }
0x6a: {  	_ =	shalt  }
0x6b: {  	_ =	shalt  }
0x6c: {  	_ =	shalt  }
0x6d: {  	_ =	shalt  }
0x6e: {  	_ =	shalt  }
0x6f: {  	_ =	shalt  }
0x70: {  	_ =	shalt  }
0x71: {  	_ =	shalt  }
0x72: {  	_ =	shalt  }
0x73: {  	_ =	shalt  }
0x74: {  	_ =	shalt  }
0x75: {  	_ =	shalt  }
0x76: {  	_ =	shalt  }
0x77: {  	_ =	shalt  }
0x78: {  	_ =	shalt  }
0x79: {  	_ =	shalt  }
0x7a: {  	_ =	shalt  }
0x7b: {  	_ =	shalt  }
0x7c: {  	_ =	shalt  }
0x7d: {  	_ =	shalt  }
0x7e: {  	_ =	shalt  }
0x7f: {  	_ =	shalt  }
0x80: {  	_ =	shalt  }
0x81: {  	_ =	shalt  }
0x82: {  	_ =	shalt  }
0x83: {  	_ =	shalt  }
0x84: {  	_ =	shalt  }
0x85: {  	_ =	shalt  }
0x86: {  	_ =	shalt  }
0x87: {  	_ =	shalt  }
.Lfunc_end0:
.L_simem_size_0:
called_computation.2_lowered:
.L_overlay_start_0:
0x88: {  	s2 =	sld [smem:$0x3FD9]  }
0x89: {  	s3 =	sld [smem:$0x3FFE];
	_ =	sdelay $0x1  }
0x8a: {  	s1 =	srdreg.scid  }
0x8b: {  	s0 =	sand.u32 $0x1, s1  }
0x8c: {  	s16 =	sshll.u32 s0, $0xA;
	s2 =	sadd.s32 s3, s2  }
0x8d: {  	s2 =	sadd.s32 s2, s16  }
0x8e: {  	[smem:$0x3FAF] =	sst s2  }
0x8f: {  	_ = 	snop  }
0x90: {  	(tm) =	ssettm $0x1  }
0x91: {  	s17 =	sld [smem:$0x3FFB];
	_ =	sdelay $0x3  }
0x92: {  	_ =	strace s17  }
0x93: {  	s2 =	sld [smem:$0x3FFC];
	_ =	sdelay $0x3  }
0x94: {  	_ =	strace s2  }
0x95: {  	s2 =	sld [smem:$0x3FFD];
	_ =	sdelay $0x3  }
0x96: {  	_ =	strace s2  }
0x97: {  	_ =	strace $0x8FFFFFFF  }
0x98: {  	s18 =	sld [smem:$0x3FDB];
	_ =	sdelay $0x1  }
0x99: {  	s19 =	simm.s32 $_scs_section_size  }
0x9a: {  	s4 =	simm.s32 $_size__tile_overlayer_lowered;
	s5 =	simm.s32 $_tile_overlayer_lowered  }
0x9b: {  	s22 =	simm.s32 $0x1BFF;
	s21 =	sshll.u32 s5, $0x1;
	s2 =	sadd.s32 s19, s18  }
0x9c: {  	s6 =	simm.s32 $0x0;
	s20 =	sshll.u32 s4, $0x1;
	s4 =	sadd.s32 s21, s2  }
0x9d: {  	[timem:s6], [sflag:s22] =	dma.local [hbm:s4], s20  }
0x9e: {  	_ =	swait.ge [sflag:s22], s20  }
0x9f: {  	s3 =	ssub.s32 $0x0, s20;
	[sflag:s22] =	ssyncset.done $0x0  }
0xa0: {  	[sflag:s22] =	ssyncadd.s32 s3;
	_ =	sdelay $0x1  }
0xa1: {  	s23 =	simm.s32 $0x1B8B  }
0xa2: {  	_ =	swait.ge [sflag:s23], $0x1  }
0xa3: {  	[sflag:s23] =	ssyncset.done $0x0  }
0xa4: {  	s25 =	simm.s32 $0x1B8E;
	s24 =	sld [smem:$0x3FFE];
	[sflag:s23] =	ssyncadd.s32 $0xFFFFFFFF  }
0xa5: {  	s26 =	simm.s32 $execute0_lowered;
	[smem:$0x3FD2] =	sst s25  }
0xa6: {  	s4 =	sshll.u32 s26, $0x1;
	_ =	strace $0x8000004C;
	[dreg:$0x1] =	wrdreg $0xFFFFFFFF  }
0xa7: {  	s28 =	simm.s32 $_size_execute0_lowered;
	s2 =	sadd.s32 s2, s4;
	[dreg:$0x0] =	wrdreg $0x0  }
0xa8: {  	s4 =	sshll.u32 s28, $0x1;
	[dreg:$0x2] =	wrdreg s2  }
0xa9: {  	[dreg:$0x3] =	wrdreg s4  }
0xaa: {  	[dreg:$0x4] =	wrdreg $0xC0  }
0xab: {  	_ =	task [dreg:s6], $0x5FFFF  }
0xac: {  	[dreg:$0x1] =	wrdreg $0xFFFFFFFF  }
0xad: {  	[dreg:$0x0] =	wrdreg $0x60  }
0xae: {  	[dreg:$0x2] =	wrdreg s24  }
0xaf: {  	[dreg:$0x3] =	wrdreg $0x15A000  }
0xb0: {  	[dreg:$0x4] =	wrdreg $0x9  }
0xb1: {  	_ =	task.clear_ibuf [dreg:s6], $0x5FFFF;
	_ =	strace $0x9000004C  }
0xb2: {  	s29 =	simm.s32 $0x9;
	_ =	strace $0x8000004E  }
0xb3: {  	_ =	swait.ge [sflag:s29], $0x1  }
0xb4: {  	[sflag:s29] =	ssyncadd.s32 $0xFFFFFFFF  }
0xb5: {  	_ =	strace $0x9000004E  }
0xb6: {  	_ =	sfence  }
0xb7: {  	s30 =	sld [smem:$0x0];
	_ =	sdelay $0x2  }
0xb8: {  	s31 =	sshll.u32 s1, $0xD;
	s1 =	sshrl.u32 s1, $0x2  }
0xb9: {  	s3 =	sand.u32 $0x4000, s31;
	s1 =	sadd.s32 s1, s30  }
0xba: {  	s0 =	sor.u32 s3, s0;
	s1 =	sshll.u32 s1, $0x11  }
0xbb: {  	s0 =	sor.u32 s1, s0  }
0xbc: {  	s0 =	sadd.s32 $0x8F2B, s0  }
0xbd: {  	[sflag:s0] =	ssyncadd.remote.s32 $0x1  }
0xbe: {  	_ =	sfence.sel $0xFFFF  }
0xbf: {  	[dreg:$0x0] =	wrdreg $0xFFFFFFFF;
	(pc) =	sbr.abs _section_cstart, $3  }
0xc0: {  	[dreg:$0x1] =	wrdreg $0xFFFFFFFF  }
0xc1: {  	_ =	task.clear_ibuf [dreg:s6], $0x2FFFF;
	_ =	strace $0x9FFFFFFF  }
0xc2: {  	(tm) =	ssettm $0x7FFFFFFF  }
0xc3: {  	_ =	shalt  }
tec
execute0_lowered:
.L_overlay_start_1:
0x0: {  	(tag) =	ssettag $0x1  }
0x1: {  	s0 =	srdreg.scid;
	s1 =	rddreg [dreg:$0x0]  }
0x2: {  	s2 =	rddreg [dreg:$0x1];
	s7 =	stileid.u32;
	s4 =	simm.s32 $0x0  }
0x3: {  	s18 =	simm.s32 $0x5;
	s28 =	simm.s32 $0x1;
	s29 =	simm.s32 $0xCD00  }
0x4: {  	s30 =	simm.s32 $0xEC40;
	s31 =	simm.s32 $0x10B80;
	s19 =	simm.s32 $0x2  }
0x5: {  	s0 =	sand.u32 $0x1, s0;
	[smem:$0x7FF] =	sst s4;
	s6 =	smul.u32 $0x28000, s7  }
0x6: {  	s4 =	sadd.s32 $0x18000, s1;
	s8 =	smul.u32 $0xA000, s7;
	s3 =	sshll.u32 s0, $0x4  }
0x7: {  	_ =	strace $0x8000004D;
	s5 =	smul.u32 $0x14000, s0;
	s0 =	ssub.s32 $0x2, s0  }
0x8: {  	s3 =	sor.u32 s7, s3;
	s20 =	sshrl.u32 s0, $0x1;
	s22 =	sshrl.u32 s6, $0x2  }
0x9: {  	s7 =	sadd.s32 s8, s2;
	s26 =	sshrl.u32 s8, $0x3;
	s3 =	smul.u32 $0x500, s3  }
0xa: {  	s0 =	ssub.s32 s0, s20;
	s23 =	sadd.s32 s22, s2;
	s20 =	simm.s32 $0x14A00  }
0xb: {  	s22 =	simm.s32 $0x5000;
	s24 =	sadd.s32 $0x2000, s23;
	s25 =	sadd.s32 $0x3000, s23  }
0xc: {  	s11 =	sadd.s32 $0x4000, s23;
	s12 =	sadd.s32 $0x5000, s23;
	s13 =	sadd.s32 $0x6000, s23  }
0xd: {  	s14 =	sadd.s32 $0x7000, s23;
	s15 =	sadd.s32 $0x8000, s23;
	s16 =	sadd.s32 $0x9000, s23  }
0xe: {  	s17 =	smax.u32 s0, $0x1;
	s0 =	simm.s32 $0x12AC0;
	s3 =	sadd.s32 s3, s1  }
0xf: {  	s1 =	sadd.s32 s5, s1;
	s5 =	sadd.s32 $0x1000, s23;
	[dreg:$0x6] =	wrdreg s24  }
0x10: {  	[dreg:$0x7] =	wrdreg s25;
	s23 =	simm.s32 $0x6F40;
	s25 =	simm.s32 $0x8E80  }
0x11: {  	s21 =	sadd.s32 $0xE000, s3;
	s3 =	sadd.s32 $0x4000, s3;
	[dreg:$0x5] =	wrdreg s5  }
0x12: {  	s1 =	sadd.s32 $0x2BA00, s1;
	s5 =	simm.s32 $0x0;
	[dreg:$0x3] =	wrdreg s21  }
0x13: {  	[dreg:$0x4] =	wrdreg s3;
	s21 =	simm.s32 $0x7D;
	s24 =	sadd.s32 s26, s1  }
0x14: {  	v0 =	vimm.f32 $0.0e+00;
	s26 =	simm.s32 $0xADC0;
	s1 =	simm.s32 $0x3;
	s3 =	simm.s32 $0x4  }
.LBB2_1:
0x15: {  	s6 =	simm.s32 $0x0;
	s8 =	rddreg [dreg:$0x3]  }
0x16: {  	[tilespmem:s6], [sflag:$0x5] =	stream.linear.gather [hbm4b:s8+s6], $0x2800, $0x38;
	[tilespmem:$0x1FA00] =	vst v63  }
0x17: {  	_ =	swait.ge [sflag:s18], $0x2800  }
0x18: {  	[sflag:s18] =	ssyncset.done $0x0  }
0x19: {  	s9 =	simm.s32 $0x2800;
	s10 =	rddreg [dreg:$0x4];
	[sflag:s18] =	ssyncadd.s32 $0xFFFFD800  }
0x1a: {  	[tilespmem:s9], [sflag:$0x5] =	stream.linear.gather [hbm4b:s10+s6], $0x2800, $0x38;
	[tilespmem:$0x1FA00] =	vst v63  }
0x1b: {  	_ =	swait.ge [sflag:s18], $0x2800  }
0x1c: {  	[sflag:s18] =	ssyncset.done $0x0  }
0x1d: {  	s8 =	simm.s32 $0x100;
	s6 =	simm.s32 $0x0;
	[sflag:s18] =	ssyncadd.s32 $0xFFFFD800  }
.LBB2_2:
0x1e: {  	p0 =	sne.s32 s8, $0x3F00;
	[tilespmem:s6+$0x14A30] =	vst v0;
	s9 =	smov.u32 s8;
	s8 =	sadd.s32 $0x100, s8  }
.Ltmp0:
0x1f: {  	[tilespmem:s6+$0x14A20] =	vst v0;
	(pc) =	sbr.rel @p0 .LBB2_2-.Ltmp0, $3  }
0x20: {  	[tilespmem:s6+$0x14A00] =	vst v0  }
0x21: {  	[tilespmem:s6+$0x14A10] =	vst v0;
	_ =	sdelay $0x1  }
0x22: {  	s6 =	sshra.s32 s9, $0x2  }
0x23: {  	[tilespmem:s6+$0x14A30] =	vst v0  }
0x24: {  	[tilespmem:s6+$0x14A20] =	vst v0  }
0x25: {  	[tilespmem:s6+$0x14A00] =	vst v0  }
0x26: {  	[tilespmem:s6+$0x14A10] =	vst v0  }
0x27: {  	[spmem:s7] =	stream.linear.scatter [tilespmem:s20], [sflag:$0x5], $0x1000, $0x38;
	[tilespmem:$0x1FA00] =	vst v63  }
0x28: {  	_ =	swait.ge [sflag:s18], $0x1000  }
0x29: {  	[sflag:s18] =	ssyncset.done $0x0  }
0x2a: {  	s10 =	rddreg [dreg:$0x5];
	[sflag:s18] =	ssyncadd.s32 $0xFFFFF000  }
0x2b: {  	[spmem:s10] =	stream.linear.scatter [tilespmem:s20], [sflag:$0x5], $0x1000, $0x38;
	[tilespmem:$0x1FA00] =	vst v63  }
0x2c: {  	_ =	swait.ge [sflag:s18], $0x1000  }
0x2d: {  	[sflag:s18] =	ssyncset.done $0x0  }
0x2e: {  	s8 =	rddreg [dreg:$0x6];
	[sflag:s18] =	ssyncadd.s32 $0xFFFFF000  }
0x2f: {  	[spmem:s8] =	stream.linear.scatter [tilespmem:s20], [sflag:$0x5], $0x1000, $0x38;
	[tilespmem:$0x1FA00] =	vst v63  }
0x30: {  	_ =	swait.ge [sflag:s18], $0x1000  }
0x31: {  	[sflag:s18] =	ssyncset.done $0x0  }
0x32: {  	s9 =	rddreg [dreg:$0x7];
	[sflag:s18] =	ssyncadd.s32 $0xFFFFF000  }
0x33: {  	[spmem:s9] =	stream.linear.scatter [tilespmem:s20], [sflag:$0x5], $0x1000, $0x38;
	[tilespmem:$0x1FA00] =	vst v63  }
0x34: {  	_ =	swait.ge [sflag:s18], $0x1000  }
0x35: {  	[sflag:s18] =	ssyncset.done $0x0  }
0x36: {  	[sflag:s18] =	ssyncadd.s32 $0xFFFFF000  }
0x37: {  	[spmem:s11] =	stream.linear.scatter [tilespmem:s20], [sflag:$0x5], $0x1000, $0x38;
	[tilespmem:$0x1FA00] =	vst v63  }
0x38: {  	_ =	swait.ge [sflag:s18], $0x1000  }
0x39: {  	[sflag:s18] =	ssyncset.done $0x0  }
0x3a: {  	[sflag:s18] =	ssyncadd.s32 $0xFFFFF000  }
0x3b: {  	[spmem:s12] =	stream.linear.scatter [tilespmem:s20], [sflag:$0x5], $0x1000, $0x38;
	[tilespmem:$0x1FA00] =	vst v63  }
0x3c: {  	_ =	swait.ge [sflag:s18], $0x1000  }
0x3d: {  	[sflag:s18] =	ssyncset.done $0x0  }
0x3e: {  	[sflag:s18] =	ssyncadd.s32 $0xFFFFF000  }
0x3f: {  	[spmem:s13] =	stream.linear.scatter [tilespmem:s20], [sflag:$0x5], $0x1000, $0x38;
	[tilespmem:$0x1FA00] =	vst v63  }
0x40: {  	_ =	swait.ge [sflag:s18], $0x1000  }
0x41: {  	[sflag:s18] =	ssyncset.done $0x0  }
0x42: {  	[sflag:s18] =	ssyncadd.s32 $0xFFFFF000  }
0x43: {  	[spmem:s14] =	stream.linear.scatter [tilespmem:s20], [sflag:$0x5], $0x1000, $0x38;
	[tilespmem:$0x1FA00] =	vst v63  }
0x44: {  	_ =	swait.ge [sflag:s18], $0x1000  }
0x45: {  	[sflag:s18] =	ssyncset.done $0x0  }
0x46: {  	[sflag:s18] =	ssyncadd.s32 $0xFFFFF000  }
0x47: {  	[spmem:s15] =	stream.linear.scatter [tilespmem:s20], [sflag:$0x5], $0x1000, $0x38;
	[tilespmem:$0x1FA00] =	vst v63  }
0x48: {  	_ =	swait.ge [sflag:s18], $0x1000  }
0x49: {  	[sflag:s18] =	ssyncset.done $0x0  }
0x4a: {  	[sflag:s18] =	ssyncadd.s32 $0xFFFFF000  }
0x4b: {  	[spmem:s16] =	stream.linear.scatter [tilespmem:s20], [sflag:$0x5], $0x1000, $0x38;
	[tilespmem:$0x1FA00] =	vst v63  }
0x4c: {  	_ =	swait.ge [sflag:s18], $0x1000  }
0x4d: {  	[sflag:s18] =	ssyncset.done $0x0  }
0x4e: {  	[sflag:s18] =	ssyncadd.s32 $0xFFFFF000  }
0x4f: {  	s10 =	simm.s32 $0x0;
	[bflag:$0x0] =	sbarrier.arrive $0xFFFF  }
0x50: {  	[tilespmem:s22], [sflag:$0x1] =	stream.indirect.gather [hbm4b:s4+s21], $0x40, s10, s21, $0xb8;
	[tilespmem:$0x1FA00] =	vst v63  }
0x51: {  	s8 =	simm.s32 $0x80  }
0x52: {  	[tilespmem:s23], [sflag:$0x1] =	stream.indirect.gather [hbm4b:s4+s21], $0x40, s8, s21, $0xb8;
	[tilespmem:$0x1FA00] =	vst v63  }
0x53: {  	s9 =	simm.s32 $0x100  }
0x54: {  	[tilespmem:s25], [sflag:$0x1] =	stream.indirect.gather [hbm4b:s4+s21], $0x40, s9, s21, $0xb8;
	[tilespmem:$0x1FA00] =	vst v63  }
0x55: {  	s10 =	simm.s32 $0x180  }
0x56: {  	[tilespmem:s26], [sflag:$0x1] =	stream.indirect.gather [hbm4b:s4+s21], $0x40, s10, s21, $0xb8;
	[tilespmem:$0x1FA00] =	vst v63  }
0x57: {  	_ =	swait.ge [sflag:s28], $0x1F40  }
0x58: {  	[sflag:s28] =	ssyncset.done $0x0  }
0x59: {  	[sflag:s28] =	ssyncadd.s32 $0xFFFFE0C0  }
0x5a: {  	_ =	swait.ge [sflag:s28], $0x1F40  }
0x5b: {  	[sflag:s28] =	ssyncset.done $0x0  }
0x5c: {  	[sflag:s28] =	ssyncadd.s32 $0xFFFFE0C0  }
0x5d: {  	_ =	swait.ge [sflag:s28], $0x1F40  }
0x5e: {  	[sflag:s28] =	ssyncset.done $0x0  }
0x5f: {  	[sflag:s28] =	ssyncadd.s32 $0xFFFFE0C0  }
0x60: {  	_ =	swait.ge [sflag:s28], $0x1F40  }
0x61: {  	[sflag:s28] =	ssyncset.done $0x0  }
0x62: {  	s8 =	simm.s32 $0x2800;
	[sflag:s28] =	ssyncadd.s32 $0xFFFFE0C0  }
0x63: {  	[spmem:s2] =	stream.indirect.scatter.add.f32 [tilespmem:s22], [sflag:$0x3], $0x40, s8, s21, $0xb8;
	[tilespmem:$0x1FA00] =	vst v63  }
0x64: {  	s9 =	simm.s32 $0x2880  }
0x65: {  	[spmem:s2] =	stream.indirect.scatter.add.f32 [tilespmem:s23], [sflag:$0x3], $0x40, s9, s21, $0xb8;
	[tilespmem:$0x1FA00] =	vst v63  }
0x66: {  	s10 =	simm.s32 $0x2900  }
0x67: {  	[spmem:s2] =	stream.indirect.scatter.add.f32 [tilespmem:s25], [sflag:$0x3], $0x40, s10, s21, $0xb8;
	[tilespmem:$0x1FA00] =	vst v63  }
0x68: {  	s8 =	simm.s32 $0x2980  }
0x69: {  	[spmem:s2] =	stream.indirect.scatter.add.f32 [tilespmem:s26], [sflag:$0x3], $0x40, s8, s21, $0xb8;
	[tilespmem:$0x1FA00] =	vst v63  }
0x6a: {  	s9 =	simm.s32 $0x200  }
0x6b: {  	[tilespmem:s29], [sflag:$0x2] =	stream.indirect.gather [hbm4b:s4+s21], $0x40, s9, s21, $0xb8;
	[tilespmem:$0x1FA00] =	vst v63  }
0x6c: {  	s10 =	simm.s32 $0x280  }
0x6d: {  	[tilespmem:s30], [sflag:$0x2] =	stream.indirect.gather [hbm4b:s4+s21], $0x40, s10, s21, $0xb8;
	[tilespmem:$0x1FA00] =	vst v63  }
0x6e: {  	s8 =	simm.s32 $0x300  }
0x6f: {  	[tilespmem:s31], [sflag:$0x2] =	stream.indirect.gather [hbm4b:s4+s21], $0x40, s8, s21, $0xb8;
	[tilespmem:$0x1FA00] =	vst v63  }
0x70: {  	s9 =	simm.s32 $0x380  }
0x71: {  	[tilespmem:s0], [sflag:$0x2] =	stream.indirect.gather [hbm4b:s4+s21], $0x40, s9, s21, $0xb8;
	[tilespmem:$0x1FA00] =	vst v63  }
0x72: {  	_ =	swait.ge [sflag:s19], $0x1F40  }
0x73: {  	[sflag:s19] =	ssyncset.done $0x0  }
0x74: {  	[sflag:s19] =	ssyncadd.s32 $0xFFFFE0C0  }
0x75: {  	_ =	swait.ge [sflag:s19], $0x1F40  }
0x76: {  	[sflag:s19] =	ssyncset.done $0x0  }
0x77: {  	[sflag:s19] =	ssyncadd.s32 $0xFFFFE0C0  }
0x78: {  	_ =	swait.ge [sflag:s19], $0x1F40  }
0x79: {  	[sflag:s19] =	ssyncset.done $0x0  }
0x7a: {  	[sflag:s19] =	ssyncadd.s32 $0xFFFFE0C0  }
0x7b: {  	_ =	swait.ge [sflag:s19], $0x1F40  }
0x7c: {  	[sflag:s19] =	ssyncset.done $0x0  }
0x7d: {  	[sflag:s19] =	ssyncadd.s32 $0xFFFFE0C0  }
0x7e: {  	_ =	swait.ge [sflag:s1], $0x1F40  }
0x7f: {  	[sflag:s1] =	ssyncset.done $0x0  }
0x80: {  	[sflag:s1] =	ssyncadd.s32 $0xFFFFE0C0  }
0x81: {  	_ =	swait.ge [sflag:s1], $0x1F40  }
0x82: {  	[sflag:s1] =	ssyncset.done $0x0  }
0x83: {  	[sflag:s1] =	ssyncadd.s32 $0xFFFFE0C0  }
0x84: {  	_ =	swait.ge [sflag:s1], $0x1F40  }
0x85: {  	[sflag:s1] =	ssyncset.done $0x0  }
0x86: {  	[sflag:s1] =	ssyncadd.s32 $0xFFFFE0C0  }
0x87: {  	_ =	swait.ge [sflag:s1], $0x1F40  }
0x88: {  	[sflag:s1] =	ssyncset.done $0x0  }
0x89: {  	s10 =	simm.s32 $0x2A00;
	[sflag:s1] =	ssyncadd.s32 $0xFFFFE0C0  }
0x8a: {  	[spmem:s2] =	stream.indirect.scatter.add.f32 [tilespmem:s29], [sflag:$0x4], $0x40, s10, s21, $0xb8;
	[tilespmem:$0x1FA00] =	vst v63  }
0x8b: {  	s8 =	simm.s32 $0x2A80  }
0x8c: {  	[spmem:s2] =	stream.indirect.scatter.add.f32 [tilespmem:s30], [sflag:$0x4], $0x40, s8, s21, $0xb8;
	[tilespmem:$0x1FA00] =	vst v63  }
0x8d: {  	s9 =	simm.s32 $0x2B00  }
0x8e: {  	[spmem:s2] =	stream.indirect.scatter.add.f32 [tilespmem:s31], [sflag:$0x4], $0x40, s9, s21, $0xb8;
	[tilespmem:$0x1FA00] =	vst v63  }
0x8f: {  	s10 =	simm.s32 $0x2B80  }
0x90: {  	[spmem:s2] =	stream.indirect.scatter.add.f32 [tilespmem:s0], [sflag:$0x4], $0x40, s10, s21, $0xb8;
	[tilespmem:$0x1FA00] =	vst v63  }
0x91: {  	_ =	swait.ge [sflag:s3], $0x1F40  }
0x92: {  	[sflag:s3] =	ssyncset.done $0x0  }
0x93: {  	[sflag:s3] =	ssyncadd.s32 $0xFFFFE0C0  }
0x94: {  	_ =	swait.ge [sflag:s3], $0x1F40  }
0x95: {  	[sflag:s3] =	ssyncset.done $0x0  }
0x96: {  	[sflag:s3] =	ssyncadd.s32 $0xFFFFE0C0  }
0x97: {  	_ =	swait.ge [sflag:s3], $0x1F40  }
0x98: {  	[sflag:s3] =	ssyncset.done $0x0  }
0x99: {  	[sflag:s3] =	ssyncadd.s32 $0xFFFFE0C0  }
0x9a: {  	_ =	swait.ge [sflag:s3], $0x1F40  }
0x9b: {  	s6 =	simm.s32 $0x1000;
	s8 =	simm.s32 $0x2000;
	[sflag:s3] =	ssyncset.done $0x0  }
.LBB2_4:
0x9c: {  	s9 =	sshra.s32 s6, $0x2  }
0x9d: {  	[sflag:s3] =	ssyncadd.s32 $0xFFFFE0C0;
	s6 =	smov.u32 s8;
	s10 =	sadd.s32 $0x1000, s8  }
0x9e: {  	[tilespmem:s22], [sflag:$0x1] =	stream.indirect.gather [hbm4b:s4+s21], $0x40, s9, s21, $0xb8;
	[tilespmem:$0x1FA00] =	vst v63  }
0x9f: {  	p0 =	sne.s32 s8, $0x9000;
	s8 =	sadd.s32 $0x80, s9  }
0xa0: {  	[tilespmem:s23], [sflag:$0x1] =	stream.indirect.gather [hbm4b:s4+s21], $0x40, s8, s21, $0xb8;
	[tilespmem:$0x1FA00] =	vst v63  }
0xa1: {  	s8 =	sadd.s32 $0x100, s9  }
0xa2: {  	[tilespmem:s25], [sflag:$0x1] =	stream.indirect.gather [hbm4b:s4+s21], $0x40, s8, s21, $0xb8;
	[tilespmem:$0x1FA00] =	vst v63  }
0xa3: {  	s8 =	sadd.s32 $0x180, s9  }
0xa4: {  	[tilespmem:s26], [sflag:$0x1] =	stream.indirect.gather [hbm4b:s4+s21], $0x40, s8, s21, $0xb8;
	[tilespmem:$0x1FA00] =	vst v63  }
0xa5: {  	_ =	swait.ge [sflag:s28], $0x1F40  }
0xa6: {  	[sflag:s28] =	ssyncset.done $0x0  }
0xa7: {  	[sflag:s28] =	ssyncadd.s32 $0xFFFFE0C0  }
0xa8: {  	_ =	swait.ge [sflag:s28], $0x1F40  }
0xa9: {  	[sflag:s28] =	ssyncset.done $0x0  }
0xaa: {  	[sflag:s28] =	ssyncadd.s32 $0xFFFFE0C0  }
0xab: {  	_ =	swait.ge [sflag:s28], $0x1F40  }
0xac: {  	[sflag:s28] =	ssyncset.done $0x0  }
0xad: {  	[sflag:s28] =	ssyncadd.s32 $0xFFFFE0C0  }
0xae: {  	_ =	swait.ge [sflag:s28], $0x1F40  }
0xaf: {  	[sflag:s28] =	ssyncset.done $0x0  }
0xb0: {  	s8 =	sadd.s32 $0x2800, s9;
	[sflag:s28] =	ssyncadd.s32 $0xFFFFE0C0  }
0xb1: {  	[spmem:s2] =	stream.indirect.scatter.add.f32 [tilespmem:s22], [sflag:$0x3], $0x40, s8, s21, $0xb8;
	[tilespmem:$0x1FA00] =	vst v63  }
0xb2: {  	s8 =	sadd.s32 $0x2880, s9  }
0xb3: {  	[spmem:s2] =	stream.indirect.scatter.add.f32 [tilespmem:s23], [sflag:$0x3], $0x40, s8, s21, $0xb8;
	[tilespmem:$0x1FA00] =	vst v63  }
0xb4: {  	s8 =	sadd.s32 $0x2900, s9  }
0xb5: {  	[spmem:s2] =	stream.indirect.scatter.add.f32 [tilespmem:s25], [sflag:$0x3], $0x40, s8, s21, $0xb8;
	[tilespmem:$0x1FA00] =	vst v63  }
0xb6: {  	s8 =	sadd.s32 $0x2980, s9  }
0xb7: {  	[spmem:s2] =	stream.indirect.scatter.add.f32 [tilespmem:s26], [sflag:$0x3], $0x40, s8, s21, $0xb8;
	[tilespmem:$0x1FA00] =	vst v63  }
0xb8: {  	s8 =	sadd.s32 $0x200, s9  }
0xb9: {  	[tilespmem:s29], [sflag:$0x2] =	stream.indirect.gather [hbm4b:s4+s21], $0x40, s8, s21, $0xb8;
	[tilespmem:$0x1FA00] =	vst v63  }
0xba: {  	s8 =	sadd.s32 $0x280, s9  }
0xbb: {  	[tilespmem:s30], [sflag:$0x2] =	stream.indirect.gather [hbm4b:s4+s21], $0x40, s8, s21, $0xb8;
	[tilespmem:$0x1FA00] =	vst v63  }
0xbc: {  	s8 =	sadd.s32 $0x300, s9  }
0xbd: {  	[tilespmem:s31], [sflag:$0x2] =	stream.indirect.gather [hbm4b:s4+s21], $0x40, s8, s21, $0xb8;
	[tilespmem:$0x1FA00] =	vst v63  }
0xbe: {  	s8 =	sadd.s32 $0x380, s9  }
0xbf: {  	[tilespmem:s0], [sflag:$0x2] =	stream.indirect.gather [hbm4b:s4+s21], $0x40, s8, s21, $0xb8;
	[tilespmem:$0x1FA00] =	vst v63  }
0xc0: {  	_ =	swait.ge [sflag:s19], $0x1F40  }
0xc1: {  	[sflag:s19] =	ssyncset.done $0x0  }
0xc2: {  	[sflag:s19] =	ssyncadd.s32 $0xFFFFE0C0  }
0xc3: {  	_ =	swait.ge [sflag:s19], $0x1F40  }
0xc4: {  	[sflag:s19] =	ssyncset.done $0x0  }
0xc5: {  	[sflag:s19] =	ssyncadd.s32 $0xFFFFE0C0  }
0xc6: {  	_ =	swait.ge [sflag:s19], $0x1F40  }
0xc7: {  	[sflag:s19] =	ssyncset.done $0x0  }
0xc8: {  	[sflag:s19] =	ssyncadd.s32 $0xFFFFE0C0  }
0xc9: {  	_ =	swait.ge [sflag:s19], $0x1F40  }
0xca: {  	[sflag:s19] =	ssyncset.done $0x0  }
0xcb: {  	[sflag:s19] =	ssyncadd.s32 $0xFFFFE0C0  }
0xcc: {  	_ =	swait.ge [sflag:s1], $0x1F40  }
0xcd: {  	[sflag:s1] =	ssyncset.done $0x0  }
0xce: {  	[sflag:s1] =	ssyncadd.s32 $0xFFFFE0C0  }
0xcf: {  	_ =	swait.ge [sflag:s1], $0x1F40  }
0xd0: {  	[sflag:s1] =	ssyncset.done $0x0  }
0xd1: {  	[sflag:s1] =	ssyncadd.s32 $0xFFFFE0C0  }
0xd2: {  	_ =	swait.ge [sflag:s1], $0x1F40  }
0xd3: {  	[sflag:s1] =	ssyncset.done $0x0  }
0xd4: {  	[sflag:s1] =	ssyncadd.s32 $0xFFFFE0C0  }
0xd5: {  	_ =	swait.ge [sflag:s1], $0x1F40  }
0xd6: {  	[sflag:s1] =	ssyncset.done $0x0  }
0xd7: {  	s8 =	sadd.s32 $0x2A00, s9;
	[sflag:s1] =	ssyncadd.s32 $0xFFFFE0C0  }
0xd8: {  	[spmem:s2] =	stream.indirect.scatter.add.f32 [tilespmem:s29], [sflag:$0x4], $0x40, s8, s21, $0xb8;
	[tilespmem:$0x1FA00] =	vst v63  }
0xd9: {  	s8 =	sadd.s32 $0x2A80, s9  }
0xda: {  	[spmem:s2] =	stream.indirect.scatter.add.f32 [tilespmem:s30], [sflag:$0x4], $0x40, s8, s21, $0xb8;
	[tilespmem:$0x1FA00] =	vst v63  }
0xdb: {  	s8 =	sadd.s32 $0x2B00, s9  }
0xdc: {  	[spmem:s2] =	stream.indirect.scatter.add.f32 [tilespmem:s31], [sflag:$0x4], $0x40, s8, s21, $0xb8;
	[tilespmem:$0x1FA00] =	vst v63  }
0xdd: {  	s8 =	sadd.s32 $0x2B80, s9  }
0xde: {  	[spmem:s2] =	stream.indirect.scatter.add.f32 [tilespmem:s0], [sflag:$0x4], $0x40, s8, s21, $0xb8;
	[tilespmem:$0x1FA00] =	vst v63  }
0xdf: {  	_ =	swait.ge [sflag:s3], $0x1F40  }
0xe0: {  	[sflag:s3] =	ssyncset.done $0x0  }
0xe1: {  	[sflag:s3] =	ssyncadd.s32 $0xFFFFE0C0  }
0xe2: {  	_ =	swait.ge [sflag:s3], $0x1F40  }
0xe3: {  	[sflag:s3] =	ssyncset.done $0x0  }
0xe4: {  	[sflag:s3] =	ssyncadd.s32 $0xFFFFE0C0  }
.Ltmp1:
0xe5: {  	_ =	swait.ge [sflag:s3], $0x1F40;
	(pc) =	sbr.rel @p0 .LBB2_4-.Ltmp1, $4  }
0xe6: {  	[sflag:s3] =	ssyncset.done $0x0  }
0xe7: {  	[sflag:s3] =	ssyncadd.s32 $0xFFFFE0C0  }
0xe8: {  	_ =	swait.ge [sflag:s3], $0x1F40  }
0xe9: {  	s8 =	smov.u32 s10;
	[sflag:s3] =	ssyncset.done $0x0  }
0xea: {  	s6 =	sshra.s32 s6, $0x2;
	[sflag:s3] =	ssyncadd.s32 $0xFFFFE0C0  }
0xeb: {  	[tilespmem:s22], [sflag:$0x1] =	stream.indirect.gather [hbm4b:s4+s21], $0x40, s6, s21, $0xb8;
	[tilespmem:$0x1FA00] =	vst v63  }
0xec: {  	s8 =	sadd.s32 $0x80, s6  }
0xed: {  	[tilespmem:s23], [sflag:$0x1] =	stream.indirect.gather [hbm4b:s4+s21], $0x40, s8, s21, $0xb8;
	[tilespmem:$0x1FA00] =	vst v63  }
0xee: {  	s10 =	sadd.s32 $0x100, s6  }
0xef: {  	[tilespmem:s25], [sflag:$0x1] =	stream.indirect.gather [hbm4b:s4+s21], $0x40, s10, s21, $0xb8;
	[tilespmem:$0x1FA00] =	vst v63  }
0xf0: {  	s9 =	sadd.s32 $0x180, s6  }
0xf1: {  	[tilespmem:s26], [sflag:$0x1] =	stream.indirect.gather [hbm4b:s4+s21], $0x40, s9, s21, $0xb8;
	[tilespmem:$0x1FA00] =	vst v63  }
0xf2: {  	_ =	swait.ge [sflag:s28], $0x1F40  }
0xf3: {  	[sflag:s28] =	ssyncset.done $0x0  }
0xf4: {  	[sflag:s28] =	ssyncadd.s32 $0xFFFFE0C0  }
0xf5: {  	_ =	swait.ge [sflag:s28], $0x1F40  }
0xf6: {  	[sflag:s28] =	ssyncset.done $0x0  }
0xf7: {  	[sflag:s28] =	ssyncadd.s32 $0xFFFFE0C0  }
0xf8: {  	_ =	swait.ge [sflag:s28], $0x1F40  }
0xf9: {  	[sflag:s28] =	ssyncset.done $0x0  }
0xfa: {  	[sflag:s28] =	ssyncadd.s32 $0xFFFFE0C0  }
0xfb: {  	_ =	swait.ge [sflag:s28], $0x1F40  }
0xfc: {  	[sflag:s28] =	ssyncset.done $0x0  }
0xfd: {  	s10 =	sadd.s32 $0x2800, s6;
	[sflag:s28] =	ssyncadd.s32 $0xFFFFE0C0  }
0xfe: {  	[spmem:s2] =	stream.indirect.scatter.add.f32 [tilespmem:s22], [sflag:$0x3], $0x40, s10, s21, $0xb8;
	[tilespmem:$0x1FA00] =	vst v63  }
0xff: {  	s9 =	sadd.s32 $0x2880, s6  }
0x100: {  	[spmem:s2] =	stream.indirect.scatter.add.f32 [tilespmem:s23], [sflag:$0x3], $0x40, s9, s21, $0xb8;
	[tilespmem:$0x1FA00] =	vst v63  }
0x101: {  	s10 =	sadd.s32 $0x2900, s6  }
0x102: {  	[spmem:s2] =	stream.indirect.scatter.add.f32 [tilespmem:s25], [sflag:$0x3], $0x40, s10, s21, $0xb8;
	[tilespmem:$0x1FA00] =	vst v63  }
0x103: {  	s9 =	sadd.s32 $0x2980, s6  }
0x104: {  	[spmem:s2] =	stream.indirect.scatter.add.f32 [tilespmem:s26], [sflag:$0x3], $0x40, s9, s21, $0xb8;
	[tilespmem:$0x1FA00] =	vst v63  }
0x105: {  	s10 =	sadd.s32 $0x200, s6  }
0x106: {  	[tilespmem:s29], [sflag:$0x2] =	stream.indirect.gather [hbm4b:s4+s21], $0x40, s10, s21, $0xb8;
	[tilespmem:$0x1FA00] =	vst v63  }
0x107: {  	s9 =	sadd.s32 $0x280, s6  }
0x108: {  	[tilespmem:s30], [sflag:$0x2] =	stream.indirect.gather [hbm4b:s4+s21], $0x40, s9, s21, $0xb8;
	[tilespmem:$0x1FA00] =	vst v63  }
0x109: {  	s10 =	sadd.s32 $0x300, s6  }
0x10a: {  	[tilespmem:s31], [sflag:$0x2] =	stream.indirect.gather [hbm4b:s4+s21], $0x40, s10, s21, $0xb8;
	[tilespmem:$0x1FA00] =	vst v63  }
0x10b: {  	s9 =	sadd.s32 $0x380, s6  }
0x10c: {  	[tilespmem:s0], [sflag:$0x2] =	stream.indirect.gather [hbm4b:s4+s21], $0x40, s9, s21, $0xb8;
	[tilespmem:$0x1FA00] =	vst v63  }
0x10d: {  	_ =	swait.ge [sflag:s19], $0x1F40  }
0x10e: {  	[sflag:s19] =	ssyncset.done $0x0  }
0x10f: {  	[sflag:s19] =	ssyncadd.s32 $0xFFFFE0C0  }
0x110: {  	_ =	swait.ge [sflag:s19], $0x1F40  }
0x111: {  	[sflag:s19] =	ssyncset.done $0x0  }
0x112: {  	[sflag:s19] =	ssyncadd.s32 $0xFFFFE0C0  }
0x113: {  	_ =	swait.ge [sflag:s19], $0x1F40  }
0x114: {  	[sflag:s19] =	ssyncset.done $0x0  }
0x115: {  	[sflag:s19] =	ssyncadd.s32 $0xFFFFE0C0  }
0x116: {  	_ =	swait.ge [sflag:s19], $0x1F40  }
0x117: {  	[sflag:s19] =	ssyncset.done $0x0  }
0x118: {  	[sflag:s19] =	ssyncadd.s32 $0xFFFFE0C0  }
0x119: {  	_ =	swait.ge [sflag:s1], $0x1F40  }
0x11a: {  	[sflag:s1] =	ssyncset.done $0x0  }
0x11b: {  	[sflag:s1] =	ssyncadd.s32 $0xFFFFE0C0  }
0x11c: {  	_ =	swait.ge [sflag:s1], $0x1F40  }
0x11d: {  	[sflag:s1] =	ssyncset.done $0x0  }
0x11e: {  	[sflag:s1] =	ssyncadd.s32 $0xFFFFE0C0  }
0x11f: {  	_ =	swait.ge [sflag:s1], $0x1F40  }
0x120: {  	[sflag:s1] =	ssyncset.done $0x0  }
0x121: {  	[sflag:s1] =	ssyncadd.s32 $0xFFFFE0C0  }
0x122: {  	_ =	swait.ge [sflag:s1], $0x1F40  }
0x123: {  	[sflag:s1] =	ssyncset.done $0x0  }
0x124: {  	s10 =	sadd.s32 $0x2A00, s6;
	[sflag:s1] =	ssyncadd.s32 $0xFFFFE0C0  }
0x125: {  	[spmem:s2] =	stream.indirect.scatter.add.f32 [tilespmem:s29], [sflag:$0x4], $0x40, s10, s21, $0xb8;
	[tilespmem:$0x1FA00] =	vst v63  }
0x126: {  	s9 =	sadd.s32 $0x2A80, s6  }
0x127: {  	[spmem:s2] =	stream.indirect.scatter.add.f32 [tilespmem:s30], [sflag:$0x4], $0x40, s9, s21, $0xb8;
	[tilespmem:$0x1FA00] =	vst v63  }
0x128: {  	s10 =	sadd.s32 $0x2B00, s6  }
0x129: {  	[spmem:s2] =	stream.indirect.scatter.add.f32 [tilespmem:s31], [sflag:$0x4], $0x40, s10, s21, $0xb8;
	[tilespmem:$0x1FA00] =	vst v63  }
0x12a: {  	s6 =	sadd.s32 $0x2B80, s6  }
0x12b: {  	[spmem:s2] =	stream.indirect.scatter.add.f32 [tilespmem:s0], [sflag:$0x4], $0x40, s6, s21, $0xb8;
	[tilespmem:$0x1FA00] =	vst v63  }
0x12c: {  	_ =	swait.ge [sflag:s3], $0x1F40  }
0x12d: {  	[sflag:s3] =	ssyncset.done $0x0  }
0x12e: {  	[sflag:s3] =	ssyncadd.s32 $0xFFFFE0C0  }
0x12f: {  	_ =	swait.ge [sflag:s3], $0x1F40  }
0x130: {  	[sflag:s3] =	ssyncset.done $0x0  }
0x131: {  	[sflag:s3] =	ssyncadd.s32 $0xFFFFE0C0  }
0x132: {  	_ =	swait.ge [sflag:s3], $0x1F40  }
0x133: {  	[sflag:s3] =	ssyncset.done $0x0  }
0x134: {  	[sflag:s3] =	ssyncadd.s32 $0xFFFFE0C0  }
0x135: {  	s5 =	sadd.s32 $0x1, s5;
	_ =	swait.ge [sflag:s3], $0x1F40  }
0x136: {  	p0 =	sne.s32 s5, s17;
	s9 =	stileid.u32;
	[sflag:s3] =	ssyncset.done $0x0  }
0x137: {  	s10 =	sshrl.u32 s7, $0x3;
	s6 =	sshll.u32 s9, $0x6;
	[sflag:s3] =	ssyncadd.s32 $0xFFFFE0C0  }
.Ltmp2:
0x138: {  	s6 =	sor.u32 $0x1C05, s6;
	[bflag:$0x0] =	sbarrier.arrive $0xFFFF;
	(pc) =	sbr.rel @p0 .LBB2_1-.Ltmp2, $4  }
0x139: {  	[hbm:s24], [sflag:s6] =	dma.local [spmem:s10], $0x1400  }
0x13a: {  	_ =	swait.ge [sflag:s18], $0x1400  }
0x13b: {  	[sflag:s18] =	ssyncset.done $0x0  }
0x13c: {  	[sflag:s18] =	ssyncadd.s32 $0xFFFFEC00  }
0x13d: {  	_ =	sfence.sel $0x180000  }
0x13e: {  	[bflag:$0x0] =	sbarrier.arrive $0xFFFF  }
0x13f: {  	_ =	strace $0x9000004D  }
0x140: {  	s0 =	stileid.u32;
	[bflag:$0x2] =	sbarrier.arrive $0xFFFF  }
0x141: {  	p0 =	sne.s32 s0, $0x0;
	s0 =	rddreg [dreg:$0x2]  }
0x142: {  	s0 =	sadd.s32 @!p0 $0x100000, s0  }
0x143: {  	[sflag:s0] =	ssyncadd.tile.s32 @!p0 $0x1;
	_ =	shalt  }
.Lfunc_end2:
_tile_overlayer_lowered:
.L_overlay_start_2:
0x144: {  	(tag) =	ssettag $0x2  }
0x145: {  	s0 =	rddreg [dreg:$0x0];
	s2 =	stileid.u32  }
0x146: {  	s1 =	rddreg [dreg:$0x1];
	p0 =	sne.s32 s2, $0x0  }
0x147: {  	s3 =	rddreg [dreg:$0x2];
	[bflag:$0x3] =	sbarrier.arrive $0xFFFF;
	s2 =	simm.s32 @!p0 $0x1C05  }
0x148: {  	[timem:s3], [sflag:s2] =	dma.local @!p0 [hbm:s0], s1  }
0x149: {  	s0 =	simm.s32 @!p0 $0x5  }
0x14a: {  	_ =	swait.ge @!p0 [sflag:s0], s1  }
0x14b: {  	s1 =	ssub.s32 @!p0 $0x0, s1;
	[sflag:s0] =	ssyncset.done @!p0 $0x0  }
0x14c: {  	[sflag:s0] =	ssyncadd.s32 @!p0 s1  }
0x14d: {  	[bflag:$0x3] =	sbarrier.arrive $0xFFFF  }
0x14e: {  	_ =	shalt  }

// kernel: kernel.18.cloned.1.call-start
scs
__scs_entry_jumppad:
0x0: {  	(pc) =	sbr.rel $0x88, $3  }
0x1: {  	(tag) =	ssettag $0x0;
	lr =	simm.s32 $0x1  }
0x2: {  	[smem:$0x3F88] =	sst lr;
	_ =	strace $0xD0000000  }
0x3: {  	_ = 	snop  }
0x4: {  	_ = 	snop  }
0x5: {  	_ = 	snop  }
0x6: {  	_ = 	snop  }
0x7: {  	_ = 	snop  }
__scs_overlays_trampoline_lowered:
0x8: {  	[smem:$0x3F97] =	sst s0  }
0x9: {  	[smem:$0x3F98] =	sst s1  }
0xa: {  	[smem:$0x3F99] =	sst s2  }
0xb: {  	[smem:$0x3F9A] =	sst s3  }
0xc: {  	[smem:$0x3F9B] =	sst s4  }
0xd: {  	[smem:$0x3F9C] =	sst s5  }
0xe: {  	[smem:$0x3F9D] =	sst s6  }
0xf: {  	[smem:$0x3F9E] =	sst s7  }
0x10: {  	[smem:$0x3F9F] =	sst s8  }
0x11: {  	[smem:$0x3FA0] =	sst s9;
	s0 =	simm.s32 @!p0 $0x0  }
0x12: {  	s1 =	sld [smem:$0x3F86];
	s0 =	simm.s32 @p0 $0x1  }
0x13: {  	[smem:$0x3FA1] =	sst s0;
	s0 =	simm.s32 @!p1 $0x0  }
0x14: {  	s2 =	sld [smem:$0x3F85];
	s0 =	simm.s32 @p1 $0x1  }
0x15: {  	[smem:$0x3FA2] =	sst s0;
	s0 =	simm.s32 @!p2 $0x0  }
0x16: {  	s3 =	sld [smem:$0x3FDB];
	s0 =	simm.s32 @p2 $0x1  }
0x17: {  	s4 =	simm.s32 $0x1BF5;
	[smem:$0x3FA4] =	sst s0  }
0x18: {  	s0 =	sld [smem:$0x3F87];
	_ =	swait.ge [sflag:s4], $0x0  }
0x19: {  	s7 =	sld [smem:$0x3F88]  }
0x1a: {  	s8 =	sadd.s32 $0xFFFFE003, lr  }
0x1b: {  	s9 =	sadd.s32 $0xFFFFFEF7, lr;
	s5 =	simm.s32 $0xFFFFFFFF;
	p2 =	slt.u32 s8, $0xFFFFF086  }
0x1c: {  	p1 =	slt.u32 s9, $0xF7A;
	s5 =	simm.s32 @!p2 $0x0  }
0x1d: {  	s5 =	simm.s32 @p1 $0x1;
	p0 =	seq.s32 s7, s2  }
0x1e: {  	s7 =	smul.u32 @!p0 $0xF7A, s2;
	p2 =	seq.s32 @!p0 s5, $0x0  }
0x1f: {  	s9 =	smul.u32 $0xF7A, s1;
	s8 =	simm.s32 @!p0 $0x1BF5;
	p2 =	por !p2, p0  }
0x20: {  	[sflag:s8] =	ssyncset.s32 @!p0 $0xFFFFF086;
	s6 =	sadd.s32 @!p0 s3, s7;
	s7 =	simm.s32 @!p0 $0x108  }
0x21: {  	s3 =	sadd.s32 s3, s9;
	s6 =	sadd.s32 @!p0 $0x88, s6;
	s7 =	simm.s32 @p2 $0x1082  }
0x22: {  	[simem:s7], [sflag:s8] =	dma.local @!p0 [hbm:s6], $0xF7A  }
0x23: {  	s9 =	sor.u32 $0xD0000000, s2;
	s6 =	simm.s32 $0x108;
	_ =	swait.ge @!p0 [sflag:s8], $0x0  }
0x24: {  	s3 =	sadd.s32 $0x88, s3;
	s6 =	simm.s32 @!p1 $0x1082;
	[sflag:s4] =	ssyncset.s32 $0xFFFFF086  }
0x25: {  	[simem:s6], [sflag:s4] =	dma.local [hbm:s3], $0xF7A  }
0x26: {  	[smem:$0x3F88] =	sst s1;
	(tag) =	ssettag s2;
	_ =	strace s9  }
0x27: {  	s1 =	sld [smem:$0x3F98]  }
0x28: {  	s2 =	sld [smem:$0x3F99]  }
0x29: {  	s4 =	sld [smem:$0x3F9B]  }
0x2a: {  	p0 =	seq.s32 s5, $0x0;
	s5 =	sld [smem:$0x3F9C]  }
0x2b: {  	s6 =	sld [smem:$0x3F9D]  }
0x2c: {  	s7 =	sld [smem:$0x3F9E]  }
0x2d: {  	s3 =	simm.s32 $0x108;
	s8 =	sld [smem:$0x3F9F]  }
0x2e: {  	s3 =	simm.s32 @!p0 $0x1082;
	s9 =	sld [smem:$0x3FA0]  }
0x2f: {  	lr =	sadd.s32 s0, s3;
	s0 =	sld [smem:$0x3F97]  }
0x30: {  	s3 =	sld [smem:$0x3F9A]  }
0x31: {  	[smem:$0x3FA3] =	sst s10  }
0x32: {  	s10 =	sld [smem:$0x3FA1];
	_ =	sdelay $0x3  }
0x33: {  	p0 =	seq.s32 s10, $0x1;
	s10 =	sld [smem:$0x3FA3];
	_ =	sdelay $0x3  }
0x34: {  	[smem:$0x3FA3] =	sst s10  }
0x35: {  	s10 =	sld [smem:$0x3FA2];
	_ =	sdelay $0x3  }
0x36: {  	p1 =	seq.s32 s10, $0x1;
	s10 =	sld [smem:$0x3FA3];
	_ =	sdelay $0x3  }
0x37: {  	[smem:$0x3FA3] =	sst s10  }
0x38: {  	s10 =	sld [smem:$0x3FA4]  }
0x39: {  	_ = 	snop;
	(pc) =	sbr.ind lr, $3  }
0x3a: {  	_ = 	snop  }
0x3b: {  	_ = 	snop  }
0x3c: {  	p2 =	seq.s32 s10, $0x1;
	s10 =	sld [smem:$0x3FA3]  }
0x3d: {  	_ =	shalt  }
0x3e: {  	_ =	shalt  }
0x3f: {  	_ =	shalt  }
0x40: {  	_ =	shalt  }
0x41: {  	_ =	shalt  }
0x42: {  	_ =	shalt  }
0x43: {  	_ =	shalt  }
0x44: {  	_ =	shalt  }
0x45: {  	_ =	shalt  }
0x46: {  	_ =	shalt  }
0x47: {  	_ =	shalt  }
0x48: {  	_ =	shalt  }
0x49: {  	_ =	shalt  }
0x4a: {  	_ =	shalt  }
0x4b: {  	_ =	shalt  }
0x4c: {  	_ =	shalt  }
0x4d: {  	_ =	shalt  }
0x4e: {  	_ =	shalt  }
0x4f: {  	_ =	shalt  }
0x50: {  	_ =	shalt  }
0x51: {  	_ =	shalt  }
0x52: {  	_ =	shalt  }
0x53: {  	_ =	shalt  }
0x54: {  	_ =	shalt  }
0x55: {  	_ =	shalt  }
0x56: {  	_ =	shalt  }
0x57: {  	_ =	shalt  }
0x58: {  	_ =	shalt  }
0x59: {  	_ =	shalt  }
0x5a: {  	_ =	shalt  }
0x5b: {  	_ =	shalt  }
0x5c: {  	_ =	shalt  }
0x5d: {  	_ =	shalt  }
0x5e: {  	_ =	shalt  }
0x5f: {  	_ =	shalt  }
0x60: {  	_ =	shalt  }
0x61: {  	_ =	shalt  }
0x62: {  	_ =	shalt  }
0x63: {  	_ =	shalt  }
0x64: {  	_ =	shalt  }
0x65: {  	_ =	shalt  }
0x66: {  	_ =	shalt  }
0x67: {  	_ =	shalt  }
0x68: {  	_ =	shalt  }
0x69: {  	_ =	shalt  }
0x6a: {  	_ =	shalt  }
0x6b: {  	_ =	shalt  }
0x6c: {  	_ =	shalt  }
0x6d: {  	_ =	shalt  }
0x6e: {  	_ =	shalt  }
0x6f: {  	_ =	shalt  }
0x70: {  	_ =	shalt  }
0x71: {  	_ =	shalt  }
0x72: {  	_ =	shalt  }
0x73: {  	_ =	shalt  }
0x74: {  	_ =	shalt  }
0x75: {  	_ =	shalt  }
0x76: {  	_ =	shalt  }
0x77: {  	_ =	shalt  }
0x78: {  	_ =	shalt  }
0x79: {  	_ =	shalt  }
0x7a: {  	_ =	shalt  }
0x7b: {  	_ =	shalt  }
0x7c: {  	_ =	shalt  }
0x7d: {  	_ =	shalt  }
0x7e: {  	_ =	shalt  }
0x7f: {  	_ =	shalt  }
0x80: {  	_ =	shalt  }
0x81: {  	_ =	shalt  }
0x82: {  	_ =	shalt  }
0x83: {  	_ =	shalt  }
0x84: {  	_ =	shalt  }
0x85: {  	_ =	shalt  }
0x86: {  	_ =	shalt  }
0x87: {  	_ =	shalt  }
.Lfunc_end0:
.L_simem_size_0:
called_computation.3_lowered:
.L_overlay_start_0:
0x88: {  	s2 =	sld [smem:$0x3FD9]  }
0x89: {  	s3 =	sld [smem:$0x3FFE];
	_ =	sdelay $0x1  }
0x8a: {  	s1 =	srdreg.scid  }
0x8b: {  	s0 =	sand.u32 $0x1, s1  }
0x8c: {  	s16 =	sshll.u32 s0, $0xA;
	s2 =	sadd.s32 s3, s2  }
0x8d: {  	s2 =	sadd.s32 s2, s16  }
0x8e: {  	[smem:$0x3FAF] =	sst s2  }
0x8f: {  	_ = 	snop  }
0x90: {  	(tm) =	ssettm $0x1  }
0x91: {  	s17 =	sld [smem:$0x3FFB];
	_ =	sdelay $0x3  }
0x92: {  	_ =	strace s17  }
0x93: {  	s2 =	sld [smem:$0x3FFC];
	_ =	sdelay $0x3  }
0x94: {  	_ =	strace s2  }
0x95: {  	s2 =	sld [smem:$0x3FFD];
	_ =	sdelay $0x3  }
0x96: {  	_ =	strace s2  }
0x97: {  	_ =	strace $0x8FFFFFFF  }
0x98: {  	s18 =	sld [smem:$0x3FDB];
	_ =	sdelay $0x1  }
0x99: {  	s19 =	simm.s32 $_scs_section_size  }
0x9a: {  	s4 =	simm.s32 $_size__tile_overlayer_lowered;
	s5 =	simm.s32 $_tile_overlayer_lowered  }
0x9b: {  	s22 =	simm.s32 $0x1BFF;
	s21 =	sshll.u32 s5, $0x1;
	s2 =	sadd.s32 s19, s18  }
0x9c: {  	s6 =	simm.s32 $0x0;
	s20 =	sshll.u32 s4, $0x1;
	s4 =	sadd.s32 s21, s2  }
0x9d: {  	[timem:s6], [sflag:s22] =	dma.local [hbm:s4], s20  }
0x9e: {  	_ =	swait.ge [sflag:s22], s20  }
0x9f: {  	s3 =	ssub.s32 $0x0, s20;
	[sflag:s22] =	ssyncset.done $0x0  }
0xa0: {  	[sflag:s22] =	ssyncadd.s32 s3;
	_ =	sdelay $0x1  }
0xa1: {  	s23 =	simm.s32 $0x1B8B  }
0xa2: {  	_ =	swait.ge [sflag:s23], $0x1  }
0xa3: {  	[sflag:s23] =	ssyncset.done $0x0  }
0xa4: {  	s25 =	simm.s32 $0x1B8E;
	s24 =	sld [smem:$0x3FFE];
	[sflag:s23] =	ssyncadd.s32 $0xFFFFFFFF  }
0xa5: {  	s26 =	simm.s32 $execute0_lowered;
	[smem:$0x3FD2] =	sst s25  }
0xa6: {  	s4 =	sshll.u32 s26, $0x1;
	_ =	strace $0x8000004F;
	[dreg:$0x1] =	wrdreg $0xFFFFFFFF  }
0xa7: {  	s28 =	simm.s32 $_size_execute0_lowered;
	s2 =	sadd.s32 s2, s4;
	[dreg:$0x0] =	wrdreg $0x0  }
0xa8: {  	s4 =	sshll.u32 s28, $0x1;
	[dreg:$0x2] =	wrdreg s2  }
0xa9: {  	[dreg:$0x3] =	wrdreg s4  }
0xaa: {  	[dreg:$0x4] =	wrdreg $0xC0  }
0xab: {  	_ =	task [dreg:s6], $0x5FFFF  }
0xac: {  	[dreg:$0x1] =	wrdreg $0xFFFFFFFF  }
0xad: {  	[dreg:$0x0] =	wrdreg $0x60  }
0xae: {  	[dreg:$0x2] =	wrdreg s24  }
0xaf: {  	[dreg:$0x3] =	wrdreg $0x15A000  }
0xb0: {  	[dreg:$0x4] =	wrdreg $0x9  }
0xb1: {  	_ =	task.clear_ibuf [dreg:s6], $0x5FFFF;
	_ =	strace $0x9000004F  }
0xb2: {  	s29 =	simm.s32 $0x9;
	_ =	strace $0x80000051  }
0xb3: {  	_ =	swait.ge [sflag:s29], $0x1  }
0xb4: {  	[sflag:s29] =	ssyncadd.s32 $0xFFFFFFFF  }
0xb5: {  	_ =	strace $0x90000051  }
0xb6: {  	_ =	sfence  }
0xb7: {  	s30 =	sld [smem:$0x0];
	_ =	sdelay $0x2  }
0xb8: {  	s31 =	sshll.u32 s1, $0xD;
	s1 =	sshrl.u32 s1, $0x2  }
0xb9: {  	s3 =	sand.u32 $0x4000, s31;
	s1 =	sadd.s32 s1, s30  }
0xba: {  	s0 =	sor.u32 s3, s0;
	s1 =	sshll.u32 s1, $0x11  }
0xbb: {  	s0 =	sor.u32 s1, s0  }
0xbc: {  	s0 =	sadd.s32 $0x8F2B, s0  }
0xbd: {  	[sflag:s0] =	ssyncadd.remote.s32 $0x1  }
0xbe: {  	_ =	sfence.sel $0xFFFF  }
0xbf: {  	[dreg:$0x0] =	wrdreg $0xFFFFFFFF;
	(pc) =	sbr.abs _section_cstart, $3  }
0xc0: {  	[dreg:$0x1] =	wrdreg $0xFFFFFFFF  }
0xc1: {  	_ =	task.clear_ibuf [dreg:s6], $0x2FFFF;
	_ =	strace $0x9FFFFFFF  }
0xc2: {  	(tm) =	ssettm $0x7FFFFFFF  }
0xc3: {  	_ =	shalt  }
tec
execute0_lowered:
.L_overlay_start_1:
0x0: {  	(tag) =	ssettag $0x1  }
0x1: {  	s0 =	srdreg.scid;
	s1 =	rddreg [dreg:$0x0]  }
0x2: {  	s2 =	rddreg [dreg:$0x1];
	s7 =	stileid.u32;
	s4 =	simm.s32 $0x0  }
0x3: {  	s18 =	simm.s32 $0x5;
	s28 =	simm.s32 $0x1;
	s29 =	simm.s32 $0xCD00  }
0x4: {  	s30 =	simm.s32 $0xEC40;
	s31 =	simm.s32 $0x10B80;
	s19 =	simm.s32 $0x2  }
0x5: {  	s0 =	sand.u32 $0x1, s0;
	[smem:$0x7FF] =	sst s4;
	s6 =	smul.u32 $0x28000, s7  }
0x6: {  	s4 =	sadd.s32 $0x18000, s1;
	s8 =	smul.u32 $0xA000, s7;
	s3 =	sshll.u32 s0, $0x4  }
0x7: {  	_ =	strace $0x80000050;
	s5 =	smul.u32 $0x14000, s0;
	s0 =	ssub.s32 $0x2, s0  }
0x8: {  	s3 =	sor.u32 s7, s3;
	s20 =	sshrl.u32 s0, $0x1;
	s22 =	sshrl.u32 s6, $0x2  }
0x9: {  	s7 =	sadd.s32 s8, s2;
	s26 =	sshrl.u32 s8, $0x3;
	s3 =	smul.u32 $0x500, s3  }
0xa: {  	s0 =	ssub.s32 s0, s20;
	s23 =	sadd.s32 s22, s2;
	s20 =	simm.s32 $0x14A00  }
0xb: {  	s22 =	simm.s32 $0x5000;
	s24 =	sadd.s32 $0x2000, s23;
	s25 =	sadd.s32 $0x3000, s23  }
0xc: {  	s11 =	sadd.s32 $0x4000, s23;
	s12 =	sadd.s32 $0x5000, s23;
	s13 =	sadd.s32 $0x6000, s23  }
0xd: {  	s14 =	sadd.s32 $0x7000, s23;
	s15 =	sadd.s32 $0x8000, s23;
	s16 =	sadd.s32 $0x9000, s23  }
0xe: {  	s17 =	smax.u32 s0, $0x1;
	s0 =	simm.s32 $0x12AC0;
	s3 =	sadd.s32 s3, s1  }
0xf: {  	s1 =	sadd.s32 s5, s1;
	s5 =	sadd.s32 $0x1000, s23;
	[dreg:$0x6] =	wrdreg s24  }
0x10: {  	[dreg:$0x7] =	wrdreg s25;
	s23 =	simm.s32 $0x6F40;
	s25 =	simm.s32 $0x8E80  }
0x11: {  	s21 =	sadd.s32 $0xE000, s3;
	s3 =	sadd.s32 $0x4000, s3;
	[dreg:$0x5] =	wrdreg s5  }
0x12: {  	s1 =	sadd.s32 $0x2BA00, s1;
	s5 =	simm.s32 $0x0;
	[dreg:$0x3] =	wrdreg s21  }
0x13: {  	[dreg:$0x4] =	wrdreg s3;
	s21 =	simm.s32 $0x7D;
	s24 =	sadd.s32 s26, s1  }
0x14: {  	v0 =	vimm.f32 $0.0e+00;
	s26 =	simm.s32 $0xADC0;
	s1 =	simm.s32 $0x3;
	s3 =	simm.s32 $0x4  }
.LBB2_1:
0x15: {  	s6 =	simm.s32 $0x0;
	s8 =	rddreg [dreg:$0x3]  }
0x16: {  	[tilespmem:s6], [sflag:$0x5] =	stream.linear.gather [hbm4b:s8+s6], $0x2800, $0x38;
	[tilespmem:$0x1FA00] =	vst v63  }
0x17: {  	_ =	swait.ge [sflag:s18], $0x2800  }
0x18: {  	[sflag:s18] =	ssyncset.done $0x0  }
0x19: {  	s9 =	simm.s32 $0x2800;
	s10 =	rddreg [dreg:$0x4];
	[sflag:s18] =	ssyncadd.s32 $0xFFFFD800  }
0x1a: {  	[tilespmem:s9], [sflag:$0x5] =	stream.linear.gather [hbm4b:s10+s6], $0x2800, $0x38;
	[tilespmem:$0x1FA00] =	vst v63  }
0x1b: {  	_ =	swait.ge [sflag:s18], $0x2800  }
0x1c: {  	[sflag:s18] =	ssyncset.done $0x0  }
0x1d: {  	s8 =	simm.s32 $0x100;
	s6 =	simm.s32 $0x0;
	[sflag:s18] =	ssyncadd.s32 $0xFFFFD800  }
.LBB2_2:
0x1e: {  	p0 =	sne.s32 s8, $0x3F00;
	[tilespmem:s6+$0x14A30] =	vst v0;
	s9 =	smov.u32 s8;
	s8 =	sadd.s32 $0x100, s8  }
.Ltmp0:
0x1f: {  	[tilespmem:s6+$0x14A20] =	vst v0;
	(pc) =	sbr.rel @p0 .LBB2_2-.Ltmp0, $3  }
0x20: {  	[tilespmem:s6+$0x14A00] =	vst v0  }
0x21: {  	[tilespmem:s6+$0x14A10] =	vst v0;
	_ =	sdelay $0x1  }
0x22: {  	s6 =	sshra.s32 s9, $0x2  }
0x23: {  	[tilespmem:s6+$0x14A30] =	vst v0  }
0x24: {  	[tilespmem:s6+$0x14A20] =	vst v0  }
0x25: {  	[tilespmem:s6+$0x14A00] =	vst v0  }
0x26: {  	[tilespmem:s6+$0x14A10] =	vst v0  }
0x27: {  	[spmem:s7] =	stream.linear.scatter [tilespmem:s20], [sflag:$0x5], $0x1000, $0x38;
	[tilespmem:$0x1FA00] =	vst v63  }
0x28: {  	_ =	swait.ge [sflag:s18], $0x1000  }
0x29: {  	[sflag:s18] =	ssyncset.done $0x0  }
0x2a: {  	s10 =	rddreg [dreg:$0x5];
	[sflag:s18] =	ssyncadd.s32 $0xFFFFF000  }
0x2b: {  	[spmem:s10] =	stream.linear.scatter [tilespmem:s20], [sflag:$0x5], $0x1000, $0x38;
	[tilespmem:$0x1FA00] =	vst v63  }
0x2c: {  	_ =	swait.ge [sflag:s18], $0x1000  }
0x2d: {  	[sflag:s18] =	ssyncset.done $0x0  }
0x2e: {  	s8 =	rddreg [dreg:$0x6];
	[sflag:s18] =	ssyncadd.s32 $0xFFFFF000  }
0x2f: {  	[spmem:s8] =	stream.linear.scatter [tilespmem:s20], [sflag:$0x5], $0x1000, $0x38;
	[tilespmem:$0x1FA00] =	vst v63  }
0x30: {  	_ =	swait.ge [sflag:s18], $0x1000  }
0x31: {  	[sflag:s18] =	ssyncset.done $0x0  }
0x32: {  	s9 =	rddreg [dreg:$0x7];
	[sflag:s18] =	ssyncadd.s32 $0xFFFFF000  }
0x33: {  	[spmem:s9] =	stream.linear.scatter [tilespmem:s20], [sflag:$0x5], $0x1000, $0x38;
	[tilespmem:$0x1FA00] =	vst v63  }
0x34: {  	_ =	swait.ge [sflag:s18], $0x1000  }
0x35: {  	[sflag:s18] =	ssyncset.done $0x0  }
0x36: {  	[sflag:s18] =	ssyncadd.s32 $0xFFFFF000  }
0x37: {  	[spmem:s11] =	stream.linear.scatter [tilespmem:s20], [sflag:$0x5], $0x1000, $0x38;
	[tilespmem:$0x1FA00] =	vst v63  }
0x38: {  	_ =	swait.ge [sflag:s18], $0x1000  }
0x39: {  	[sflag:s18] =	ssyncset.done $0x0  }
0x3a: {  	[sflag:s18] =	ssyncadd.s32 $0xFFFFF000  }
0x3b: {  	[spmem:s12] =	stream.linear.scatter [tilespmem:s20], [sflag:$0x5], $0x1000, $0x38;
	[tilespmem:$0x1FA00] =	vst v63  }
0x3c: {  	_ =	swait.ge [sflag:s18], $0x1000  }
0x3d: {  	[sflag:s18] =	ssyncset.done $0x0  }
0x3e: {  	[sflag:s18] =	ssyncadd.s32 $0xFFFFF000  }
0x3f: {  	[spmem:s13] =	stream.linear.scatter [tilespmem:s20], [sflag:$0x5], $0x1000, $0x38;
	[tilespmem:$0x1FA00] =	vst v63  }
0x40: {  	_ =	swait.ge [sflag:s18], $0x1000  }
0x41: {  	[sflag:s18] =	ssyncset.done $0x0  }
0x42: {  	[sflag:s18] =	ssyncadd.s32 $0xFFFFF000  }
0x43: {  	[spmem:s14] =	stream.linear.scatter [tilespmem:s20], [sflag:$0x5], $0x1000, $0x38;
	[tilespmem:$0x1FA00] =	vst v63  }
0x44: {  	_ =	swait.ge [sflag:s18], $0x1000  }
0x45: {  	[sflag:s18] =	ssyncset.done $0x0  }
0x46: {  	[sflag:s18] =	ssyncadd.s32 $0xFFFFF000  }
0x47: {  	[spmem:s15] =	stream.linear.scatter [tilespmem:s20], [sflag:$0x5], $0x1000, $0x38;
	[tilespmem:$0x1FA00] =	vst v63  }
0x48: {  	_ =	swait.ge [sflag:s18], $0x1000  }
0x49: {  	[sflag:s18] =	ssyncset.done $0x0  }
0x4a: {  	[sflag:s18] =	ssyncadd.s32 $0xFFFFF000  }
0x4b: {  	[spmem:s16] =	stream.linear.scatter [tilespmem:s20], [sflag:$0x5], $0x1000, $0x38;
	[tilespmem:$0x1FA00] =	vst v63  }
0x4c: {  	_ =	swait.ge [sflag:s18], $0x1000  }
0x4d: {  	[sflag:s18] =	ssyncset.done $0x0  }
0x4e: {  	[sflag:s18] =	ssyncadd.s32 $0xFFFFF000  }
0x4f: {  	s10 =	simm.s32 $0x0;
	[bflag:$0x0] =	sbarrier.arrive $0xFFFF  }
0x50: {  	[tilespmem:s22], [sflag:$0x1] =	stream.indirect.gather [hbm4b:s4+s21], $0x40, s10, s21, $0xb8;
	[tilespmem:$0x1FA00] =	vst v63  }
0x51: {  	s8 =	simm.s32 $0x80  }
0x52: {  	[tilespmem:s23], [sflag:$0x1] =	stream.indirect.gather [hbm4b:s4+s21], $0x40, s8, s21, $0xb8;
	[tilespmem:$0x1FA00] =	vst v63  }
0x53: {  	s9 =	simm.s32 $0x100  }
0x54: {  	[tilespmem:s25], [sflag:$0x1] =	stream.indirect.gather [hbm4b:s4+s21], $0x40, s9, s21, $0xb8;
	[tilespmem:$0x1FA00] =	vst v63  }
0x55: {  	s10 =	simm.s32 $0x180  }
0x56: {  	[tilespmem:s26], [sflag:$0x1] =	stream.indirect.gather [hbm4b:s4+s21], $0x40, s10, s21, $0xb8;
	[tilespmem:$0x1FA00] =	vst v63  }
0x57: {  	_ =	swait.ge [sflag:s28], $0x1F40  }
0x58: {  	[sflag:s28] =	ssyncset.done $0x0  }
0x59: {  	[sflag:s28] =	ssyncadd.s32 $0xFFFFE0C0  }
0x5a: {  	_ =	swait.ge [sflag:s28], $0x1F40  }
0x5b: {  	[sflag:s28] =	ssyncset.done $0x0  }
0x5c: {  	[sflag:s28] =	ssyncadd.s32 $0xFFFFE0C0  }
0x5d: {  	_ =	swait.ge [sflag:s28], $0x1F40  }
0x5e: {  	[sflag:s28] =	ssyncset.done $0x0  }
0x5f: {  	[sflag:s28] =	ssyncadd.s32 $0xFFFFE0C0  }
0x60: {  	_ =	swait.ge [sflag:s28], $0x1F40  }
0x61: {  	[sflag:s28] =	ssyncset.done $0x0  }
0x62: {  	s8 =	simm.s32 $0x2800;
	[sflag:s28] =	ssyncadd.s32 $0xFFFFE0C0  }
0x63: {  	[spmem:s2] =	stream.indirect.scatter.add.f32 [tilespmem:s22], [sflag:$0x3], $0x40, s8, s21, $0xb8;
	[tilespmem:$0x1FA00] =	vst v63  }
0x64: {  	s9 =	simm.s32 $0x2880  }
0x65: {  	[spmem:s2] =	stream.indirect.scatter.add.f32 [tilespmem:s23], [sflag:$0x3], $0x40, s9, s21, $0xb8;
	[tilespmem:$0x1FA00] =	vst v63  }
0x66: {  	s10 =	simm.s32 $0x2900  }
0x67: {  	[spmem:s2] =	stream.indirect.scatter.add.f32 [tilespmem:s25], [sflag:$0x3], $0x40, s10, s21, $0xb8;
	[tilespmem:$0x1FA00] =	vst v63  }
0x68: {  	s8 =	simm.s32 $0x2980  }
0x69: {  	[spmem:s2] =	stream.indirect.scatter.add.f32 [tilespmem:s26], [sflag:$0x3], $0x40, s8, s21, $0xb8;
	[tilespmem:$0x1FA00] =	vst v63  }
0x6a: {  	s9 =	simm.s32 $0x200  }
0x6b: {  	[tilespmem:s29], [sflag:$0x2] =	stream.indirect.gather [hbm4b:s4+s21], $0x40, s9, s21, $0xb8;
	[tilespmem:$0x1FA00] =	vst v63  }
0x6c: {  	s10 =	simm.s32 $0x280  }
0x6d: {  	[tilespmem:s30], [sflag:$0x2] =	stream.indirect.gather [hbm4b:s4+s21], $0x40, s10, s21, $0xb8;
	[tilespmem:$0x1FA00] =	vst v63  }
0x6e: {  	s8 =	simm.s32 $0x300  }
0x6f: {  	[tilespmem:s31], [sflag:$0x2] =	stream.indirect.gather [hbm4b:s4+s21], $0x40, s8, s21, $0xb8;
	[tilespmem:$0x1FA00] =	vst v63  }
0x70: {  	s9 =	simm.s32 $0x380  }
0x71: {  	[tilespmem:s0], [sflag:$0x2] =	stream.indirect.gather [hbm4b:s4+s21], $0x40, s9, s21, $0xb8;
	[tilespmem:$0x1FA00] =	vst v63  }
0x72: {  	_ =	swait.ge [sflag:s19], $0x1F40  }
0x73: {  	[sflag:s19] =	ssyncset.done $0x0  }
0x74: {  	[sflag:s19] =	ssyncadd.s32 $0xFFFFE0C0  }
0x75: {  	_ =	swait.ge [sflag:s19], $0x1F40  }
0x76: {  	[sflag:s19] =	ssyncset.done $0x0  }
0x77: {  	[sflag:s19] =	ssyncadd.s32 $0xFFFFE0C0  }
0x78: {  	_ =	swait.ge [sflag:s19], $0x1F40  }
0x79: {  	[sflag:s19] =	ssyncset.done $0x0  }
0x7a: {  	[sflag:s19] =	ssyncadd.s32 $0xFFFFE0C0  }
0x7b: {  	_ =	swait.ge [sflag:s19], $0x1F40  }
0x7c: {  	[sflag:s19] =	ssyncset.done $0x0  }
0x7d: {  	[sflag:s19] =	ssyncadd.s32 $0xFFFFE0C0  }
0x7e: {  	_ =	swait.ge [sflag:s1], $0x1F40  }
0x7f: {  	[sflag:s1] =	ssyncset.done $0x0  }
0x80: {  	[sflag:s1] =	ssyncadd.s32 $0xFFFFE0C0  }
0x81: {  	_ =	swait.ge [sflag:s1], $0x1F40  }
0x82: {  	[sflag:s1] =	ssyncset.done $0x0  }
0x83: {  	[sflag:s1] =	ssyncadd.s32 $0xFFFFE0C0  }
0x84: {  	_ =	swait.ge [sflag:s1], $0x1F40  }
0x85: {  	[sflag:s1] =	ssyncset.done $0x0  }
0x86: {  	[sflag:s1] =	ssyncadd.s32 $0xFFFFE0C0  }
0x87: {  	_ =	swait.ge [sflag:s1], $0x1F40  }
0x88: {  	[sflag:s1] =	ssyncset.done $0x0  }
0x89: {  	s10 =	simm.s32 $0x2A00;
	[sflag:s1] =	ssyncadd.s32 $0xFFFFE0C0  }
0x8a: {  	[spmem:s2] =	stream.indirect.scatter.add.f32 [tilespmem:s29], [sflag:$0x4], $0x40, s10, s21, $0xb8;
	[tilespmem:$0x1FA00] =	vst v63  }
0x8b: {  	s8 =	simm.s32 $0x2A80  }
0x8c: {  	[spmem:s2] =	stream.indirect.scatter.add.f32 [tilespmem:s30], [sflag:$0x4], $0x40, s8, s21, $0xb8;
	[tilespmem:$0x1FA00] =	vst v63  }
0x8d: {  	s9 =	simm.s32 $0x2B00  }
0x8e: {  	[spmem:s2] =	stream.indirect.scatter.add.f32 [tilespmem:s31], [sflag:$0x4], $0x40, s9, s21, $0xb8;
	[tilespmem:$0x1FA00] =	vst v63  }
0x8f: {  	s10 =	simm.s32 $0x2B80  }
0x90: {  	[spmem:s2] =	stream.indirect.scatter.add.f32 [tilespmem:s0], [sflag:$0x4], $0x40, s10, s21, $0xb8;
	[tilespmem:$0x1FA00] =	vst v63  }
0x91: {  	_ =	swait.ge [sflag:s3], $0x1F40  }
0x92: {  	[sflag:s3] =	ssyncset.done $0x0  }
0x93: {  	[sflag:s3] =	ssyncadd.s32 $0xFFFFE0C0  }
0x94: {  	_ =	swait.ge [sflag:s3], $0x1F40  }
0x95: {  	[sflag:s3] =	ssyncset.done $0x0  }
0x96: {  	[sflag:s3] =	ssyncadd.s32 $0xFFFFE0C0  }
0x97: {  	_ =	swait.ge [sflag:s3], $0x1F40  }
0x98: {  	[sflag:s3] =	ssyncset.done $0x0  }
0x99: {  	[sflag:s3] =	ssyncadd.s32 $0xFFFFE0C0  }
0x9a: {  	_ =	swait.ge [sflag:s3], $0x1F40  }
0x9b: {  	s6 =	simm.s32 $0x1000;
	s8 =	simm.s32 $0x2000;
	[sflag:s3] =	ssyncset.done $0x0  }
.LBB2_4:
0x9c: {  	s9 =	sshra.s32 s6, $0x2  }
0x9d: {  	[sflag:s3] =	ssyncadd.s32 $0xFFFFE0C0;
	s6 =	smov.u32 s8;
	s10 =	sadd.s32 $0x1000, s8  }
0x9e: {  	[tilespmem:s22], [sflag:$0x1] =	stream.indirect.gather [hbm4b:s4+s21], $0x40, s9, s21, $0xb8;
	[tilespmem:$0x1FA00] =	vst v63  }
0x9f: {  	p0 =	sne.s32 s8, $0x9000;
	s8 =	sadd.s32 $0x80, s9  }
0xa0: {  	[tilespmem:s23], [sflag:$0x1] =	stream.indirect.gather [hbm4b:s4+s21], $0x40, s8, s21, $0xb8;
	[tilespmem:$0x1FA00] =	vst v63  }
0xa1: {  	s8 =	sadd.s32 $0x100, s9  }
0xa2: {  	[tilespmem:s25], [sflag:$0x1] =	stream.indirect.gather [hbm4b:s4+s21], $0x40, s8, s21, $0xb8;
	[tilespmem:$0x1FA00] =	vst v63  }
0xa3: {  	s8 =	sadd.s32 $0x180, s9  }
0xa4: {  	[tilespmem:s26], [sflag:$0x1] =	stream.indirect.gather [hbm4b:s4+s21], $0x40, s8, s21, $0xb8;
	[tilespmem:$0x1FA00] =	vst v63  }
0xa5: {  	_ =	swait.ge [sflag:s28], $0x1F40  }
0xa6: {  	[sflag:s28] =	ssyncset.done $0x0  }
0xa7: {  	[sflag:s28] =	ssyncadd.s32 $0xFFFFE0C0  }
0xa8: {  	_ =	swait.ge [sflag:s28], $0x1F40  }
0xa9: {  	[sflag:s28] =	ssyncset.done $0x0  }
0xaa: {  	[sflag:s28] =	ssyncadd.s32 $0xFFFFE0C0  }
0xab: {  	_ =	swait.ge [sflag:s28], $0x1F40  }
0xac: {  	[sflag:s28] =	ssyncset.done $0x0  }
0xad: {  	[sflag:s28] =	ssyncadd.s32 $0xFFFFE0C0  }
0xae: {  	_ =	swait.ge [sflag:s28], $0x1F40  }
0xaf: {  	[sflag:s28] =	ssyncset.done $0x0  }
0xb0: {  	s8 =	sadd.s32 $0x2800, s9;
	[sflag:s28] =	ssyncadd.s32 $0xFFFFE0C0  }
0xb1: {  	[spmem:s2] =	stream.indirect.scatter.add.f32 [tilespmem:s22], [sflag:$0x3], $0x40, s8, s21, $0xb8;
	[tilespmem:$0x1FA00] =	vst v63  }
0xb2: {  	s8 =	sadd.s32 $0x2880, s9  }
0xb3: {  	[spmem:s2] =	stream.indirect.scatter.add.f32 [tilespmem:s23], [sflag:$0x3], $0x40, s8, s21, $0xb8;
	[tilespmem:$0x1FA00] =	vst v63  }
0xb4: {  	s8 =	sadd.s32 $0x2900, s9  }
0xb5: {  	[spmem:s2] =	stream.indirect.scatter.add.f32 [tilespmem:s25], [sflag:$0x3], $0x40, s8, s21, $0xb8;
	[tilespmem:$0x1FA00] =	vst v63  }
0xb6: {  	s8 =	sadd.s32 $0x2980, s9  }
0xb7: {  	[spmem:s2] =	stream.indirect.scatter.add.f32 [tilespmem:s26], [sflag:$0x3], $0x40, s8, s21, $0xb8;
	[tilespmem:$0x1FA00] =	vst v63  }
0xb8: {  	s8 =	sadd.s32 $0x200, s9  }
0xb9: {  	[tilespmem:s29], [sflag:$0x2] =	stream.indirect.gather [hbm4b:s4+s21], $0x40, s8, s21, $0xb8;
	[tilespmem:$0x1FA00] =	vst v63  }
0xba: {  	s8 =	sadd.s32 $0x280, s9  }
0xbb: {  	[tilespmem:s30], [sflag:$0x2] =	stream.indirect.gather [hbm4b:s4+s21], $0x40, s8, s21, $0xb8;
	[tilespmem:$0x1FA00] =	vst v63  }
0xbc: {  	s8 =	sadd.s32 $0x300, s9  }
0xbd: {  	[tilespmem:s31], [sflag:$0x2] =	stream.indirect.gather [hbm4b:s4+s21], $0x40, s8, s21, $0xb8;
	[tilespmem:$0x1FA00] =	vst v63  }
0xbe: {  	s8 =	sadd.s32 $0x380, s9  }
0xbf: {  	[tilespmem:s0], [sflag:$0x2] =	stream.indirect.gather [hbm4b:s4+s21], $0x40, s8, s21, $0xb8;
	[tilespmem:$0x1FA00] =	vst v63  }
0xc0: {  	_ =	swait.ge [sflag:s19], $0x1F40  }
0xc1: {  	[sflag:s19] =	ssyncset.done $0x0  }
0xc2: {  	[sflag:s19] =	ssyncadd.s32 $0xFFFFE0C0  }
0xc3: {  	_ =	swait.ge [sflag:s19], $0x1F40  }
0xc4: {  	[sflag:s19] =	ssyncset.done $0x0  }
0xc5: {  	[sflag:s19] =	ssyncadd.s32 $0xFFFFE0C0  }
0xc6: {  	_ =	swait.ge [sflag:s19], $0x1F40  }
0xc7: {  	[sflag:s19] =	ssyncset.done $0x0  }
0xc8: {  	[sflag:s19] =	ssyncadd.s32 $0xFFFFE0C0  }
0xc9: {  	_ =	swait.ge [sflag:s19], $0x1F40  }
0xca: {  	[sflag:s19] =	ssyncset.done $0x0  }
0xcb: {  	[sflag:s19] =	ssyncadd.s32 $0xFFFFE0C0  }
0xcc: {  	_ =	swait.ge [sflag:s1], $0x1F40  }
0xcd: {  	[sflag:s1] =	ssyncset.done $0x0  }
0xce: {  	[sflag:s1] =	ssyncadd.s32 $0xFFFFE0C0  }
0xcf: {  	_ =	swait.ge [sflag:s1], $0x1F40  }
0xd0: {  	[sflag:s1] =	ssyncset.done $0x0  }
0xd1: {  	[sflag:s1] =	ssyncadd.s32 $0xFFFFE0C0  }
0xd2: {  	_ =	swait.ge [sflag:s1], $0x1F40  }
0xd3: {  	[sflag:s1] =	ssyncset.done $0x0  }
0xd4: {  	[sflag:s1] =	ssyncadd.s32 $0xFFFFE0C0  }
0xd5: {  	_ =	swait.ge [sflag:s1], $0x1F40  }
0xd6: {  	[sflag:s1] =	ssyncset.done $0x0  }
0xd7: {  	s8 =	sadd.s32 $0x2A00, s9;
	[sflag:s1] =	ssyncadd.s32 $0xFFFFE0C0  }
0xd8: {  	[spmem:s2] =	stream.indirect.scatter.add.f32 [tilespmem:s29], [sflag:$0x4], $0x40, s8, s21, $0xb8;
	[tilespmem:$0x1FA00] =	vst v63  }
0xd9: {  	s8 =	sadd.s32 $0x2A80, s9  }
0xda: {  	[spmem:s2] =	stream.indirect.scatter.add.f32 [tilespmem:s30], [sflag:$0x4], $0x40, s8, s21, $0xb8;
	[tilespmem:$0x1FA00] =	vst v63  }
0xdb: {  	s8 =	sadd.s32 $0x2B00, s9  }
0xdc: {  	[spmem:s2] =	stream.indirect.scatter.add.f32 [tilespmem:s31], [sflag:$0x4], $0x40, s8, s21, $0xb8;
	[tilespmem:$0x1FA00] =	vst v63  }
0xdd: {  	s8 =	sadd.s32 $0x2B80, s9  }
0xde: {  	[spmem:s2] =	stream.indirect.scatter.add.f32 [tilespmem:s0], [sflag:$0x4], $0x40, s8, s21, $0xb8;
	[tilespmem:$0x1FA00] =	vst v63  }
0xdf: {  	_ =	swait.ge [sflag:s3], $0x1F40  }
0xe0: {  	[sflag:s3] =	ssyncset.done $0x0  }
0xe1: {  	[sflag:s3] =	ssyncadd.s32 $0xFFFFE0C0  }
0xe2: {  	_ =	swait.ge [sflag:s3], $0x1F40  }
0xe3: {  	[sflag:s3] =	ssyncset.done $0x0  }
0xe4: {  	[sflag:s3] =	ssyncadd.s32 $0xFFFFE0C0  }
.Ltmp1:
0xe5: {  	_ =	swait.ge [sflag:s3], $0x1F40;
	(pc) =	sbr.rel @p0 .LBB2_4-.Ltmp1, $4  }
0xe6: {  	[sflag:s3] =	ssyncset.done $0x0  }
0xe7: {  	[sflag:s3] =	ssyncadd.s32 $0xFFFFE0C0  }
0xe8: {  	_ =	swait.ge [sflag:s3], $0x1F40  }
0xe9: {  	s8 =	smov.u32 s10;
	[sflag:s3] =	ssyncset.done $0x0  }
0xea: {  	s6 =	sshra.s32 s6, $0x2;
	[sflag:s3] =	ssyncadd.s32 $0xFFFFE0C0  }
0xeb: {  	[tilespmem:s22], [sflag:$0x1] =	stream.indirect.gather [hbm4b:s4+s21], $0x40, s6, s21, $0xb8;
	[tilespmem:$0x1FA00] =	vst v63  }
0xec: {  	s8 =	sadd.s32 $0x80, s6  }
0xed: {  	[tilespmem:s23], [sflag:$0x1] =	stream.indirect.gather [hbm4b:s4+s21], $0x40, s8, s21, $0xb8;
	[tilespmem:$0x1FA00] =	vst v63  }
0xee: {  	s10 =	sadd.s32 $0x100, s6  }
0xef: {  	[tilespmem:s25], [sflag:$0x1] =	stream.indirect.gather [hbm4b:s4+s21], $0x40, s10, s21, $0xb8;
	[tilespmem:$0x1FA00] =	vst v63  }
0xf0: {  	s9 =	sadd.s32 $0x180, s6  }
0xf1: {  	[tilespmem:s26], [sflag:$0x1] =	stream.indirect.gather [hbm4b:s4+s21], $0x40, s9, s21, $0xb8;
	[tilespmem:$0x1FA00] =	vst v63  }
0xf2: {  	_ =	swait.ge [sflag:s28], $0x1F40  }
0xf3: {  	[sflag:s28] =	ssyncset.done $0x0  }
0xf4: {  	[sflag:s28] =	ssyncadd.s32 $0xFFFFE0C0  }
0xf5: {  	_ =	swait.ge [sflag:s28], $0x1F40  }
0xf6: {  	[sflag:s28] =	ssyncset.done $0x0  }
0xf7: {  	[sflag:s28] =	ssyncadd.s32 $0xFFFFE0C0  }
0xf8: {  	_ =	swait.ge [sflag:s28], $0x1F40  }
0xf9: {  	[sflag:s28] =	ssyncset.done $0x0  }
0xfa: {  	[sflag:s28] =	ssyncadd.s32 $0xFFFFE0C0  }
0xfb: {  	_ =	swait.ge [sflag:s28], $0x1F40  }
0xfc: {  	[sflag:s28] =	ssyncset.done $0x0  }
0xfd: {  	s10 =	sadd.s32 $0x2800, s6;
	[sflag:s28] =	ssyncadd.s32 $0xFFFFE0C0  }
0xfe: {  	[spmem:s2] =	stream.indirect.scatter.add.f32 [tilespmem:s22], [sflag:$0x3], $0x40, s10, s21, $0xb8;
	[tilespmem:$0x1FA00] =	vst v63  }
0xff: {  	s9 =	sadd.s32 $0x2880, s6  }
0x100: {  	[spmem:s2] =	stream.indirect.scatter.add.f32 [tilespmem:s23], [sflag:$0x3], $0x40, s9, s21, $0xb8;
	[tilespmem:$0x1FA00] =	vst v63  }
0x101: {  	s10 =	sadd.s32 $0x2900, s6  }
0x102: {  	[spmem:s2] =	stream.indirect.scatter.add.f32 [tilespmem:s25], [sflag:$0x3], $0x40, s10, s21, $0xb8;
	[tilespmem:$0x1FA00] =	vst v63  }
0x103: {  	s9 =	sadd.s32 $0x2980, s6  }
0x104: {  	[spmem:s2] =	stream.indirect.scatter.add.f32 [tilespmem:s26], [sflag:$0x3], $0x40, s9, s21, $0xb8;
	[tilespmem:$0x1FA00] =	vst v63  }
0x105: {  	s10 =	sadd.s32 $0x200, s6  }
0x106: {  	[tilespmem:s29], [sflag:$0x2] =	stream.indirect.gather [hbm4b:s4+s21], $0x40, s10, s21, $0xb8;
	[tilespmem:$0x1FA00] =	vst v63  }
0x107: {  	s9 =	sadd.s32 $0x280, s6  }
0x108: {  	[tilespmem:s30], [sflag:$0x2] =	stream.indirect.gather [hbm4b:s4+s21], $0x40, s9, s21, $0xb8;
	[tilespmem:$0x1FA00] =	vst v63  }
0x109: {  	s10 =	sadd.s32 $0x300, s6  }
0x10a: {  	[tilespmem:s31], [sflag:$0x2] =	stream.indirect.gather [hbm4b:s4+s21], $0x40, s10, s21, $0xb8;
	[tilespmem:$0x1FA00] =	vst v63  }
0x10b: {  	s9 =	sadd.s32 $0x380, s6  }
0x10c: {  	[tilespmem:s0], [sflag:$0x2] =	stream.indirect.gather [hbm4b:s4+s21], $0x40, s9, s21, $0xb8;
	[tilespmem:$0x1FA00] =	vst v63  }
0x10d: {  	_ =	swait.ge [sflag:s19], $0x1F40  }
0x10e: {  	[sflag:s19] =	ssyncset.done $0x0  }
0x10f: {  	[sflag:s19] =	ssyncadd.s32 $0xFFFFE0C0  }
0x110: {  	_ =	swait.ge [sflag:s19], $0x1F40  }
0x111: {  	[sflag:s19] =	ssyncset.done $0x0  }
0x112: {  	[sflag:s19] =	ssyncadd.s32 $0xFFFFE0C0  }
0x113: {  	_ =	swait.ge [sflag:s19], $0x1F40  }
0x114: {  	[sflag:s19] =	ssyncset.done $0x0  }
0x115: {  	[sflag:s19] =	ssyncadd.s32 $0xFFFFE0C0  }
0x116: {  	_ =	swait.ge [sflag:s19], $0x1F40  }
0x117: {  	[sflag:s19] =	ssyncset.done $0x0  }
0x118: {  	[sflag:s19] =	ssyncadd.s32 $0xFFFFE0C0  }
0x119: {  	_ =	swait.ge [sflag:s1], $0x1F40  }
0x11a: {  	[sflag:s1] =	ssyncset.done $0x0  }
0x11b: {  	[sflag:s1] =	ssyncadd.s32 $0xFFFFE0C0  }
0x11c: {  	_ =	swait.ge [sflag:s1], $0x1F40  }
0x11d: {  	[sflag:s1] =	ssyncset.done $0x0  }
0x11e: {  	[sflag:s1] =	ssyncadd.s32 $0xFFFFE0C0  }
0x11f: {  	_ =	swait.ge [sflag:s1], $0x1F40  }
0x120: {  	[sflag:s1] =	ssyncset.done $0x0  }
0x121: {  	[sflag:s1] =	ssyncadd.s32 $0xFFFFE0C0  }
0x122: {  	_ =	swait.ge [sflag:s1], $0x1F40  }
0x123: {  	[sflag:s1] =	ssyncset.done $0x0  }
0x124: {  	s10 =	sadd.s32 $0x2A00, s6;
	[sflag:s1] =	ssyncadd.s32 $0xFFFFE0C0  }
0x125: {  	[spmem:s2] =	stream.indirect.scatter.add.f32 [tilespmem:s29], [sflag:$0x4], $0x40, s10, s21, $0xb8;
	[tilespmem:$0x1FA00] =	vst v63  }
0x126: {  	s9 =	sadd.s32 $0x2A80, s6  }
0x127: {  	[spmem:s2] =	stream.indirect.scatter.add.f32 [tilespmem:s30], [sflag:$0x4], $0x40, s9, s21, $0xb8;
	[tilespmem:$0x1FA00] =	vst v63  }
0x128: {  	s10 =	sadd.s32 $0x2B00, s6  }
0x129: {  	[spmem:s2] =	stream.indirect.scatter.add.f32 [tilespmem:s31], [sflag:$0x4], $0x40, s10, s21, $0xb8;
	[tilespmem:$0x1FA00] =	vst v63  }
0x12a: {  	s6 =	sadd.s32 $0x2B80, s6  }
0x12b: {  	[spmem:s2] =	stream.indirect.scatter.add.f32 [tilespmem:s0], [sflag:$0x4], $0x40, s6, s21, $0xb8;
	[tilespmem:$0x1FA00] =	vst v63  }
0x12c: {  	_ =	swait.ge [sflag:s3], $0x1F40  }
0x12d: {  	[sflag:s3] =	ssyncset.done $0x0  }
0x12e: {  	[sflag:s3] =	ssyncadd.s32 $0xFFFFE0C0  }
0x12f: {  	_ =	swait.ge [sflag:s3], $0x1F40  }
0x130: {  	[sflag:s3] =	ssyncset.done $0x0  }
0x131: {  	[sflag:s3] =	ssyncadd.s32 $0xFFFFE0C0  }
0x132: {  	_ =	swait.ge [sflag:s3], $0x1F40  }
0x133: {  	[sflag:s3] =	ssyncset.done $0x0  }
0x134: {  	[sflag:s3] =	ssyncadd.s32 $0xFFFFE0C0  }
0x135: {  	s5 =	sadd.s32 $0x1, s5;
	_ =	swait.ge [sflag:s3], $0x1F40  }
0x136: {  	p0 =	sne.s32 s5, s17;
	s9 =	stileid.u32;
	[sflag:s3] =	ssyncset.done $0x0  }
0x137: {  	s10 =	sshrl.u32 s7, $0x3;
	s6 =	sshll.u32 s9, $0x6;
	[sflag:s3] =	ssyncadd.s32 $0xFFFFE0C0  }
.Ltmp2:
0x138: {  	s6 =	sor.u32 $0x1C05, s6;
	[bflag:$0x0] =	sbarrier.arrive $0xFFFF;
	(pc) =	sbr.rel @p0 .LBB2_1-.Ltmp2, $4  }
0x139: {  	[hbm:s24], [sflag:s6] =	dma.local [spmem:s10], $0x1400  }
0x13a: {  	_ =	swait.ge [sflag:s18], $0x1400  }
0x13b: {  	[sflag:s18] =	ssyncset.done $0x0  }
0x13c: {  	[sflag:s18] =	ssyncadd.s32 $0xFFFFEC00  }
0x13d: {  	_ =	sfence.sel $0x180000  }
0x13e: {  	[bflag:$0x0] =	sbarrier.arrive $0xFFFF  }
0x13f: {  	_ =	strace $0x90000050  }
0x140: {  	s0 =	stileid.u32;
	[bflag:$0x2] =	sbarrier.arrive $0xFFFF  }
0x141: {  	p0 =	sne.s32 s0, $0x0;
	s0 =	rddreg [dreg:$0x2]  }
0x142: {  	s0 =	sadd.s32 @!p0 $0x100000, s0  }
0x143: {  	[sflag:s0] =	ssyncadd.tile.s32 @!p0 $0x1;
	_ =	shalt  }
.Lfunc_end2:
_tile_overlayer_lowered:
.L_overlay_start_2:
0x144: {  	(tag) =	ssettag $0x2  }
0x145: {  	s0 =	rddreg [dreg:$0x0];
	s2 =	stileid.u32  }
0x146: {  	s1 =	rddreg [dreg:$0x1];
	p0 =	sne.s32 s2, $0x0  }
0x147: {  	s3 =	rddreg [dreg:$0x2];
	[bflag:$0x3] =	sbarrier.arrive $0xFFFF;
	s2 =	simm.s32 @!p0 $0x1C05  }
0x148: {  	[timem:s3], [sflag:s2] =	dma.local @!p0 [hbm:s0], s1  }
0x149: {  	s0 =	simm.s32 @!p0 $0x5  }
0x14a: {  	_ =	swait.ge @!p0 [sflag:s0], s1  }
0x14b: {  	s1 =	ssub.s32 @!p0 $0x0, s1;
	[sflag:s0] =	ssyncset.done @!p0 $0x0  }
0x14c: {  	[sflag:s0] =	ssyncadd.s32 @!p0 s1  }
0x14d: {  	[bflag:$0x3] =	sbarrier.arrive $0xFFFF  }
0x14e: {  	_ =	shalt  }

// kernel: kernel.9.cloned.1.call-start
scs
__scs_entry_jumppad:
0x0: {  	(pc) =	sbr.rel $0x88, $3  }
0x1: {  	(tag) =	ssettag $0x0;
	lr =	simm.s32 $0x1  }
0x2: {  	[smem:$0x3F88] =	sst lr;
	_ =	strace $0xD0000000  }
0x3: {  	_ = 	snop  }
0x4: {  	_ = 	snop  }
0x5: {  	_ = 	snop  }
0x6: {  	_ = 	snop  }
0x7: {  	_ = 	snop  }
__scs_overlays_trampoline_lowered:
0x8: {  	[smem:$0x3F97] =	sst s0  }
0x9: {  	[smem:$0x3F98] =	sst s1  }
0xa: {  	[smem:$0x3F99] =	sst s2  }
0xb: {  	[smem:$0x3F9A] =	sst s3  }
0xc: {  	[smem:$0x3F9B] =	sst s4  }
0xd: {  	[smem:$0x3F9C] =	sst s5  }
0xe: {  	[smem:$0x3F9D] =	sst s6  }
0xf: {  	[smem:$0x3F9E] =	sst s7  }
0x10: {  	[smem:$0x3F9F] =	sst s8  }
0x11: {  	[smem:$0x3FA0] =	sst s9;
	s0 =	simm.s32 @!p0 $0x0  }
0x12: {  	s1 =	sld [smem:$0x3F86];
	s0 =	simm.s32 @p0 $0x1  }
0x13: {  	[smem:$0x3FA1] =	sst s0;
	s0 =	simm.s32 @!p1 $0x0  }
0x14: {  	s2 =	sld [smem:$0x3F85];
	s0 =	simm.s32 @p1 $0x1  }
0x15: {  	[smem:$0x3FA2] =	sst s0;
	s0 =	simm.s32 @!p2 $0x0  }
0x16: {  	s3 =	sld [smem:$0x3FDB];
	s0 =	simm.s32 @p2 $0x1  }
0x17: {  	s4 =	simm.s32 $0x1BF5;
	[smem:$0x3FA4] =	sst s0  }
0x18: {  	s0 =	sld [smem:$0x3F87];
	_ =	swait.ge [sflag:s4], $0x0  }
0x19: {  	s7 =	sld [smem:$0x3F88]  }
0x1a: {  	s8 =	sadd.s32 $0xFFFFE003, lr  }
0x1b: {  	s9 =	sadd.s32 $0xFFFFFEF7, lr;
	s5 =	simm.s32 $0xFFFFFFFF;
	p2 =	slt.u32 s8, $0xFFFFF086  }
0x1c: {  	p1 =	slt.u32 s9, $0xF7A;
	s5 =	simm.s32 @!p2 $0x0  }
0x1d: {  	s5 =	simm.s32 @p1 $0x1;
	p0 =	seq.s32 s7, s2  }
0x1e: {  	s7 =	smul.u32 @!p0 $0xF7A, s2;
	p2 =	seq.s32 @!p0 s5, $0x0  }
0x1f: {  	s9 =	smul.u32 $0xF7A, s1;
	s8 =	simm.s32 @!p0 $0x1BF5;
	p2 =	por !p2, p0  }
0x20: {  	[sflag:s8] =	ssyncset.s32 @!p0 $0xFFFFF086;
	s6 =	sadd.s32 @!p0 s3, s7;
	s7 =	simm.s32 @!p0 $0x108  }
0x21: {  	s3 =	sadd.s32 s3, s9;
	s6 =	sadd.s32 @!p0 $0x88, s6;
	s7 =	simm.s32 @p2 $0x1082  }
0x22: {  	[simem:s7], [sflag:s8] =	dma.local @!p0 [hbm:s6], $0xF7A  }
0x23: {  	s9 =	sor.u32 $0xD0000000, s2;
	s6 =	simm.s32 $0x108;
	_ =	swait.ge @!p0 [sflag:s8], $0x0  }
0x24: {  	s3 =	sadd.s32 $0x88, s3;
	s6 =	simm.s32 @!p1 $0x1082;
	[sflag:s4] =	ssyncset.s32 $0xFFFFF086  }
0x25: {  	[simem:s6], [sflag:s4] =	dma.local [hbm:s3], $0xF7A  }
0x26: {  	[smem:$0x3F88] =	sst s1;
	(tag) =	ssettag s2;
	_ =	strace s9  }
0x27: {  	s1 =	sld [smem:$0x3F98]  }
0x28: {  	s2 =	sld [smem:$0x3F99]  }
0x29: {  	s4 =	sld [smem:$0x3F9B]  }
0x2a: {  	p0 =	seq.s32 s5, $0x0;
	s5 =	sld [smem:$0x3F9C]  }
0x2b: {  	s6 =	sld [smem:$0x3F9D]  }
0x2c: {  	s7 =	sld [smem:$0x3F9E]  }
0x2d: {  	s3 =	simm.s32 $0x108;
	s8 =	sld [smem:$0x3F9F]  }
0x2e: {  	s3 =	simm.s32 @!p0 $0x1082;
	s9 =	sld [smem:$0x3FA0]  }
0x2f: {  	lr =	sadd.s32 s0, s3;
	s0 =	sld [smem:$0x3F97]  }
0x30: {  	s3 =	sld [smem:$0x3F9A]  }
0x31: {  	[smem:$0x3FA3] =	sst s10  }
0x32: {  	s10 =	sld [smem:$0x3FA1];
	_ =	sdelay $0x3  }
0x33: {  	p0 =	seq.s32 s10, $0x1;
	s10 =	sld [smem:$0x3FA3];
	_ =	sdelay $0x3  }
0x34: {  	[smem:$0x3FA3] =	sst s10  }
0x35: {  	s10 =	sld [smem:$0x3FA2];
	_ =	sdelay $0x3  }
0x36: {  	p1 =	seq.s32 s10, $0x1;
	s10 =	sld [smem:$0x3FA3];
	_ =	sdelay $0x3  }
0x37: {  	[smem:$0x3FA3] =	sst s10  }
0x38: {  	s10 =	sld [smem:$0x3FA4]  }
0x39: {  	_ = 	snop;
	(pc) =	sbr.ind lr, $3  }
0x3a: {  	_ = 	snop  }
0x3b: {  	_ = 	snop  }
0x3c: {  	p2 =	seq.s32 s10, $0x1;
	s10 =	sld [smem:$0x3FA3]  }
0x3d: {  	_ =	shalt  }
0x3e: {  	_ =	shalt  }
0x3f: {  	_ =	shalt  }
0x40: {  	_ =	shalt  }
0x41: {  	_ =	shalt  }
0x42: {  	_ =	shalt  }
0x43: {  	_ =	shalt  }
0x44: {  	_ =	shalt  }
0x45: {  	_ =	shalt  }
0x46: {  	_ =	shalt  }
0x47: {  	_ =	shalt  }
0x48: {  	_ =	shalt  }
0x49: {  	_ =	shalt  }
0x4a: {  	_ =	shalt  }
0x4b: {  	_ =	shalt  }
0x4c: {  	_ =	shalt  }
0x4d: {  	_ =	shalt  }
0x4e: {  	_ =	shalt  }
0x4f: {  	_ =	shalt  }
0x50: {  	_ =	shalt  }
0x51: {  	_ =	shalt  }
0x52: {  	_ =	shalt  }
0x53: {  	_ =	shalt  }
0x54: {  	_ =	shalt  }
0x55: {  	_ =	shalt  }
0x56: {  	_ =	shalt  }
0x57: {  	_ =	shalt  }
0x58: {  	_ =	shalt  }
0x59: {  	_ =	shalt  }
0x5a: {  	_ =	shalt  }
0x5b: {  	_ =	shalt  }
0x5c: {  	_ =	shalt  }
0x5d: {  	_ =	shalt  }
0x5e: {  	_ =	shalt  }
0x5f: {  	_ =	shalt  }
0x60: {  	_ =	shalt  }
0x61: {  	_ =	shalt  }
0x62: {  	_ =	shalt  }
0x63: {  	_ =	shalt  }
0x64: {  	_ =	shalt  }
0x65: {  	_ =	shalt  }
0x66: {  	_ =	shalt  }
0x67: {  	_ =	shalt  }
0x68: {  	_ =	shalt  }
0x69: {  	_ =	shalt  }
0x6a: {  	_ =	shalt  }
0x6b: {  	_ =	shalt  }
0x6c: {  	_ =	shalt  }
0x6d: {  	_ =	shalt  }
0x6e: {  	_ =	shalt  }
0x6f: {  	_ =	shalt  }
0x70: {  	_ =	shalt  }
0x71: {  	_ =	shalt  }
0x72: {  	_ =	shalt  }
0x73: {  	_ =	shalt  }
0x74: {  	_ =	shalt  }
0x75: {  	_ =	shalt  }
0x76: {  	_ =	shalt  }
0x77: {  	_ =	shalt  }
0x78: {  	_ =	shalt  }
0x79: {  	_ =	shalt  }
0x7a: {  	_ =	shalt  }
0x7b: {  	_ =	shalt  }
0x7c: {  	_ =	shalt  }
0x7d: {  	_ =	shalt  }
0x7e: {  	_ =	shalt  }
0x7f: {  	_ =	shalt  }
0x80: {  	_ =	shalt  }
0x81: {  	_ =	shalt  }
0x82: {  	_ =	shalt  }
0x83: {  	_ =	shalt  }
0x84: {  	_ =	shalt  }
0x85: {  	_ =	shalt  }
0x86: {  	_ =	shalt  }
0x87: {  	_ =	shalt  }
.Lfunc_end0:
.L_simem_size_0:
called_computation_lowered:
.L_overlay_start_0:
0x88: {  	s2 =	sld [smem:$0x3FD9]  }
0x89: {  	s3 =	sld [smem:$0x3FFE];
	_ =	sdelay $0x1  }
0x8a: {  	s1 =	srdreg.scid  }
0x8b: {  	s0 =	sand.u32 $0x1, s1  }
0x8c: {  	s17 =	sshll.u32 s0, $0xA;
	s2 =	sadd.s32 s3, s2  }
0x8d: {  	s2 =	sadd.s32 s2, s17  }
0x8e: {  	[smem:$0x3FAF] =	sst s2  }
0x8f: {  	_ = 	snop  }
0x90: {  	(tm) =	ssettm $0x1  }
0x91: {  	s18 =	sld [smem:$0x3FFB];
	_ =	sdelay $0x3  }
0x92: {  	_ =	strace s18  }
0x93: {  	s2 =	sld [smem:$0x3FFC];
	_ =	sdelay $0x3  }
0x94: {  	_ =	strace s2  }
0x95: {  	s2 =	sld [smem:$0x3FFD];
	_ =	sdelay $0x3  }
0x96: {  	_ =	strace s2  }
0x97: {  	_ =	strace $0x8FFFFFFF  }
0x98: {  	s19 =	sld [smem:$0x3FDB];
	_ =	sdelay $0x1  }
0x99: {  	s20 =	simm.s32 $_scs_section_size  }
0x9a: {  	s4 =	simm.s32 $_size__tile_overlayer_lowered;
	s5 =	simm.s32 $_tile_overlayer_lowered  }
0x9b: {  	s6 =	simm.s32 $0x1BFF;
	s21 =	sshll.u32 s5, $0x1;
	s3 =	sadd.s32 s20, s19  }
0x9c: {  	s22 =	simm.s32 $0x0;
	s4 =	sshll.u32 s4, $0x1;
	s5 =	sadd.s32 s21, s3  }
0x9d: {  	[timem:s22], [sflag:s6] =	dma.local [hbm:s5], s4  }
0x9e: {  	_ =	swait.ge [sflag:s6], s4  }
0x9f: {  	s4 =	ssub.s32 $0x0, s4;
	[sflag:s6] =	ssyncset.done $0x0  }
0xa0: {  	[sflag:s6] =	ssyncadd.s32 s4;
	_ =	sdelay $0x1  }
0xa1: {  	s23 =	simm.s32 $0x1B8B  }
0xa2: {  	_ =	swait.ge [sflag:s23], $0x1  }
0xa3: {  	[sflag:s23] =	ssyncset.done $0x0  }
0xa4: {  	[sflag:s23] =	ssyncadd.s32 $0xFFFFFFFF  }
0xa5: {  	s4 =	sld [smem:$0x0]  }
0xa6: {  	s5 =	sand.u32 $0xFFFFFFFE, s1  }
0xa7: {  	p0 =	sne.s32 s1, s5  }
0xa8: {  	s5 =	sshll.u32 @p0 s5, $0xE  }
0xa9: {  	s5 =	sadd.s32 @p0 $0x11B8D, s5;
	s6 =	sshll.u32 @p0 s4, $0x11  }
0xaa: {  	s5 =	sor.u32 @p0 s6, s5  }
0xab: {  	[sflag:s5] =	ssyncadd.remote.s32 @p0 $0x1;
	_ =	sdelay $0x1  }
0xac: {  	s5 =	simm.s32 @p0 $0x1B8D  }
0xad: {  	_ =	swait.eq @p0 [sflag:s5], $0x1  }
0xae: {  	[sflag:s5] =	ssyncadd.s32 @p0 $0xFFFFFFFF  }
0xaf: {  	s6 =	sshll.u32 @!p0 s1, $0xE  }
0xb0: {  	s6 =	sor.u32 @!p0 $0x4000, s6;
	s5 =	simm.s32 @!p0 $0x1B8D  }
0xb1: {  	s4 =	sshll.u32 @!p0 s4, $0x11;
	s6 =	sadd.s32 @!p0 $0x11B8D, s6;
	_ =	swait.eq @!p0 [sflag:s5], $0x1  }
0xb2: {  	s4 =	sor.u32 @!p0 s4, s6;
	[sflag:s5] =	ssyncadd.s32 @!p0 $0xFFFFFFFF  }
0xb3: {  	s25 =	simm.s32 $0x1B8E;
	s24 =	sld [smem:$0x3FFE];
	[sflag:s4] =	ssyncadd.remote.s32 @!p0 $0x1  }
0xb4: {  	s26 =	simm.s32 $execute0_lowered;
	[smem:$0x3FD2] =	sst s25  }
0xb5: {  	s5 =	sshll.u32 s26, $0x1;
	_ =	strace $0x80000049;
	[dreg:$0x1] =	wrdreg $0xFFFFFFFF  }
0xb6: {  	s28 =	simm.s32 $_size_execute0_lowered;
	s3 =	sadd.s32 s3, s5;
	[dreg:$0x0] =	wrdreg $0x0  }
0xb7: {  	s5 =	sshll.u32 s28, $0x1;
	[dreg:$0x2] =	wrdreg s3  }
0xb8: {  	[dreg:$0x3] =	wrdreg s5  }
0xb9: {  	[dreg:$0x4] =	wrdreg $0xC0  }
0xba: {  	_ =	task [dreg:s22], $0x5FFFF  }
0xbb: {  	[dreg:$0x1] =	wrdreg $0xFFFFFFFF  }
0xbc: {  	[dreg:$0x0] =	wrdreg $0x60  }
0xbd: {  	[dreg:$0x2] =	wrdreg s24  }
0xbe: {  	[dreg:$0x3] =	wrdreg $0x15A000  }
0xbf: {  	[dreg:$0x4] =	wrdreg $0x9  }
0xc0: {  	_ =	task.clear_ibuf [dreg:s22], $0x5FFFF;
	_ =	strace $0x90000049  }
0xc1: {  	s29 =	simm.s32 $0x9;
	_ =	strace $0x8000004B  }
0xc2: {  	_ =	swait.ge [sflag:s29], $0x1  }
0xc3: {  	[sflag:s29] =	ssyncadd.s32 $0xFFFFFFFF  }
0xc4: {  	_ =	strace $0x9000004B  }
0xc5: {  	_ =	sfence  }
0xc6: {  	s30 =	sld [smem:$0x0];
	_ =	sdelay $0x2  }
0xc7: {  	s31 =	sshll.u32 s1, $0xD;
	s1 =	sshrl.u32 s1, $0x2  }
0xc8: {  	s4 =	sand.u32 $0x4000, s31;
	s1 =	sadd.s32 s1, s30  }
0xc9: {  	s0 =	sor.u32 s4, s0;
	s1 =	sshll.u32 s1, $0x11  }
0xca: {  	s0 =	sor.u32 s1, s0  }
0xcb: {  	s0 =	sadd.s32 $0x8F2B, s0  }
0xcc: {  	[sflag:s0] =	ssyncadd.remote.s32 $0x1  }
0xcd: {  	_ =	sfence.sel $0xFFFF  }
0xce: {  	[dreg:$0x0] =	wrdreg $0xFFFFFFFF;
	(pc) =	sbr.abs _section_cstart, $3  }
0xcf: {  	[dreg:$0x1] =	wrdreg $0xFFFFFFFF  }
0xd0: {  	_ =	task.clear_ibuf [dreg:s22], $0x2FFFF;
	_ =	strace $0x9FFFFFFF  }
0xd1: {  	(tm) =	ssettm $0x7FFFFFFF  }
tec
execute0_lowered:
.L_overlay_start_1:
0x0: {  	(tag) =	ssettag $0x1  }
0x1: {  	s0 =	srdreg.scid;
	s1 =	rddreg [dreg:$0x0]  }
0x2: {  	s2 =	rddreg [dreg:$0x1];
	s7 =	stileid.u32;
	s4 =	simm.s32 $0x0  }
0x3: {  	s18 =	simm.s32 $0x5;
	s28 =	simm.s32 $0x1;
	s29 =	simm.s32 $0xCD00  }
0x4: {  	s30 =	simm.s32 $0xEC40;
	s31 =	simm.s32 $0x10B80;
	s19 =	simm.s32 $0x2  }
0x5: {  	s0 =	sand.u32 $0x1, s0;
	[smem:$0x7FF] =	sst s4;
	s6 =	smul.u32 $0x28000, s7  }
0x6: {  	s4 =	sadd.s32 $0x53A00, s1;
	s8 =	smul.u32 $0xA000, s7;
	s3 =	sshll.u32 s0, $0x4  }
0x7: {  	_ =	strace $0x8000004A;
	s5 =	smul.u32 $0x14000, s0;
	s0 =	ssub.s32 $0x2, s0  }
0x8: {  	s3 =	sor.u32 s7, s3;
	s20 =	sshrl.u32 s0, $0x1;
	s22 =	sshrl.u32 s6, $0x2  }
0x9: {  	s7 =	sadd.s32 s8, s2;
	s26 =	sshrl.u32 s8, $0x3;
	s3 =	smul.u32 $0x500, s3  }
0xa: {  	s0 =	ssub.s32 s0, s20;
	s23 =	sadd.s32 s22, s2;
	s20 =	simm.s32 $0x14A00  }
0xb: {  	s22 =	simm.s32 $0x5000;
	s24 =	sadd.s32 $0x2000, s23;
	s25 =	sadd.s32 $0x3000, s23  }
0xc: {  	s11 =	sadd.s32 $0x4000, s23;
	s12 =	sadd.s32 $0x5000, s23;
	s13 =	sadd.s32 $0x6000, s23  }
0xd: {  	s14 =	sadd.s32 $0x7000, s23;
	s15 =	sadd.s32 $0x8000, s23;
	s16 =	sadd.s32 $0x9000, s23  }
0xe: {  	s17 =	smax.u32 s0, $0x1;
	s0 =	simm.s32 $0x12AC0;
	s3 =	sadd.s32 s3, s1  }
0xf: {  	s1 =	sadd.s32 s5, s1;
	s5 =	sadd.s32 $0x1000, s23;
	[dreg:$0x6] =	wrdreg s24  }
0x10: {  	[dreg:$0x7] =	wrdreg s25;
	s23 =	simm.s32 $0x6F40;
	s25 =	simm.s32 $0x8E80  }
0x11: {  	s21 =	sadd.s32 $0xE000, s3;
	s3 =	sadd.s32 $0x4000, s3;
	[dreg:$0x5] =	wrdreg s5  }
0x12: {  	s1 =	sadd.s32 $0x67400, s1;
	s5 =	simm.s32 $0x0;
	[dreg:$0x3] =	wrdreg s21  }
0x13: {  	[dreg:$0x4] =	wrdreg s3;
	s21 =	simm.s32 $0x7D;
	s24 =	sadd.s32 s26, s1  }
0x14: {  	v0 =	vimm.f32 $0.0e+00;
	s26 =	simm.s32 $0xADC0;
	s1 =	simm.s32 $0x3;
	s3 =	simm.s32 $0x4  }
.LBB2_1:
0x15: {  	s6 =	simm.s32 $0x0;
	s8 =	rddreg [dreg:$0x3]  }
0x16: {  	[tilespmem:s6], [sflag:$0x5] =	stream.linear.gather [hbm4b:s8+s6], $0x2800, $0x38;
	[tilespmem:$0x1FA00] =	vst v63  }
0x17: {  	_ =	swait.ge [sflag:s18], $0x2800  }
0x18: {  	[sflag:s18] =	ssyncset.done $0x0  }
0x19: {  	s9 =	simm.s32 $0x2800;
	s10 =	rddreg [dreg:$0x4];
	[sflag:s18] =	ssyncadd.s32 $0xFFFFD800  }
0x1a: {  	[tilespmem:s9], [sflag:$0x5] =	stream.linear.gather [hbm4b:s10+s6], $0x2800, $0x38;
	[tilespmem:$0x1FA00] =	vst v63  }
0x1b: {  	_ =	swait.ge [sflag:s18], $0x2800  }
0x1c: {  	[sflag:s18] =	ssyncset.done $0x0  }
0x1d: {  	s8 =	simm.s32 $0x100;
	s6 =	simm.s32 $0x0;
	[sflag:s18] =	ssyncadd.s32 $0xFFFFD800  }
.LBB2_2:
0x1e: {  	p0 =	sne.s32 s8, $0x3F00;
	[tilespmem:s6+$0x14A30] =	vst v0;
	s9 =	smov.u32 s8;
	s8 =	sadd.s32 $0x100, s8  }
.Ltmp0:
0x1f: {  	[tilespmem:s6+$0x14A20] =	vst v0;
	(pc) =	sbr.rel @p0 .LBB2_2-.Ltmp0, $3  }
0x20: {  	[tilespmem:s6+$0x14A00] =	vst v0  }
0x21: {  	[tilespmem:s6+$0x14A10] =	vst v0;
	_ =	sdelay $0x1  }
0x22: {  	s6 =	sshra.s32 s9, $0x2  }
0x23: {  	[tilespmem:s6+$0x14A30] =	vst v0  }
0x24: {  	[tilespmem:s6+$0x14A20] =	vst v0  }
0x25: {  	[tilespmem:s6+$0x14A00] =	vst v0  }
0x26: {  	[tilespmem:s6+$0x14A10] =	vst v0  }
0x27: {  	[spmem:s7] =	stream.linear.scatter [tilespmem:s20], [sflag:$0x5], $0x1000, $0x38;
	[tilespmem:$0x1FA00] =	vst v63  }
0x28: {  	_ =	swait.ge [sflag:s18], $0x1000  }
0x29: {  	[sflag:s18] =	ssyncset.done $0x0  }
0x2a: {  	s10 =	rddreg [dreg:$0x5];
	[sflag:s18] =	ssyncadd.s32 $0xFFFFF000  }
0x2b: {  	[spmem:s10] =	stream.linear.scatter [tilespmem:s20], [sflag:$0x5], $0x1000, $0x38;
	[tilespmem:$0x1FA00] =	vst v63  }
0x2c: {  	_ =	swait.ge [sflag:s18], $0x1000  }
0x2d: {  	[sflag:s18] =	ssyncset.done $0x0  }
0x2e: {  	s8 =	rddreg [dreg:$0x6];
	[sflag:s18] =	ssyncadd.s32 $0xFFFFF000  }
0x2f: {  	[spmem:s8] =	stream.linear.scatter [tilespmem:s20], [sflag:$0x5], $0x1000, $0x38;
	[tilespmem:$0x1FA00] =	vst v63  }
0x30: {  	_ =	swait.ge [sflag:s18], $0x1000  }
0x31: {  	[sflag:s18] =	ssyncset.done $0x0  }
0x32: {  	s9 =	rddreg [dreg:$0x7];
	[sflag:s18] =	ssyncadd.s32 $0xFFFFF000  }
0x33: {  	[spmem:s9] =	stream.linear.scatter [tilespmem:s20], [sflag:$0x5], $0x1000, $0x38;
	[tilespmem:$0x1FA00] =	vst v63  }
0x34: {  	_ =	swait.ge [sflag:s18], $0x1000  }
0x35: {  	[sflag:s18] =	ssyncset.done $0x0  }
0x36: {  	[sflag:s18] =	ssyncadd.s32 $0xFFFFF000  }
0x37: {  	[spmem:s11] =	stream.linear.scatter [tilespmem:s20], [sflag:$0x5], $0x1000, $0x38;
	[tilespmem:$0x1FA00] =	vst v63  }
0x38: {  	_ =	swait.ge [sflag:s18], $0x1000  }
0x39: {  	[sflag:s18] =	ssyncset.done $0x0  }
0x3a: {  	[sflag:s18] =	ssyncadd.s32 $0xFFFFF000  }
0x3b: {  	[spmem:s12] =	stream.linear.scatter [tilespmem:s20], [sflag:$0x5], $0x1000, $0x38;
	[tilespmem:$0x1FA00] =	vst v63  }
0x3c: {  	_ =	swait.ge [sflag:s18], $0x1000  }
0x3d: {  	[sflag:s18] =	ssyncset.done $0x0  }
0x3e: {  	[sflag:s18] =	ssyncadd.s32 $0xFFFFF000  }
0x3f: {  	[spmem:s13] =	stream.linear.scatter [tilespmem:s20], [sflag:$0x5], $0x1000, $0x38;
	[tilespmem:$0x1FA00] =	vst v63  }
0x40: {  	_ =	swait.ge [sflag:s18], $0x1000  }
0x41: {  	[sflag:s18] =	ssyncset.done $0x0  }
0x42: {  	[sflag:s18] =	ssyncadd.s32 $0xFFFFF000  }
0x43: {  	[spmem:s14] =	stream.linear.scatter [tilespmem:s20], [sflag:$0x5], $0x1000, $0x38;
	[tilespmem:$0x1FA00] =	vst v63  }
0x44: {  	_ =	swait.ge [sflag:s18], $0x1000  }
0x45: {  	[sflag:s18] =	ssyncset.done $0x0  }
0x46: {  	[sflag:s18] =	ssyncadd.s32 $0xFFFFF000  }
0x47: {  	[spmem:s15] =	stream.linear.scatter [tilespmem:s20], [sflag:$0x5], $0x1000, $0x38;
	[tilespmem:$0x1FA00] =	vst v63  }
0x48: {  	_ =	swait.ge [sflag:s18], $0x1000  }
0x49: {  	[sflag:s18] =	ssyncset.done $0x0  }
0x4a: {  	[sflag:s18] =	ssyncadd.s32 $0xFFFFF000  }
0x4b: {  	[spmem:s16] =	stream.linear.scatter [tilespmem:s20], [sflag:$0x5], $0x1000, $0x38;
	[tilespmem:$0x1FA00] =	vst v63  }
0x4c: {  	_ =	swait.ge [sflag:s18], $0x1000  }
0x4d: {  	[sflag:s18] =	ssyncset.done $0x0  }
0x4e: {  	[sflag:s18] =	ssyncadd.s32 $0xFFFFF000  }
0x4f: {  	s10 =	simm.s32 $0x0;
	[bflag:$0x0] =	sbarrier.arrive $0xFFFF  }
0x50: {  	[tilespmem:s22], [sflag:$0x1] =	stream.indirect.gather [hbm4b:s4+s21], $0x40, s10, s21, $0xb8;
	[tilespmem:$0x1FA00] =	vst v63  }
0x51: {  	s8 =	simm.s32 $0x80  }
0x52: {  	[tilespmem:s23], [sflag:$0x1] =	stream.indirect.gather [hbm4b:s4+s21], $0x40, s8, s21, $0xb8;
	[tilespmem:$0x1FA00] =	vst v63  }
0x53: {  	s9 =	simm.s32 $0x100  }
0x54: {  	[tilespmem:s25], [sflag:$0x1] =	stream.indirect.gather [hbm4b:s4+s21], $0x40, s9, s21, $0xb8;
	[tilespmem:$0x1FA00] =	vst v63  }
0x55: {  	s10 =	simm.s32 $0x180  }
0x56: {  	[tilespmem:s26], [sflag:$0x1] =	stream.indirect.gather [hbm4b:s4+s21], $0x40, s10, s21, $0xb8;
	[tilespmem:$0x1FA00] =	vst v63  }
0x57: {  	_ =	swait.ge [sflag:s28], $0x1F40  }
0x58: {  	[sflag:s28] =	ssyncset.done $0x0  }
0x59: {  	[sflag:s28] =	ssyncadd.s32 $0xFFFFE0C0  }
0x5a: {  	_ =	swait.ge [sflag:s28], $0x1F40  }
0x5b: {  	[sflag:s28] =	ssyncset.done $0x0  }
0x5c: {  	[sflag:s28] =	ssyncadd.s32 $0xFFFFE0C0  }
0x5d: {  	_ =	swait.ge [sflag:s28], $0x1F40  }
0x5e: {  	[sflag:s28] =	ssyncset.done $0x0  }
0x5f: {  	[sflag:s28] =	ssyncadd.s32 $0xFFFFE0C0  }
0x60: {  	_ =	swait.ge [sflag:s28], $0x1F40  }
0x61: {  	[sflag:s28] =	ssyncset.done $0x0  }
0x62: {  	s8 =	simm.s32 $0x2800;
	[sflag:s28] =	ssyncadd.s32 $0xFFFFE0C0  }
0x63: {  	[spmem:s2] =	stream.indirect.scatter.add.f32 [tilespmem:s22], [sflag:$0x3], $0x40, s8, s21, $0xb8;
	[tilespmem:$0x1FA00] =	vst v63  }
0x64: {  	s9 =	simm.s32 $0x2880  }
0x65: {  	[spmem:s2] =	stream.indirect.scatter.add.f32 [tilespmem:s23], [sflag:$0x3], $0x40, s9, s21, $0xb8;
	[tilespmem:$0x1FA00] =	vst v63  }
0x66: {  	s10 =	simm.s32 $0x2900  }
0x67: {  	[spmem:s2] =	stream.indirect.scatter.add.f32 [tilespmem:s25], [sflag:$0x3], $0x40, s10, s21, $0xb8;
	[tilespmem:$0x1FA00] =	vst v63  }
0x68: {  	s8 =	simm.s32 $0x2980  }
0x69: {  	[spmem:s2] =	stream.indirect.scatter.add.f32 [tilespmem:s26], [sflag:$0x3], $0x40, s8, s21, $0xb8;
	[tilespmem:$0x1FA00] =	vst v63  }
0x6a: {  	s9 =	simm.s32 $0x200  }
0x6b: {  	[tilespmem:s29], [sflag:$0x2] =	stream.indirect.gather [hbm4b:s4+s21], $0x40, s9, s21, $0xb8;
	[tilespmem:$0x1FA00] =	vst v63  }
0x6c: {  	s10 =	simm.s32 $0x280  }
0x6d: {  	[tilespmem:s30], [sflag:$0x2] =	stream.indirect.gather [hbm4b:s4+s21], $0x40, s10, s21, $0xb8;
	[tilespmem:$0x1FA00] =	vst v63  }
0x6e: {  	s8 =	simm.s32 $0x300  }
0x6f: {  	[tilespmem:s31], [sflag:$0x2] =	stream.indirect.gather [hbm4b:s4+s21], $0x40, s8, s21, $0xb8;
	[tilespmem:$0x1FA00] =	vst v63  }
0x70: {  	s9 =	simm.s32 $0x380  }
0x71: {  	[tilespmem:s0], [sflag:$0x2] =	stream.indirect.gather [hbm4b:s4+s21], $0x40, s9, s21, $0xb8;
	[tilespmem:$0x1FA00] =	vst v63  }
0x72: {  	_ =	swait.ge [sflag:s19], $0x1F40  }
0x73: {  	[sflag:s19] =	ssyncset.done $0x0  }
0x74: {  	[sflag:s19] =	ssyncadd.s32 $0xFFFFE0C0  }
0x75: {  	_ =	swait.ge [sflag:s19], $0x1F40  }
0x76: {  	[sflag:s19] =	ssyncset.done $0x0  }
0x77: {  	[sflag:s19] =	ssyncadd.s32 $0xFFFFE0C0  }
0x78: {  	_ =	swait.ge [sflag:s19], $0x1F40  }
0x79: {  	[sflag:s19] =	ssyncset.done $0x0  }
0x7a: {  	[sflag:s19] =	ssyncadd.s32 $0xFFFFE0C0  }
0x7b: {  	_ =	swait.ge [sflag:s19], $0x1F40  }
0x7c: {  	[sflag:s19] =	ssyncset.done $0x0  }
0x7d: {  	[sflag:s19] =	ssyncadd.s32 $0xFFFFE0C0  }
0x7e: {  	_ =	swait.ge [sflag:s1], $0x1F40  }
0x7f: {  	[sflag:s1] =	ssyncset.done $0x0  }
0x80: {  	[sflag:s1] =	ssyncadd.s32 $0xFFFFE0C0  }
0x81: {  	_ =	swait.ge [sflag:s1], $0x1F40  }
0x82: {  	[sflag:s1] =	ssyncset.done $0x0  }
0x83: {  	[sflag:s1] =	ssyncadd.s32 $0xFFFFE0C0  }
0x84: {  	_ =	swait.ge [sflag:s1], $0x1F40  }
0x85: {  	[sflag:s1] =	ssyncset.done $0x0  }
0x86: {  	[sflag:s1] =	ssyncadd.s32 $0xFFFFE0C0  }
0x87: {  	_ =	swait.ge [sflag:s1], $0x1F40  }
0x88: {  	[sflag:s1] =	ssyncset.done $0x0  }
0x89: {  	s10 =	simm.s32 $0x2A00;
	[sflag:s1] =	ssyncadd.s32 $0xFFFFE0C0  }
0x8a: {  	[spmem:s2] =	stream.indirect.scatter.add.f32 [tilespmem:s29], [sflag:$0x4], $0x40, s10, s21, $0xb8;
	[tilespmem:$0x1FA00] =	vst v63  }
0x8b: {  	s8 =	simm.s32 $0x2A80  }
0x8c: {  	[spmem:s2] =	stream.indirect.scatter.add.f32 [tilespmem:s30], [sflag:$0x4], $0x40, s8, s21, $0xb8;
	[tilespmem:$0x1FA00] =	vst v63  }
0x8d: {  	s9 =	simm.s32 $0x2B00  }
0x8e: {  	[spmem:s2] =	stream.indirect.scatter.add.f32 [tilespmem:s31], [sflag:$0x4], $0x40, s9, s21, $0xb8;
	[tilespmem:$0x1FA00] =	vst v63  }
0x8f: {  	s10 =	simm.s32 $0x2B80  }
0x90: {  	[spmem:s2] =	stream.indirect.scatter.add.f32 [tilespmem:s0], [sflag:$0x4], $0x40, s10, s21, $0xb8;
	[tilespmem:$0x1FA00] =	vst v63  }
0x91: {  	_ =	swait.ge [sflag:s3], $0x1F40  }
0x92: {  	[sflag:s3] =	ssyncset.done $0x0  }
0x93: {  	[sflag:s3] =	ssyncadd.s32 $0xFFFFE0C0  }
0x94: {  	_ =	swait.ge [sflag:s3], $0x1F40  }
0x95: {  	[sflag:s3] =	ssyncset.done $0x0  }
0x96: {  	[sflag:s3] =	ssyncadd.s32 $0xFFFFE0C0  }
0x97: {  	_ =	swait.ge [sflag:s3], $0x1F40  }
0x98: {  	[sflag:s3] =	ssyncset.done $0x0  }
0x99: {  	[sflag:s3] =	ssyncadd.s32 $0xFFFFE0C0  }
0x9a: {  	_ =	swait.ge [sflag:s3], $0x1F40  }
0x9b: {  	s6 =	simm.s32 $0x1000;
	s8 =	simm.s32 $0x2000;
	[sflag:s3] =	ssyncset.done $0x0  }
.LBB2_4:
0x9c: {  	s9 =	sshra.s32 s6, $0x2  }
0x9d: {  	[sflag:s3] =	ssyncadd.s32 $0xFFFFE0C0;
	s6 =	smov.u32 s8;
	s10 =	sadd.s32 $0x1000, s8  }
0x9e: {  	[tilespmem:s22], [sflag:$0x1] =	stream.indirect.gather [hbm4b:s4+s21], $0x40, s9, s21, $0xb8;
	[tilespmem:$0x1FA00] =	vst v63  }
0x9f: {  	p0 =	sne.s32 s8, $0x9000;
	s8 =	sadd.s32 $0x80, s9  }
0xa0: {  	[tilespmem:s23], [sflag:$0x1] =	stream.indirect.gather [hbm4b:s4+s21], $0x40, s8, s21, $0xb8;
	[tilespmem:$0x1FA00] =	vst v63  }
0xa1: {  	s8 =	sadd.s32 $0x100, s9  }
0xa2: {  	[tilespmem:s25], [sflag:$0x1] =	stream.indirect.gather [hbm4b:s4+s21], $0x40, s8, s21, $0xb8;
	[tilespmem:$0x1FA00] =	vst v63  }
0xa3: {  	s8 =	sadd.s32 $0x180, s9  }
0xa4: {  	[tilespmem:s26], [sflag:$0x1] =	stream.indirect.gather [hbm4b:s4+s21], $0x40, s8, s21, $0xb8;
	[tilespmem:$0x1FA00] =	vst v63  }
0xa5: {  	_ =	swait.ge [sflag:s28], $0x1F40  }
0xa6: {  	[sflag:s28] =	ssyncset.done $0x0  }
0xa7: {  	[sflag:s28] =	ssyncadd.s32 $0xFFFFE0C0  }
0xa8: {  	_ =	swait.ge [sflag:s28], $0x1F40  }
0xa9: {  	[sflag:s28] =	ssyncset.done $0x0  }
0xaa: {  	[sflag:s28] =	ssyncadd.s32 $0xFFFFE0C0  }
0xab: {  	_ =	swait.ge [sflag:s28], $0x1F40  }
0xac: {  	[sflag:s28] =	ssyncset.done $0x0  }
0xad: {  	[sflag:s28] =	ssyncadd.s32 $0xFFFFE0C0  }
0xae: {  	_ =	swait.ge [sflag:s28], $0x1F40  }
0xaf: {  	[sflag:s28] =	ssyncset.done $0x0  }
0xb0: {  	s8 =	sadd.s32 $0x2800, s9;
	[sflag:s28] =	ssyncadd.s32 $0xFFFFE0C0  }
0xb1: {  	[spmem:s2] =	stream.indirect.scatter.add.f32 [tilespmem:s22], [sflag:$0x3], $0x40, s8, s21, $0xb8;
	[tilespmem:$0x1FA00] =	vst v63  }
0xb2: {  	s8 =	sadd.s32 $0x2880, s9  }
0xb3: {  	[spmem:s2] =	stream.indirect.scatter.add.f32 [tilespmem:s23], [sflag:$0x3], $0x40, s8, s21, $0xb8;
	[tilespmem:$0x1FA00] =	vst v63  }
0xb4: {  	s8 =	sadd.s32 $0x2900, s9  }
0xb5: {  	[spmem:s2] =	stream.indirect.scatter.add.f32 [tilespmem:s25], [sflag:$0x3], $0x40, s8, s21, $0xb8;
	[tilespmem:$0x1FA00] =	vst v63  }
0xb6: {  	s8 =	sadd.s32 $0x2980, s9  }
0xb7: {  	[spmem:s2] =	stream.indirect.scatter.add.f32 [tilespmem:s26], [sflag:$0x3], $0x40, s8, s21, $0xb8;
	[tilespmem:$0x1FA00] =	vst v63  }
0xb8: {  	s8 =	sadd.s32 $0x200, s9  }
0xb9: {  	[tilespmem:s29], [sflag:$0x2] =	stream.indirect.gather [hbm4b:s4+s21], $0x40, s8, s21, $0xb8;
	[tilespmem:$0x1FA00] =	vst v63  }
0xba: {  	s8 =	sadd.s32 $0x280, s9  }
0xbb: {  	[tilespmem:s30], [sflag:$0x2] =	stream.indirect.gather [hbm4b:s4+s21], $0x40, s8, s21, $0xb8;
	[tilespmem:$0x1FA00] =	vst v63  }
0xbc: {  	s8 =	sadd.s32 $0x300, s9  }
0xbd: {  	[tilespmem:s31], [sflag:$0x2] =	stream.indirect.gather [hbm4b:s4+s21], $0x40, s8, s21, $0xb8;
	[tilespmem:$0x1FA00] =	vst v63  }
0xbe: {  	s8 =	sadd.s32 $0x380, s9  }
0xbf: {  	[tilespmem:s0], [sflag:$0x2] =	stream.indirect.gather [hbm4b:s4+s21], $0x40, s8, s21, $0xb8;
	[tilespmem:$0x1FA00] =	vst v63  }
0xc0: {  	_ =	swait.ge [sflag:s19], $0x1F40  }
0xc1: {  	[sflag:s19] =	ssyncset.done $0x0  }
0xc2: {  	[sflag:s19] =	ssyncadd.s32 $0xFFFFE0C0  }
0xc3: {  	_ =	swait.ge [sflag:s19], $0x1F40  }
0xc4: {  	[sflag:s19] =	ssyncset.done $0x0  }
0xc5: {  	[sflag:s19] =	ssyncadd.s32 $0xFFFFE0C0  }
0xc6: {  	_ =	swait.ge [sflag:s19], $0x1F40  }
0xc7: {  	[sflag:s19] =	ssyncset.done $0x0  }
0xc8: {  	[sflag:s19] =	ssyncadd.s32 $0xFFFFE0C0  }
0xc9: {  	_ =	swait.ge [sflag:s19], $0x1F40  }
0xca: {  	[sflag:s19] =	ssyncset.done $0x0  }
0xcb: {  	[sflag:s19] =	ssyncadd.s32 $0xFFFFE0C0  }
0xcc: {  	_ =	swait.ge [sflag:s1], $0x1F40  }
0xcd: {  	[sflag:s1] =	ssyncset.done $0x0  }
0xce: {  	[sflag:s1] =	ssyncadd.s32 $0xFFFFE0C0  }
0xcf: {  	_ =	swait.ge [sflag:s1], $0x1F40  }
0xd0: {  	[sflag:s1] =	ssyncset.done $0x0  }
0xd1: {  	[sflag:s1] =	ssyncadd.s32 $0xFFFFE0C0  }
0xd2: {  	_ =	swait.ge [sflag:s1], $0x1F40  }
0xd3: {  	[sflag:s1] =	ssyncset.done $0x0  }
0xd4: {  	[sflag:s1] =	ssyncadd.s32 $0xFFFFE0C0  }
0xd5: {  	_ =	swait.ge [sflag:s1], $0x1F40  }
0xd6: {  	[sflag:s1] =	ssyncset.done $0x0  }
0xd7: {  	s8 =	sadd.s32 $0x2A00, s9;
	[sflag:s1] =	ssyncadd.s32 $0xFFFFE0C0  }
0xd8: {  	[spmem:s2] =	stream.indirect.scatter.add.f32 [tilespmem:s29], [sflag:$0x4], $0x40, s8, s21, $0xb8;
	[tilespmem:$0x1FA00] =	vst v63  }
0xd9: {  	s8 =	sadd.s32 $0x2A80, s9  }
0xda: {  	[spmem:s2] =	stream.indirect.scatter.add.f32 [tilespmem:s30], [sflag:$0x4], $0x40, s8, s21, $0xb8;
	[tilespmem:$0x1FA00] =	vst v63  }
0xdb: {  	s8 =	sadd.s32 $0x2B00, s9  }
0xdc: {  	[spmem:s2] =	stream.indirect.scatter.add.f32 [tilespmem:s31], [sflag:$0x4], $0x40, s8, s21, $0xb8;
	[tilespmem:$0x1FA00] =	vst v63  }
0xdd: {  	s8 =	sadd.s32 $0x2B80, s9  }
0xde: {  	[spmem:s2] =	stream.indirect.scatter.add.f32 [tilespmem:s0], [sflag:$0x4], $0x40, s8, s21, $0xb8;
	[tilespmem:$0x1FA00] =	vst v63  }
0xdf: {  	_ =	swait.ge [sflag:s3], $0x1F40  }
0xe0: {  	[sflag:s3] =	ssyncset.done $0x0  }
0xe1: {  	[sflag:s3] =	ssyncadd.s32 $0xFFFFE0C0  }
0xe2: {  	_ =	swait.ge [sflag:s3], $0x1F40  }
0xe3: {  	[sflag:s3] =	ssyncset.done $0x0  }
0xe4: {  	[sflag:s3] =	ssyncadd.s32 $0xFFFFE0C0  }
.Ltmp1:
0xe5: {  	_ =	swait.ge [sflag:s3], $0x1F40;
	(pc) =	sbr.rel @p0 .LBB2_4-.Ltmp1, $4  }
0xe6: {  	[sflag:s3] =	ssyncset.done $0x0  }
0xe7: {  	[sflag:s3] =	ssyncadd.s32 $0xFFFFE0C0  }
0xe8: {  	_ =	swait.ge [sflag:s3], $0x1F40  }
0xe9: {  	s8 =	smov.u32 s10;
	[sflag:s3] =	ssyncset.done $0x0  }
0xea: {  	s6 =	sshra.s32 s6, $0x2;
	[sflag:s3] =	ssyncadd.s32 $0xFFFFE0C0  }
0xeb: {  	[tilespmem:s22], [sflag:$0x1] =	stream.indirect.gather [hbm4b:s4+s21], $0x40, s6, s21, $0xb8;
	[tilespmem:$0x1FA00] =	vst v63  }
0xec: {  	s8 =	sadd.s32 $0x80, s6  }
0xed: {  	[tilespmem:s23], [sflag:$0x1] =	stream.indirect.gather [hbm4b:s4+s21], $0x40, s8, s21, $0xb8;
	[tilespmem:$0x1FA00] =	vst v63  }
0xee: {  	s10 =	sadd.s32 $0x100, s6  }
0xef: {  	[tilespmem:s25], [sflag:$0x1] =	stream.indirect.gather [hbm4b:s4+s21], $0x40, s10, s21, $0xb8;
	[tilespmem:$0x1FA00] =	vst v63  }
0xf0: {  	s9 =	sadd.s32 $0x180, s6  }
0xf1: {  	[tilespmem:s26], [sflag:$0x1] =	stream.indirect.gather [hbm4b:s4+s21], $0x40, s9, s21, $0xb8;
	[tilespmem:$0x1FA00] =	vst v63  }
0xf2: {  	_ =	swait.ge [sflag:s28], $0x1F40  }
0xf3: {  	[sflag:s28] =	ssyncset.done $0x0  }
0xf4: {  	[sflag:s28] =	ssyncadd.s32 $0xFFFFE0C0  }
0xf5: {  	_ =	swait.ge [sflag:s28], $0x1F40  }
0xf6: {  	[sflag:s28] =	ssyncset.done $0x0  }
0xf7: {  	[sflag:s28] =	ssyncadd.s32 $0xFFFFE0C0  }
0xf8: {  	_ =	swait.ge [sflag:s28], $0x1F40  }
0xf9: {  	[sflag:s28] =	ssyncset.done $0x0  }
0xfa: {  	[sflag:s28] =	ssyncadd.s32 $0xFFFFE0C0  }
0xfb: {  	_ =	swait.ge [sflag:s28], $0x1F40  }
0xfc: {  	[sflag:s28] =	ssyncset.done $0x0  }
0xfd: {  	s10 =	sadd.s32 $0x2800, s6;
	[sflag:s28] =	ssyncadd.s32 $0xFFFFE0C0  }
0xfe: {  	[spmem:s2] =	stream.indirect.scatter.add.f32 [tilespmem:s22], [sflag:$0x3], $0x40, s10, s21, $0xb8;
	[tilespmem:$0x1FA00] =	vst v63  }
0xff: {  	s9 =	sadd.s32 $0x2880, s6  }
0x100: {  	[spmem:s2] =	stream.indirect.scatter.add.f32 [tilespmem:s23], [sflag:$0x3], $0x40, s9, s21, $0xb8;
	[tilespmem:$0x1FA00] =	vst v63  }
0x101: {  	s10 =	sadd.s32 $0x2900, s6  }
0x102: {  	[spmem:s2] =	stream.indirect.scatter.add.f32 [tilespmem:s25], [sflag:$0x3], $0x40, s10, s21, $0xb8;
	[tilespmem:$0x1FA00] =	vst v63  }
0x103: {  	s9 =	sadd.s32 $0x2980, s6  }
0x104: {  	[spmem:s2] =	stream.indirect.scatter.add.f32 [tilespmem:s26], [sflag:$0x3], $0x40, s9, s21, $0xb8;
	[tilespmem:$0x1FA00] =	vst v63  }
0x105: {  	s10 =	sadd.s32 $0x200, s6  }
0x106: {  	[tilespmem:s29], [sflag:$0x2] =	stream.indirect.gather [hbm4b:s4+s21], $0x40, s10, s21, $0xb8;
	[tilespmem:$0x1FA00] =	vst v63  }
0x107: {  	s9 =	sadd.s32 $0x280, s6  }
0x108: {  	[tilespmem:s30], [sflag:$0x2] =	stream.indirect.gather [hbm4b:s4+s21], $0x40, s9, s21, $0xb8;
	[tilespmem:$0x1FA00] =	vst v63  }
0x109: {  	s10 =	sadd.s32 $0x300, s6  }
0x10a: {  	[tilespmem:s31], [sflag:$0x2] =	stream.indirect.gather [hbm4b:s4+s21], $0x40, s10, s21, $0xb8;
	[tilespmem:$0x1FA00] =	vst v63  }
0x10b: {  	s9 =	sadd.s32 $0x380, s6  }
0x10c: {  	[tilespmem:s0], [sflag:$0x2] =	stream.indirect.gather [hbm4b:s4+s21], $0x40, s9, s21, $0xb8;
	[tilespmem:$0x1FA00] =	vst v63  }
0x10d: {  	_ =	swait.ge [sflag:s19], $0x1F40  }
0x10e: {  	[sflag:s19] =	ssyncset.done $0x0  }
0x10f: {  	[sflag:s19] =	ssyncadd.s32 $0xFFFFE0C0  }
0x110: {  	_ =	swait.ge [sflag:s19], $0x1F40  }
0x111: {  	[sflag:s19] =	ssyncset.done $0x0  }
0x112: {  	[sflag:s19] =	ssyncadd.s32 $0xFFFFE0C0  }
0x113: {  	_ =	swait.ge [sflag:s19], $0x1F40  }
0x114: {  	[sflag:s19] =	ssyncset.done $0x0  }
0x115: {  	[sflag:s19] =	ssyncadd.s32 $0xFFFFE0C0  }
0x116: {  	_ =	swait.ge [sflag:s19], $0x1F40  }
0x117: {  	[sflag:s19] =	ssyncset.done $0x0  }
0x118: {  	[sflag:s19] =	ssyncadd.s32 $0xFFFFE0C0  }
0x119: {  	_ =	swait.ge [sflag:s1], $0x1F40  }
0x11a: {  	[sflag:s1] =	ssyncset.done $0x0  }
0x11b: {  	[sflag:s1] =	ssyncadd.s32 $0xFFFFE0C0  }
0x11c: {  	_ =	swait.ge [sflag:s1], $0x1F40  }
0x11d: {  	[sflag:s1] =	ssyncset.done $0x0  }
0x11e: {  	[sflag:s1] =	ssyncadd.s32 $0xFFFFE0C0  }
0x11f: {  	_ =	swait.ge [sflag:s1], $0x1F40  }
0x120: {  	[sflag:s1] =	ssyncset.done $0x0  }
0x121: {  	[sflag:s1] =	ssyncadd.s32 $0xFFFFE0C0  }
0x122: {  	_ =	swait.ge [sflag:s1], $0x1F40  }
0x123: {  	[sflag:s1] =	ssyncset.done $0x0  }
0x124: {  	s10 =	sadd.s32 $0x2A00, s6;
	[sflag:s1] =	ssyncadd.s32 $0xFFFFE0C0  }
0x125: {  	[spmem:s2] =	stream.indirect.scatter.add.f32 [tilespmem:s29], [sflag:$0x4], $0x40, s10, s21, $0xb8;
	[tilespmem:$0x1FA00] =	vst v63  }
0x126: {  	s9 =	sadd.s32 $0x2A80, s6  }
0x127: {  	[spmem:s2] =	stream.indirect.scatter.add.f32 [tilespmem:s30], [sflag:$0x4], $0x40, s9, s21, $0xb8;
	[tilespmem:$0x1FA00] =	vst v63  }
0x128: {  	s10 =	sadd.s32 $0x2B00, s6  }
0x129: {  	[spmem:s2] =	stream.indirect.scatter.add.f32 [tilespmem:s31], [sflag:$0x4], $0x40, s10, s21, $0xb8;
	[tilespmem:$0x1FA00] =	vst v63  }
0x12a: {  	s6 =	sadd.s32 $0x2B80, s6  }
0x12b: {  	[spmem:s2] =	stream.indirect.scatter.add.f32 [tilespmem:s0], [sflag:$0x4], $0x40, s6, s21, $0xb8;
	[tilespmem:$0x1FA00] =	vst v63  }
0x12c: {  	_ =	swait.ge [sflag:s3], $0x1F40  }
0x12d: {  	[sflag:s3] =	ssyncset.done $0x0  }
0x12e: {  	[sflag:s3] =	ssyncadd.s32 $0xFFFFE0C0  }
0x12f: {  	_ =	swait.ge [sflag:s3], $0x1F40  }
0x130: {  	[sflag:s3] =	ssyncset.done $0x0  }
0x131: {  	[sflag:s3] =	ssyncadd.s32 $0xFFFFE0C0  }
0x132: {  	_ =	swait.ge [sflag:s3], $0x1F40  }
0x133: {  	[sflag:s3] =	ssyncset.done $0x0  }
0x134: {  	[sflag:s3] =	ssyncadd.s32 $0xFFFFE0C0  }
0x135: {  	s5 =	sadd.s32 $0x1, s5;
	_ =	swait.ge [sflag:s3], $0x1F40  }
0x136: {  	p0 =	sne.s32 s5, s17;
	s9 =	stileid.u32;
	[sflag:s3] =	ssyncset.done $0x0  }
0x137: {  	s10 =	sshrl.u32 s7, $0x3;
	s6 =	sshll.u32 s9, $0x6;
	[sflag:s3] =	ssyncadd.s32 $0xFFFFE0C0  }
.Ltmp2:
0x138: {  	s6 =	sor.u32 $0x1C05, s6;
	[bflag:$0x0] =	sbarrier.arrive $0xFFFF;
	(pc) =	sbr.rel @p0 .LBB2_1-.Ltmp2, $4  }
0x139: {  	[hbm:s24], [sflag:s6] =	dma.local [spmem:s10], $0x1400  }
0x13a: {  	_ =	swait.ge [sflag:s18], $0x1400  }
0x13b: {  	[sflag:s18] =	ssyncset.done $0x0  }
0x13c: {  	[sflag:s18] =	ssyncadd.s32 $0xFFFFEC00  }
0x13d: {  	_ =	sfence.sel $0x180000  }
0x13e: {  	[bflag:$0x0] =	sbarrier.arrive $0xFFFF  }
0x13f: {  	_ =	strace $0x9000004A  }
0x140: {  	s0 =	stileid.u32;
	[bflag:$0x2] =	sbarrier.arrive $0xFFFF  }
0x141: {  	p0 =	sne.s32 s0, $0x0;
	s0 =	rddreg [dreg:$0x2]  }
0x142: {  	s0 =	sadd.s32 @!p0 $0x100000, s0  }
0x143: {  	[sflag:s0] =	ssyncadd.tile.s32 @!p0 $0x1;
	_ =	shalt  }
.Lfunc_end2:
_tile_overlayer_lowered:
.L_overlay_start_2:
0x144: {  	(tag) =	ssettag $0x2  }
0x145: {  	s0 =	rddreg [dreg:$0x0];
	s2 =	stileid.u32  }
0x146: {  	s1 =	rddreg [dreg:$0x1];
	p0 =	sne.s32 s2, $0x0  }
0x147: {  	s3 =	rddreg [dreg:$0x2];
	[bflag:$0x3] =	sbarrier.arrive $0xFFFF;
	s2 =	simm.s32 @!p0 $0x1C05  }
0x148: {  	[timem:s3], [sflag:s2] =	dma.local @!p0 [hbm:s0], s1  }
0x149: {  	s0 =	simm.s32 @!p0 $0x5  }
0x14a: {  	_ =	swait.ge @!p0 [sflag:s0], s1  }
0x14b: {  	s1 =	ssub.s32 @!p0 $0x0, s1;
	[sflag:s0] =	ssyncset.done @!p0 $0x0  }
0x14c: {  	[sflag:s0] =	ssyncadd.s32 @!p0 s1  }
0x14d: {  	[bflag:$0x3] =	sbarrier.arrive $0xFFFF  }
0x14e: {  	_ =	shalt  }

</sc_bundles>
